<compile_context>
chip_gen: v7x
topology: tpu7x:2x2x1
jax: 0.10.2.dev20260603
libtpu: 0.0.44.dev20260713+nightly
codegen_flags: <defaults>
</compile_context>

<pallas_src>
import functools
import jax
import jax.numpy as jnp
from jax import lax
from jax.experimental import pallas as pl
from jax.experimental.pallas import tpu as pltpu
from jax.experimental.pallas import tpu_sc as plsc

R, C, KTOP = 128, 32768, 64
NC, NS, L = 2, 16, 16
NW = NC * NS
RPW = R // NW
NV = C // L
NB = 256
NBS = 257
HCAP = 2048
UH = 8
UM = 16
UCP = 4
IMIN = -0x80000000


def _skey(v):
    b = plsc.bitcast(v, jnp.int32)
    m = lax.shift_right_arithmetic(b, 31)
    return b ^ (m & jnp.int32(0x7FFFFFFF))


def _body(x_hbm, o_hbm, rowa, rowb, rowc, cbuf, hist, sbuf,
          si0, si1, si2, si3, so0, so1, so2, so3):
    wid = lax.axis_index("s") * NC + lax.axis_index("c")
    base = wid * RPW
    lanes = lax.iota(jnp.int32, L)
    lane_base = lanes * NBS
    ones = jnp.ones((L,), jnp.int32)
    zeros = jnp.zeros((L,), jnp.int32)

    bufs = [rowa, rowb, rowc, rowa]
    isems = [si0, si1, si2, si3]
    osems = [so0, so1, so2, so3]

    @plsc.parallel_loop(0, (L * NBS + L - 1) // L, unroll=8)
    def _(i):
        hist[pl.ds(i * L, L)] = zeros

    in_h = [pltpu.async_copy(x_hbm.at[base + r], bufs[r], isems[r])
            for r in range(3)]
    out_h = [None] * RPW

    for r in range(RPW):
        buf = bufs[r]
        in_h[r].wait()

        @plsc.parallel_loop(0, NV, unroll=UH)
        def _(i):
            v = buf[pl.ds(i * L, L)]
            d = lax.shift_right_arithmetic(_skey(v), 24) + 128
            plsc.addupdate_scatter(hist, [lane_base + d], ones)

        sbuf[pl.ds(NB, L)] = zeros

        def sj(t, carry_cge):
            carry, cge = carry_cge
            j = (NB // L) - 1 - t
            acc = zeros
            for l in range(L):
                acc = acc + hist[pl.ds(l * NBS + j * L, L)]
                hist[pl.ds(l * NBS + j * L, L)] = zeros
            s = lax.rev(jnp.cumsum(lax.rev(acc, (0,)), axis=0), (0,)) + carry
            sbuf[pl.ds(j * L, L)] = s
            cge = cge + jnp.max(plsc.all_reduce_population_count(s >= KTOP))
            return jnp.max(s), cge
        _, cge = lax.fori_loop(0, NB // L, sj, (jnp.int32(0), jnp.int32(0)))
        d0 = cge - 1
        snext = plsc.load_gather(sbuf, [jnp.broadcast_to(d0 + 1, (L,))])
        krem = KTOP - jnp.max(snext)

        def _decode(kv):
            kb = jnp.broadcast_to(kv, (L,))
            kb = jnp.where(kb < 0, kb ^ jnp.int32(0x7FFFFFFF), kb)
            return plsc.bitcast(kb, jnp.float32)
        lo_f = _decode(lax.shift_left(d0 - 128, 24))
        hi_f = jnp.where(d0 == 255, jnp.float32(jnp.inf),
                         _decode(lax.shift_left(d0 - 127, 24)))

        iminv = jnp.broadcast_to(jnp.int32(IMIN), (L,))

        @plsc.parallel_loop(0, (2 * HCAP) // L, unroll=8)
        def _(i):
            cbuf[pl.ds(i * L, L)] = iminv

        @plsc.parallel_loop(0, NV // 2, unroll=UCP, carry=(zeros - 1,
                                                           zeros - 1))
        def offv(i, offab):
            offa, offb = offab
            va = buf[pl.ds((2 * i) * L, L)]
            vb = buf[pl.ds((2 * i + 1) * L, L)]
            ma = (va >= lo_f) & (va < hi_f)
            mb = (vb >= lo_f) & (vb < hi_f)
            aa = jnp.minimum(offa + plsc.cumsum(ones, mask=ma), HCAP - 1)
            ab = jnp.minimum(offb + plsc.cumsum(ones, mask=mb),
                             HCAP - 1) + HCAP
            plsc.store_scatter(cbuf, [aa], plsc.bitcast(va, jnp.int32),
                               mask=ma)
            plsc.store_scatter(cbuf, [ab], plsc.bitcast(vb, jnp.int32),
                               mask=mb)
            return (offa + plsc.all_reduce_population_count(ma),
                    offb + plsc.all_reduce_population_count(mb))
        cnta = jnp.max(offv[0]) + 1
        cntb = jnp.max(offv[1]) + 1

        over = (cnta > HCAP) | (cntb > HCAP) | (d0 <= 128)
        prefix0 = jnp.broadcast_to(lax.shift_left(d0 - 128, 24), (L,))

        def cbuf_search(_):
            nv_c = (jnp.maximum(cnta, cntb) + (L - 1)) // L
            kremv = jnp.broadcast_to(krem, (L,))

            def bit_step(t, prefix):
                cand = prefix | lax.shift_left(jnp.int32(1), 23 - t)

                @plsc.parallel_loop(0, nv_c, carry=(zeros, zeros))
                def accs(i, acc):
                    a0, a1 = acc
                    s0 = cbuf[pl.ds(i * L, L)]
                    s1 = cbuf[pl.ds(HCAP + i * L, L)]
                    return (
                        a0 + plsc.all_reduce_population_count(s0 >= cand),
                        a1 + plsc.all_reduce_population_count(s1 >= cand))
                return jnp.where(accs[0] + accs[1] >= kremv, cand, prefix)
            return lax.fori_loop(0, 24, bit_step, prefix0)

        def row_search(_):
            kv = jnp.broadcast_to(jnp.int32(KTOP), (L,))

            def bit_step(t, prefix):
                cand = prefix | lax.shift_left(jnp.int32(1), 23 - t)

                @plsc.parallel_loop(0, NV, unroll=4, carry=zeros)
                def nvec(i, acc):
                    sk = _skey(buf[pl.ds(i * L, L)])
                    return acc + plsc.all_reduce_population_count(sk >= cand)
                return jnp.where(nvec >= kv, cand, prefix)
            return lax.fori_loop(0, 24, bit_step, prefix0)

        tkey = lax.cond(over, row_search, cbuf_search, 0)

        tb = jnp.where(tkey < 0, tkey ^ jnp.int32(0x7FFFFFFF), tkey)
        tf = plsc.bitcast(tb, jnp.float32)

        @plsc.parallel_loop(0, NV, unroll=UM)
        def _(i):
            v = buf[pl.ds(i * L, L)]
            buf[pl.ds(i * L, L)] = jnp.where(v >= tf, v, jnp.float32(0))

        out_h[r] = pltpu.async_copy(buf, o_hbm.at[base + r], osems[r])
        if r == 1:
            out_h[0].wait()
            in_h.append(pltpu.async_copy(x_hbm.at[base + 3],
                                         bufs[3], isems[3]))

    for r in range(1, RPW):
        out_h[r].wait()


@jax.jit
def kernel(x):
    mesh = plsc.VectorSubcoreMesh(core_axis_name="c", subcore_axis_name="s",
                                  num_cores=NC, num_subcores=NS)
    run = pl.kernel(
        _body,
        out_type=jax.ShapeDtypeStruct((R, C), jnp.float32),
        mesh=mesh,
        compiler_params=pltpu.CompilerParams(needs_layout_passes=False),
        scratch_types=[
            pltpu.VMEM((C,), jnp.float32),
            pltpu.VMEM((C,), jnp.float32),
            pltpu.VMEM((C,), jnp.float32),
            pltpu.VMEM((2 * HCAP,), jnp.int32),
            pltpu.VMEM((L * NBS + L,), jnp.int32),
            pltpu.VMEM((NB + L,), jnp.int32),
            pltpu.SemaphoreType.DMA,
            pltpu.SemaphoreType.DMA,
            pltpu.SemaphoreType.DMA,
            pltpu.SemaphoreType.DMA,
            pltpu.SemaphoreType.DMA,
            pltpu.SemaphoreType.DMA,
            pltpu.SemaphoreType.DMA,
            pltpu.SemaphoreType.DMA,
        ],
    )
    return run(x)

# --- scband reference (transcript-rebuilt; emitter-appended) ---
"""Pipeline reference for scband-top-k-2662879723713 (READ-ONLY COPY).

The authoritative reference and input builder live on the scoring server;
editing this copy changes nothing except your own understanding.
"""

import jax, jax.numpy as jnp
import numpy as np

K = 64

def setup_inputs(seed: int = 0) -> dict:
    key = jax.random.key(seed)
    x = jax.random.normal(key, (128, 32768), dtype=jnp.float32)
    return {"x": x}

def reference(x):
    # Faithful translation of TopKFunction.forward:
    #   values, indices = input.topk(k, dim=-1)
    #   return where(input >= values.min(dim=-1, keepdim=True), input, 0)
    values, indices = jax.lax.top_k(x, K)
    thresh = jnp.min(values, axis=-1, keepdims=True)
    return jnp.where(x >= thresh, x, jnp.zeros_like(x))

if __name__ == "__main__":
    import jax
    _d = setup_inputs()
    print(jax.jit(kernel)(*tuple(_d.values())))

</pallas_src>

<mosaic_0001>
#map = affine_map<(d0, d1) -> (0, 0)>
module attributes {stable_mosaic.version = 14 : i64} {
  func.func @_body(%arg0: i32, %arg1: i32, %arg2: memref<128x32768xf32, #tpu.memory_space<hbm>>, %arg3: memref<128x32768xf32, #tpu.memory_space<hbm>>, %arg4: memref<32768xf32, #tpu.memory_space<vmem>>, %arg5: memref<32768xf32, #tpu.memory_space<vmem>>, %arg6: memref<32768xf32, #tpu.memory_space<vmem>>, %arg7: memref<4096xi32, #tpu.memory_space<vmem>>, %arg8: memref<4128xi32, #tpu.memory_space<vmem>>, %arg9: memref<272xi32, #tpu.memory_space<vmem>>, %arg10: memref<!tpu.dma_semaphore, #tpu.memory_space<semaphore_mem>>, %arg11: memref<!tpu.dma_semaphore, #tpu.memory_space<semaphore_mem>>, %arg12: memref<!tpu.dma_semaphore, #tpu.memory_space<semaphore_mem>>, %arg13: memref<!tpu.dma_semaphore, #tpu.memory_space<semaphore_mem>>, %arg14: memref<!tpu.dma_semaphore, #tpu.memory_space<semaphore_mem>>, %arg15: memref<!tpu.dma_semaphore, #tpu.memory_space<semaphore_mem>>, %arg16: memref<!tpu.dma_semaphore, #tpu.memory_space<semaphore_mem>>, %arg17: memref<!tpu.dma_semaphore, #tpu.memory_space<semaphore_mem>>) attributes {dimension_semantics = [#tpu.dimension_semantics<core_parallel>, #tpu.dimension_semantics<subcore_parallel>], iteration_bounds = array<i64: 2, 16>, scalar_prefetch = 0 : i64, scratch_operands = 14 : i64, tpu.core_type = #tpu.core_type<sc_vector_subcore>, window_params = [{transform_indices = #map}, {transform_indices = #map}]} {
    %mul3A = arith.constant 2 : i32
    %mul3A_0 = arith.muli %arg1, %mul3A : i32
    %add3A = arith.addi %mul3A_0, %arg0 : i32
    %mul3A_1 = arith.constant 4 : i32
    %mul3A_2 = arith.muli %add3A, %mul3A_1 : i32
    %iota3A = tpu.iota {dimensions = array<i32: 0>} : vector<16xi32>
    %mul3A_3 = arith.constant 257 : i32
    %mul3A_4 = vector.broadcast %mul3A_3 : i32 to vector<16xi32>
    %mul3A_5 = arith.muli %iota3A, %mul3A_4 : vector<16xi32>
    %broadcast_in_dim3A = arith.constant 1 : i32
    %broadcast_in_dim3A_6 = vector.broadcast %broadcast_in_dim3A : i32 to vector<16xi32>
    %broadcast_in_dim3A_7 = arith.constant 0 : i32
    %broadcast_in_dim3A_8 = vector.broadcast %broadcast_in_dim3A_7 : i32 to vector<16xi32>
    %parallel_loop3A = arith.constant 0 : i32
    %parallel_loop3A_9 = arith.constant 257 : i32
    %parallel_loop3A_10 = arith.constant 1 : i32
    scf.for %parallel_loop3A_600 = %parallel_loop3A to %parallel_loop3A_9 step %parallel_loop3A_10  : i32 {
      %parallel_loop3A_601 = arith.constant 16 : i32
      %parallel_loop3A_602 = arith.muli %parallel_loop3A_600, %parallel_loop3A_601 : i32
      %parallel_loop3A_603 = arith.index_cast %parallel_loop3A_602 : i32 to index
      %parallel_loop3A_604 = tpu.vector_load %arg8[%parallel_loop3A_603] {strides = array<i32>} : memref<4128xi32, #tpu.memory_space<vmem>>, vector<16xi32>,
      tpu.vector_store %arg8[%parallel_loop3A_603], %broadcast_in_dim3A_8 {strides = array<i32>} : memref<4128xi32, #tpu.memory_space<vmem>>, vector<16xi32>,
    } {sc.loop_unroll_factor = 8 : i64, sc.parallel_access}
    %add3A_11 = arith.constant 0 : i32
    %add3A_12 = arith.addi %mul3A_2, %add3A_11 : i32
    %dma_start3A = arith.constant 0 : i32
    %dma_start3A_13 = tpu.memref_slice %arg2[%add3A_12, %dma_start3A] : memref<128x32768xf32, #tpu.memory_space<hbm>> -> memref<1x32768xf32, #tpu.memory_space<hbm>>
    %dma_start3A_14 = tpu.memref_squeeze %dma_start3A_13 : memref<1x32768xf32, #tpu.memory_space<hbm>> -> memref<32768xf32, #tpu.memory_space<hbm>>
    %dma_start3A_15 = arith.constant 0 : i32
    %dma_start3A_16 = tpu.memref_slice %arg2[%add3A_12, %dma_start3A_15] : memref<128x32768xf32, #tpu.memory_space<hbm>> -> memref<1x32768xf32, #tpu.memory_space<hbm>>
    %dma_start3A_17 = tpu.memref_squeeze %dma_start3A_16 : memref<1x32768xf32, #tpu.memory_space<hbm>> -> memref<32768xf32, #tpu.memory_space<hbm>>
    tpu.enqueue_dma source(%dma_start3A_17 : memref<32768xf32, #tpu.memory_space<hbm>>) target(%arg4 : memref<32768xf32, #tpu.memory_space<vmem>>) target_semaphore(%arg10 : memref<!tpu.dma_semaphore, #tpu.memory_space<semaphore_mem>>)
    %add3A_18 = arith.constant 1 : i32
    %add3A_19 = arith.addi %mul3A_2, %add3A_18 : i32
    %dma_start3A_20 = arith.constant 0 : i32
    %dma_start3A_21 = tpu.memref_slice %arg2[%add3A_19, %dma_start3A_20] : memref<128x32768xf32, #tpu.memory_space<hbm>> -> memref<1x32768xf32, #tpu.memory_space<hbm>>
    %dma_start3A_22 = tpu.memref_squeeze %dma_start3A_21 : memref<1x32768xf32, #tpu.memory_space<hbm>> -> memref<32768xf32, #tpu.memory_space<hbm>>
    %dma_start3A_23 = arith.constant 0 : i32
    %dma_start3A_24 = tpu.memref_slice %arg2[%add3A_19, %dma_start3A_23] : memref<128x32768xf32, #tpu.memory_space<hbm>> -> memref<1x32768xf32, #tpu.memory_space<hbm>>
    %dma_start3A_25 = tpu.memref_squeeze %dma_start3A_24 : memref<1x32768xf32, #tpu.memory_space<hbm>> -> memref<32768xf32, #tpu.memory_space<hbm>>
    tpu.enqueue_dma source(%dma_start3A_25 : memref<32768xf32, #tpu.memory_space<hbm>>) target(%arg5 : memref<32768xf32, #tpu.memory_space<vmem>>) target_semaphore(%arg11 : memref<!tpu.dma_semaphore, #tpu.memory_space<semaphore_mem>>)
    %add3A_26 = arith.constant 2 : i32
    %add3A_27 = arith.addi %mul3A_2, %add3A_26 : i32
    %dma_start3A_28 = arith.constant 0 : i32
    %dma_start3A_29 = tpu.memref_slice %arg2[%add3A_27, %dma_start3A_28] : memref<128x32768xf32, #tpu.memory_space<hbm>> -> memref<1x32768xf32, #tpu.memory_space<hbm>>
    %dma_start3A_30 = tpu.memref_squeeze %dma_start3A_29 : memref<1x32768xf32, #tpu.memory_space<hbm>> -> memref<32768xf32, #tpu.memory_space<hbm>>
    %dma_start3A_31 = arith.constant 0 : i32
    %dma_start3A_32 = tpu.memref_slice %arg2[%add3A_27, %dma_start3A_31] : memref<128x32768xf32, #tpu.memory_space<hbm>> -> memref<1x32768xf32, #tpu.memory_space<hbm>>
    %dma_start3A_33 = tpu.memref_squeeze %dma_start3A_32 : memref<1x32768xf32, #tpu.memory_space<hbm>> -> memref<32768xf32, #tpu.memory_space<hbm>>
    tpu.enqueue_dma source(%dma_start3A_33 : memref<32768xf32, #tpu.memory_space<hbm>>) target(%arg6 : memref<32768xf32, #tpu.memory_space<vmem>>) target_semaphore(%arg12 : memref<!tpu.dma_semaphore, #tpu.memory_space<semaphore_mem>>)
    %dma_wait3A = arith.constant 0 : i32
    %dma_wait3A_34 = tpu.memref_slice %arg2[%add3A_12, %dma_wait3A] : memref<128x32768xf32, #tpu.memory_space<hbm>> -> memref<1x32768xf32, #tpu.memory_space<hbm>>
    %dma_wait3A_35 = tpu.memref_squeeze %dma_wait3A_34 : memref<1x32768xf32, #tpu.memory_space<hbm>> -> memref<32768xf32, #tpu.memory_space<hbm>>
    %dma_wait3A_36 = arith.constant 0 : i32
    %dma_wait3A_37 = tpu.memref_slice %arg2[%add3A_12, %dma_wait3A_36] : memref<128x32768xf32, #tpu.memory_space<hbm>> -> memref<1x32768xf32, #tpu.memory_space<hbm>>
    %dma_wait3A_38 = tpu.memref_squeeze %dma_wait3A_37 : memref<1x32768xf32, #tpu.memory_space<hbm>> -> memref<32768xf32, #tpu.memory_space<hbm>>
    tpu.wait_dma2 semaphore(%arg10 : memref<!tpu.dma_semaphore, #tpu.memory_space<semaphore_mem>>) src(%dma_wait3A_38 : memref<32768xf32, #tpu.memory_space<hbm>>) dst(%arg4 : memref<32768xf32, #tpu.memory_space<vmem>>)
    %parallel_loop3A_39 = arith.constant 0 : i32
    %parallel_loop3A_40 = arith.constant 2048 : i32
    %parallel_loop3A_41 = arith.constant 1 : i32
    scf.for %parallel_loop3A_600 = %parallel_loop3A_39 to %parallel_loop3A_40 step %parallel_loop3A_41  : i32 {
      %parallel_loop3A_601 = arith.constant 16 : i32
      %parallel_loop3A_602 = arith.muli %parallel_loop3A_600, %parallel_loop3A_601 : i32
      %parallel_loop3A_603 = arith.index_cast %parallel_loop3A_602 : i32 to index
      %parallel_loop3A_604 = tpu.vector_load %arg4[%parallel_loop3A_603] {strides = array<i32>} : memref<32768xf32, #tpu.memory_space<vmem>>, vector<16xf32>,
      %parallel_loop3A_605 = vector.bitcast %parallel_loop3A_604 : vector<16xf32> to vector<16xi32>
      %parallel_loop3A_606 = arith.constant 31 : i32
      %parallel_loop3A_607 = vector.broadcast %parallel_loop3A_606 : i32 to vector<16xi32>
      %parallel_loop3A_608 = arith.shrsi %parallel_loop3A_605, %parallel_loop3A_607 : vector<16xi32>
      %parallel_loop3A_609 = arith.constant 2147483647 : i32
      %parallel_loop3A_610 = vector.broadcast %parallel_loop3A_609 : i32 to vector<16xi32>
      %parallel_loop3A_611 = arith.andi %parallel_loop3A_608, %parallel_loop3A_610 : vector<16xi32>
      %parallel_loop3A_612 = arith.xori %parallel_loop3A_605, %parallel_loop3A_611 : vector<16xi32>
      %parallel_loop3A_613 = arith.constant 24 : i32
      %parallel_loop3A_614 = vector.broadcast %parallel_loop3A_613 : i32 to vector<16xi32>
      %parallel_loop3A_615 = arith.shrsi %parallel_loop3A_612, %parallel_loop3A_614 : vector<16xi32>
      %parallel_loop3A_616 = arith.constant 128 : i32
      %parallel_loop3A_617 = vector.broadcast %parallel_loop3A_616 : i32 to vector<16xi32>
      %parallel_loop3A_618 = arith.addi %parallel_loop3A_615, %parallel_loop3A_617 : vector<16xi32>
      %parallel_loop3A_619 = arith.addi %mul3A_5, %parallel_loop3A_618 : vector<16xi32>
      tpu.vector_store_idx %arg8[%parallel_loop3A_619], %broadcast_in_dim3A_6 {add = true} : memref<4128xi32, #tpu.memory_space<vmem>>[vector<16xi32>], vector<16xi32>,
    } {sc.loop_unroll_factor = 8 : i64, sc.parallel_access}
    %swap3A = arith.constant 256 : index
    %swap3A_42 = tpu.vector_load %arg9[%swap3A] {strides = array<i32>} : memref<272xi32, #tpu.memory_space<vmem>>, vector<16xi32>,
    tpu.vector_store %arg9[%swap3A], %broadcast_in_dim3A_8 {strides = array<i32>} : memref<272xi32, #tpu.memory_space<vmem>>, vector<16xi32>,
    %scan3A = arith.constant 0 : i32
    %scan3A_43 = arith.constant 0 : i32
    %scan3A_44 = arith.constant 0 : i32
    %scan3A_45 = arith.constant 16 : i32
    %scan3A_46 = arith.addi %scan3A_44, %scan3A_45 : i32
    %scan3A_47 = arith.constant 1 : i32
    %scan3A_48:2 = scf.for %scan3A_600 = %scan3A_44 to %scan3A_46 step %scan3A_47 iter_args(%scan3A_601 = %scan3A, %scan3A_602 = %scan3A_43) -> (i32, i32)  : i32 {
      %sub3A_603 = arith.constant 15 : i32
      %sub3A_604 = arith.subi %sub3A_603, %scan3A_600 : i32
      %mul3A_605 = arith.constant 16 : i32
      %mul3A_606 = arith.muli %sub3A_604, %mul3A_605 : i32
      %add3A_607 = arith.constant 0 : i32
      %add3A_608 = arith.addi %add3A_607, %mul3A_606 : i32
      %get3A = arith.index_cast %add3A_608 : i32 to index
      %get3A_609 = tpu.vector_load %arg8[%get3A] {strides = array<i32>} : memref<4128xi32, #tpu.memory_space<vmem>>, vector<16xi32>,
      %add3A_610 = arith.addi %broadcast_in_dim3A_8, %get3A_609 : vector<16xi32>
      %mul3A_611 = arith.constant 16 : i32
      %mul3A_612 = arith.muli %sub3A_604, %mul3A_611 : i32
      %add3A_613 = arith.constant 0 : i32
      %add3A_614 = arith.addi %add3A_613, %mul3A_612 : i32
      %swap3A_615 = arith.index_cast %add3A_614 : i32 to index
      %swap3A_616 = tpu.vector_load %arg8[%swap3A_615] {strides = array<i32>} : memref<4128xi32, #tpu.memory_space<vmem>>, vector<16xi32>,
      tpu.vector_store %arg8[%swap3A_615], %broadcast_in_dim3A_8 {strides = array<i32>} : memref<4128xi32, #tpu.memory_space<vmem>>, vector<16xi32>,
      %mul3A_617 = arith.constant 16 : i32
      %mul3A_618 = arith.muli %sub3A_604, %mul3A_617 : i32
      %add3A_619 = arith.constant 257 : i32
      %add3A_620 = arith.addi %add3A_619, %mul3A_618 : i32
      %get3A_621 = arith.index_cast %add3A_620 : i32 to index
      %get3A_622 = tpu.vector_load %arg8[%get3A_621] {strides = array<i32>} : memref<4128xi32, #tpu.memory_space<vmem>>, vector<16xi32>,
      %add3A_623 = arith.addi %add3A_610, %get3A_622 : vector<16xi32>
      %mul3A_624 = arith.constant 16 : i32
      %mul3A_625 = arith.muli %sub3A_604, %mul3A_624 : i32
      %add3A_626 = arith.constant 257 : i32
      %add3A_627 = arith.addi %add3A_626, %mul3A_625 : i32
      %swap3A_628 = arith.index_cast %add3A_627 : i32 to index
      %swap3A_629 = tpu.vector_load %arg8[%swap3A_628] {strides = array<i32>} : memref<4128xi32, #tpu.memory_space<vmem>>, vector<16xi32>,
      tpu.vector_store %arg8[%swap3A_628], %broadcast_in_dim3A_8 {strides = array<i32>} : memref<4128xi32, #tpu.memory_space<vmem>>, vector<16xi32>,
      %mul3A_630 = arith.constant 16 : i32
      %mul3A_631 = arith.muli %sub3A_604, %mul3A_630 : i32
      %add3A_632 = arith.constant 514 : i32
      %add3A_633 = arith.addi %add3A_632, %mul3A_631 : i32
      %get3A_634 = arith.index_cast %add3A_633 : i32 to index
      %get3A_635 = tpu.vector_load %arg8[%get3A_634] {strides = array<i32>} : memref<4128xi32, #tpu.memory_space<vmem>>, vector<16xi32>,
      %add3A_636 = arith.addi %add3A_623, %get3A_635 : vector<16xi32>
      %mul3A_637 = arith.constant 16 : i32
      %mul3A_638 = arith.muli %sub3A_604, %mul3A_637 : i32
      %add3A_639 = arith.constant 514 : i32
      %add3A_640 = arith.addi %add3A_639, %mul3A_638 : i32
      %swap3A_641 = arith.index_cast %add3A_640 : i32 to index
      %swap3A_642 = tpu.vector_load %arg8[%swap3A_641] {strides = array<i32>} : memref<4128xi32, #tpu.memory_space<vmem>>, vector<16xi32>,
      tpu.vector_store %arg8[%swap3A_641], %broadcast_in_dim3A_8 {strides = array<i32>} : memref<4128xi32, #tpu.memory_space<vmem>>, vector<16xi32>,
      %mul3A_643 = arith.constant 16 : i32
      %mul3A_644 = arith.muli %sub3A_604, %mul3A_643 : i32
      %add3A_645 = arith.constant 771 : i32
      %add3A_646 = arith.addi %add3A_645, %mul3A_644 : i32
      %get3A_647 = arith.index_cast %add3A_646 : i32 to index
      %get3A_648 = tpu.vector_load %arg8[%get3A_647] {strides = array<i32>} : memref<4128xi32, #tpu.memory_space<vmem>>, vector<16xi32>,
      %add3A_649 = arith.addi %add3A_636, %get3A_648 : vector<16xi32>
      %mul3A_650 = arith.constant 16 : i32
      %mul3A_651 = arith.muli %sub3A_604, %mul3A_650 : i32
      %add3A_652 = arith.constant 771 : i32
      %add3A_653 = arith.addi %add3A_652, %mul3A_651 : i32
      %swap3A_654 = arith.index_cast %add3A_653 : i32 to index
      %swap3A_655 = tpu.vector_load %arg8[%swap3A_654] {strides = array<i32>} : memref<4128xi32, #tpu.memory_space<vmem>>, vector<16xi32>,
      tpu.vector_store %arg8[%swap3A_654], %broadcast_in_dim3A_8 {strides = array<i32>} : memref<4128xi32, #tpu.memory_space<vmem>>, vector<16xi32>,
      %mul3A_656 = arith.constant 16 : i32
      %mul3A_657 = arith.muli %sub3A_604, %mul3A_656 : i32
      %add3A_658 = arith.constant 1028 : i32
      %add3A_659 = arith.addi %add3A_658, %mul3A_657 : i32
      %get3A_660 = arith.index_cast %add3A_659 : i32 to index
      %get3A_661 = tpu.vector_load %arg8[%get3A_660] {strides = array<i32>} : memref<4128xi32, #tpu.memory_space<vmem>>, vector<16xi32>,
      %add3A_662 = arith.addi %add3A_649, %get3A_661 : vector<16xi32>
      %mul3A_663 = arith.constant 16 : i32
      %mul3A_664 = arith.muli %sub3A_604, %mul3A_663 : i32
      %add3A_665 = arith.constant 1028 : i32
      %add3A_666 = arith.addi %add3A_665, %mul3A_664 : i32
      %swap3A_667 = arith.index_cast %add3A_666 : i32 to index
      %swap3A_668 = tpu.vector_load %arg8[%swap3A_667] {strides = array<i32>} : memref<4128xi32, #tpu.memory_space<vmem>>, vector<16xi32>,
      tpu.vector_store %arg8[%swap3A_667], %broadcast_in_dim3A_8 {strides = array<i32>} : memref<4128xi32, #tpu.memory_space<vmem>>, vector<16xi32>,
      %mul3A_669 = arith.constant 16 : i32
      %mul3A_670 = arith.muli %sub3A_604, %mul3A_669 : i32
      %add3A_671 = arith.constant 1285 : i32
      %add3A_672 = arith.addi %add3A_671, %mul3A_670 : i32
      %get3A_673 = arith.index_cast %add3A_672 : i32 to index
      %get3A_674 = tpu.vector_load %arg8[%get3A_673] {strides = array<i32>} : memref<4128xi32, #tpu.memory_space<vmem>>, vector<16xi32>,
      %add3A_675 = arith.addi %add3A_662, %get3A_674 : vector<16xi32>
      %mul3A_676 = arith.constant 16 : i32
      %mul3A_677 = arith.muli %sub3A_604, %mul3A_676 : i32
      %add3A_678 = arith.constant 1285 : i32
      %add3A_679 = arith.addi %add3A_678, %mul3A_677 : i32
      %swap3A_680 = arith.index_cast %add3A_679 : i32 to index
      %swap3A_681 = tpu.vector_load %arg8[%swap3A_680] {strides = array<i32>} : memref<4128xi32, #tpu.memory_space<vmem>>, vector<16xi32>,
      tpu.vector_store %arg8[%swap3A_680], %broadcast_in_dim3A_8 {strides = array<i32>} : memref<4128xi32, #tpu.memory_space<vmem>>, vector<16xi32>,
      %mul3A_682 = arith.constant 16 : i32
      %mul3A_683 = arith.muli %sub3A_604, %mul3A_682 : i32
      %add3A_684 = arith.constant 1542 : i32
      %add3A_685 = arith.addi %add3A_684, %mul3A_683 : i32
      %get3A_686 = arith.index_cast %add3A_685 : i32 to index
      %get3A_687 = tpu.vector_load %arg8[%get3A_686] {strides = array<i32>} : memref<4128xi32, #tpu.memory_space<vmem>>, vector<16xi32>,
      %add3A_688 = arith.addi %add3A_675, %get3A_687 : vector<16xi32>
      %mul3A_689 = arith.constant 16 : i32
      %mul3A_690 = arith.muli %sub3A_604, %mul3A_689 : i32
      %add3A_691 = arith.constant 1542 : i32
      %add3A_692 = arith.addi %add3A_691, %mul3A_690 : i32
      %swap3A_693 = arith.index_cast %add3A_692 : i32 to index
      %swap3A_694 = tpu.vector_load %arg8[%swap3A_693] {strides = array<i32>} : memref<4128xi32, #tpu.memory_space<vmem>>, vector<16xi32>,
      tpu.vector_store %arg8[%swap3A_693], %broadcast_in_dim3A_8 {strides = array<i32>} : memref<4128xi32, #tpu.memory_space<vmem>>, vector<16xi32>,
      %mul3A_695 = arith.constant 16 : i32
      %mul3A_696 = arith.muli %sub3A_604, %mul3A_695 : i32
      %add3A_697 = arith.constant 1799 : i32
      %add3A_698 = arith.addi %add3A_697, %mul3A_696 : i32
      %get3A_699 = arith.index_cast %add3A_698 : i32 to index
      %get3A_700 = tpu.vector_load %arg8[%get3A_699] {strides = array<i32>} : memref<4128xi32, #tpu.memory_space<vmem>>, vector<16xi32>,
      %add3A_701 = arith.addi %add3A_688, %get3A_700 : vector<16xi32>
      %mul3A_702 = arith.constant 16 : i32
      %mul3A_703 = arith.muli %sub3A_604, %mul3A_702 : i32
      %add3A_704 = arith.constant 1799 : i32
      %add3A_705 = arith.addi %add3A_704, %mul3A_703 : i32
      %swap3A_706 = arith.index_cast %add3A_705 : i32 to index
      %swap3A_707 = tpu.vector_load %arg8[%swap3A_706] {strides = array<i32>} : memref<4128xi32, #tpu.memory_space<vmem>>, vector<16xi32>,
      tpu.vector_store %arg8[%swap3A_706], %broadcast_in_dim3A_8 {strides = array<i32>} : memref<4128xi32, #tpu.memory_space<vmem>>, vector<16xi32>,
      %mul3A_708 = arith.constant 16 : i32
      %mul3A_709 = arith.muli %sub3A_604, %mul3A_708 : i32
      %add3A_710 = arith.constant 2056 : i32
      %add3A_711 = arith.addi %add3A_710, %mul3A_709 : i32
      %get3A_712 = arith.index_cast %add3A_711 : i32 to index
      %get3A_713 = tpu.vector_load %arg8[%get3A_712] {strides = array<i32>} : memref<4128xi32, #tpu.memory_space<vmem>>, vector<16xi32>,
      %add3A_714 = arith.addi %add3A_701, %get3A_713 : vector<16xi32>
      %mul3A_715 = arith.constant 16 : i32
      %mul3A_716 = arith.muli %sub3A_604, %mul3A_715 : i32
      %add3A_717 = arith.constant 2056 : i32
      %add3A_718 = arith.addi %add3A_717, %mul3A_716 : i32
      %swap3A_719 = arith.index_cast %add3A_718 : i32 to index
      %swap3A_720 = tpu.vector_load %arg8[%swap3A_719] {strides = array<i32>} : memref<4128xi32, #tpu.memory_space<vmem>>, vector<16xi32>,
      tpu.vector_store %arg8[%swap3A_719], %broadcast_in_dim3A_8 {strides = array<i32>} : memref<4128xi32, #tpu.memory_space<vmem>>, vector<16xi32>,
      %mul3A_721 = arith.constant 16 : i32
      %mul3A_722 = arith.muli %sub3A_604, %mul3A_721 : i32
      %add3A_723 = arith.constant 2313 : i32
      %add3A_724 = arith.addi %add3A_723, %mul3A_722 : i32
      %get3A_725 = arith.index_cast %add3A_724 : i32 to index
      %get3A_726 = tpu.vector_load %arg8[%get3A_725] {strides = array<i32>} : memref<4128xi32, #tpu.memory_space<vmem>>, vector<16xi32>,
      %add3A_727 = arith.addi %add3A_714, %get3A_726 : vector<16xi32>
      %mul3A_728 = arith.constant 16 : i32
      %mul3A_729 = arith.muli %sub3A_604, %mul3A_728 : i32
      %add3A_730 = arith.constant 2313 : i32
      %add3A_731 = arith.addi %add3A_730, %mul3A_729 : i32
      %swap3A_732 = arith.index_cast %add3A_731 : i32 to index
      %swap3A_733 = tpu.vector_load %arg8[%swap3A_732] {strides = array<i32>} : memref<4128xi32, #tpu.memory_space<vmem>>, vector<16xi32>,
      tpu.vector_store %arg8[%swap3A_732], %broadcast_in_dim3A_8 {strides = array<i32>} : memref<4128xi32, #tpu.memory_space<vmem>>, vector<16xi32>,
      %mul3A_734 = arith.constant 16 : i32
      %mul3A_735 = arith.muli %sub3A_604, %mul3A_734 : i32
      %add3A_736 = arith.constant 2570 : i32
      %add3A_737 = arith.addi %add3A_736, %mul3A_735 : i32
      %get3A_738 = arith.index_cast %add3A_737 : i32 to index
      %get3A_739 = tpu.vector_load %arg8[%get3A_738] {strides = array<i32>} : memref<4128xi32, #tpu.memory_space<vmem>>, vector<16xi32>,
      %add3A_740 = arith.addi %add3A_727, %get3A_739 : vector<16xi32>
      %mul3A_741 = arith.constant 16 : i32
      %mul3A_742 = arith.muli %sub3A_604, %mul3A_741 : i32
      %add3A_743 = arith.constant 2570 : i32
      %add3A_744 = arith.addi %add3A_743, %mul3A_742 : i32
      %swap3A_745 = arith.index_cast %add3A_744 : i32 to index
      %swap3A_746 = tpu.vector_load %arg8[%swap3A_745] {strides = array<i32>} : memref<4128xi32, #tpu.memory_space<vmem>>, vector<16xi32>,
      tpu.vector_store %arg8[%swap3A_745], %broadcast_in_dim3A_8 {strides = array<i32>} : memref<4128xi32, #tpu.memory_space<vmem>>, vector<16xi32>,
      %mul3A_747 = arith.constant 16 : i32
      %mul3A_748 = arith.muli %sub3A_604, %mul3A_747 : i32
      %add3A_749 = arith.constant 2827 : i32
      %add3A_750 = arith.addi %add3A_749, %mul3A_748 : i32
      %get3A_751 = arith.index_cast %add3A_750 : i32 to index
      %get3A_752 = tpu.vector_load %arg8[%get3A_751] {strides = array<i32>} : memref<4128xi32, #tpu.memory_space<vmem>>, vector<16xi32>,
      %add3A_753 = arith.addi %add3A_740, %get3A_752 : vector<16xi32>
      %mul3A_754 = arith.constant 16 : i32
      %mul3A_755 = arith.muli %sub3A_604, %mul3A_754 : i32
      %add3A_756 = arith.constant 2827 : i32
      %add3A_757 = arith.addi %add3A_756, %mul3A_755 : i32
      %swap3A_758 = arith.index_cast %add3A_757 : i32 to index
      %swap3A_759 = tpu.vector_load %arg8[%swap3A_758] {strides = array<i32>} : memref<4128xi32, #tpu.memory_space<vmem>>, vector<16xi32>,
      tpu.vector_store %arg8[%swap3A_758], %broadcast_in_dim3A_8 {strides = array<i32>} : memref<4128xi32, #tpu.memory_space<vmem>>, vector<16xi32>,
      %mul3A_760 = arith.constant 16 : i32
      %mul3A_761 = arith.muli %sub3A_604, %mul3A_760 : i32
      %add3A_762 = arith.constant 3084 : i32
      %add3A_763 = arith.addi %add3A_762, %mul3A_761 : i32
      %get3A_764 = arith.index_cast %add3A_763 : i32 to index
      %get3A_765 = tpu.vector_load %arg8[%get3A_764] {strides = array<i32>} : memref<4128xi32, #tpu.memory_space<vmem>>, vector<16xi32>,
      %add3A_766 = arith.addi %add3A_753, %get3A_765 : vector<16xi32>
      %mul3A_767 = arith.constant 16 : i32
      %mul3A_768 = arith.muli %sub3A_604, %mul3A_767 : i32
      %add3A_769 = arith.constant 3084 : i32
      %add3A_770 = arith.addi %add3A_769, %mul3A_768 : i32
      %swap3A_771 = arith.index_cast %add3A_770 : i32 to index
      %swap3A_772 = tpu.vector_load %arg8[%swap3A_771] {strides = array<i32>} : memref<4128xi32, #tpu.memory_space<vmem>>, vector<16xi32>,
      tpu.vector_store %arg8[%swap3A_771], %broadcast_in_dim3A_8 {strides = array<i32>} : memref<4128xi32, #tpu.memory_space<vmem>>, vector<16xi32>,
      %mul3A_773 = arith.constant 16 : i32
      %mul3A_774 = arith.muli %sub3A_604, %mul3A_773 : i32
      %add3A_775 = arith.constant 3341 : i32
      %add3A_776 = arith.addi %add3A_775, %mul3A_774 : i32
      %get3A_777 = arith.index_cast %add3A_776 : i32 to index
      %get3A_778 = tpu.vector_load %arg8[%get3A_777] {strides = array<i32>} : memref<4128xi32, #tpu.memory_space<vmem>>, vector<16xi32>,
      %add3A_779 = arith.addi %add3A_766, %get3A_778 : vector<16xi32>
      %mul3A_780 = arith.constant 16 : i32
      %mul3A_781 = arith.muli %sub3A_604, %mul3A_780 : i32
      %add3A_782 = arith.constant 3341 : i32
      %add3A_783 = arith.addi %add3A_782, %mul3A_781 : i32
      %swap3A_784 = arith.index_cast %add3A_783 : i32 to index
      %swap3A_785 = tpu.vector_load %arg8[%swap3A_784] {strides = array<i32>} : memref<4128xi32, #tpu.memory_space<vmem>>, vector<16xi32>,
      tpu.vector_store %arg8[%swap3A_784], %broadcast_in_dim3A_8 {strides = array<i32>} : memref<4128xi32, #tpu.memory_space<vmem>>, vector<16xi32>,
      %mul3A_786 = arith.constant 16 : i32
      %mul3A_787 = arith.muli %sub3A_604, %mul3A_786 : i32
      %add3A_788 = arith.constant 3598 : i32
      %add3A_789 = arith.addi %add3A_788, %mul3A_787 : i32
      %get3A_790 = arith.index_cast %add3A_789 : i32 to index
      %get3A_791 = tpu.vector_load %arg8[%get3A_790] {strides = array<i32>} : memref<4128xi32, #tpu.memory_space<vmem>>, vector<16xi32>,
      %add3A_792 = arith.addi %add3A_779, %get3A_791 : vector<16xi32>
      %mul3A_793 = arith.constant 16 : i32
      %mul3A_794 = arith.muli %sub3A_604, %mul3A_793 : i32
      %add3A_795 = arith.constant 3598 : i32
      %add3A_796 = arith.addi %add3A_795, %mul3A_794 : i32
      %swap3A_797 = arith.index_cast %add3A_796 : i32 to index
      %swap3A_798 = tpu.vector_load %arg8[%swap3A_797] {strides = array<i32>} : memref<4128xi32, #tpu.memory_space<vmem>>, vector<16xi32>,
      tpu.vector_store %arg8[%swap3A_797], %broadcast_in_dim3A_8 {strides = array<i32>} : memref<4128xi32, #tpu.memory_space<vmem>>, vector<16xi32>,
      %mul3A_799 = arith.constant 16 : i32
      %mul3A_800 = arith.muli %sub3A_604, %mul3A_799 : i32
      %add3A_801 = arith.constant 3855 : i32
      %add3A_802 = arith.addi %add3A_801, %mul3A_800 : i32
      %get3A_803 = arith.index_cast %add3A_802 : i32 to index
      %get3A_804 = tpu.vector_load %arg8[%get3A_803] {strides = array<i32>} : memref<4128xi32, #tpu.memory_space<vmem>>, vector<16xi32>,
      %add3A_805 = arith.addi %add3A_792, %get3A_804 : vector<16xi32>
      %mul3A_806 = arith.constant 16 : i32
      %mul3A_807 = arith.muli %sub3A_604, %mul3A_806 : i32
      %add3A_808 = arith.constant 3855 : i32
      %add3A_809 = arith.addi %add3A_808, %mul3A_807 : i32
      %swap3A_810 = arith.index_cast %add3A_809 : i32 to index
      %swap3A_811 = tpu.vector_load %arg8[%swap3A_810] {strides = array<i32>} : memref<4128xi32, #tpu.memory_space<vmem>>, vector<16xi32>,
      tpu.vector_store %arg8[%swap3A_810], %broadcast_in_dim3A_8 {strides = array<i32>} : memref<4128xi32, #tpu.memory_space<vmem>>, vector<16xi32>,
      %rev3A = arith.constant 15 : i32
      %rev3A_812 = vector.broadcast %rev3A : i32 to vector<16xi32>
      %rev3A_813 = tpu.iota {dimensions = array<i32: 0>} : vector<16xi32>
      %rev3A_814 = arith.subi %rev3A_812, %rev3A_813 : vector<16xi32>
      %rev3A_815 = tpu.dynamic_gather %add3A_805[%rev3A_814] in [0] : vector<16xi32>, vector<16xi32> -> vector<16xi32>
      %cumsum3A = arith.constant true
      %cumsum3A_816 = vector.broadcast %cumsum3A : i1 to vector<16xi1>
      %cumsum3A_817 = tpu.scan <sum>, %rev3A_815 masked %cumsum3A_816 : vector<16xi32>, vector<16xi1> -> vector<16xi32>
      %rev3A_818 = arith.constant 15 : i32
      %rev3A_819 = vector.broadcast %rev3A_818 : i32 to vector<16xi32>
      %rev3A_820 = tpu.iota {dimensions = array<i32: 0>} : vector<16xi32>
      %rev3A_821 = arith.subi %rev3A_819, %rev3A_820 : vector<16xi32>
      %rev3A_822 = tpu.dynamic_gather %cumsum3A_817[%rev3A_821] in [0] : vector<16xi32>, vector<16xi32> -> vector<16xi32>
      %add3A_823 = vector.broadcast %scan3A_601 : i32 to vector<16xi32>
      %add3A_824 = arith.addi %rev3A_822, %add3A_823 : vector<16xi32>
      %mul3A_825 = arith.constant 16 : i32
      %mul3A_826 = arith.muli %sub3A_604, %mul3A_825 : i32
      %swap3A_827 = arith.index_cast %mul3A_826 : i32 to index
      %swap3A_828 = tpu.vector_load %arg9[%swap3A_827] {strides = array<i32>} : memref<272xi32, #tpu.memory_space<vmem>>, vector<16xi32>,
      tpu.vector_store %arg9[%swap3A_827], %add3A_824 {strides = array<i32>} : memref<272xi32, #tpu.memory_space<vmem>>, vector<16xi32>,
      %ge3A = arith.constant 64 : i32
      %ge3A_829 = vector.broadcast %ge3A : i32 to vector<16xi32>
      %ge3A_830 = arith.cmpi sge, %add3A_824, %ge3A_829 : vector<16xi32>
      %all_reduce_population_count3A = tpu.all_reduce %ge3A_830 {dim = 0 : i64, kind = #tpu.reduction_kind<sum>} : vector<16xi1> -> vector<16xi32>
      %reduce_max3A_831 = arith.constant true
      %reduce_max3A_832 = vector.broadcast %reduce_max3A_831 : i1 to vector<16xi1>
      %reduce_max3A_833 = arith.constant -2147483648 : i32
      %reduce_max3A_834 = vector.broadcast %reduce_max3A_833 : i32 to vector<16xi32>
      %reduce_max3A_835 = arith.xori %all_reduce_population_count3A, %reduce_max3A_834 : vector<16xi32>
      %reduce_max3A_836 = tpu.scan <max>, %reduce_max3A_835 masked %reduce_max3A_832 : vector<16xi32>, vector<16xi1> -> vector<16xi32>
      %reduce_max3A_837 = arith.xori %reduce_max3A_836, %reduce_max3A_834 : vector<16xi32>
      %reduce_max3A_838 = vector.extract %reduce_max3A_837[15] : i32 from vector<16xi32>
      %add3A_839 = arith.addi %scan3A_602, %reduce_max3A_838 : i32
      %reduce_max3A_840 = arith.constant true
      %reduce_max3A_841 = vector.broadcast %reduce_max3A_840 : i1 to vector<16xi1>
      %reduce_max3A_842 = arith.constant -2147483648 : i32
      %reduce_max3A_843 = vector.broadcast %reduce_max3A_842 : i32 to vector<16xi32>
      %reduce_max3A_844 = arith.xori %add3A_824, %reduce_max3A_843 : vector<16xi32>
      %reduce_max3A_845 = tpu.scan <max>, %reduce_max3A_844 masked %reduce_max3A_841 : vector<16xi32>, vector<16xi1> -> vector<16xi32>
      %reduce_max3A_846 = arith.xori %reduce_max3A_845, %reduce_max3A_843 : vector<16xi32>
      %reduce_max3A_847 = vector.extract %reduce_max3A_846[15] : i32 from vector<16xi32>
      scf.yield %reduce_max3A_847, %add3A_839 : i32, i32
    }
    %scan3A_49 = arith.constant 16 : i32
    %sub3A = arith.constant 1 : i32
    %sub3A_50 = arith.subi %scan3A_48#1, %sub3A : i32
    %add3A_51 = arith.constant 1 : i32
    %add3A_52 = arith.addi %sub3A_50, %add3A_51 : i32
    %broadcast_in_dim3A_53 = vector.broadcast %add3A_52 : i32 to vector<16xi32>
    %gather3A = tpu.vector_load_idx %arg9[%broadcast_in_dim3A_53] : memref<272xi32, #tpu.memory_space<vmem>>[vector<16xi32>], vector<16xi32>,
    %reduce_max3A = arith.constant true
    %reduce_max3A_54 = vector.broadcast %reduce_max3A : i1 to vector<16xi1>
    %reduce_max3A_55 = arith.constant -2147483648 : i32
    %reduce_max3A_56 = vector.broadcast %reduce_max3A_55 : i32 to vector<16xi32>
    %reduce_max3A_57 = arith.xori %gather3A, %reduce_max3A_56 : vector<16xi32>
    %reduce_max3A_58 = tpu.scan <max>, %reduce_max3A_57 masked %reduce_max3A_54 : vector<16xi32>, vector<16xi1> -> vector<16xi32>
    %reduce_max3A_59 = arith.xori %reduce_max3A_58, %reduce_max3A_56 : vector<16xi32>
    %reduce_max3A_60 = vector.extract %reduce_max3A_59[15] : i32 from vector<16xi32>
    %sub3A_61 = arith.constant 64 : i32
    %sub3A_62 = arith.subi %sub3A_61, %reduce_max3A_60 : i32
    %sub3A_63 = arith.constant 128 : i32
    %sub3A_64 = arith.subi %sub3A_50, %sub3A_63 : i32
    %shift_left3A = arith.constant 24 : i32
    %shift_left3A_65 = arith.shli %sub3A_64, %shift_left3A : i32
    %broadcast_in_dim3A_66 = vector.broadcast %shift_left3A_65 : i32 to vector<16xi32>
    %lt3A = arith.constant 0 : i32
    %lt3A_67 = vector.broadcast %lt3A : i32 to vector<16xi32>
    %lt3A_68 = arith.cmpi slt, %broadcast_in_dim3A_66, %lt3A_67 : vector<16xi32>
    %xor3A = arith.constant 2147483647 : i32
    %xor3A_69 = vector.broadcast %xor3A : i32 to vector<16xi32>
    %xor3A_70 = arith.xori %broadcast_in_dim3A_66, %xor3A_69 : vector<16xi32>
    %select_n3A = arith.select %lt3A_68, %xor3A_70, %broadcast_in_dim3A_66 : vector<16xi1>, vector<16xi32>
    %bitcast3A = vector.bitcast %select_n3A : vector<16xi32> to vector<16xf32>
    %eq3A = arith.constant 255 : i32
    %eq3A_71 = arith.cmpi eq, %sub3A_50, %eq3A : i32
    %sub3A_72 = arith.constant 127 : i32
    %sub3A_73 = arith.subi %sub3A_50, %sub3A_72 : i32
    %shift_left3A_74 = arith.constant 24 : i32
    %shift_left3A_75 = arith.shli %sub3A_73, %shift_left3A_74 : i32
    %broadcast_in_dim3A_76 = vector.broadcast %shift_left3A_75 : i32 to vector<16xi32>
    %lt3A_77 = arith.constant 0 : i32
    %lt3A_78 = vector.broadcast %lt3A_77 : i32 to vector<16xi32>
    %lt3A_79 = arith.cmpi slt, %broadcast_in_dim3A_76, %lt3A_78 : vector<16xi32>
    %xor3A_80 = arith.constant 2147483647 : i32
    %xor3A_81 = vector.broadcast %xor3A_80 : i32 to vector<16xi32>
    %xor3A_82 = arith.xori %broadcast_in_dim3A_76, %xor3A_81 : vector<16xi32>
    %select_n3A_83 = arith.select %lt3A_79, %xor3A_82, %broadcast_in_dim3A_76 : vector<16xi1>, vector<16xi32>
    %bitcast3A_84 = vector.bitcast %select_n3A_83 : vector<16xi32> to vector<16xf32>
    %jit3A = arith.constant 0x7F800000 : f32
    %broadcast_in_dim3A_85 = vector.broadcast %jit3A : f32 to vector<16xf32>
    %select_n3A_86 = arith.select %eq3A_71, %broadcast_in_dim3A_85, %bitcast3A_84 : vector<16xf32>
    %broadcast_in_dim3A_87 = arith.constant -2147483648 : i32
    %broadcast_in_dim3A_88 = vector.broadcast %broadcast_in_dim3A_87 : i32 to vector<16xi32>
    %parallel_loop3A_89 = arith.constant 0 : i32
    %parallel_loop3A_90 = arith.constant 256 : i32
    %parallel_loop3A_91 = arith.constant 1 : i32
    scf.for %parallel_loop3A_600 = %parallel_loop3A_89 to %parallel_loop3A_90 step %parallel_loop3A_91  : i32 {
      %parallel_loop3A_601 = arith.constant 16 : i32
      %parallel_loop3A_602 = arith.muli %parallel_loop3A_600, %parallel_loop3A_601 : i32
      %parallel_loop3A_603 = arith.index_cast %parallel_loop3A_602 : i32 to index
      %parallel_loop3A_604 = tpu.vector_load %arg7[%parallel_loop3A_603] {strides = array<i32>} : memref<4096xi32, #tpu.memory_space<vmem>>, vector<16xi32>,
      tpu.vector_store %arg7[%parallel_loop3A_603], %broadcast_in_dim3A_88 {strides = array<i32>} : memref<4096xi32, #tpu.memory_space<vmem>>, vector<16xi32>,
    } {sc.loop_unroll_factor = 8 : i64, sc.parallel_access}
    %sub3A_92 = arith.constant 1 : i32
    %sub3A_93 = vector.broadcast %sub3A_92 : i32 to vector<16xi32>
    %sub3A_94 = arith.subi %broadcast_in_dim3A_8, %sub3A_93 : vector<16xi32>
    %sub3A_95 = arith.constant 1 : i32
    %sub3A_96 = vector.broadcast %sub3A_95 : i32 to vector<16xi32>
    %sub3A_97 = arith.subi %broadcast_in_dim3A_8, %sub3A_96 : vector<16xi32>
    %parallel_loop3A_98 = arith.constant 0 : i32
    %parallel_loop3A_99 = arith.constant 1024 : i32
    %parallel_loop3A_100 = arith.constant 1 : i32
    %parallel_loop3A_101:2 = scf.for %parallel_loop3A_600 = %parallel_loop3A_98 to %parallel_loop3A_99 step %parallel_loop3A_100 iter_args(%parallel_loop3A_601 = %sub3A_94, %parallel_loop3A_602 = %sub3A_97) -> (vector<16xi32>, vector<16xi32>)  : i32 {
      %parallel_loop3A_603 = arith.constant 2 : i32
      %parallel_loop3A_604 = arith.muli %parallel_loop3A_603, %parallel_loop3A_600 : i32
      %parallel_loop3A_605 = arith.constant 16 : i32
      %parallel_loop3A_606 = arith.muli %parallel_loop3A_604, %parallel_loop3A_605 : i32
      %parallel_loop3A_607 = arith.index_cast %parallel_loop3A_606 : i32 to index
      %parallel_loop3A_608 = tpu.vector_load %arg4[%parallel_loop3A_607] {strides = array<i32>} : memref<32768xf32, #tpu.memory_space<vmem>>, vector<16xf32>,
      %parallel_loop3A_609 = arith.constant 2 : i32
      %parallel_loop3A_610 = arith.muli %parallel_loop3A_609, %parallel_loop3A_600 : i32
      %parallel_loop3A_611 = arith.constant 1 : i32
      %parallel_loop3A_612 = arith.addi %parallel_loop3A_610, %parallel_loop3A_611 : i32
      %parallel_loop3A_613 = arith.constant 16 : i32
      %parallel_loop3A_614 = arith.muli %parallel_loop3A_612, %parallel_loop3A_613 : i32
      %parallel_loop3A_615 = arith.index_cast %parallel_loop3A_614 : i32 to index
      %parallel_loop3A_616 = tpu.vector_load %arg4[%parallel_loop3A_615] {strides = array<i32>} : memref<32768xf32, #tpu.memory_space<vmem>>, vector<16xf32>,
      %parallel_loop3A_617 = arith.cmpf oge, %parallel_loop3A_608, %bitcast3A : vector<16xf32>
      %parallel_loop3A_618 = arith.cmpf olt, %parallel_loop3A_608, %select_n3A_86 : vector<16xf32>
      %parallel_loop3A_619 = arith.andi %parallel_loop3A_617, %parallel_loop3A_618 : vector<16xi1>
      %parallel_loop3A_620 = arith.cmpf oge, %parallel_loop3A_616, %bitcast3A : vector<16xf32>
      %parallel_loop3A_621 = arith.cmpf olt, %parallel_loop3A_616, %select_n3A_86 : vector<16xf32>
      %parallel_loop3A_622 = arith.andi %parallel_loop3A_620, %parallel_loop3A_621 : vector<16xi1>
      %parallel_loop3A_623 = tpu.scan <sum>, %broadcast_in_dim3A_6 masked %parallel_loop3A_619 : vector<16xi32>, vector<16xi1> -> vector<16xi32>
      %parallel_loop3A_624 = arith.addi %parallel_loop3A_601, %parallel_loop3A_623 : vector<16xi32>
      %parallel_loop3A_625 = arith.constant 2047 : i32
      %parallel_loop3A_626 = vector.broadcast %parallel_loop3A_625 : i32 to vector<16xi32>
      %parallel_loop3A_627 = arith.minsi %parallel_loop3A_624, %parallel_loop3A_626 : vector<16xi32>
      %parallel_loop3A_628 = tpu.scan <sum>, %broadcast_in_dim3A_6 masked %parallel_loop3A_622 : vector<16xi32>, vector<16xi1> -> vector<16xi32>
      %parallel_loop3A_629 = arith.addi %parallel_loop3A_602, %parallel_loop3A_628 : vector<16xi32>
      %parallel_loop3A_630 = arith.constant 2047 : i32
      %parallel_loop3A_631 = vector.broadcast %parallel_loop3A_630 : i32 to vector<16xi32>
      %parallel_loop3A_632 = arith.minsi %parallel_loop3A_629, %parallel_loop3A_631 : vector<16xi32>
      %parallel_loop3A_633 = arith.constant 2048 : i32
      %parallel_loop3A_634 = vector.broadcast %parallel_loop3A_633 : i32 to vector<16xi32>
      %parallel_loop3A_635 = arith.addi %parallel_loop3A_632, %parallel_loop3A_634 : vector<16xi32>
      %parallel_loop3A_636 = vector.bitcast %parallel_loop3A_608 : vector<16xf32> to vector<16xi32>
      tpu.vector_store_idx %arg7[%parallel_loop3A_627], %parallel_loop3A_636 masked %parallel_loop3A_619 : memref<4096xi32, #tpu.memory_space<vmem>>[vector<16xi32>], vector<16xi32>, vector<16xi1>
      %parallel_loop3A_637 = vector.bitcast %parallel_loop3A_616 : vector<16xf32> to vector<16xi32>
      tpu.vector_store_idx %arg7[%parallel_loop3A_635], %parallel_loop3A_637 masked %parallel_loop3A_622 : memref<4096xi32, #tpu.memory_space<vmem>>[vector<16xi32>], vector<16xi32>, vector<16xi1>
      %parallel_loop3A_638 = tpu.all_reduce %parallel_loop3A_619 {dim = 0 : i64, kind = #tpu.reduction_kind<sum>} : vector<16xi1> -> vector<16xi32>
      %parallel_loop3A_639 = arith.addi %parallel_loop3A_601, %parallel_loop3A_638 : vector<16xi32>
      %parallel_loop3A_640 = tpu.all_reduce %parallel_loop3A_622 {dim = 0 : i64, kind = #tpu.reduction_kind<sum>} : vector<16xi1> -> vector<16xi32>
      %parallel_loop3A_641 = arith.addi %parallel_loop3A_602, %parallel_loop3A_640 : vector<16xi32>
      scf.yield %parallel_loop3A_639, %parallel_loop3A_641 : vector<16xi32>, vector<16xi32>
    } {sc.loop_unroll_factor = 4 : i64, sc.parallel_access}
    %reduce_max3A_102 = arith.constant true
    %reduce_max3A_103 = vector.broadcast %reduce_max3A_102 : i1 to vector<16xi1>
    %reduce_max3A_104 = arith.constant -2147483648 : i32
    %reduce_max3A_105 = vector.broadcast %reduce_max3A_104 : i32 to vector<16xi32>
    %reduce_max3A_106 = arith.xori %parallel_loop3A_101#0, %reduce_max3A_105 : vector<16xi32>
    %reduce_max3A_107 = tpu.scan <max>, %reduce_max3A_106 masked %reduce_max3A_103 : vector<16xi32>, vector<16xi1> -> vector<16xi32>
    %reduce_max3A_108 = arith.xori %reduce_max3A_107, %reduce_max3A_105 : vector<16xi32>
    %reduce_max3A_109 = vector.extract %reduce_max3A_108[15] : i32 from vector<16xi32>
    %add3A_110 = arith.constant 1 : i32
    %add3A_111 = arith.addi %reduce_max3A_109, %add3A_110 : i32
    %reduce_max3A_112 = arith.constant true
    %reduce_max3A_113 = vector.broadcast %reduce_max3A_112 : i1 to vector<16xi1>
    %reduce_max3A_114 = arith.constant -2147483648 : i32
    %reduce_max3A_115 = vector.broadcast %reduce_max3A_114 : i32 to vector<16xi32>
    %reduce_max3A_116 = arith.xori %parallel_loop3A_101#1, %reduce_max3A_115 : vector<16xi32>
    %reduce_max3A_117 = tpu.scan <max>, %reduce_max3A_116 masked %reduce_max3A_113 : vector<16xi32>, vector<16xi1> -> vector<16xi32>
    %reduce_max3A_118 = arith.xori %reduce_max3A_117, %reduce_max3A_115 : vector<16xi32>
    %reduce_max3A_119 = vector.extract %reduce_max3A_118[15] : i32 from vector<16xi32>
    %add3A_120 = arith.constant 1 : i32
    %add3A_121 = arith.addi %reduce_max3A_119, %add3A_120 : i32
    %gt3A = arith.constant 2048 : i32
    %gt3A_122 = arith.cmpi sgt, %add3A_111, %gt3A : i32
    %gt3A_123 = arith.constant 2048 : i32
    %gt3A_124 = arith.cmpi sgt, %add3A_121, %gt3A_123 : i32
    %or3A = arith.ori %gt3A_122, %gt3A_124 : i1
    %le3A = arith.constant 128 : i32
    %le3A_125 = arith.cmpi sle, %sub3A_50, %le3A : i32
    %or3A_126 = arith.ori %or3A, %le3A_125 : i1
    %sub3A_127 = arith.constant 128 : i32
    %sub3A_128 = arith.subi %sub3A_50, %sub3A_127 : i32
    %shift_left3A_129 = arith.constant 24 : i32
    %shift_left3A_130 = arith.shli %sub3A_128, %shift_left3A_129 : i32
    %broadcast_in_dim3A_131 = vector.broadcast %shift_left3A_130 : i32 to vector<16xi32>
    %convert_element_type3A = arith.extui %or3A_126 : i1 to i32
    %cond3A = arith.constant 0 : i32
    %cond3A_132 = arith.constant 0 : i32
    %cond3A_133 = arith.cmpi ne, %convert_element_type3A, %cond3A_132 : i32
    %cond3A_134 = scf.if %cond3A_133 -> (vector<16xi32>) {
      %broadcast_in_dim3A_600 = arith.constant 64 : i32
      %broadcast_in_dim3A_601 = vector.broadcast %broadcast_in_dim3A_600 : i32 to vector<16xi32>
      %scan3A_602 = arith.constant 0 : i32
      %scan3A_603 = arith.constant 24 : i32
      %scan3A_604 = arith.addi %scan3A_602, %scan3A_603 : i32
      %scan3A_605 = arith.constant 1 : i32
      %scan3A_606 = scf.for %scan3A_608 = %scan3A_602 to %scan3A_604 step %scan3A_605 iter_args(%scan3A_609 = %broadcast_in_dim3A_131) -> (vector<16xi32>)  : i32 {
        %sub3A_610 = arith.constant 23 : i32
        %sub3A_611 = arith.subi %sub3A_610, %scan3A_608 : i32
        %shift_left3A_612 = arith.constant 1 : i32
        %shift_left3A_613 = arith.shli %shift_left3A_612, %sub3A_611 : i32
        %or3A_614 = vector.broadcast %shift_left3A_613 : i32 to vector<16xi32>
        %or3A_615 = arith.ori %scan3A_609, %or3A_614 : vector<16xi32>
        %parallel_loop3A_616 = arith.constant 0 : i32
        %parallel_loop3A_617 = arith.constant 2048 : i32
        %parallel_loop3A_618 = arith.constant 1 : i32
        %parallel_loop3A_619 = scf.for %parallel_loop3A_621 = %parallel_loop3A_616 to %parallel_loop3A_617 step %parallel_loop3A_618 iter_args(%parallel_loop3A_622 = %broadcast_in_dim3A_8) -> (vector<16xi32>)  : i32 {
          %parallel_loop3A_623 = arith.constant 16 : i32
          %parallel_loop3A_624 = arith.muli %parallel_loop3A_621, %parallel_loop3A_623 : i32
          %parallel_loop3A_625 = arith.index_cast %parallel_loop3A_624 : i32 to index
          %parallel_loop3A_626 = tpu.vector_load %arg4[%parallel_loop3A_625] {strides = array<i32>} : memref<32768xf32, #tpu.memory_space<vmem>>, vector<16xf32>,
          %parallel_loop3A_627 = vector.bitcast %parallel_loop3A_626 : vector<16xf32> to vector<16xi32>
          %parallel_loop3A_628 = arith.constant 31 : i32
          %parallel_loop3A_629 = vector.broadcast %parallel_loop3A_628 : i32 to vector<16xi32>
          %parallel_loop3A_630 = arith.shrsi %parallel_loop3A_627, %parallel_loop3A_629 : vector<16xi32>
          %parallel_loop3A_631 = arith.constant 2147483647 : i32
          %parallel_loop3A_632 = vector.broadcast %parallel_loop3A_631 : i32 to vector<16xi32>
          %parallel_loop3A_633 = arith.andi %parallel_loop3A_630, %parallel_loop3A_632 : vector<16xi32>
          %parallel_loop3A_634 = arith.xori %parallel_loop3A_627, %parallel_loop3A_633 : vector<16xi32>
          %parallel_loop3A_635 = arith.cmpi sge, %parallel_loop3A_634, %or3A_615 : vector<16xi32>
          %parallel_loop3A_636 = tpu.all_reduce %parallel_loop3A_635 {dim = 0 : i64, kind = #tpu.reduction_kind<sum>} : vector<16xi1> -> vector<16xi32>
          %parallel_loop3A_637 = arith.addi %parallel_loop3A_622, %parallel_loop3A_636 : vector<16xi32>
          scf.yield %parallel_loop3A_637 : vector<16xi32>
        } {sc.loop_unroll_factor = 4 : i64, sc.parallel_access}
        %ge3A = arith.cmpi sge, %parallel_loop3A_619, %broadcast_in_dim3A_601 : vector<16xi32>
        %select_n3A_620 = arith.select %ge3A, %or3A_615, %scan3A_609 : vector<16xi1>, vector<16xi32>
        scf.yield %select_n3A_620 : vector<16xi32>
      }
      %scan3A_607 = arith.constant 24 : i32
      scf.yield %scan3A_606 : vector<16xi32>
    } else {
      %max3A = arith.maxsi %add3A_111, %add3A_121 : i32
      %add3A_600 = arith.constant 15 : i32
      %add3A_601 = arith.addi %max3A, %add3A_600 : i32
      %jit3A_602 = arith.constant 16 : i32
      %div3A = arith.divsi %add3A_601, %jit3A_602 : i32
      %sign3A = arith.constant 0 : i32
      %sign3A_603 = arith.cmpi sgt, %add3A_601, %sign3A : i32
      %sign3A_604 = arith.extui %sign3A_603 : i1 to i32
      %sign3A_605 = arith.constant 0 : i32
      %sign3A_606 = arith.cmpi slt, %add3A_601, %sign3A_605 : i32
      %sign3A_607 = arith.extui %sign3A_606 : i1 to i32
      %sign3A_608 = arith.subi %sign3A_604, %sign3A_607 : i32
      %sign3A_609 = arith.constant 0 : i32
      %sign3A_610 = arith.cmpi sgt, %jit3A_602, %sign3A_609 : i32
      %sign3A_611 = arith.extui %sign3A_610 : i1 to i32
      %sign3A_612 = arith.constant 0 : i32
      %sign3A_613 = arith.cmpi slt, %jit3A_602, %sign3A_612 : i32
      %sign3A_614 = arith.extui %sign3A_613 : i1 to i32
      %sign3A_615 = arith.subi %sign3A_611, %sign3A_614 : i32
      %ne3A = arith.cmpi ne, %sign3A_608, %sign3A_615 : i32
      %rem3A = arith.remsi %add3A_601, %jit3A_602 : i32
      %ne3A_616 = arith.constant 0 : i32
      %ne3A_617 = arith.cmpi ne, %rem3A, %ne3A_616 : i32
      %and3A = arith.andi %ne3A, %ne3A_617 : i1
      %sub3A_618 = arith.constant 1 : i32
      %sub3A_619 = arith.subi %div3A, %sub3A_618 : i32
      %select_n3A_620 = arith.select %and3A, %sub3A_619, %div3A : i32
      %broadcast_in_dim3A_621 = vector.broadcast %sub3A_62 : i32 to vector<16xi32>
      %scan3A_622 = arith.constant 0 : i32
      %scan3A_623 = arith.constant 24 : i32
      %scan3A_624 = arith.addi %scan3A_622, %scan3A_623 : i32
      %scan3A_625 = arith.constant 1 : i32
      %scan3A_626 = scf.for %scan3A_628 = %scan3A_622 to %scan3A_624 step %scan3A_625 iter_args(%scan3A_629 = %broadcast_in_dim3A_131) -> (vector<16xi32>)  : i32 {
        %sub3A_630 = arith.constant 23 : i32
        %sub3A_631 = arith.subi %sub3A_630, %scan3A_628 : i32
        %shift_left3A_632 = arith.constant 1 : i32
        %shift_left3A_633 = arith.shli %shift_left3A_632, %sub3A_631 : i32
        %or3A_634 = vector.broadcast %shift_left3A_633 : i32 to vector<16xi32>
        %or3A_635 = arith.ori %scan3A_629, %or3A_634 : vector<16xi32>
        %parallel_loop3A_636 = arith.constant 0 : i32
        %parallel_loop3A_637 = arith.constant 1 : i32
        %parallel_loop3A_638:2 = scf.for %parallel_loop3A_641 = %parallel_loop3A_636 to %select_n3A_620 step %parallel_loop3A_637 iter_args(%parallel_loop3A_642 = %broadcast_in_dim3A_8, %parallel_loop3A_643 = %broadcast_in_dim3A_8) -> (vector<16xi32>, vector<16xi32>)  : i32 {
          %parallel_loop3A_644 = arith.constant 16 : i32
          %parallel_loop3A_645 = arith.muli %parallel_loop3A_641, %parallel_loop3A_644 : i32
          %parallel_loop3A_646 = arith.index_cast %parallel_loop3A_645 : i32 to index
          %parallel_loop3A_647 = tpu.vector_load %arg7[%parallel_loop3A_646] {strides = array<i32>} : memref<4096xi32, #tpu.memory_space<vmem>>, vector<16xi32>,
          %parallel_loop3A_648 = arith.constant 16 : i32
          %parallel_loop3A_649 = arith.muli %parallel_loop3A_641, %parallel_loop3A_648 : i32
          %parallel_loop3A_650 = arith.constant 2048 : i32
          %parallel_loop3A_651 = arith.addi %parallel_loop3A_650, %parallel_loop3A_649 : i32
          %parallel_loop3A_652 = arith.index_cast %parallel_loop3A_651 : i32 to index
          %parallel_loop3A_653 = tpu.vector_load %arg7[%parallel_loop3A_652] {strides = array<i32>} : memref<4096xi32, #tpu.memory_space<vmem>>, vector<16xi32>,
          %parallel_loop3A_654 = arith.cmpi sge, %parallel_loop3A_647, %or3A_635 : vector<16xi32>
          %parallel_loop3A_655 = tpu.all_reduce %parallel_loop3A_654 {dim = 0 : i64, kind = #tpu.reduction_kind<sum>} : vector<16xi1> -> vector<16xi32>
          %parallel_loop3A_656 = arith.addi %parallel_loop3A_642, %parallel_loop3A_655 : vector<16xi32>
          %parallel_loop3A_657 = arith.cmpi sge, %parallel_loop3A_653, %or3A_635 : vector<16xi32>
          %parallel_loop3A_658 = tpu.all_reduce %parallel_loop3A_657 {dim = 0 : i64, kind = #tpu.reduction_kind<sum>} : vector<16xi1> -> vector<16xi32>
          %parallel_loop3A_659 = arith.addi %parallel_loop3A_643, %parallel_loop3A_658 : vector<16xi32>
          scf.yield %parallel_loop3A_656, %parallel_loop3A_659 : vector<16xi32>, vector<16xi32>
        } {sc.loop_unroll_factor = 1 : i64, sc.parallel_access}
        %add3A_639 = arith.addi %parallel_loop3A_638#0, %parallel_loop3A_638#1 : vector<16xi32>
        %ge3A = arith.cmpi sge, %add3A_639, %broadcast_in_dim3A_621 : vector<16xi32>
        %select_n3A_640 = arith.select %ge3A, %or3A_635, %scan3A_629 : vector<16xi1>, vector<16xi32>
        scf.yield %select_n3A_640 : vector<16xi32>
      }
      %scan3A_627 = arith.constant 24 : i32
      scf.yield %scan3A_626 : vector<16xi32>
    }
    %lt3A_135 = arith.constant 0 : i32
    %lt3A_136 = vector.broadcast %lt3A_135 : i32 to vector<16xi32>
    %lt3A_137 = arith.cmpi slt, %cond3A_134, %lt3A_136 : vector<16xi32>
    %xor3A_138 = arith.constant 2147483647 : i32
    %xor3A_139 = vector.broadcast %xor3A_138 : i32 to vector<16xi32>
    %xor3A_140 = arith.xori %cond3A_134, %xor3A_139 : vector<16xi32>
    %select_n3A_141 = arith.select %lt3A_137, %xor3A_140, %cond3A_134 : vector<16xi1>, vector<16xi32>
    %bitcast3A_142 = vector.bitcast %select_n3A_141 : vector<16xi32> to vector<16xf32>
    %parallel_loop3A_143 = arith.constant 0 : i32
    %parallel_loop3A_144 = arith.constant 2048 : i32
    %parallel_loop3A_145 = arith.constant 1 : i32
    scf.for %parallel_loop3A_600 = %parallel_loop3A_143 to %parallel_loop3A_144 step %parallel_loop3A_145  : i32 {
      %parallel_loop3A_601 = arith.constant 16 : i32
      %parallel_loop3A_602 = arith.muli %parallel_loop3A_600, %parallel_loop3A_601 : i32
      %parallel_loop3A_603 = arith.index_cast %parallel_loop3A_602 : i32 to index
      %parallel_loop3A_604 = tpu.vector_load %arg4[%parallel_loop3A_603] {strides = array<i32>} : memref<32768xf32, #tpu.memory_space<vmem>>, vector<16xf32>,
      %parallel_loop3A_605 = arith.cmpf oge, %parallel_loop3A_604, %bitcast3A_142 : vector<16xf32>
      %parallel_loop3A_606 = arith.constant 0.000000e+00 : f32
      %parallel_loop3A_607 = vector.broadcast %parallel_loop3A_606 : f32 to vector<16xf32>
      %parallel_loop3A_608 = arith.select %parallel_loop3A_605, %parallel_loop3A_604, %parallel_loop3A_607 : vector<16xi1>, vector<16xf32>
      %parallel_loop3A_609 = arith.constant 16 : i32
      %parallel_loop3A_610 = arith.muli %parallel_loop3A_600, %parallel_loop3A_609 : i32
      %parallel_loop3A_611 = arith.index_cast %parallel_loop3A_610 : i32 to index
      %parallel_loop3A_612 = tpu.vector_load %arg4[%parallel_loop3A_611] {strides = array<i32>} : memref<32768xf32, #tpu.memory_space<vmem>>, vector<16xf32>,
      tpu.vector_store %arg4[%parallel_loop3A_611], %parallel_loop3A_608 {strides = array<i32>} : memref<32768xf32, #tpu.memory_space<vmem>>, vector<16xf32>,
    } {sc.loop_unroll_factor = 16 : i64, sc.parallel_access}
    %add3A_146 = arith.constant 0 : i32
    %add3A_147 = arith.addi %mul3A_2, %add3A_146 : i32
    %dma_start3A_148 = arith.constant 0 : i32
    %dma_start3A_149 = tpu.memref_slice %arg3[%add3A_147, %dma_start3A_148] : memref<128x32768xf32, #tpu.memory_space<hbm>> -> memref<1x32768xf32, #tpu.memory_space<hbm>>
    %dma_start3A_150 = tpu.memref_squeeze %dma_start3A_149 : memref<1x32768xf32, #tpu.memory_space<hbm>> -> memref<32768xf32, #tpu.memory_space<hbm>>
    %dma_start3A_151 = arith.constant 0 : i32
    %dma_start3A_152 = tpu.memref_slice %arg3[%add3A_147, %dma_start3A_151] : memref<128x32768xf32, #tpu.memory_space<hbm>> -> memref<1x32768xf32, #tpu.memory_space<hbm>>
    %dma_start3A_153 = tpu.memref_squeeze %dma_start3A_152 : memref<1x32768xf32, #tpu.memory_space<hbm>> -> memref<32768xf32, #tpu.memory_space<hbm>>
    tpu.enqueue_dma source(%arg4 : memref<32768xf32, #tpu.memory_space<vmem>>) target(%dma_start3A_153 : memref<32768xf32, #tpu.memory_space<hbm>>) target_semaphore(%arg14 : memref<!tpu.dma_semaphore, #tpu.memory_space<semaphore_mem>>)
    %dma_wait3A_154 = arith.constant 0 : i32
    %dma_wait3A_155 = tpu.memref_slice %arg2[%add3A_19, %dma_wait3A_154] : memref<128x32768xf32, #tpu.memory_space<hbm>> -> memref<1x32768xf32, #tpu.memory_space<hbm>>
    %dma_wait3A_156 = tpu.memref_squeeze %dma_wait3A_155 : memref<1x32768xf32, #tpu.memory_space<hbm>> -> memref<32768xf32, #tpu.memory_space<hbm>>
    %dma_wait3A_157 = arith.constant 0 : i32
    %dma_wait3A_158 = tpu.memref_slice %arg2[%add3A_19, %dma_wait3A_157] : memref<128x32768xf32, #tpu.memory_space<hbm>> -> memref<1x32768xf32, #tpu.memory_space<hbm>>
    %dma_wait3A_159 = tpu.memref_squeeze %dma_wait3A_158 : memref<1x32768xf32, #tpu.memory_space<hbm>> -> memref<32768xf32, #tpu.memory_space<hbm>>
    tpu.wait_dma2 semaphore(%arg11 : memref<!tpu.dma_semaphore, #tpu.memory_space<semaphore_mem>>) src(%dma_wait3A_159 : memref<32768xf32, #tpu.memory_space<hbm>>) dst(%arg5 : memref<32768xf32, #tpu.memory_space<vmem>>)
    %parallel_loop3A_160 = arith.constant 0 : i32
    %parallel_loop3A_161 = arith.constant 2048 : i32
    %parallel_loop3A_162 = arith.constant 1 : i32
    scf.for %parallel_loop3A_600 = %parallel_loop3A_160 to %parallel_loop3A_161 step %parallel_loop3A_162  : i32 {
      %parallel_loop3A_601 = arith.constant 16 : i32
      %parallel_loop3A_602 = arith.muli %parallel_loop3A_600, %parallel_loop3A_601 : i32
      %parallel_loop3A_603 = arith.index_cast %parallel_loop3A_602 : i32 to index
      %parallel_loop3A_604 = tpu.vector_load %arg5[%parallel_loop3A_603] {strides = array<i32>} : memref<32768xf32, #tpu.memory_space<vmem>>, vector<16xf32>,
      %parallel_loop3A_605 = vector.bitcast %parallel_loop3A_604 : vector<16xf32> to vector<16xi32>
      %parallel_loop3A_606 = arith.constant 31 : i32
      %parallel_loop3A_607 = vector.broadcast %parallel_loop3A_606 : i32 to vector<16xi32>
      %parallel_loop3A_608 = arith.shrsi %parallel_loop3A_605, %parallel_loop3A_607 : vector<16xi32>
      %parallel_loop3A_609 = arith.constant 2147483647 : i32
      %parallel_loop3A_610 = vector.broadcast %parallel_loop3A_609 : i32 to vector<16xi32>
      %parallel_loop3A_611 = arith.andi %parallel_loop3A_608, %parallel_loop3A_610 : vector<16xi32>
      %parallel_loop3A_612 = arith.xori %parallel_loop3A_605, %parallel_loop3A_611 : vector<16xi32>
      %parallel_loop3A_613 = arith.constant 24 : i32
      %parallel_loop3A_614 = vector.broadcast %parallel_loop3A_613 : i32 to vector<16xi32>
      %parallel_loop3A_615 = arith.shrsi %parallel_loop3A_612, %parallel_loop3A_614 : vector<16xi32>
      %parallel_loop3A_616 = arith.constant 128 : i32
      %parallel_loop3A_617 = vector.broadcast %parallel_loop3A_616 : i32 to vector<16xi32>
      %parallel_loop3A_618 = arith.addi %parallel_loop3A_615, %parallel_loop3A_617 : vector<16xi32>
      %parallel_loop3A_619 = arith.addi %mul3A_5, %parallel_loop3A_618 : vector<16xi32>
      tpu.vector_store_idx %arg8[%parallel_loop3A_619], %broadcast_in_dim3A_6 {add = true} : memref<4128xi32, #tpu.memory_space<vmem>>[vector<16xi32>], vector<16xi32>,
    } {sc.loop_unroll_factor = 8 : i64, sc.parallel_access}
    %swap3A_163 = arith.constant 256 : index
    %swap3A_164 = tpu.vector_load %arg9[%swap3A_163] {strides = array<i32>} : memref<272xi32, #tpu.memory_space<vmem>>, vector<16xi32>,
    tpu.vector_store %arg9[%swap3A_163], %broadcast_in_dim3A_8 {strides = array<i32>} : memref<272xi32, #tpu.memory_space<vmem>>, vector<16xi32>,
    %scan3A_165 = arith.constant 0 : i32
    %scan3A_166 = arith.constant 0 : i32
    %scan3A_167 = arith.constant 0 : i32
    %scan3A_168 = arith.constant 16 : i32
    %scan3A_169 = arith.addi %scan3A_167, %scan3A_168 : i32
    %scan3A_170 = arith.constant 1 : i32
    %scan3A_171:2 = scf.for %scan3A_600 = %scan3A_167 to %scan3A_169 step %scan3A_170 iter_args(%scan3A_601 = %scan3A_165, %scan3A_602 = %scan3A_166) -> (i32, i32)  : i32 {
      %sub3A_603 = arith.constant 15 : i32
      %sub3A_604 = arith.subi %sub3A_603, %scan3A_600 : i32
      %mul3A_605 = arith.constant 16 : i32
      %mul3A_606 = arith.muli %sub3A_604, %mul3A_605 : i32
      %add3A_607 = arith.constant 0 : i32
      %add3A_608 = arith.addi %add3A_607, %mul3A_606 : i32
      %get3A = arith.index_cast %add3A_608 : i32 to index
      %get3A_609 = tpu.vector_load %arg8[%get3A] {strides = array<i32>} : memref<4128xi32, #tpu.memory_space<vmem>>, vector<16xi32>,
      %add3A_610 = arith.addi %broadcast_in_dim3A_8, %get3A_609 : vector<16xi32>
      %mul3A_611 = arith.constant 16 : i32
      %mul3A_612 = arith.muli %sub3A_604, %mul3A_611 : i32
      %add3A_613 = arith.constant 0 : i32
      %add3A_614 = arith.addi %add3A_613, %mul3A_612 : i32
      %swap3A_615 = arith.index_cast %add3A_614 : i32 to index
      %swap3A_616 = tpu.vector_load %arg8[%swap3A_615] {strides = array<i32>} : memref<4128xi32, #tpu.memory_space<vmem>>, vector<16xi32>,
      tpu.vector_store %arg8[%swap3A_615], %broadcast_in_dim3A_8 {strides = array<i32>} : memref<4128xi32, #tpu.memory_space<vmem>>, vector<16xi32>,
      %mul3A_617 = arith.constant 16 : i32
      %mul3A_618 = arith.muli %sub3A_604, %mul3A_617 : i32
      %add3A_619 = arith.constant 257 : i32
      %add3A_620 = arith.addi %add3A_619, %mul3A_618 : i32
      %get3A_621 = arith.index_cast %add3A_620 : i32 to index
      %get3A_622 = tpu.vector_load %arg8[%get3A_621] {strides = array<i32>} : memref<4128xi32, #tpu.memory_space<vmem>>, vector<16xi32>,
      %add3A_623 = arith.addi %add3A_610, %get3A_622 : vector<16xi32>
      %mul3A_624 = arith.constant 16 : i32
      %mul3A_625 = arith.muli %sub3A_604, %mul3A_624 : i32
      %add3A_626 = arith.constant 257 : i32
      %add3A_627 = arith.addi %add3A_626, %mul3A_625 : i32
      %swap3A_628 = arith.index_cast %add3A_627 : i32 to index
      %swap3A_629 = tpu.vector_load %arg8[%swap3A_628] {strides = array<i32>} : memref<4128xi32, #tpu.memory_space<vmem>>, vector<16xi32>,
      tpu.vector_store %arg8[%swap3A_628], %broadcast_in_dim3A_8 {strides = array<i32>} : memref<4128xi32, #tpu.memory_space<vmem>>, vector<16xi32>,
      %mul3A_630 = arith.constant 16 : i32
      %mul3A_631 = arith.muli %sub3A_604, %mul3A_630 : i32
      %add3A_632 = arith.constant 514 : i32
      %add3A_633 = arith.addi %add3A_632, %mul3A_631 : i32
      %get3A_634 = arith.index_cast %add3A_633 : i32 to index
      %get3A_635 = tpu.vector_load %arg8[%get3A_634] {strides = array<i32>} : memref<4128xi32, #tpu.memory_space<vmem>>, vector<16xi32>,
      %add3A_636 = arith.addi %add3A_623, %get3A_635 : vector<16xi32>
      %mul3A_637 = arith.constant 16 : i32
      %mul3A_638 = arith.muli %sub3A_604, %mul3A_637 : i32
      %add3A_639 = arith.constant 514 : i32
      %add3A_640 = arith.addi %add3A_639, %mul3A_638 : i32
      %swap3A_641 = arith.index_cast %add3A_640 : i32 to index
      %swap3A_642 = tpu.vector_load %arg8[%swap3A_641] {strides = array<i32>} : memref<4128xi32, #tpu.memory_space<vmem>>, vector<16xi32>,
      tpu.vector_store %arg8[%swap3A_641], %broadcast_in_dim3A_8 {strides = array<i32>} : memref<4128xi32, #tpu.memory_space<vmem>>, vector<16xi32>,
      %mul3A_643 = arith.constant 16 : i32
      %mul3A_644 = arith.muli %sub3A_604, %mul3A_643 : i32
      %add3A_645 = arith.constant 771 : i32
      %add3A_646 = arith.addi %add3A_645, %mul3A_644 : i32
      %get3A_647 = arith.index_cast %add3A_646 : i32 to index
      %get3A_648 = tpu.vector_load %arg8[%get3A_647] {strides = array<i32>} : memref<4128xi32, #tpu.memory_space<vmem>>, vector<16xi32>,
      %add3A_649 = arith.addi %add3A_636, %get3A_648 : vector<16xi32>
      %mul3A_650 = arith.constant 16 : i32
      %mul3A_651 = arith.muli %sub3A_604, %mul3A_650 : i32
      %add3A_652 = arith.constant 771 : i32
      %add3A_653 = arith.addi %add3A_652, %mul3A_651 : i32
      %swap3A_654 = arith.index_cast %add3A_653 : i32 to index
      %swap3A_655 = tpu.vector_load %arg8[%swap3A_654] {strides = array<i32>} : memref<4128xi32, #tpu.memory_space<vmem>>, vector<16xi32>,
      tpu.vector_store %arg8[%swap3A_654], %broadcast_in_dim3A_8 {strides = array<i32>} : memref<4128xi32, #tpu.memory_space<vmem>>, vector<16xi32>,
      %mul3A_656 = arith.constant 16 : i32
      %mul3A_657 = arith.muli %sub3A_604, %mul3A_656 : i32
      %add3A_658 = arith.constant 1028 : i32
      %add3A_659 = arith.addi %add3A_658, %mul3A_657 : i32
      %get3A_660 = arith.index_cast %add3A_659 : i32 to index
      %get3A_661 = tpu.vector_load %arg8[%get3A_660] {strides = array<i32>} : memref<4128xi32, #tpu.memory_space<vmem>>, vector<16xi32>,
      %add3A_662 = arith.addi %add3A_649, %get3A_661 : vector<16xi32>
      %mul3A_663 = arith.constant 16 : i32
      %mul3A_664 = arith.muli %sub3A_604, %mul3A_663 : i32
      %add3A_665 = arith.constant 1028 : i32
      %add3A_666 = arith.addi %add3A_665, %mul3A_664 : i32
      %swap3A_667 = arith.index_cast %add3A_666 : i32 to index
      %swap3A_668 = tpu.vector_load %arg8[%swap3A_667] {strides = array<i32>} : memref<4128xi32, #tpu.memory_space<vmem>>, vector<16xi32>,
      tpu.vector_store %arg8[%swap3A_667], %broadcast_in_dim3A_8 {strides = array<i32>} : memref<4128xi32, #tpu.memory_space<vmem>>, vector<16xi32>,
      %mul3A_669 = arith.constant 16 : i32
      %mul3A_670 = arith.muli %sub3A_604, %mul3A_669 : i32
      %add3A_671 = arith.constant 1285 : i32
      %add3A_672 = arith.addi %add3A_671, %mul3A_670 : i32
      %get3A_673 = arith.index_cast %add3A_672 : i32 to index
      %get3A_674 = tpu.vector_load %arg8[%get3A_673] {strides = array<i32>} : memref<4128xi32, #tpu.memory_space<vmem>>, vector<16xi32>,
      %add3A_675 = arith.addi %add3A_662, %get3A_674 : vector<16xi32>
      %mul3A_676 = arith.constant 16 : i32
      %mul3A_677 = arith.muli %sub3A_604, %mul3A_676 : i32
      %add3A_678 = arith.constant 1285 : i32
      %add3A_679 = arith.addi %add3A_678, %mul3A_677 : i32
      %swap3A_680 = arith.index_cast %add3A_679 : i32 to index
      %swap3A_681 = tpu.vector_load %arg8[%swap3A_680] {strides = array<i32>} : memref<4128xi32, #tpu.memory_space<vmem>>, vector<16xi32>,
      tpu.vector_store %arg8[%swap3A_680], %broadcast_in_dim3A_8 {strides = array<i32>} : memref<4128xi32, #tpu.memory_space<vmem>>, vector<16xi32>,
      %mul3A_682 = arith.constant 16 : i32
      %mul3A_683 = arith.muli %sub3A_604, %mul3A_682 : i32
      %add3A_684 = arith.constant 1542 : i32
      %add3A_685 = arith.addi %add3A_684, %mul3A_683 : i32
      %get3A_686 = arith.index_cast %add3A_685 : i32 to index
      %get3A_687 = tpu.vector_load %arg8[%get3A_686] {strides = array<i32>} : memref<4128xi32, #tpu.memory_space<vmem>>, vector<16xi32>,
      %add3A_688 = arith.addi %add3A_675, %get3A_687 : vector<16xi32>
      %mul3A_689 = arith.constant 16 : i32
      %mul3A_690 = arith.muli %sub3A_604, %mul3A_689 : i32
      %add3A_691 = arith.constant 1542 : i32
      %add3A_692 = arith.addi %add3A_691, %mul3A_690 : i32
      %swap3A_693 = arith.index_cast %add3A_692 : i32 to index
      %swap3A_694 = tpu.vector_load %arg8[%swap3A_693] {strides = array<i32>} : memref<4128xi32, #tpu.memory_space<vmem>>, vector<16xi32>,
      tpu.vector_store %arg8[%swap3A_693], %broadcast_in_dim3A_8 {strides = array<i32>} : memref<4128xi32, #tpu.memory_space<vmem>>, vector<16xi32>,
      %mul3A_695 = arith.constant 16 : i32
      %mul3A_696 = arith.muli %sub3A_604, %mul3A_695 : i32
      %add3A_697 = arith.constant 1799 : i32
      %add3A_698 = arith.addi %add3A_697, %mul3A_696 : i32
      %get3A_699 = arith.index_cast %add3A_698 : i32 to index
      %get3A_700 = tpu.vector_load %arg8[%get3A_699] {strides = array<i32>} : memref<4128xi32, #tpu.memory_space<vmem>>, vector<16xi32>,
      %add3A_701 = arith.addi %add3A_688, %get3A_700 : vector<16xi32>
      %mul3A_702 = arith.constant 16 : i32
      %mul3A_703 = arith.muli %sub3A_604, %mul3A_702 : i32
      %add3A_704 = arith.constant 1799 : i32
      %add3A_705 = arith.addi %add3A_704, %mul3A_703 : i32
      %swap3A_706 = arith.index_cast %add3A_705 : i32 to index
      %swap3A_707 = tpu.vector_load %arg8[%swap3A_706] {strides = array<i32>} : memref<4128xi32, #tpu.memory_space<vmem>>, vector<16xi32>,
      tpu.vector_store %arg8[%swap3A_706], %broadcast_in_dim3A_8 {strides = array<i32>} : memref<4128xi32, #tpu.memory_space<vmem>>, vector<16xi32>,
      %mul3A_708 = arith.constant 16 : i32
      %mul3A_709 = arith.muli %sub3A_604, %mul3A_708 : i32
      %add3A_710 = arith.constant 2056 : i32
      %add3A_711 = arith.addi %add3A_710, %mul3A_709 : i32
      %get3A_712 = arith.index_cast %add3A_711 : i32 to index
      %get3A_713 = tpu.vector_load %arg8[%get3A_712] {strides = array<i32>} : memref<4128xi32, #tpu.memory_space<vmem>>, vector<16xi32>,
      %add3A_714 = arith.addi %add3A_701, %get3A_713 : vector<16xi32>
      %mul3A_715 = arith.constant 16 : i32
      %mul3A_716 = arith.muli %sub3A_604, %mul3A_715 : i32
      %add3A_717 = arith.constant 2056 : i32
      %add3A_718 = arith.addi %add3A_717, %mul3A_716 : i32
      %swap3A_719 = arith.index_cast %add3A_718 : i32 to index
      %swap3A_720 = tpu.vector_load %arg8[%swap3A_719] {strides = array<i32>} : memref<4128xi32, #tpu.memory_space<vmem>>, vector<16xi32>,
      tpu.vector_store %arg8[%swap3A_719], %broadcast_in_dim3A_8 {strides = array<i32>} : memref<4128xi32, #tpu.memory_space<vmem>>, vector<16xi32>,
      %mul3A_721 = arith.constant 16 : i32
      %mul3A_722 = arith.muli %sub3A_604, %mul3A_721 : i32
      %add3A_723 = arith.constant 2313 : i32
      %add3A_724 = arith.addi %add3A_723, %mul3A_722 : i32
      %get3A_725 = arith.index_cast %add3A_724 : i32 to index
      %get3A_726 = tpu.vector_load %arg8[%get3A_725] {strides = array<i32>} : memref<4128xi32, #tpu.memory_space<vmem>>, vector<16xi32>,
      %add3A_727 = arith.addi %add3A_714, %get3A_726 : vector<16xi32>
      %mul3A_728 = arith.constant 16 : i32
      %mul3A_729 = arith.muli %sub3A_604, %mul3A_728 : i32
      %add3A_730 = arith.constant 2313 : i32
      %add3A_731 = arith.addi %add3A_730, %mul3A_729 : i32
      %swap3A_732 = arith.index_cast %add3A_731 : i32 to index
      %swap3A_733 = tpu.vector_load %arg8[%swap3A_732] {strides = array<i32>} : memref<4128xi32, #tpu.memory_space<vmem>>, vector<16xi32>,
      tpu.vector_store %arg8[%swap3A_732], %broadcast_in_dim3A_8 {strides = array<i32>} : memref<4128xi32, #tpu.memory_space<vmem>>, vector<16xi32>,
      %mul3A_734 = arith.constant 16 : i32
      %mul3A_735 = arith.muli %sub3A_604, %mul3A_734 : i32
      %add3A_736 = arith.constant 2570 : i32
      %add3A_737 = arith.addi %add3A_736, %mul3A_735 : i32
      %get3A_738 = arith.index_cast %add3A_737 : i32 to index
      %get3A_739 = tpu.vector_load %arg8[%get3A_738] {strides = array<i32>} : memref<4128xi32, #tpu.memory_space<vmem>>, vector<16xi32>,
      %add3A_740 = arith.addi %add3A_727, %get3A_739 : vector<16xi32>
      %mul3A_741 = arith.constant 16 : i32
      %mul3A_742 = arith.muli %sub3A_604, %mul3A_741 : i32
      %add3A_743 = arith.constant 2570 : i32
      %add3A_744 = arith.addi %add3A_743, %mul3A_742 : i32
      %swap3A_745 = arith.index_cast %add3A_744 : i32 to index
      %swap3A_746 = tpu.vector_load %arg8[%swap3A_745] {strides = array<i32>} : memref<4128xi32, #tpu.memory_space<vmem>>, vector<16xi32>,
      tpu.vector_store %arg8[%swap3A_745], %broadcast_in_dim3A_8 {strides = array<i32>} : memref<4128xi32, #tpu.memory_space<vmem>>, vector<16xi32>,
      %mul3A_747 = arith.constant 16 : i32
      %mul3A_748 = arith.muli %sub3A_604, %mul3A_747 : i32
      %add3A_749 = arith.constant 2827 : i32
      %add3A_750 = arith.addi %add3A_749, %mul3A_748 : i32
      %get3A_751 = arith.index_cast %add3A_750 : i32 to index
      %get3A_752 = tpu.vector_load %arg8[%get3A_751] {strides = array<i32>} : memref<4128xi32, #tpu.memory_space<vmem>>, vector<16xi32>,
      %add3A_753 = arith.addi %add3A_740, %get3A_752 : vector<16xi32>
      %mul3A_754 = arith.constant 16 : i32
      %mul3A_755 = arith.muli %sub3A_604, %mul3A_754 : i32
      %add3A_756 = arith.constant 2827 : i32
      %add3A_757 = arith.addi %add3A_756, %mul3A_755 : i32
      %swap3A_758 = arith.index_cast %add3A_757 : i32 to index
      %swap3A_759 = tpu.vector_load %arg8[%swap3A_758] {strides = array<i32>} : memref<4128xi32, #tpu.memory_space<vmem>>, vector<16xi32>,
      tpu.vector_store %arg8[%swap3A_758], %broadcast_in_dim3A_8 {strides = array<i32>} : memref<4128xi32, #tpu.memory_space<vmem>>, vector<16xi32>,
      %mul3A_760 = arith.constant 16 : i32
      %mul3A_761 = arith.muli %sub3A_604, %mul3A_760 : i32
      %add3A_762 = arith.constant 3084 : i32
      %add3A_763 = arith.addi %add3A_762, %mul3A_761 : i32
      %get3A_764 = arith.index_cast %add3A_763 : i32 to index
      %get3A_765 = tpu.vector_load %arg8[%get3A_764] {strides = array<i32>} : memref<4128xi32, #tpu.memory_space<vmem>>, vector<16xi32>,
      %add3A_766 = arith.addi %add3A_753, %get3A_765 : vector<16xi32>
      %mul3A_767 = arith.constant 16 : i32
      %mul3A_768 = arith.muli %sub3A_604, %mul3A_767 : i32
      %add3A_769 = arith.constant 3084 : i32
      %add3A_770 = arith.addi %add3A_769, %mul3A_768 : i32
      %swap3A_771 = arith.index_cast %add3A_770 : i32 to index
      %swap3A_772 = tpu.vector_load %arg8[%swap3A_771] {strides = array<i32>} : memref<4128xi32, #tpu.memory_space<vmem>>, vector<16xi32>,
      tpu.vector_store %arg8[%swap3A_771], %broadcast_in_dim3A_8 {strides = array<i32>} : memref<4128xi32, #tpu.memory_space<vmem>>, vector<16xi32>,
      %mul3A_773 = arith.constant 16 : i32
      %mul3A_774 = arith.muli %sub3A_604, %mul3A_773 : i32
      %add3A_775 = arith.constant 3341 : i32
      %add3A_776 = arith.addi %add3A_775, %mul3A_774 : i32
      %get3A_777 = arith.index_cast %add3A_776 : i32 to index
      %get3A_778 = tpu.vector_load %arg8[%get3A_777] {strides = array<i32>} : memref<4128xi32, #tpu.memory_space<vmem>>, vector<16xi32>,
      %add3A_779 = arith.addi %add3A_766, %get3A_778 : vector<16xi32>
      %mul3A_780 = arith.constant 16 : i32
      %mul3A_781 = arith.muli %sub3A_604, %mul3A_780 : i32
      %add3A_782 = arith.constant 3341 : i32
      %add3A_783 = arith.addi %add3A_782, %mul3A_781 : i32
      %swap3A_784 = arith.index_cast %add3A_783 : i32 to index
      %swap3A_785 = tpu.vector_load %arg8[%swap3A_784] {strides = array<i32>} : memref<4128xi32, #tpu.memory_space<vmem>>, vector<16xi32>,
      tpu.vector_store %arg8[%swap3A_784], %broadcast_in_dim3A_8 {strides = array<i32>} : memref<4128xi32, #tpu.memory_space<vmem>>, vector<16xi32>,
      %mul3A_786 = arith.constant 16 : i32
      %mul3A_787 = arith.muli %sub3A_604, %mul3A_786 : i32
      %add3A_788 = arith.constant 3598 : i32
      %add3A_789 = arith.addi %add3A_788, %mul3A_787 : i32
      %get3A_790 = arith.index_cast %add3A_789 : i32 to index
      %get3A_791 = tpu.vector_load %arg8[%get3A_790] {strides = array<i32>} : memref<4128xi32, #tpu.memory_space<vmem>>, vector<16xi32>,
      %add3A_792 = arith.addi %add3A_779, %get3A_791 : vector<16xi32>
      %mul3A_793 = arith.constant 16 : i32
      %mul3A_794 = arith.muli %sub3A_604, %mul3A_793 : i32
      %add3A_795 = arith.constant 3598 : i32
      %add3A_796 = arith.addi %add3A_795, %mul3A_794 : i32
      %swap3A_797 = arith.index_cast %add3A_796 : i32 to index
      %swap3A_798 = tpu.vector_load %arg8[%swap3A_797] {strides = array<i32>} : memref<4128xi32, #tpu.memory_space<vmem>>, vector<16xi32>,
      tpu.vector_store %arg8[%swap3A_797], %broadcast_in_dim3A_8 {strides = array<i32>} : memref<4128xi32, #tpu.memory_space<vmem>>, vector<16xi32>,
      %mul3A_799 = arith.constant 16 : i32
      %mul3A_800 = arith.muli %sub3A_604, %mul3A_799 : i32
      %add3A_801 = arith.constant 3855 : i32
      %add3A_802 = arith.addi %add3A_801, %mul3A_800 : i32
      %get3A_803 = arith.index_cast %add3A_802 : i32 to index
      %get3A_804 = tpu.vector_load %arg8[%get3A_803] {strides = array<i32>} : memref<4128xi32, #tpu.memory_space<vmem>>, vector<16xi32>,
      %add3A_805 = arith.addi %add3A_792, %get3A_804 : vector<16xi32>
      %mul3A_806 = arith.constant 16 : i32
      %mul3A_807 = arith.muli %sub3A_604, %mul3A_806 : i32
      %add3A_808 = arith.constant 3855 : i32
      %add3A_809 = arith.addi %add3A_808, %mul3A_807 : i32
      %swap3A_810 = arith.index_cast %add3A_809 : i32 to index
      %swap3A_811 = tpu.vector_load %arg8[%swap3A_810] {strides = array<i32>} : memref<4128xi32, #tpu.memory_space<vmem>>, vector<16xi32>,
      tpu.vector_store %arg8[%swap3A_810], %broadcast_in_dim3A_8 {strides = array<i32>} : memref<4128xi32, #tpu.memory_space<vmem>>, vector<16xi32>,
      %rev3A = arith.constant 15 : i32
      %rev3A_812 = vector.broadcast %rev3A : i32 to vector<16xi32>
      %rev3A_813 = tpu.iota {dimensions = array<i32: 0>} : vector<16xi32>
      %rev3A_814 = arith.subi %rev3A_812, %rev3A_813 : vector<16xi32>
      %rev3A_815 = tpu.dynamic_gather %add3A_805[%rev3A_814] in [0] : vector<16xi32>, vector<16xi32> -> vector<16xi32>
      %cumsum3A = arith.constant true
      %cumsum3A_816 = vector.broadcast %cumsum3A : i1 to vector<16xi1>
      %cumsum3A_817 = tpu.scan <sum>, %rev3A_815 masked %cumsum3A_816 : vector<16xi32>, vector<16xi1> -> vector<16xi32>
      %rev3A_818 = arith.constant 15 : i32
      %rev3A_819 = vector.broadcast %rev3A_818 : i32 to vector<16xi32>
      %rev3A_820 = tpu.iota {dimensions = array<i32: 0>} : vector<16xi32>
      %rev3A_821 = arith.subi %rev3A_819, %rev3A_820 : vector<16xi32>
      %rev3A_822 = tpu.dynamic_gather %cumsum3A_817[%rev3A_821] in [0] : vector<16xi32>, vector<16xi32> -> vector<16xi32>
      %add3A_823 = vector.broadcast %scan3A_601 : i32 to vector<16xi32>
      %add3A_824 = arith.addi %rev3A_822, %add3A_823 : vector<16xi32>
      %mul3A_825 = arith.constant 16 : i32
      %mul3A_826 = arith.muli %sub3A_604, %mul3A_825 : i32
      %swap3A_827 = arith.index_cast %mul3A_826 : i32 to index
      %swap3A_828 = tpu.vector_load %arg9[%swap3A_827] {strides = array<i32>} : memref<272xi32, #tpu.memory_space<vmem>>, vector<16xi32>,
      tpu.vector_store %arg9[%swap3A_827], %add3A_824 {strides = array<i32>} : memref<272xi32, #tpu.memory_space<vmem>>, vector<16xi32>,
      %ge3A = arith.constant 64 : i32
      %ge3A_829 = vector.broadcast %ge3A : i32 to vector<16xi32>
      %ge3A_830 = arith.cmpi sge, %add3A_824, %ge3A_829 : vector<16xi32>
      %all_reduce_population_count3A = tpu.all_reduce %ge3A_830 {dim = 0 : i64, kind = #tpu.reduction_kind<sum>} : vector<16xi1> -> vector<16xi32>
      %reduce_max3A_831 = arith.constant true
      %reduce_max3A_832 = vector.broadcast %reduce_max3A_831 : i1 to vector<16xi1>
      %reduce_max3A_833 = arith.constant -2147483648 : i32
      %reduce_max3A_834 = vector.broadcast %reduce_max3A_833 : i32 to vector<16xi32>
      %reduce_max3A_835 = arith.xori %all_reduce_population_count3A, %reduce_max3A_834 : vector<16xi32>
      %reduce_max3A_836 = tpu.scan <max>, %reduce_max3A_835 masked %reduce_max3A_832 : vector<16xi32>, vector<16xi1> -> vector<16xi32>
      %reduce_max3A_837 = arith.xori %reduce_max3A_836, %reduce_max3A_834 : vector<16xi32>
      %reduce_max3A_838 = vector.extract %reduce_max3A_837[15] : i32 from vector<16xi32>
      %add3A_839 = arith.addi %scan3A_602, %reduce_max3A_838 : i32
      %reduce_max3A_840 = arith.constant true
      %reduce_max3A_841 = vector.broadcast %reduce_max3A_840 : i1 to vector<16xi1>
      %reduce_max3A_842 = arith.constant -2147483648 : i32
      %reduce_max3A_843 = vector.broadcast %reduce_max3A_842 : i32 to vector<16xi32>
      %reduce_max3A_844 = arith.xori %add3A_824, %reduce_max3A_843 : vector<16xi32>
      %reduce_max3A_845 = tpu.scan <max>, %reduce_max3A_844 masked %reduce_max3A_841 : vector<16xi32>, vector<16xi1> -> vector<16xi32>
      %reduce_max3A_846 = arith.xori %reduce_max3A_845, %reduce_max3A_843 : vector<16xi32>
      %reduce_max3A_847 = vector.extract %reduce_max3A_846[15] : i32 from vector<16xi32>
      scf.yield %reduce_max3A_847, %add3A_839 : i32, i32
    }
    %scan3A_172 = arith.constant 16 : i32
    %sub3A_173 = arith.constant 1 : i32
    %sub3A_174 = arith.subi %scan3A_171#1, %sub3A_173 : i32
    %add3A_175 = arith.constant 1 : i32
    %add3A_176 = arith.addi %sub3A_174, %add3A_175 : i32
    %broadcast_in_dim3A_177 = vector.broadcast %add3A_176 : i32 to vector<16xi32>
    %gather3A_178 = tpu.vector_load_idx %arg9[%broadcast_in_dim3A_177] : memref<272xi32, #tpu.memory_space<vmem>>[vector<16xi32>], vector<16xi32>,
    %reduce_max3A_179 = arith.constant true
    %reduce_max3A_180 = vector.broadcast %reduce_max3A_179 : i1 to vector<16xi1>
    %reduce_max3A_181 = arith.constant -2147483648 : i32
    %reduce_max3A_182 = vector.broadcast %reduce_max3A_181 : i32 to vector<16xi32>
    %reduce_max3A_183 = arith.xori %gather3A_178, %reduce_max3A_182 : vector<16xi32>
    %reduce_max3A_184 = tpu.scan <max>, %reduce_max3A_183 masked %reduce_max3A_180 : vector<16xi32>, vector<16xi1> -> vector<16xi32>
    %reduce_max3A_185 = arith.xori %reduce_max3A_184, %reduce_max3A_182 : vector<16xi32>
    %reduce_max3A_186 = vector.extract %reduce_max3A_185[15] : i32 from vector<16xi32>
    %sub3A_187 = arith.constant 64 : i32
    %sub3A_188 = arith.subi %sub3A_187, %reduce_max3A_186 : i32
    %sub3A_189 = arith.constant 128 : i32
    %sub3A_190 = arith.subi %sub3A_174, %sub3A_189 : i32
    %shift_left3A_191 = arith.constant 24 : i32
    %shift_left3A_192 = arith.shli %sub3A_190, %shift_left3A_191 : i32
    %broadcast_in_dim3A_193 = vector.broadcast %shift_left3A_192 : i32 to vector<16xi32>
    %lt3A_194 = arith.constant 0 : i32
    %lt3A_195 = vector.broadcast %lt3A_194 : i32 to vector<16xi32>
    %lt3A_196 = arith.cmpi slt, %broadcast_in_dim3A_193, %lt3A_195 : vector<16xi32>
    %xor3A_197 = arith.constant 2147483647 : i32
    %xor3A_198 = vector.broadcast %xor3A_197 : i32 to vector<16xi32>
    %xor3A_199 = arith.xori %broadcast_in_dim3A_193, %xor3A_198 : vector<16xi32>
    %select_n3A_200 = arith.select %lt3A_196, %xor3A_199, %broadcast_in_dim3A_193 : vector<16xi1>, vector<16xi32>
    %bitcast3A_201 = vector.bitcast %select_n3A_200 : vector<16xi32> to vector<16xf32>
    %eq3A_202 = arith.constant 255 : i32
    %eq3A_203 = arith.cmpi eq, %sub3A_174, %eq3A_202 : i32
    %sub3A_204 = arith.constant 127 : i32
    %sub3A_205 = arith.subi %sub3A_174, %sub3A_204 : i32
    %shift_left3A_206 = arith.constant 24 : i32
    %shift_left3A_207 = arith.shli %sub3A_205, %shift_left3A_206 : i32
    %broadcast_in_dim3A_208 = vector.broadcast %shift_left3A_207 : i32 to vector<16xi32>
    %lt3A_209 = arith.constant 0 : i32
    %lt3A_210 = vector.broadcast %lt3A_209 : i32 to vector<16xi32>
    %lt3A_211 = arith.cmpi slt, %broadcast_in_dim3A_208, %lt3A_210 : vector<16xi32>
    %xor3A_212 = arith.constant 2147483647 : i32
    %xor3A_213 = vector.broadcast %xor3A_212 : i32 to vector<16xi32>
    %xor3A_214 = arith.xori %broadcast_in_dim3A_208, %xor3A_213 : vector<16xi32>
    %select_n3A_215 = arith.select %lt3A_211, %xor3A_214, %broadcast_in_dim3A_208 : vector<16xi1>, vector<16xi32>
    %bitcast3A_216 = vector.bitcast %select_n3A_215 : vector<16xi32> to vector<16xf32>
    %jit3A_217 = arith.constant 0x7F800000 : f32
    %broadcast_in_dim3A_218 = vector.broadcast %jit3A_217 : f32 to vector<16xf32>
    %select_n3A_219 = arith.select %eq3A_203, %broadcast_in_dim3A_218, %bitcast3A_216 : vector<16xf32>
    %broadcast_in_dim3A_220 = arith.constant -2147483648 : i32
    %broadcast_in_dim3A_221 = vector.broadcast %broadcast_in_dim3A_220 : i32 to vector<16xi32>
    %parallel_loop3A_222 = arith.constant 0 : i32
    %parallel_loop3A_223 = arith.constant 256 : i32
    %parallel_loop3A_224 = arith.constant 1 : i32
    scf.for %parallel_loop3A_600 = %parallel_loop3A_222 to %parallel_loop3A_223 step %parallel_loop3A_224  : i32 {
      %parallel_loop3A_601 = arith.constant 16 : i32
      %parallel_loop3A_602 = arith.muli %parallel_loop3A_600, %parallel_loop3A_601 : i32
      %parallel_loop3A_603 = arith.index_cast %parallel_loop3A_602 : i32 to index
      %parallel_loop3A_604 = tpu.vector_load %arg7[%parallel_loop3A_603] {strides = array<i32>} : memref<4096xi32, #tpu.memory_space<vmem>>, vector<16xi32>,
      tpu.vector_store %arg7[%parallel_loop3A_603], %broadcast_in_dim3A_221 {strides = array<i32>} : memref<4096xi32, #tpu.memory_space<vmem>>, vector<16xi32>,
    } {sc.loop_unroll_factor = 8 : i64, sc.parallel_access}
    %sub3A_225 = arith.constant 1 : i32
    %sub3A_226 = vector.broadcast %sub3A_225 : i32 to vector<16xi32>
    %sub3A_227 = arith.subi %broadcast_in_dim3A_8, %sub3A_226 : vector<16xi32>
    %sub3A_228 = arith.constant 1 : i32
    %sub3A_229 = vector.broadcast %sub3A_228 : i32 to vector<16xi32>
    %sub3A_230 = arith.subi %broadcast_in_dim3A_8, %sub3A_229 : vector<16xi32>
    %parallel_loop3A_231 = arith.constant 0 : i32
    %parallel_loop3A_232 = arith.constant 1024 : i32
    %parallel_loop3A_233 = arith.constant 1 : i32
    %parallel_loop3A_234:2 = scf.for %parallel_loop3A_600 = %parallel_loop3A_231 to %parallel_loop3A_232 step %parallel_loop3A_233 iter_args(%parallel_loop3A_601 = %sub3A_227, %parallel_loop3A_602 = %sub3A_230) -> (vector<16xi32>, vector<16xi32>)  : i32 {
      %parallel_loop3A_603 = arith.constant 2 : i32
      %parallel_loop3A_604 = arith.muli %parallel_loop3A_603, %parallel_loop3A_600 : i32
      %parallel_loop3A_605 = arith.constant 16 : i32
      %parallel_loop3A_606 = arith.muli %parallel_loop3A_604, %parallel_loop3A_605 : i32
      %parallel_loop3A_607 = arith.index_cast %parallel_loop3A_606 : i32 to index
      %parallel_loop3A_608 = tpu.vector_load %arg5[%parallel_loop3A_607] {strides = array<i32>} : memref<32768xf32, #tpu.memory_space<vmem>>, vector<16xf32>,
      %parallel_loop3A_609 = arith.constant 2 : i32
      %parallel_loop3A_610 = arith.muli %parallel_loop3A_609, %parallel_loop3A_600 : i32
      %parallel_loop3A_611 = arith.constant 1 : i32
      %parallel_loop3A_612 = arith.addi %parallel_loop3A_610, %parallel_loop3A_611 : i32
      %parallel_loop3A_613 = arith.constant 16 : i32
      %parallel_loop3A_614 = arith.muli %parallel_loop3A_612, %parallel_loop3A_613 : i32
      %parallel_loop3A_615 = arith.index_cast %parallel_loop3A_614 : i32 to index
      %parallel_loop3A_616 = tpu.vector_load %arg5[%parallel_loop3A_615] {strides = array<i32>} : memref<32768xf32, #tpu.memory_space<vmem>>, vector<16xf32>,
      %parallel_loop3A_617 = arith.cmpf oge, %parallel_loop3A_608, %bitcast3A_201 : vector<16xf32>
      %parallel_loop3A_618 = arith.cmpf olt, %parallel_loop3A_608, %select_n3A_219 : vector<16xf32>
      %parallel_loop3A_619 = arith.andi %parallel_loop3A_617, %parallel_loop3A_618 : vector<16xi1>
      %parallel_loop3A_620 = arith.cmpf oge, %parallel_loop3A_616, %bitcast3A_201 : vector<16xf32>
      %parallel_loop3A_621 = arith.cmpf olt, %parallel_loop3A_616, %select_n3A_219 : vector<16xf32>
      %parallel_loop3A_622 = arith.andi %parallel_loop3A_620, %parallel_loop3A_621 : vector<16xi1>
      %parallel_loop3A_623 = tpu.scan <sum>, %broadcast_in_dim3A_6 masked %parallel_loop3A_619 : vector<16xi32>, vector<16xi1> -> vector<16xi32>
      %parallel_loop3A_624 = arith.addi %parallel_loop3A_601, %parallel_loop3A_623 : vector<16xi32>
      %parallel_loop3A_625 = arith.constant 2047 : i32
      %parallel_loop3A_626 = vector.broadcast %parallel_loop3A_625 : i32 to vector<16xi32>
      %parallel_loop3A_627 = arith.minsi %parallel_loop3A_624, %parallel_loop3A_626 : vector<16xi32>
      %parallel_loop3A_628 = tpu.scan <sum>, %broadcast_in_dim3A_6 masked %parallel_loop3A_622 : vector<16xi32>, vector<16xi1> -> vector<16xi32>
      %parallel_loop3A_629 = arith.addi %parallel_loop3A_602, %parallel_loop3A_628 : vector<16xi32>
      %parallel_loop3A_630 = arith.constant 2047 : i32
      %parallel_loop3A_631 = vector.broadcast %parallel_loop3A_630 : i32 to vector<16xi32>
      %parallel_loop3A_632 = arith.minsi %parallel_loop3A_629, %parallel_loop3A_631 : vector<16xi32>
      %parallel_loop3A_633 = arith.constant 2048 : i32
      %parallel_loop3A_634 = vector.broadcast %parallel_loop3A_633 : i32 to vector<16xi32>
      %parallel_loop3A_635 = arith.addi %parallel_loop3A_632, %parallel_loop3A_634 : vector<16xi32>
      %parallel_loop3A_636 = vector.bitcast %parallel_loop3A_608 : vector<16xf32> to vector<16xi32>
      tpu.vector_store_idx %arg7[%parallel_loop3A_627], %parallel_loop3A_636 masked %parallel_loop3A_619 : memref<4096xi32, #tpu.memory_space<vmem>>[vector<16xi32>], vector<16xi32>, vector<16xi1>
      %parallel_loop3A_637 = vector.bitcast %parallel_loop3A_616 : vector<16xf32> to vector<16xi32>
      tpu.vector_store_idx %arg7[%parallel_loop3A_635], %parallel_loop3A_637 masked %parallel_loop3A_622 : memref<4096xi32, #tpu.memory_space<vmem>>[vector<16xi32>], vector<16xi32>, vector<16xi1>
      %parallel_loop3A_638 = tpu.all_reduce %parallel_loop3A_619 {dim = 0 : i64, kind = #tpu.reduction_kind<sum>} : vector<16xi1> -> vector<16xi32>
      %parallel_loop3A_639 = arith.addi %parallel_loop3A_601, %parallel_loop3A_638 : vector<16xi32>
      %parallel_loop3A_640 = tpu.all_reduce %parallel_loop3A_622 {dim = 0 : i64, kind = #tpu.reduction_kind<sum>} : vector<16xi1> -> vector<16xi32>
      %parallel_loop3A_641 = arith.addi %parallel_loop3A_602, %parallel_loop3A_640 : vector<16xi32>
      scf.yield %parallel_loop3A_639, %parallel_loop3A_641 : vector<16xi32>, vector<16xi32>
    } {sc.loop_unroll_factor = 4 : i64, sc.parallel_access}
    %reduce_max3A_235 = arith.constant true
    %reduce_max3A_236 = vector.broadcast %reduce_max3A_235 : i1 to vector<16xi1>
    %reduce_max3A_237 = arith.constant -2147483648 : i32
    %reduce_max3A_238 = vector.broadcast %reduce_max3A_237 : i32 to vector<16xi32>
    %reduce_max3A_239 = arith.xori %parallel_loop3A_234#0, %reduce_max3A_238 : vector<16xi32>
    %reduce_max3A_240 = tpu.scan <max>, %reduce_max3A_239 masked %reduce_max3A_236 : vector<16xi32>, vector<16xi1> -> vector<16xi32>
    %reduce_max3A_241 = arith.xori %reduce_max3A_240, %reduce_max3A_238 : vector<16xi32>
    %reduce_max3A_242 = vector.extract %reduce_max3A_241[15] : i32 from vector<16xi32>
    %add3A_243 = arith.constant 1 : i32
    %add3A_244 = arith.addi %reduce_max3A_242, %add3A_243 : i32
    %reduce_max3A_245 = arith.constant true
    %reduce_max3A_246 = vector.broadcast %reduce_max3A_245 : i1 to vector<16xi1>
    %reduce_max3A_247 = arith.constant -2147483648 : i32
    %reduce_max3A_248 = vector.broadcast %reduce_max3A_247 : i32 to vector<16xi32>
    %reduce_max3A_249 = arith.xori %parallel_loop3A_234#1, %reduce_max3A_248 : vector<16xi32>
    %reduce_max3A_250 = tpu.scan <max>, %reduce_max3A_249 masked %reduce_max3A_246 : vector<16xi32>, vector<16xi1> -> vector<16xi32>
    %reduce_max3A_251 = arith.xori %reduce_max3A_250, %reduce_max3A_248 : vector<16xi32>
    %reduce_max3A_252 = vector.extract %reduce_max3A_251[15] : i32 from vector<16xi32>
    %add3A_253 = arith.constant 1 : i32
    %add3A_254 = arith.addi %reduce_max3A_252, %add3A_253 : i32
    %gt3A_255 = arith.constant 2048 : i32
    %gt3A_256 = arith.cmpi sgt, %add3A_244, %gt3A_255 : i32
    %gt3A_257 = arith.constant 2048 : i32
    %gt3A_258 = arith.cmpi sgt, %add3A_254, %gt3A_257 : i32
    %or3A_259 = arith.ori %gt3A_256, %gt3A_258 : i1
    %le3A_260 = arith.constant 128 : i32
    %le3A_261 = arith.cmpi sle, %sub3A_174, %le3A_260 : i32
    %or3A_262 = arith.ori %or3A_259, %le3A_261 : i1
    %sub3A_263 = arith.constant 128 : i32
    %sub3A_264 = arith.subi %sub3A_174, %sub3A_263 : i32
    %shift_left3A_265 = arith.constant 24 : i32
    %shift_left3A_266 = arith.shli %sub3A_264, %shift_left3A_265 : i32
    %broadcast_in_dim3A_267 = vector.broadcast %shift_left3A_266 : i32 to vector<16xi32>
    %convert_element_type3A_268 = arith.extui %or3A_262 : i1 to i32
    %cond3A_269 = arith.constant 0 : i32
    %cond3A_270 = arith.constant 0 : i32
    %cond3A_271 = arith.cmpi ne, %convert_element_type3A_268, %cond3A_270 : i32
    %cond3A_272 = scf.if %cond3A_271 -> (vector<16xi32>) {
      %broadcast_in_dim3A_600 = arith.constant 64 : i32
      %broadcast_in_dim3A_601 = vector.broadcast %broadcast_in_dim3A_600 : i32 to vector<16xi32>
      %scan3A_602 = arith.constant 0 : i32
      %scan3A_603 = arith.constant 24 : i32
      %scan3A_604 = arith.addi %scan3A_602, %scan3A_603 : i32
      %scan3A_605 = arith.constant 1 : i32
      %scan3A_606 = scf.for %scan3A_608 = %scan3A_602 to %scan3A_604 step %scan3A_605 iter_args(%scan3A_609 = %broadcast_in_dim3A_267) -> (vector<16xi32>)  : i32 {
        %sub3A_610 = arith.constant 23 : i32
        %sub3A_611 = arith.subi %sub3A_610, %scan3A_608 : i32
        %shift_left3A_612 = arith.constant 1 : i32
        %shift_left3A_613 = arith.shli %shift_left3A_612, %sub3A_611 : i32
        %or3A_614 = vector.broadcast %shift_left3A_613 : i32 to vector<16xi32>
        %or3A_615 = arith.ori %scan3A_609, %or3A_614 : vector<16xi32>
        %parallel_loop3A_616 = arith.constant 0 : i32
        %parallel_loop3A_617 = arith.constant 2048 : i32
        %parallel_loop3A_618 = arith.constant 1 : i32
        %parallel_loop3A_619 = scf.for %parallel_loop3A_621 = %parallel_loop3A_616 to %parallel_loop3A_617 step %parallel_loop3A_618 iter_args(%parallel_loop3A_622 = %broadcast_in_dim3A_8) -> (vector<16xi32>)  : i32 {
          %parallel_loop3A_623 = arith.constant 16 : i32
          %parallel_loop3A_624 = arith.muli %parallel_loop3A_621, %parallel_loop3A_623 : i32
          %parallel_loop3A_625 = arith.index_cast %parallel_loop3A_624 : i32 to index
          %parallel_loop3A_626 = tpu.vector_load %arg5[%parallel_loop3A_625] {strides = array<i32>} : memref<32768xf32, #tpu.memory_space<vmem>>, vector<16xf32>,
          %parallel_loop3A_627 = vector.bitcast %parallel_loop3A_626 : vector<16xf32> to vector<16xi32>
          %parallel_loop3A_628 = arith.constant 31 : i32
          %parallel_loop3A_629 = vector.broadcast %parallel_loop3A_628 : i32 to vector<16xi32>
          %parallel_loop3A_630 = arith.shrsi %parallel_loop3A_627, %parallel_loop3A_629 : vector<16xi32>
          %parallel_loop3A_631 = arith.constant 2147483647 : i32
          %parallel_loop3A_632 = vector.broadcast %parallel_loop3A_631 : i32 to vector<16xi32>
          %parallel_loop3A_633 = arith.andi %parallel_loop3A_630, %parallel_loop3A_632 : vector<16xi32>
          %parallel_loop3A_634 = arith.xori %parallel_loop3A_627, %parallel_loop3A_633 : vector<16xi32>
          %parallel_loop3A_635 = arith.cmpi sge, %parallel_loop3A_634, %or3A_615 : vector<16xi32>
          %parallel_loop3A_636 = tpu.all_reduce %parallel_loop3A_635 {dim = 0 : i64, kind = #tpu.reduction_kind<sum>} : vector<16xi1> -> vector<16xi32>
          %parallel_loop3A_637 = arith.addi %parallel_loop3A_622, %parallel_loop3A_636 : vector<16xi32>
          scf.yield %parallel_loop3A_637 : vector<16xi32>
        } {sc.loop_unroll_factor = 4 : i64, sc.parallel_access}
        %ge3A = arith.cmpi sge, %parallel_loop3A_619, %broadcast_in_dim3A_601 : vector<16xi32>
        %select_n3A_620 = arith.select %ge3A, %or3A_615, %scan3A_609 : vector<16xi1>, vector<16xi32>
        scf.yield %select_n3A_620 : vector<16xi32>
      }
      %scan3A_607 = arith.constant 24 : i32
      scf.yield %scan3A_606 : vector<16xi32>
    } else {
      %max3A = arith.maxsi %add3A_244, %add3A_254 : i32
      %add3A_600 = arith.constant 15 : i32
      %add3A_601 = arith.addi %max3A, %add3A_600 : i32
      %jit3A_602 = arith.constant 16 : i32
      %div3A = arith.divsi %add3A_601, %jit3A_602 : i32
      %sign3A = arith.constant 0 : i32
      %sign3A_603 = arith.cmpi sgt, %add3A_601, %sign3A : i32
      %sign3A_604 = arith.extui %sign3A_603 : i1 to i32
      %sign3A_605 = arith.constant 0 : i32
      %sign3A_606 = arith.cmpi slt, %add3A_601, %sign3A_605 : i32
      %sign3A_607 = arith.extui %sign3A_606 : i1 to i32
      %sign3A_608 = arith.subi %sign3A_604, %sign3A_607 : i32
      %sign3A_609 = arith.constant 0 : i32
      %sign3A_610 = arith.cmpi sgt, %jit3A_602, %sign3A_609 : i32
      %sign3A_611 = arith.extui %sign3A_610 : i1 to i32
      %sign3A_612 = arith.constant 0 : i32
      %sign3A_613 = arith.cmpi slt, %jit3A_602, %sign3A_612 : i32
      %sign3A_614 = arith.extui %sign3A_613 : i1 to i32
      %sign3A_615 = arith.subi %sign3A_611, %sign3A_614 : i32
      %ne3A = arith.cmpi ne, %sign3A_608, %sign3A_615 : i32
      %rem3A = arith.remsi %add3A_601, %jit3A_602 : i32
      %ne3A_616 = arith.constant 0 : i32
      %ne3A_617 = arith.cmpi ne, %rem3A, %ne3A_616 : i32
      %and3A = arith.andi %ne3A, %ne3A_617 : i1
      %sub3A_618 = arith.constant 1 : i32
      %sub3A_619 = arith.subi %div3A, %sub3A_618 : i32
      %select_n3A_620 = arith.select %and3A, %sub3A_619, %div3A : i32
      %broadcast_in_dim3A_621 = vector.broadcast %sub3A_188 : i32 to vector<16xi32>
      %scan3A_622 = arith.constant 0 : i32
      %scan3A_623 = arith.constant 24 : i32
      %scan3A_624 = arith.addi %scan3A_622, %scan3A_623 : i32
      %scan3A_625 = arith.constant 1 : i32
      %scan3A_626 = scf.for %scan3A_628 = %scan3A_622 to %scan3A_624 step %scan3A_625 iter_args(%scan3A_629 = %broadcast_in_dim3A_267) -> (vector<16xi32>)  : i32 {
        %sub3A_630 = arith.constant 23 : i32
        %sub3A_631 = arith.subi %sub3A_630, %scan3A_628 : i32
        %shift_left3A_632 = arith.constant 1 : i32
        %shift_left3A_633 = arith.shli %shift_left3A_632, %sub3A_631 : i32
        %or3A_634 = vector.broadcast %shift_left3A_633 : i32 to vector<16xi32>
        %or3A_635 = arith.ori %scan3A_629, %or3A_634 : vector<16xi32>
        %parallel_loop3A_636 = arith.constant 0 : i32
        %parallel_loop3A_637 = arith.constant 1 : i32
        %parallel_loop3A_638:2 = scf.for %parallel_loop3A_641 = %parallel_loop3A_636 to %select_n3A_620 step %parallel_loop3A_637 iter_args(%parallel_loop3A_642 = %broadcast_in_dim3A_8, %parallel_loop3A_643 = %broadcast_in_dim3A_8) -> (vector<16xi32>, vector<16xi32>)  : i32 {
          %parallel_loop3A_644 = arith.constant 16 : i32
          %parallel_loop3A_645 = arith.muli %parallel_loop3A_641, %parallel_loop3A_644 : i32
          %parallel_loop3A_646 = arith.index_cast %parallel_loop3A_645 : i32 to index
          %parallel_loop3A_647 = tpu.vector_load %arg7[%parallel_loop3A_646] {strides = array<i32>} : memref<4096xi32, #tpu.memory_space<vmem>>, vector<16xi32>,
          %parallel_loop3A_648 = arith.constant 16 : i32
          %parallel_loop3A_649 = arith.muli %parallel_loop3A_641, %parallel_loop3A_648 : i32
          %parallel_loop3A_650 = arith.constant 2048 : i32
          %parallel_loop3A_651 = arith.addi %parallel_loop3A_650, %parallel_loop3A_649 : i32
          %parallel_loop3A_652 = arith.index_cast %parallel_loop3A_651 : i32 to index
          %parallel_loop3A_653 = tpu.vector_load %arg7[%parallel_loop3A_652] {strides = array<i32>} : memref<4096xi32, #tpu.memory_space<vmem>>, vector<16xi32>,
          %parallel_loop3A_654 = arith.cmpi sge, %parallel_loop3A_647, %or3A_635 : vector<16xi32>
          %parallel_loop3A_655 = tpu.all_reduce %parallel_loop3A_654 {dim = 0 : i64, kind = #tpu.reduction_kind<sum>} : vector<16xi1> -> vector<16xi32>
          %parallel_loop3A_656 = arith.addi %parallel_loop3A_642, %parallel_loop3A_655 : vector<16xi32>
          %parallel_loop3A_657 = arith.cmpi sge, %parallel_loop3A_653, %or3A_635 : vector<16xi32>
          %parallel_loop3A_658 = tpu.all_reduce %parallel_loop3A_657 {dim = 0 : i64, kind = #tpu.reduction_kind<sum>} : vector<16xi1> -> vector<16xi32>
          %parallel_loop3A_659 = arith.addi %parallel_loop3A_643, %parallel_loop3A_658 : vector<16xi32>
          scf.yield %parallel_loop3A_656, %parallel_loop3A_659 : vector<16xi32>, vector<16xi32>
        } {sc.loop_unroll_factor = 1 : i64, sc.parallel_access}
        %add3A_639 = arith.addi %parallel_loop3A_638#0, %parallel_loop3A_638#1 : vector<16xi32>
        %ge3A = arith.cmpi sge, %add3A_639, %broadcast_in_dim3A_621 : vector<16xi32>
        %select_n3A_640 = arith.select %ge3A, %or3A_635, %scan3A_629 : vector<16xi1>, vector<16xi32>
        scf.yield %select_n3A_640 : vector<16xi32>
      }
      %scan3A_627 = arith.constant 24 : i32
      scf.yield %scan3A_626 : vector<16xi32>
    }
    %lt3A_273 = arith.constant 0 : i32
    %lt3A_274 = vector.broadcast %lt3A_273 : i32 to vector<16xi32>
    %lt3A_275 = arith.cmpi slt, %cond3A_272, %lt3A_274 : vector<16xi32>
    %xor3A_276 = arith.constant 2147483647 : i32
    %xor3A_277 = vector.broadcast %xor3A_276 : i32 to vector<16xi32>
    %xor3A_278 = arith.xori %cond3A_272, %xor3A_277 : vector<16xi32>
    %select_n3A_279 = arith.select %lt3A_275, %xor3A_278, %cond3A_272 : vector<16xi1>, vector<16xi32>
    %bitcast3A_280 = vector.bitcast %select_n3A_279 : vector<16xi32> to vector<16xf32>
    %parallel_loop3A_281 = arith.constant 0 : i32
    %parallel_loop3A_282 = arith.constant 2048 : i32
    %parallel_loop3A_283 = arith.constant 1 : i32
    scf.for %parallel_loop3A_600 = %parallel_loop3A_281 to %parallel_loop3A_282 step %parallel_loop3A_283  : i32 {
      %parallel_loop3A_601 = arith.constant 16 : i32
      %parallel_loop3A_602 = arith.muli %parallel_loop3A_600, %parallel_loop3A_601 : i32
      %parallel_loop3A_603 = arith.index_cast %parallel_loop3A_602 : i32 to index
      %parallel_loop3A_604 = tpu.vector_load %arg5[%parallel_loop3A_603] {strides = array<i32>} : memref<32768xf32, #tpu.memory_space<vmem>>, vector<16xf32>,
      %parallel_loop3A_605 = arith.cmpf oge, %parallel_loop3A_604, %bitcast3A_280 : vector<16xf32>
      %parallel_loop3A_606 = arith.constant 0.000000e+00 : f32
      %parallel_loop3A_607 = vector.broadcast %parallel_loop3A_606 : f32 to vector<16xf32>
      %parallel_loop3A_608 = arith.select %parallel_loop3A_605, %parallel_loop3A_604, %parallel_loop3A_607 : vector<16xi1>, vector<16xf32>
      %parallel_loop3A_609 = arith.constant 16 : i32
      %parallel_loop3A_610 = arith.muli %parallel_loop3A_600, %parallel_loop3A_609 : i32
      %parallel_loop3A_611 = arith.index_cast %parallel_loop3A_610 : i32 to index
      %parallel_loop3A_612 = tpu.vector_load %arg5[%parallel_loop3A_611] {strides = array<i32>} : memref<32768xf32, #tpu.memory_space<vmem>>, vector<16xf32>,
      tpu.vector_store %arg5[%parallel_loop3A_611], %parallel_loop3A_608 {strides = array<i32>} : memref<32768xf32, #tpu.memory_space<vmem>>, vector<16xf32>,
    } {sc.loop_unroll_factor = 16 : i64, sc.parallel_access}
    %add3A_284 = arith.constant 1 : i32
    %add3A_285 = arith.addi %mul3A_2, %add3A_284 : i32
    %dma_start3A_286 = arith.constant 0 : i32
    %dma_start3A_287 = tpu.memref_slice %arg3[%add3A_285, %dma_start3A_286] : memref<128x32768xf32, #tpu.memory_space<hbm>> -> memref<1x32768xf32, #tpu.memory_space<hbm>>
    %dma_start3A_288 = tpu.memref_squeeze %dma_start3A_287 : memref<1x32768xf32, #tpu.memory_space<hbm>> -> memref<32768xf32, #tpu.memory_space<hbm>>
    %dma_start3A_289 = arith.constant 0 : i32
    %dma_start3A_290 = tpu.memref_slice %arg3[%add3A_285, %dma_start3A_289] : memref<128x32768xf32, #tpu.memory_space<hbm>> -> memref<1x32768xf32, #tpu.memory_space<hbm>>
    %dma_start3A_291 = tpu.memref_squeeze %dma_start3A_290 : memref<1x32768xf32, #tpu.memory_space<hbm>> -> memref<32768xf32, #tpu.memory_space<hbm>>
    tpu.enqueue_dma source(%arg5 : memref<32768xf32, #tpu.memory_space<vmem>>) target(%dma_start3A_291 : memref<32768xf32, #tpu.memory_space<hbm>>) target_semaphore(%arg15 : memref<!tpu.dma_semaphore, #tpu.memory_space<semaphore_mem>>)
    %dma_wait3A_292 = arith.constant 0 : i32
    %dma_wait3A_293 = tpu.memref_slice %arg3[%add3A_147, %dma_wait3A_292] : memref<128x32768xf32, #tpu.memory_space<hbm>> -> memref<1x32768xf32, #tpu.memory_space<hbm>>
    %dma_wait3A_294 = tpu.memref_squeeze %dma_wait3A_293 : memref<1x32768xf32, #tpu.memory_space<hbm>> -> memref<32768xf32, #tpu.memory_space<hbm>>
    %dma_wait3A_295 = arith.constant 0 : i32
    %dma_wait3A_296 = tpu.memref_slice %arg3[%add3A_147, %dma_wait3A_295] : memref<128x32768xf32, #tpu.memory_space<hbm>> -> memref<1x32768xf32, #tpu.memory_space<hbm>>
    %dma_wait3A_297 = tpu.memref_squeeze %dma_wait3A_296 : memref<1x32768xf32, #tpu.memory_space<hbm>> -> memref<32768xf32, #tpu.memory_space<hbm>>
    tpu.wait_dma2 semaphore(%arg14 : memref<!tpu.dma_semaphore, #tpu.memory_space<semaphore_mem>>) src(%arg4 : memref<32768xf32, #tpu.memory_space<vmem>>) dst(%dma_wait3A_297 : memref<32768xf32, #tpu.memory_space<hbm>>)
    %add3A_298 = arith.constant 3 : i32
    %add3A_299 = arith.addi %mul3A_2, %add3A_298 : i32
    %dma_start3A_300 = arith.constant 0 : i32
    %dma_start3A_301 = tpu.memref_slice %arg2[%add3A_299, %dma_start3A_300] : memref<128x32768xf32, #tpu.memory_space<hbm>> -> memref<1x32768xf32, #tpu.memory_space<hbm>>
    %dma_start3A_302 = tpu.memref_squeeze %dma_start3A_301 : memref<1x32768xf32, #tpu.memory_space<hbm>> -> memref<32768xf32, #tpu.memory_space<hbm>>
    %dma_start3A_303 = arith.constant 0 : i32
    %dma_start3A_304 = tpu.memref_slice %arg2[%add3A_299, %dma_start3A_303] : memref<128x32768xf32, #tpu.memory_space<hbm>> -> memref<1x32768xf32, #tpu.memory_space<hbm>>
    %dma_start3A_305 = tpu.memref_squeeze %dma_start3A_304 : memref<1x32768xf32, #tpu.memory_space<hbm>> -> memref<32768xf32, #tpu.memory_space<hbm>>
    tpu.enqueue_dma source(%dma_start3A_305 : memref<32768xf32, #tpu.memory_space<hbm>>) target(%arg4 : memref<32768xf32, #tpu.memory_space<vmem>>) target_semaphore(%arg13 : memref<!tpu.dma_semaphore, #tpu.memory_space<semaphore_mem>>)
    %dma_wait3A_306 = arith.constant 0 : i32
    %dma_wait3A_307 = tpu.memref_slice %arg2[%add3A_27, %dma_wait3A_306] : memref<128x32768xf32, #tpu.memory_space<hbm>> -> memref<1x32768xf32, #tpu.memory_space<hbm>>
    %dma_wait3A_308 = tpu.memref_squeeze %dma_wait3A_307 : memref<1x32768xf32, #tpu.memory_space<hbm>> -> memref<32768xf32, #tpu.memory_space<hbm>>
    %dma_wait3A_309 = arith.constant 0 : i32
    %dma_wait3A_310 = tpu.memref_slice %arg2[%add3A_27, %dma_wait3A_309] : memref<128x32768xf32, #tpu.memory_space<hbm>> -> memref<1x32768xf32, #tpu.memory_space<hbm>>
    %dma_wait3A_311 = tpu.memref_squeeze %dma_wait3A_310 : memref<1x32768xf32, #tpu.memory_space<hbm>> -> memref<32768xf32, #tpu.memory_space<hbm>>
    tpu.wait_dma2 semaphore(%arg12 : memref<!tpu.dma_semaphore, #tpu.memory_space<semaphore_mem>>) src(%dma_wait3A_311 : memref<32768xf32, #tpu.memory_space<hbm>>) dst(%arg6 : memref<32768xf32, #tpu.memory_space<vmem>>)
    %parallel_loop3A_312 = arith.constant 0 : i32
    %parallel_loop3A_313 = arith.constant 2048 : i32
    %parallel_loop3A_314 = arith.constant 1 : i32
    scf.for %parallel_loop3A_600 = %parallel_loop3A_312 to %parallel_loop3A_313 step %parallel_loop3A_314  : i32 {
      %parallel_loop3A_601 = arith.constant 16 : i32
      %parallel_loop3A_602 = arith.muli %parallel_loop3A_600, %parallel_loop3A_601 : i32
      %parallel_loop3A_603 = arith.index_cast %parallel_loop3A_602 : i32 to index
      %parallel_loop3A_604 = tpu.vector_load %arg6[%parallel_loop3A_603] {strides = array<i32>} : memref<32768xf32, #tpu.memory_space<vmem>>, vector<16xf32>,
      %parallel_loop3A_605 = vector.bitcast %parallel_loop3A_604 : vector<16xf32> to vector<16xi32>
      %parallel_loop3A_606 = arith.constant 31 : i32
      %parallel_loop3A_607 = vector.broadcast %parallel_loop3A_606 : i32 to vector<16xi32>
      %parallel_loop3A_608 = arith.shrsi %parallel_loop3A_605, %parallel_loop3A_607 : vector<16xi32>
      %parallel_loop3A_609 = arith.constant 2147483647 : i32
      %parallel_loop3A_610 = vector.broadcast %parallel_loop3A_609 : i32 to vector<16xi32>
      %parallel_loop3A_611 = arith.andi %parallel_loop3A_608, %parallel_loop3A_610 : vector<16xi32>
      %parallel_loop3A_612 = arith.xori %parallel_loop3A_605, %parallel_loop3A_611 : vector<16xi32>
      %parallel_loop3A_613 = arith.constant 24 : i32
      %parallel_loop3A_614 = vector.broadcast %parallel_loop3A_613 : i32 to vector<16xi32>
      %parallel_loop3A_615 = arith.shrsi %parallel_loop3A_612, %parallel_loop3A_614 : vector<16xi32>
      %parallel_loop3A_616 = arith.constant 128 : i32
      %parallel_loop3A_617 = vector.broadcast %parallel_loop3A_616 : i32 to vector<16xi32>
      %parallel_loop3A_618 = arith.addi %parallel_loop3A_615, %parallel_loop3A_617 : vector<16xi32>
      %parallel_loop3A_619 = arith.addi %mul3A_5, %parallel_loop3A_618 : vector<16xi32>
      tpu.vector_store_idx %arg8[%parallel_loop3A_619], %broadcast_in_dim3A_6 {add = true} : memref<4128xi32, #tpu.memory_space<vmem>>[vector<16xi32>], vector<16xi32>,
    } {sc.loop_unroll_factor = 8 : i64, sc.parallel_access}
    %swap3A_315 = arith.constant 256 : index
    %swap3A_316 = tpu.vector_load %arg9[%swap3A_315] {strides = array<i32>} : memref<272xi32, #tpu.memory_space<vmem>>, vector<16xi32>,
    tpu.vector_store %arg9[%swap3A_315], %broadcast_in_dim3A_8 {strides = array<i32>} : memref<272xi32, #tpu.memory_space<vmem>>, vector<16xi32>,
    %scan3A_317 = arith.constant 0 : i32
    %scan3A_318 = arith.constant 0 : i32
    %scan3A_319 = arith.constant 0 : i32
    %scan3A_320 = arith.constant 16 : i32
    %scan3A_321 = arith.addi %scan3A_319, %scan3A_320 : i32
    %scan3A_322 = arith.constant 1 : i32
    %scan3A_323:2 = scf.for %scan3A_600 = %scan3A_319 to %scan3A_321 step %scan3A_322 iter_args(%scan3A_601 = %scan3A_317, %scan3A_602 = %scan3A_318) -> (i32, i32)  : i32 {
      %sub3A_603 = arith.constant 15 : i32
      %sub3A_604 = arith.subi %sub3A_603, %scan3A_600 : i32
      %mul3A_605 = arith.constant 16 : i32
      %mul3A_606 = arith.muli %sub3A_604, %mul3A_605 : i32
      %add3A_607 = arith.constant 0 : i32
      %add3A_608 = arith.addi %add3A_607, %mul3A_606 : i32
      %get3A = arith.index_cast %add3A_608 : i32 to index
      %get3A_609 = tpu.vector_load %arg8[%get3A] {strides = array<i32>} : memref<4128xi32, #tpu.memory_space<vmem>>, vector<16xi32>,
      %add3A_610 = arith.addi %broadcast_in_dim3A_8, %get3A_609 : vector<16xi32>
      %mul3A_611 = arith.constant 16 : i32
      %mul3A_612 = arith.muli %sub3A_604, %mul3A_611 : i32
      %add3A_613 = arith.constant 0 : i32
      %add3A_614 = arith.addi %add3A_613, %mul3A_612 : i32
      %swap3A_615 = arith.index_cast %add3A_614 : i32 to index
      %swap3A_616 = tpu.vector_load %arg8[%swap3A_615] {strides = array<i32>} : memref<4128xi32, #tpu.memory_space<vmem>>, vector<16xi32>,
      tpu.vector_store %arg8[%swap3A_615], %broadcast_in_dim3A_8 {strides = array<i32>} : memref<4128xi32, #tpu.memory_space<vmem>>, vector<16xi32>,
      %mul3A_617 = arith.constant 16 : i32
      %mul3A_618 = arith.muli %sub3A_604, %mul3A_617 : i32
      %add3A_619 = arith.constant 257 : i32
      %add3A_620 = arith.addi %add3A_619, %mul3A_618 : i32
      %get3A_621 = arith.index_cast %add3A_620 : i32 to index
      %get3A_622 = tpu.vector_load %arg8[%get3A_621] {strides = array<i32>} : memref<4128xi32, #tpu.memory_space<vmem>>, vector<16xi32>,
      %add3A_623 = arith.addi %add3A_610, %get3A_622 : vector<16xi32>
      %mul3A_624 = arith.constant 16 : i32
      %mul3A_625 = arith.muli %sub3A_604, %mul3A_624 : i32
      %add3A_626 = arith.constant 257 : i32
      %add3A_627 = arith.addi %add3A_626, %mul3A_625 : i32
      %swap3A_628 = arith.index_cast %add3A_627 : i32 to index
      %swap3A_629 = tpu.vector_load %arg8[%swap3A_628] {strides = array<i32>} : memref<4128xi32, #tpu.memory_space<vmem>>, vector<16xi32>,
      tpu.vector_store %arg8[%swap3A_628], %broadcast_in_dim3A_8 {strides = array<i32>} : memref<4128xi32, #tpu.memory_space<vmem>>, vector<16xi32>,
      %mul3A_630 = arith.constant 16 : i32
      %mul3A_631 = arith.muli %sub3A_604, %mul3A_630 : i32
      %add3A_632 = arith.constant 514 : i32
      %add3A_633 = arith.addi %add3A_632, %mul3A_631 : i32
      %get3A_634 = arith.index_cast %add3A_633 : i32 to index
      %get3A_635 = tpu.vector_load %arg8[%get3A_634] {strides = array<i32>} : memref<4128xi32, #tpu.memory_space<vmem>>, vector<16xi32>,
      %add3A_636 = arith.addi %add3A_623, %get3A_635 : vector<16xi32>
      %mul3A_637 = arith.constant 16 : i32
      %mul3A_638 = arith.muli %sub3A_604, %mul3A_637 : i32
      %add3A_639 = arith.constant 514 : i32
      %add3A_640 = arith.addi %add3A_639, %mul3A_638 : i32
      %swap3A_641 = arith.index_cast %add3A_640 : i32 to index
      %swap3A_642 = tpu.vector_load %arg8[%swap3A_641] {strides = array<i32>} : memref<4128xi32, #tpu.memory_space<vmem>>, vector<16xi32>,
      tpu.vector_store %arg8[%swap3A_641], %broadcast_in_dim3A_8 {strides = array<i32>} : memref<4128xi32, #tpu.memory_space<vmem>>, vector<16xi32>,
      %mul3A_643 = arith.constant 16 : i32
      %mul3A_644 = arith.muli %sub3A_604, %mul3A_643 : i32
      %add3A_645 = arith.constant 771 : i32
      %add3A_646 = arith.addi %add3A_645, %mul3A_644 : i32
      %get3A_647 = arith.index_cast %add3A_646 : i32 to index
      %get3A_648 = tpu.vector_load %arg8[%get3A_647] {strides = array<i32>} : memref<4128xi32, #tpu.memory_space<vmem>>, vector<16xi32>,
      %add3A_649 = arith.addi %add3A_636, %get3A_648 : vector<16xi32>
      %mul3A_650 = arith.constant 16 : i32
      %mul3A_651 = arith.muli %sub3A_604, %mul3A_650 : i32
      %add3A_652 = arith.constant 771 : i32
      %add3A_653 = arith.addi %add3A_652, %mul3A_651 : i32
      %swap3A_654 = arith.index_cast %add3A_653 : i32 to index
      %swap3A_655 = tpu.vector_load %arg8[%swap3A_654] {strides = array<i32>} : memref<4128xi32, #tpu.memory_space<vmem>>, vector<16xi32>,
      tpu.vector_store %arg8[%swap3A_654], %broadcast_in_dim3A_8 {strides = array<i32>} : memref<4128xi32, #tpu.memory_space<vmem>>, vector<16xi32>,
      %mul3A_656 = arith.constant 16 : i32
      %mul3A_657 = arith.muli %sub3A_604, %mul3A_656 : i32
      %add3A_658 = arith.constant 1028 : i32
      %add3A_659 = arith.addi %add3A_658, %mul3A_657 : i32
      %get3A_660 = arith.index_cast %add3A_659 : i32 to index
      %get3A_661 = tpu.vector_load %arg8[%get3A_660] {strides = array<i32>} : memref<4128xi32, #tpu.memory_space<vmem>>, vector<16xi32>,
      %add3A_662 = arith.addi %add3A_649, %get3A_661 : vector<16xi32>
      %mul3A_663 = arith.constant 16 : i32
      %mul3A_664 = arith.muli %sub3A_604, %mul3A_663 : i32
      %add3A_665 = arith.constant 1028 : i32
      %add3A_666 = arith.addi %add3A_665, %mul3A_664 : i32
      %swap3A_667 = arith.index_cast %add3A_666 : i32 to index
      %swap3A_668 = tpu.vector_load %arg8[%swap3A_667] {strides = array<i32>} : memref<4128xi32, #tpu.memory_space<vmem>>, vector<16xi32>,
      tpu.vector_store %arg8[%swap3A_667], %broadcast_in_dim3A_8 {strides = array<i32>} : memref<4128xi32, #tpu.memory_space<vmem>>, vector<16xi32>,
      %mul3A_669 = arith.constant 16 : i32
      %mul3A_670 = arith.muli %sub3A_604, %mul3A_669 : i32
      %add3A_671 = arith.constant 1285 : i32
      %add3A_672 = arith.addi %add3A_671, %mul3A_670 : i32
      %get3A_673 = arith.index_cast %add3A_672 : i32 to index
      %get3A_674 = tpu.vector_load %arg8[%get3A_673] {strides = array<i32>} : memref<4128xi32, #tpu.memory_space<vmem>>, vector<16xi32>,
      %add3A_675 = arith.addi %add3A_662, %get3A_674 : vector<16xi32>
      %mul3A_676 = arith.constant 16 : i32
      %mul3A_677 = arith.muli %sub3A_604, %mul3A_676 : i32
      %add3A_678 = arith.constant 1285 : i32
      %add3A_679 = arith.addi %add3A_678, %mul3A_677 : i32
      %swap3A_680 = arith.index_cast %add3A_679 : i32 to index
      %swap3A_681 = tpu.vector_load %arg8[%swap3A_680] {strides = array<i32>} : memref<4128xi32, #tpu.memory_space<vmem>>, vector<16xi32>,
      tpu.vector_store %arg8[%swap3A_680], %broadcast_in_dim3A_8 {strides = array<i32>} : memref<4128xi32, #tpu.memory_space<vmem>>, vector<16xi32>,
      %mul3A_682 = arith.constant 16 : i32
      %mul3A_683 = arith.muli %sub3A_604, %mul3A_682 : i32
      %add3A_684 = arith.constant 1542 : i32
      %add3A_685 = arith.addi %add3A_684, %mul3A_683 : i32
      %get3A_686 = arith.index_cast %add3A_685 : i32 to index
      %get3A_687 = tpu.vector_load %arg8[%get3A_686] {strides = array<i32>} : memref<4128xi32, #tpu.memory_space<vmem>>, vector<16xi32>,
      %add3A_688 = arith.addi %add3A_675, %get3A_687 : vector<16xi32>
      %mul3A_689 = arith.constant 16 : i32
      %mul3A_690 = arith.muli %sub3A_604, %mul3A_689 : i32
      %add3A_691 = arith.constant 1542 : i32
      %add3A_692 = arith.addi %add3A_691, %mul3A_690 : i32
      %swap3A_693 = arith.index_cast %add3A_692 : i32 to index
      %swap3A_694 = tpu.vector_load %arg8[%swap3A_693] {strides = array<i32>} : memref<4128xi32, #tpu.memory_space<vmem>>, vector<16xi32>,
      tpu.vector_store %arg8[%swap3A_693], %broadcast_in_dim3A_8 {strides = array<i32>} : memref<4128xi32, #tpu.memory_space<vmem>>, vector<16xi32>,
      %mul3A_695 = arith.constant 16 : i32
      %mul3A_696 = arith.muli %sub3A_604, %mul3A_695 : i32
      %add3A_697 = arith.constant 1799 : i32
      %add3A_698 = arith.addi %add3A_697, %mul3A_696 : i32
      %get3A_699 = arith.index_cast %add3A_698 : i32 to index
      %get3A_700 = tpu.vector_load %arg8[%get3A_699] {strides = array<i32>} : memref<4128xi32, #tpu.memory_space<vmem>>, vector<16xi32>,
      %add3A_701 = arith.addi %add3A_688, %get3A_700 : vector<16xi32>
      %mul3A_702 = arith.constant 16 : i32
      %mul3A_703 = arith.muli %sub3A_604, %mul3A_702 : i32
      %add3A_704 = arith.constant 1799 : i32
      %add3A_705 = arith.addi %add3A_704, %mul3A_703 : i32
      %swap3A_706 = arith.index_cast %add3A_705 : i32 to index
      %swap3A_707 = tpu.vector_load %arg8[%swap3A_706] {strides = array<i32>} : memref<4128xi32, #tpu.memory_space<vmem>>, vector<16xi32>,
      tpu.vector_store %arg8[%swap3A_706], %broadcast_in_dim3A_8 {strides = array<i32>} : memref<4128xi32, #tpu.memory_space<vmem>>, vector<16xi32>,
      %mul3A_708 = arith.constant 16 : i32
      %mul3A_709 = arith.muli %sub3A_604, %mul3A_708 : i32
      %add3A_710 = arith.constant 2056 : i32
      %add3A_711 = arith.addi %add3A_710, %mul3A_709 : i32
      %get3A_712 = arith.index_cast %add3A_711 : i32 to index
      %get3A_713 = tpu.vector_load %arg8[%get3A_712] {strides = array<i32>} : memref<4128xi32, #tpu.memory_space<vmem>>, vector<16xi32>,
      %add3A_714 = arith.addi %add3A_701, %get3A_713 : vector<16xi32>
      %mul3A_715 = arith.constant 16 : i32
      %mul3A_716 = arith.muli %sub3A_604, %mul3A_715 : i32
      %add3A_717 = arith.constant 2056 : i32
      %add3A_718 = arith.addi %add3A_717, %mul3A_716 : i32
      %swap3A_719 = arith.index_cast %add3A_718 : i32 to index
      %swap3A_720 = tpu.vector_load %arg8[%swap3A_719] {strides = array<i32>} : memref<4128xi32, #tpu.memory_space<vmem>>, vector<16xi32>,
      tpu.vector_store %arg8[%swap3A_719], %broadcast_in_dim3A_8 {strides = array<i32>} : memref<4128xi32, #tpu.memory_space<vmem>>, vector<16xi32>,
      %mul3A_721 = arith.constant 16 : i32
      %mul3A_722 = arith.muli %sub3A_604, %mul3A_721 : i32
      %add3A_723 = arith.constant 2313 : i32
      %add3A_724 = arith.addi %add3A_723, %mul3A_722 : i32
      %get3A_725 = arith.index_cast %add3A_724 : i32 to index
      %get3A_726 = tpu.vector_load %arg8[%get3A_725] {strides = array<i32>} : memref<4128xi32, #tpu.memory_space<vmem>>, vector<16xi32>,
      %add3A_727 = arith.addi %add3A_714, %get3A_726 : vector<16xi32>
      %mul3A_728 = arith.constant 16 : i32
      %mul3A_729 = arith.muli %sub3A_604, %mul3A_728 : i32
      %add3A_730 = arith.constant 2313 : i32
      %add3A_731 = arith.addi %add3A_730, %mul3A_729 : i32
      %swap3A_732 = arith.index_cast %add3A_731 : i32 to index
      %swap3A_733 = tpu.vector_load %arg8[%swap3A_732] {strides = array<i32>} : memref<4128xi32, #tpu.memory_space<vmem>>, vector<16xi32>,
      tpu.vector_store %arg8[%swap3A_732], %broadcast_in_dim3A_8 {strides = array<i32>} : memref<4128xi32, #tpu.memory_space<vmem>>, vector<16xi32>,
      %mul3A_734 = arith.constant 16 : i32
      %mul3A_735 = arith.muli %sub3A_604, %mul3A_734 : i32
      %add3A_736 = arith.constant 2570 : i32
      %add3A_737 = arith.addi %add3A_736, %mul3A_735 : i32
      %get3A_738 = arith.index_cast %add3A_737 : i32 to index
      %get3A_739 = tpu.vector_load %arg8[%get3A_738] {strides = array<i32>} : memref<4128xi32, #tpu.memory_space<vmem>>, vector<16xi32>,
      %add3A_740 = arith.addi %add3A_727, %get3A_739 : vector<16xi32>
      %mul3A_741 = arith.constant 16 : i32
      %mul3A_742 = arith.muli %sub3A_604, %mul3A_741 : i32
      %add3A_743 = arith.constant 2570 : i32
      %add3A_744 = arith.addi %add3A_743, %mul3A_742 : i32
      %swap3A_745 = arith.index_cast %add3A_744 : i32 to index
      %swap3A_746 = tpu.vector_load %arg8[%swap3A_745] {strides = array<i32>} : memref<4128xi32, #tpu.memory_space<vmem>>, vector<16xi32>,
      tpu.vector_store %arg8[%swap3A_745], %broadcast_in_dim3A_8 {strides = array<i32>} : memref<4128xi32, #tpu.memory_space<vmem>>, vector<16xi32>,
      %mul3A_747 = arith.constant 16 : i32
      %mul3A_748 = arith.muli %sub3A_604, %mul3A_747 : i32
      %add3A_749 = arith.constant 2827 : i32
      %add3A_750 = arith.addi %add3A_749, %mul3A_748 : i32
      %get3A_751 = arith.index_cast %add3A_750 : i32 to index
      %get3A_752 = tpu.vector_load %arg8[%get3A_751] {strides = array<i32>} : memref<4128xi32, #tpu.memory_space<vmem>>, vector<16xi32>,
      %add3A_753 = arith.addi %add3A_740, %get3A_752 : vector<16xi32>
      %mul3A_754 = arith.constant 16 : i32
      %mul3A_755 = arith.muli %sub3A_604, %mul3A_754 : i32
      %add3A_756 = arith.constant 2827 : i32
      %add3A_757 = arith.addi %add3A_756, %mul3A_755 : i32
      %swap3A_758 = arith.index_cast %add3A_757 : i32 to index
      %swap3A_759 = tpu.vector_load %arg8[%swap3A_758] {strides = array<i32>} : memref<4128xi32, #tpu.memory_space<vmem>>, vector<16xi32>,
      tpu.vector_store %arg8[%swap3A_758], %broadcast_in_dim3A_8 {strides = array<i32>} : memref<4128xi32, #tpu.memory_space<vmem>>, vector<16xi32>,
      %mul3A_760 = arith.constant 16 : i32
      %mul3A_761 = arith.muli %sub3A_604, %mul3A_760 : i32
      %add3A_762 = arith.constant 3084 : i32
      %add3A_763 = arith.addi %add3A_762, %mul3A_761 : i32
      %get3A_764 = arith.index_cast %add3A_763 : i32 to index
      %get3A_765 = tpu.vector_load %arg8[%get3A_764] {strides = array<i32>} : memref<4128xi32, #tpu.memory_space<vmem>>, vector<16xi32>,
      %add3A_766 = arith.addi %add3A_753, %get3A_765 : vector<16xi32>
      %mul3A_767 = arith.constant 16 : i32
      %mul3A_768 = arith.muli %sub3A_604, %mul3A_767 : i32
      %add3A_769 = arith.constant 3084 : i32
      %add3A_770 = arith.addi %add3A_769, %mul3A_768 : i32
      %swap3A_771 = arith.index_cast %add3A_770 : i32 to index
      %swap3A_772 = tpu.vector_load %arg8[%swap3A_771] {strides = array<i32>} : memref<4128xi32, #tpu.memory_space<vmem>>, vector<16xi32>,
      tpu.vector_store %arg8[%swap3A_771], %broadcast_in_dim3A_8 {strides = array<i32>} : memref<4128xi32, #tpu.memory_space<vmem>>, vector<16xi32>,
      %mul3A_773 = arith.constant 16 : i32
      %mul3A_774 = arith.muli %sub3A_604, %mul3A_773 : i32
      %add3A_775 = arith.constant 3341 : i32
      %add3A_776 = arith.addi %add3A_775, %mul3A_774 : i32
      %get3A_777 = arith.index_cast %add3A_776 : i32 to index
      %get3A_778 = tpu.vector_load %arg8[%get3A_777] {strides = array<i32>} : memref<4128xi32, #tpu.memory_space<vmem>>, vector<16xi32>,
      %add3A_779 = arith.addi %add3A_766, %get3A_778 : vector<16xi32>
      %mul3A_780 = arith.constant 16 : i32
      %mul3A_781 = arith.muli %sub3A_604, %mul3A_780 : i32
      %add3A_782 = arith.constant 3341 : i32
      %add3A_783 = arith.addi %add3A_782, %mul3A_781 : i32
      %swap3A_784 = arith.index_cast %add3A_783 : i32 to index
      %swap3A_785 = tpu.vector_load %arg8[%swap3A_784] {strides = array<i32>} : memref<4128xi32, #tpu.memory_space<vmem>>, vector<16xi32>,
      tpu.vector_store %arg8[%swap3A_784], %broadcast_in_dim3A_8 {strides = array<i32>} : memref<4128xi32, #tpu.memory_space<vmem>>, vector<16xi32>,
      %mul3A_786 = arith.constant 16 : i32
      %mul3A_787 = arith.muli %sub3A_604, %mul3A_786 : i32
      %add3A_788 = arith.constant 3598 : i32
      %add3A_789 = arith.addi %add3A_788, %mul3A_787 : i32
      %get3A_790 = arith.index_cast %add3A_789 : i32 to index
      %get3A_791 = tpu.vector_load %arg8[%get3A_790] {strides = array<i32>} : memref<4128xi32, #tpu.memory_space<vmem>>, vector<16xi32>,
      %add3A_792 = arith.addi %add3A_779, %get3A_791 : vector<16xi32>
      %mul3A_793 = arith.constant 16 : i32
      %mul3A_794 = arith.muli %sub3A_604, %mul3A_793 : i32
      %add3A_795 = arith.constant 3598 : i32
      %add3A_796 = arith.addi %add3A_795, %mul3A_794 : i32
      %swap3A_797 = arith.index_cast %add3A_796 : i32 to index
      %swap3A_798 = tpu.vector_load %arg8[%swap3A_797] {strides = array<i32>} : memref<4128xi32, #tpu.memory_space<vmem>>, vector<16xi32>,
      tpu.vector_store %arg8[%swap3A_797], %broadcast_in_dim3A_8 {strides = array<i32>} : memref<4128xi32, #tpu.memory_space<vmem>>, vector<16xi32>,
      %mul3A_799 = arith.constant 16 : i32
      %mul3A_800 = arith.muli %sub3A_604, %mul3A_799 : i32
      %add3A_801 = arith.constant 3855 : i32
      %add3A_802 = arith.addi %add3A_801, %mul3A_800 : i32
      %get3A_803 = arith.index_cast %add3A_802 : i32 to index
      %get3A_804 = tpu.vector_load %arg8[%get3A_803] {strides = array<i32>} : memref<4128xi32, #tpu.memory_space<vmem>>, vector<16xi32>,
      %add3A_805 = arith.addi %add3A_792, %get3A_804 : vector<16xi32>
      %mul3A_806 = arith.constant 16 : i32
      %mul3A_807 = arith.muli %sub3A_604, %mul3A_806 : i32
      %add3A_808 = arith.constant 3855 : i32
      %add3A_809 = arith.addi %add3A_808, %mul3A_807 : i32
      %swap3A_810 = arith.index_cast %add3A_809 : i32 to index
      %swap3A_811 = tpu.vector_load %arg8[%swap3A_810] {strides = array<i32>} : memref<4128xi32, #tpu.memory_space<vmem>>, vector<16xi32>,
      tpu.vector_store %arg8[%swap3A_810], %broadcast_in_dim3A_8 {strides = array<i32>} : memref<4128xi32, #tpu.memory_space<vmem>>, vector<16xi32>,
      %rev3A = arith.constant 15 : i32
      %rev3A_812 = vector.broadcast %rev3A : i32 to vector<16xi32>
      %rev3A_813 = tpu.iota {dimensions = array<i32: 0>} : vector<16xi32>
      %rev3A_814 = arith.subi %rev3A_812, %rev3A_813 : vector<16xi32>
      %rev3A_815 = tpu.dynamic_gather %add3A_805[%rev3A_814] in [0] : vector<16xi32>, vector<16xi32> -> vector<16xi32>
      %cumsum3A = arith.constant true
      %cumsum3A_816 = vector.broadcast %cumsum3A : i1 to vector<16xi1>
      %cumsum3A_817 = tpu.scan <sum>, %rev3A_815 masked %cumsum3A_816 : vector<16xi32>, vector<16xi1> -> vector<16xi32>
      %rev3A_818 = arith.constant 15 : i32
      %rev3A_819 = vector.broadcast %rev3A_818 : i32 to vector<16xi32>
      %rev3A_820 = tpu.iota {dimensions = array<i32: 0>} : vector<16xi32>
      %rev3A_821 = arith.subi %rev3A_819, %rev3A_820 : vector<16xi32>
      %rev3A_822 = tpu.dynamic_gather %cumsum3A_817[%rev3A_821] in [0] : vector<16xi32>, vector<16xi32> -> vector<16xi32>
      %add3A_823 = vector.broadcast %scan3A_601 : i32 to vector<16xi32>
      %add3A_824 = arith.addi %rev3A_822, %add3A_823 : vector<16xi32>
      %mul3A_825 = arith.constant 16 : i32
      %mul3A_826 = arith.muli %sub3A_604, %mul3A_825 : i32
      %swap3A_827 = arith.index_cast %mul3A_826 : i32 to index
      %swap3A_828 = tpu.vector_load %arg9[%swap3A_827] {strides = array<i32>} : memref<272xi32, #tpu.memory_space<vmem>>, vector<16xi32>,
      tpu.vector_store %arg9[%swap3A_827], %add3A_824 {strides = array<i32>} : memref<272xi32, #tpu.memory_space<vmem>>, vector<16xi32>,
      %ge3A = arith.constant 64 : i32
      %ge3A_829 = vector.broadcast %ge3A : i32 to vector<16xi32>
      %ge3A_830 = arith.cmpi sge, %add3A_824, %ge3A_829 : vector<16xi32>
      %all_reduce_population_count3A = tpu.all_reduce %ge3A_830 {dim = 0 : i64, kind = #tpu.reduction_kind<sum>} : vector<16xi1> -> vector<16xi32>
      %reduce_max3A_831 = arith.constant true
      %reduce_max3A_832 = vector.broadcast %reduce_max3A_831 : i1 to vector<16xi1>
      %reduce_max3A_833 = arith.constant -2147483648 : i32
      %reduce_max3A_834 = vector.broadcast %reduce_max3A_833 : i32 to vector<16xi32>
      %reduce_max3A_835 = arith.xori %all_reduce_population_count3A, %reduce_max3A_834 : vector<16xi32>
      %reduce_max3A_836 = tpu.scan <max>, %reduce_max3A_835 masked %reduce_max3A_832 : vector<16xi32>, vector<16xi1> -> vector<16xi32>
      %reduce_max3A_837 = arith.xori %reduce_max3A_836, %reduce_max3A_834 : vector<16xi32>
      %reduce_max3A_838 = vector.extract %reduce_max3A_837[15] : i32 from vector<16xi32>
      %add3A_839 = arith.addi %scan3A_602, %reduce_max3A_838 : i32
      %reduce_max3A_840 = arith.constant true
      %reduce_max3A_841 = vector.broadcast %reduce_max3A_840 : i1 to vector<16xi1>
      %reduce_max3A_842 = arith.constant -2147483648 : i32
      %reduce_max3A_843 = vector.broadcast %reduce_max3A_842 : i32 to vector<16xi32>
      %reduce_max3A_844 = arith.xori %add3A_824, %reduce_max3A_843 : vector<16xi32>
      %reduce_max3A_845 = tpu.scan <max>, %reduce_max3A_844 masked %reduce_max3A_841 : vector<16xi32>, vector<16xi1> -> vector<16xi32>
      %reduce_max3A_846 = arith.xori %reduce_max3A_845, %reduce_max3A_843 : vector<16xi32>
      %reduce_max3A_847 = vector.extract %reduce_max3A_846[15] : i32 from vector<16xi32>
      scf.yield %reduce_max3A_847, %add3A_839 : i32, i32
    }
    %scan3A_324 = arith.constant 16 : i32
    %sub3A_325 = arith.constant 1 : i32
    %sub3A_326 = arith.subi %scan3A_323#1, %sub3A_325 : i32
    %add3A_327 = arith.constant 1 : i32
    %add3A_328 = arith.addi %sub3A_326, %add3A_327 : i32
    %broadcast_in_dim3A_329 = vector.broadcast %add3A_328 : i32 to vector<16xi32>
    %gather3A_330 = tpu.vector_load_idx %arg9[%broadcast_in_dim3A_329] : memref<272xi32, #tpu.memory_space<vmem>>[vector<16xi32>], vector<16xi32>,
    %reduce_max3A_331 = arith.constant true
    %reduce_max3A_332 = vector.broadcast %reduce_max3A_331 : i1 to vector<16xi1>
    %reduce_max3A_333 = arith.constant -2147483648 : i32
    %reduce_max3A_334 = vector.broadcast %reduce_max3A_333 : i32 to vector<16xi32>
    %reduce_max3A_335 = arith.xori %gather3A_330, %reduce_max3A_334 : vector<16xi32>
    %reduce_max3A_336 = tpu.scan <max>, %reduce_max3A_335 masked %reduce_max3A_332 : vector<16xi32>, vector<16xi1> -> vector<16xi32>
    %reduce_max3A_337 = arith.xori %reduce_max3A_336, %reduce_max3A_334 : vector<16xi32>
    %reduce_max3A_338 = vector.extract %reduce_max3A_337[15] : i32 from vector<16xi32>
    %sub3A_339 = arith.constant 64 : i32
    %sub3A_340 = arith.subi %sub3A_339, %reduce_max3A_338 : i32
    %sub3A_341 = arith.constant 128 : i32
    %sub3A_342 = arith.subi %sub3A_326, %sub3A_341 : i32
    %shift_left3A_343 = arith.constant 24 : i32
    %shift_left3A_344 = arith.shli %sub3A_342, %shift_left3A_343 : i32
    %broadcast_in_dim3A_345 = vector.broadcast %shift_left3A_344 : i32 to vector<16xi32>
    %lt3A_346 = arith.constant 0 : i32
    %lt3A_347 = vector.broadcast %lt3A_346 : i32 to vector<16xi32>
    %lt3A_348 = arith.cmpi slt, %broadcast_in_dim3A_345, %lt3A_347 : vector<16xi32>
    %xor3A_349 = arith.constant 2147483647 : i32
    %xor3A_350 = vector.broadcast %xor3A_349 : i32 to vector<16xi32>
    %xor3A_351 = arith.xori %broadcast_in_dim3A_345, %xor3A_350 : vector<16xi32>
    %select_n3A_352 = arith.select %lt3A_348, %xor3A_351, %broadcast_in_dim3A_345 : vector<16xi1>, vector<16xi32>
    %bitcast3A_353 = vector.bitcast %select_n3A_352 : vector<16xi32> to vector<16xf32>
    %eq3A_354 = arith.constant 255 : i32
    %eq3A_355 = arith.cmpi eq, %sub3A_326, %eq3A_354 : i32
    %sub3A_356 = arith.constant 127 : i32
    %sub3A_357 = arith.subi %sub3A_326, %sub3A_356 : i32
    %shift_left3A_358 = arith.constant 24 : i32
    %shift_left3A_359 = arith.shli %sub3A_357, %shift_left3A_358 : i32
    %broadcast_in_dim3A_360 = vector.broadcast %shift_left3A_359 : i32 to vector<16xi32>
    %lt3A_361 = arith.constant 0 : i32
    %lt3A_362 = vector.broadcast %lt3A_361 : i32 to vector<16xi32>
    %lt3A_363 = arith.cmpi slt, %broadcast_in_dim3A_360, %lt3A_362 : vector<16xi32>
    %xor3A_364 = arith.constant 2147483647 : i32
    %xor3A_365 = vector.broadcast %xor3A_364 : i32 to vector<16xi32>
    %xor3A_366 = arith.xori %broadcast_in_dim3A_360, %xor3A_365 : vector<16xi32>
    %select_n3A_367 = arith.select %lt3A_363, %xor3A_366, %broadcast_in_dim3A_360 : vector<16xi1>, vector<16xi32>
    %bitcast3A_368 = vector.bitcast %select_n3A_367 : vector<16xi32> to vector<16xf32>
    %jit3A_369 = arith.constant 0x7F800000 : f32
    %broadcast_in_dim3A_370 = vector.broadcast %jit3A_369 : f32 to vector<16xf32>
    %select_n3A_371 = arith.select %eq3A_355, %broadcast_in_dim3A_370, %bitcast3A_368 : vector<16xf32>
    %broadcast_in_dim3A_372 = arith.constant -2147483648 : i32
    %broadcast_in_dim3A_373 = vector.broadcast %broadcast_in_dim3A_372 : i32 to vector<16xi32>
    %parallel_loop3A_374 = arith.constant 0 : i32
    %parallel_loop3A_375 = arith.constant 256 : i32
    %parallel_loop3A_376 = arith.constant 1 : i32
    scf.for %parallel_loop3A_600 = %parallel_loop3A_374 to %parallel_loop3A_375 step %parallel_loop3A_376  : i32 {
      %parallel_loop3A_601 = arith.constant 16 : i32
      %parallel_loop3A_602 = arith.muli %parallel_loop3A_600, %parallel_loop3A_601 : i32
      %parallel_loop3A_603 = arith.index_cast %parallel_loop3A_602 : i32 to index
      %parallel_loop3A_604 = tpu.vector_load %arg7[%parallel_loop3A_603] {strides = array<i32>} : memref<4096xi32, #tpu.memory_space<vmem>>, vector<16xi32>,
      tpu.vector_store %arg7[%parallel_loop3A_603], %broadcast_in_dim3A_373 {strides = array<i32>} : memref<4096xi32, #tpu.memory_space<vmem>>, vector<16xi32>,
    } {sc.loop_unroll_factor = 8 : i64, sc.parallel_access}
    %sub3A_377 = arith.constant 1 : i32
    %sub3A_378 = vector.broadcast %sub3A_377 : i32 to vector<16xi32>
    %sub3A_379 = arith.subi %broadcast_in_dim3A_8, %sub3A_378 : vector<16xi32>
    %sub3A_380 = arith.constant 1 : i32
    %sub3A_381 = vector.broadcast %sub3A_380 : i32 to vector<16xi32>
    %sub3A_382 = arith.subi %broadcast_in_dim3A_8, %sub3A_381 : vector<16xi32>
    %parallel_loop3A_383 = arith.constant 0 : i32
    %parallel_loop3A_384 = arith.constant 1024 : i32
    %parallel_loop3A_385 = arith.constant 1 : i32
    %parallel_loop3A_386:2 = scf.for %parallel_loop3A_600 = %parallel_loop3A_383 to %parallel_loop3A_384 step %parallel_loop3A_385 iter_args(%parallel_loop3A_601 = %sub3A_379, %parallel_loop3A_602 = %sub3A_382) -> (vector<16xi32>, vector<16xi32>)  : i32 {
      %parallel_loop3A_603 = arith.constant 2 : i32
      %parallel_loop3A_604 = arith.muli %parallel_loop3A_603, %parallel_loop3A_600 : i32
      %parallel_loop3A_605 = arith.constant 16 : i32
      %parallel_loop3A_606 = arith.muli %parallel_loop3A_604, %parallel_loop3A_605 : i32
      %parallel_loop3A_607 = arith.index_cast %parallel_loop3A_606 : i32 to index
      %parallel_loop3A_608 = tpu.vector_load %arg6[%parallel_loop3A_607] {strides = array<i32>} : memref<32768xf32, #tpu.memory_space<vmem>>, vector<16xf32>,
      %parallel_loop3A_609 = arith.constant 2 : i32
      %parallel_loop3A_610 = arith.muli %parallel_loop3A_609, %parallel_loop3A_600 : i32
      %parallel_loop3A_611 = arith.constant 1 : i32
      %parallel_loop3A_612 = arith.addi %parallel_loop3A_610, %parallel_loop3A_611 : i32
      %parallel_loop3A_613 = arith.constant 16 : i32
      %parallel_loop3A_614 = arith.muli %parallel_loop3A_612, %parallel_loop3A_613 : i32
      %parallel_loop3A_615 = arith.index_cast %parallel_loop3A_614 : i32 to index
      %parallel_loop3A_616 = tpu.vector_load %arg6[%parallel_loop3A_615] {strides = array<i32>} : memref<32768xf32, #tpu.memory_space<vmem>>, vector<16xf32>,
      %parallel_loop3A_617 = arith.cmpf oge, %parallel_loop3A_608, %bitcast3A_353 : vector<16xf32>
      %parallel_loop3A_618 = arith.cmpf olt, %parallel_loop3A_608, %select_n3A_371 : vector<16xf32>
      %parallel_loop3A_619 = arith.andi %parallel_loop3A_617, %parallel_loop3A_618 : vector<16xi1>
      %parallel_loop3A_620 = arith.cmpf oge, %parallel_loop3A_616, %bitcast3A_353 : vector<16xf32>
      %parallel_loop3A_621 = arith.cmpf olt, %parallel_loop3A_616, %select_n3A_371 : vector<16xf32>
      %parallel_loop3A_622 = arith.andi %parallel_loop3A_620, %parallel_loop3A_621 : vector<16xi1>
      %parallel_loop3A_623 = tpu.scan <sum>, %broadcast_in_dim3A_6 masked %parallel_loop3A_619 : vector<16xi32>, vector<16xi1> -> vector<16xi32>
      %parallel_loop3A_624 = arith.addi %parallel_loop3A_601, %parallel_loop3A_623 : vector<16xi32>
      %parallel_loop3A_625 = arith.constant 2047 : i32
      %parallel_loop3A_626 = vector.broadcast %parallel_loop3A_625 : i32 to vector<16xi32>
      %parallel_loop3A_627 = arith.minsi %parallel_loop3A_624, %parallel_loop3A_626 : vector<16xi32>
      %parallel_loop3A_628 = tpu.scan <sum>, %broadcast_in_dim3A_6 masked %parallel_loop3A_622 : vector<16xi32>, vector<16xi1> -> vector<16xi32>
      %parallel_loop3A_629 = arith.addi %parallel_loop3A_602, %parallel_loop3A_628 : vector<16xi32>
      %parallel_loop3A_630 = arith.constant 2047 : i32
      %parallel_loop3A_631 = vector.broadcast %parallel_loop3A_630 : i32 to vector<16xi32>
      %parallel_loop3A_632 = arith.minsi %parallel_loop3A_629, %parallel_loop3A_631 : vector<16xi32>
      %parallel_loop3A_633 = arith.constant 2048 : i32
      %parallel_loop3A_634 = vector.broadcast %parallel_loop3A_633 : i32 to vector<16xi32>
      %parallel_loop3A_635 = arith.addi %parallel_loop3A_632, %parallel_loop3A_634 : vector<16xi32>
      %parallel_loop3A_636 = vector.bitcast %parallel_loop3A_608 : vector<16xf32> to vector<16xi32>
      tpu.vector_store_idx %arg7[%parallel_loop3A_627], %parallel_loop3A_636 masked %parallel_loop3A_619 : memref<4096xi32, #tpu.memory_space<vmem>>[vector<16xi32>], vector<16xi32>, vector<16xi1>
      %parallel_loop3A_637 = vector.bitcast %parallel_loop3A_616 : vector<16xf32> to vector<16xi32>
      tpu.vector_store_idx %arg7[%parallel_loop3A_635], %parallel_loop3A_637 masked %parallel_loop3A_622 : memref<4096xi32, #tpu.memory_space<vmem>>[vector<16xi32>], vector<16xi32>, vector<16xi1>
      %parallel_loop3A_638 = tpu.all_reduce %parallel_loop3A_619 {dim = 0 : i64, kind = #tpu.reduction_kind<sum>} : vector<16xi1> -> vector<16xi32>
      %parallel_loop3A_639 = arith.addi %parallel_loop3A_601, %parallel_loop3A_638 : vector<16xi32>
      %parallel_loop3A_640 = tpu.all_reduce %parallel_loop3A_622 {dim = 0 : i64, kind = #tpu.reduction_kind<sum>} : vector<16xi1> -> vector<16xi32>
      %parallel_loop3A_641 = arith.addi %parallel_loop3A_602, %parallel_loop3A_640 : vector<16xi32>
      scf.yield %parallel_loop3A_639, %parallel_loop3A_641 : vector<16xi32>, vector<16xi32>
    } {sc.loop_unroll_factor = 4 : i64, sc.parallel_access}
    %reduce_max3A_387 = arith.constant true
    %reduce_max3A_388 = vector.broadcast %reduce_max3A_387 : i1 to vector<16xi1>
    %reduce_max3A_389 = arith.constant -2147483648 : i32
    %reduce_max3A_390 = vector.broadcast %reduce_max3A_389 : i32 to vector<16xi32>
    %reduce_max3A_391 = arith.xori %parallel_loop3A_386#0, %reduce_max3A_390 : vector<16xi32>
    %reduce_max3A_392 = tpu.scan <max>, %reduce_max3A_391 masked %reduce_max3A_388 : vector<16xi32>, vector<16xi1> -> vector<16xi32>
    %reduce_max3A_393 = arith.xori %reduce_max3A_392, %reduce_max3A_390 : vector<16xi32>
    %reduce_max3A_394 = vector.extract %reduce_max3A_393[15] : i32 from vector<16xi32>
    %add3A_395 = arith.constant 1 : i32
    %add3A_396 = arith.addi %reduce_max3A_394, %add3A_395 : i32
    %reduce_max3A_397 = arith.constant true
    %reduce_max3A_398 = vector.broadcast %reduce_max3A_397 : i1 to vector<16xi1>
    %reduce_max3A_399 = arith.constant -2147483648 : i32
    %reduce_max3A_400 = vector.broadcast %reduce_max3A_399 : i32 to vector<16xi32>
    %reduce_max3A_401 = arith.xori %parallel_loop3A_386#1, %reduce_max3A_400 : vector<16xi32>
    %reduce_max3A_402 = tpu.scan <max>, %reduce_max3A_401 masked %reduce_max3A_398 : vector<16xi32>, vector<16xi1> -> vector<16xi32>
    %reduce_max3A_403 = arith.xori %reduce_max3A_402, %reduce_max3A_400 : vector<16xi32>
    %reduce_max3A_404 = vector.extract %reduce_max3A_403[15] : i32 from vector<16xi32>
    %add3A_405 = arith.constant 1 : i32
    %add3A_406 = arith.addi %reduce_max3A_404, %add3A_405 : i32
    %gt3A_407 = arith.constant 2048 : i32
    %gt3A_408 = arith.cmpi sgt, %add3A_396, %gt3A_407 : i32
    %gt3A_409 = arith.constant 2048 : i32
    %gt3A_410 = arith.cmpi sgt, %add3A_406, %gt3A_409 : i32
    %or3A_411 = arith.ori %gt3A_408, %gt3A_410 : i1
    %le3A_412 = arith.constant 128 : i32
    %le3A_413 = arith.cmpi sle, %sub3A_326, %le3A_412 : i32
    %or3A_414 = arith.ori %or3A_411, %le3A_413 : i1
    %sub3A_415 = arith.constant 128 : i32
    %sub3A_416 = arith.subi %sub3A_326, %sub3A_415 : i32
    %shift_left3A_417 = arith.constant 24 : i32
    %shift_left3A_418 = arith.shli %sub3A_416, %shift_left3A_417 : i32
    %broadcast_in_dim3A_419 = vector.broadcast %shift_left3A_418 : i32 to vector<16xi32>
    %convert_element_type3A_420 = arith.extui %or3A_414 : i1 to i32
    %cond3A_421 = arith.constant 0 : i32
    %cond3A_422 = arith.constant 0 : i32
    %cond3A_423 = arith.cmpi ne, %convert_element_type3A_420, %cond3A_422 : i32
    %cond3A_424 = scf.if %cond3A_423 -> (vector<16xi32>) {
      %broadcast_in_dim3A_600 = arith.constant 64 : i32
      %broadcast_in_dim3A_601 = vector.broadcast %broadcast_in_dim3A_600 : i32 to vector<16xi32>
      %scan3A_602 = arith.constant 0 : i32
      %scan3A_603 = arith.constant 24 : i32
      %scan3A_604 = arith.addi %scan3A_602, %scan3A_603 : i32
      %scan3A_605 = arith.constant 1 : i32
      %scan3A_606 = scf.for %scan3A_608 = %scan3A_602 to %scan3A_604 step %scan3A_605 iter_args(%scan3A_609 = %broadcast_in_dim3A_419) -> (vector<16xi32>)  : i32 {
        %sub3A_610 = arith.constant 23 : i32
        %sub3A_611 = arith.subi %sub3A_610, %scan3A_608 : i32
        %shift_left3A_612 = arith.constant 1 : i32
        %shift_left3A_613 = arith.shli %shift_left3A_612, %sub3A_611 : i32
        %or3A_614 = vector.broadcast %shift_left3A_613 : i32 to vector<16xi32>
        %or3A_615 = arith.ori %scan3A_609, %or3A_614 : vector<16xi32>
        %parallel_loop3A_616 = arith.constant 0 : i32
        %parallel_loop3A_617 = arith.constant 2048 : i32
        %parallel_loop3A_618 = arith.constant 1 : i32
        %parallel_loop3A_619 = scf.for %parallel_loop3A_621 = %parallel_loop3A_616 to %parallel_loop3A_617 step %parallel_loop3A_618 iter_args(%parallel_loop3A_622 = %broadcast_in_dim3A_8) -> (vector<16xi32>)  : i32 {
          %parallel_loop3A_623 = arith.constant 16 : i32
          %parallel_loop3A_624 = arith.muli %parallel_loop3A_621, %parallel_loop3A_623 : i32
          %parallel_loop3A_625 = arith.index_cast %parallel_loop3A_624 : i32 to index
          %parallel_loop3A_626 = tpu.vector_load %arg6[%parallel_loop3A_625] {strides = array<i32>} : memref<32768xf32, #tpu.memory_space<vmem>>, vector<16xf32>,
          %parallel_loop3A_627 = vector.bitcast %parallel_loop3A_626 : vector<16xf32> to vector<16xi32>
          %parallel_loop3A_628 = arith.constant 31 : i32
          %parallel_loop3A_629 = vector.broadcast %parallel_loop3A_628 : i32 to vector<16xi32>
          %parallel_loop3A_630 = arith.shrsi %parallel_loop3A_627, %parallel_loop3A_629 : vector<16xi32>
          %parallel_loop3A_631 = arith.constant 2147483647 : i32
          %parallel_loop3A_632 = vector.broadcast %parallel_loop3A_631 : i32 to vector<16xi32>
          %parallel_loop3A_633 = arith.andi %parallel_loop3A_630, %parallel_loop3A_632 : vector<16xi32>
          %parallel_loop3A_634 = arith.xori %parallel_loop3A_627, %parallel_loop3A_633 : vector<16xi32>
          %parallel_loop3A_635 = arith.cmpi sge, %parallel_loop3A_634, %or3A_615 : vector<16xi32>
          %parallel_loop3A_636 = tpu.all_reduce %parallel_loop3A_635 {dim = 0 : i64, kind = #tpu.reduction_kind<sum>} : vector<16xi1> -> vector<16xi32>
          %parallel_loop3A_637 = arith.addi %parallel_loop3A_622, %parallel_loop3A_636 : vector<16xi32>
          scf.yield %parallel_loop3A_637 : vector<16xi32>
        } {sc.loop_unroll_factor = 4 : i64, sc.parallel_access}
        %ge3A = arith.cmpi sge, %parallel_loop3A_619, %broadcast_in_dim3A_601 : vector<16xi32>
        %select_n3A_620 = arith.select %ge3A, %or3A_615, %scan3A_609 : vector<16xi1>, vector<16xi32>
        scf.yield %select_n3A_620 : vector<16xi32>
      }
      %scan3A_607 = arith.constant 24 : i32
      scf.yield %scan3A_606 : vector<16xi32>
    } else {
      %max3A = arith.maxsi %add3A_396, %add3A_406 : i32
      %add3A_600 = arith.constant 15 : i32
      %add3A_601 = arith.addi %max3A, %add3A_600 : i32
      %jit3A_602 = arith.constant 16 : i32
      %div3A = arith.divsi %add3A_601, %jit3A_602 : i32
      %sign3A = arith.constant 0 : i32
      %sign3A_603 = arith.cmpi sgt, %add3A_601, %sign3A : i32
      %sign3A_604 = arith.extui %sign3A_603 : i1 to i32
      %sign3A_605 = arith.constant 0 : i32
      %sign3A_606 = arith.cmpi slt, %add3A_601, %sign3A_605 : i32
      %sign3A_607 = arith.extui %sign3A_606 : i1 to i32
      %sign3A_608 = arith.subi %sign3A_604, %sign3A_607 : i32
      %sign3A_609 = arith.constant 0 : i32
      %sign3A_610 = arith.cmpi sgt, %jit3A_602, %sign3A_609 : i32
      %sign3A_611 = arith.extui %sign3A_610 : i1 to i32
      %sign3A_612 = arith.constant 0 : i32
      %sign3A_613 = arith.cmpi slt, %jit3A_602, %sign3A_612 : i32
      %sign3A_614 = arith.extui %sign3A_613 : i1 to i32
      %sign3A_615 = arith.subi %sign3A_611, %sign3A_614 : i32
      %ne3A = arith.cmpi ne, %sign3A_608, %sign3A_615 : i32
      %rem3A = arith.remsi %add3A_601, %jit3A_602 : i32
      %ne3A_616 = arith.constant 0 : i32
      %ne3A_617 = arith.cmpi ne, %rem3A, %ne3A_616 : i32
      %and3A = arith.andi %ne3A, %ne3A_617 : i1
      %sub3A_618 = arith.constant 1 : i32
      %sub3A_619 = arith.subi %div3A, %sub3A_618 : i32
      %select_n3A_620 = arith.select %and3A, %sub3A_619, %div3A : i32
      %broadcast_in_dim3A_621 = vector.broadcast %sub3A_340 : i32 to vector<16xi32>
      %scan3A_622 = arith.constant 0 : i32
      %scan3A_623 = arith.constant 24 : i32
      %scan3A_624 = arith.addi %scan3A_622, %scan3A_623 : i32
      %scan3A_625 = arith.constant 1 : i32
      %scan3A_626 = scf.for %scan3A_628 = %scan3A_622 to %scan3A_624 step %scan3A_625 iter_args(%scan3A_629 = %broadcast_in_dim3A_419) -> (vector<16xi32>)  : i32 {
        %sub3A_630 = arith.constant 23 : i32
        %sub3A_631 = arith.subi %sub3A_630, %scan3A_628 : i32
        %shift_left3A_632 = arith.constant 1 : i32
        %shift_left3A_633 = arith.shli %shift_left3A_632, %sub3A_631 : i32
        %or3A_634 = vector.broadcast %shift_left3A_633 : i32 to vector<16xi32>
        %or3A_635 = arith.ori %scan3A_629, %or3A_634 : vector<16xi32>
        %parallel_loop3A_636 = arith.constant 0 : i32
        %parallel_loop3A_637 = arith.constant 1 : i32
        %parallel_loop3A_638:2 = scf.for %parallel_loop3A_641 = %parallel_loop3A_636 to %select_n3A_620 step %parallel_loop3A_637 iter_args(%parallel_loop3A_642 = %broadcast_in_dim3A_8, %parallel_loop3A_643 = %broadcast_in_dim3A_8) -> (vector<16xi32>, vector<16xi32>)  : i32 {
          %parallel_loop3A_644 = arith.constant 16 : i32
          %parallel_loop3A_645 = arith.muli %parallel_loop3A_641, %parallel_loop3A_644 : i32
          %parallel_loop3A_646 = arith.index_cast %parallel_loop3A_645 : i32 to index
          %parallel_loop3A_647 = tpu.vector_load %arg7[%parallel_loop3A_646] {strides = array<i32>} : memref<4096xi32, #tpu.memory_space<vmem>>, vector<16xi32>,
          %parallel_loop3A_648 = arith.constant 16 : i32
          %parallel_loop3A_649 = arith.muli %parallel_loop3A_641, %parallel_loop3A_648 : i32
          %parallel_loop3A_650 = arith.constant 2048 : i32
          %parallel_loop3A_651 = arith.addi %parallel_loop3A_650, %parallel_loop3A_649 : i32
          %parallel_loop3A_652 = arith.index_cast %parallel_loop3A_651 : i32 to index
          %parallel_loop3A_653 = tpu.vector_load %arg7[%parallel_loop3A_652] {strides = array<i32>} : memref<4096xi32, #tpu.memory_space<vmem>>, vector<16xi32>,
          %parallel_loop3A_654 = arith.cmpi sge, %parallel_loop3A_647, %or3A_635 : vector<16xi32>
          %parallel_loop3A_655 = tpu.all_reduce %parallel_loop3A_654 {dim = 0 : i64, kind = #tpu.reduction_kind<sum>} : vector<16xi1> -> vector<16xi32>
          %parallel_loop3A_656 = arith.addi %parallel_loop3A_642, %parallel_loop3A_655 : vector<16xi32>
          %parallel_loop3A_657 = arith.cmpi sge, %parallel_loop3A_653, %or3A_635 : vector<16xi32>
          %parallel_loop3A_658 = tpu.all_reduce %parallel_loop3A_657 {dim = 0 : i64, kind = #tpu.reduction_kind<sum>} : vector<16xi1> -> vector<16xi32>
          %parallel_loop3A_659 = arith.addi %parallel_loop3A_643, %parallel_loop3A_658 : vector<16xi32>
          scf.yield %parallel_loop3A_656, %parallel_loop3A_659 : vector<16xi32>, vector<16xi32>
        } {sc.loop_unroll_factor = 1 : i64, sc.parallel_access}
        %add3A_639 = arith.addi %parallel_loop3A_638#0, %parallel_loop3A_638#1 : vector<16xi32>
        %ge3A = arith.cmpi sge, %add3A_639, %broadcast_in_dim3A_621 : vector<16xi32>
        %select_n3A_640 = arith.select %ge3A, %or3A_635, %scan3A_629 : vector<16xi1>, vector<16xi32>
        scf.yield %select_n3A_640 : vector<16xi32>
      }
      %scan3A_627 = arith.constant 24 : i32
      scf.yield %scan3A_626 : vector<16xi32>
    }
    %lt3A_425 = arith.constant 0 : i32
    %lt3A_426 = vector.broadcast %lt3A_425 : i32 to vector<16xi32>
    %lt3A_427 = arith.cmpi slt, %cond3A_424, %lt3A_426 : vector<16xi32>
    %xor3A_428 = arith.constant 2147483647 : i32
    %xor3A_429 = vector.broadcast %xor3A_428 : i32 to vector<16xi32>
    %xor3A_430 = arith.xori %cond3A_424, %xor3A_429 : vector<16xi32>
    %select_n3A_431 = arith.select %lt3A_427, %xor3A_430, %cond3A_424 : vector<16xi1>, vector<16xi32>
    %bitcast3A_432 = vector.bitcast %select_n3A_431 : vector<16xi32> to vector<16xf32>
    %parallel_loop3A_433 = arith.constant 0 : i32
    %parallel_loop3A_434 = arith.constant 2048 : i32
    %parallel_loop3A_435 = arith.constant 1 : i32
    scf.for %parallel_loop3A_600 = %parallel_loop3A_433 to %parallel_loop3A_434 step %parallel_loop3A_435  : i32 {
      %parallel_loop3A_601 = arith.constant 16 : i32
      %parallel_loop3A_602 = arith.muli %parallel_loop3A_600, %parallel_loop3A_601 : i32
      %parallel_loop3A_603 = arith.index_cast %parallel_loop3A_602 : i32 to index
      %parallel_loop3A_604 = tpu.vector_load %arg6[%parallel_loop3A_603] {strides = array<i32>} : memref<32768xf32, #tpu.memory_space<vmem>>, vector<16xf32>,
      %parallel_loop3A_605 = arith.cmpf oge, %parallel_loop3A_604, %bitcast3A_432 : vector<16xf32>
      %parallel_loop3A_606 = arith.constant 0.000000e+00 : f32
      %parallel_loop3A_607 = vector.broadcast %parallel_loop3A_606 : f32 to vector<16xf32>
      %parallel_loop3A_608 = arith.select %parallel_loop3A_605, %parallel_loop3A_604, %parallel_loop3A_607 : vector<16xi1>, vector<16xf32>
      %parallel_loop3A_609 = arith.constant 16 : i32
      %parallel_loop3A_610 = arith.muli %parallel_loop3A_600, %parallel_loop3A_609 : i32
      %parallel_loop3A_611 = arith.index_cast %parallel_loop3A_610 : i32 to index
      %parallel_loop3A_612 = tpu.vector_load %arg6[%parallel_loop3A_611] {strides = array<i32>} : memref<32768xf32, #tpu.memory_space<vmem>>, vector<16xf32>,
      tpu.vector_store %arg6[%parallel_loop3A_611], %parallel_loop3A_608 {strides = array<i32>} : memref<32768xf32, #tpu.memory_space<vmem>>, vector<16xf32>,
    } {sc.loop_unroll_factor = 16 : i64, sc.parallel_access}
    %add3A_436 = arith.constant 2 : i32
    %add3A_437 = arith.addi %mul3A_2, %add3A_436 : i32
    %dma_start3A_438 = arith.constant 0 : i32
    %dma_start3A_439 = tpu.memref_slice %arg3[%add3A_437, %dma_start3A_438] : memref<128x32768xf32, #tpu.memory_space<hbm>> -> memref<1x32768xf32, #tpu.memory_space<hbm>>
    %dma_start3A_440 = tpu.memref_squeeze %dma_start3A_439 : memref<1x32768xf32, #tpu.memory_space<hbm>> -> memref<32768xf32, #tpu.memory_space<hbm>>
    %dma_start3A_441 = arith.constant 0 : i32
    %dma_start3A_442 = tpu.memref_slice %arg3[%add3A_437, %dma_start3A_441] : memref<128x32768xf32, #tpu.memory_space<hbm>> -> memref<1x32768xf32, #tpu.memory_space<hbm>>
    %dma_start3A_443 = tpu.memref_squeeze %dma_start3A_442 : memref<1x32768xf32, #tpu.memory_space<hbm>> -> memref<32768xf32, #tpu.memory_space<hbm>>
    tpu.enqueue_dma source(%arg6 : memref<32768xf32, #tpu.memory_space<vmem>>) target(%dma_start3A_443 : memref<32768xf32, #tpu.memory_space<hbm>>) target_semaphore(%arg16 : memref<!tpu.dma_semaphore, #tpu.memory_space<semaphore_mem>>)
    %dma_wait3A_444 = arith.constant 0 : i32
    %dma_wait3A_445 = tpu.memref_slice %arg2[%add3A_299, %dma_wait3A_444] : memref<128x32768xf32, #tpu.memory_space<hbm>> -> memref<1x32768xf32, #tpu.memory_space<hbm>>
    %dma_wait3A_446 = tpu.memref_squeeze %dma_wait3A_445 : memref<1x32768xf32, #tpu.memory_space<hbm>> -> memref<32768xf32, #tpu.memory_space<hbm>>
    %dma_wait3A_447 = arith.constant 0 : i32
    %dma_wait3A_448 = tpu.memref_slice %arg2[%add3A_299, %dma_wait3A_447] : memref<128x32768xf32, #tpu.memory_space<hbm>> -> memref<1x32768xf32, #tpu.memory_space<hbm>>
    %dma_wait3A_449 = tpu.memref_squeeze %dma_wait3A_448 : memref<1x32768xf32, #tpu.memory_space<hbm>> -> memref<32768xf32, #tpu.memory_space<hbm>>
    tpu.wait_dma2 semaphore(%arg13 : memref<!tpu.dma_semaphore, #tpu.memory_space<semaphore_mem>>) src(%dma_wait3A_449 : memref<32768xf32, #tpu.memory_space<hbm>>) dst(%arg4 : memref<32768xf32, #tpu.memory_space<vmem>>)
    %parallel_loop3A_450 = arith.constant 0 : i32
    %parallel_loop3A_451 = arith.constant 2048 : i32
    %parallel_loop3A_452 = arith.constant 1 : i32
    scf.for %parallel_loop3A_600 = %parallel_loop3A_450 to %parallel_loop3A_451 step %parallel_loop3A_452  : i32 {
      %parallel_loop3A_601 = arith.constant 16 : i32
      %parallel_loop3A_602 = arith.muli %parallel_loop3A_600, %parallel_loop3A_601 : i32
      %parallel_loop3A_603 = arith.index_cast %parallel_loop3A_602 : i32 to index
      %parallel_loop3A_604 = tpu.vector_load %arg4[%parallel_loop3A_603] {strides = array<i32>} : memref<32768xf32, #tpu.memory_space<vmem>>, vector<16xf32>,
      %parallel_loop3A_605 = vector.bitcast %parallel_loop3A_604 : vector<16xf32> to vector<16xi32>
      %parallel_loop3A_606 = arith.constant 31 : i32
      %parallel_loop3A_607 = vector.broadcast %parallel_loop3A_606 : i32 to vector<16xi32>
      %parallel_loop3A_608 = arith.shrsi %parallel_loop3A_605, %parallel_loop3A_607 : vector<16xi32>
      %parallel_loop3A_609 = arith.constant 2147483647 : i32
      %parallel_loop3A_610 = vector.broadcast %parallel_loop3A_609 : i32 to vector<16xi32>
      %parallel_loop3A_611 = arith.andi %parallel_loop3A_608, %parallel_loop3A_610 : vector<16xi32>
      %parallel_loop3A_612 = arith.xori %parallel_loop3A_605, %parallel_loop3A_611 : vector<16xi32>
      %parallel_loop3A_613 = arith.constant 24 : i32
      %parallel_loop3A_614 = vector.broadcast %parallel_loop3A_613 : i32 to vector<16xi32>
      %parallel_loop3A_615 = arith.shrsi %parallel_loop3A_612, %parallel_loop3A_614 : vector<16xi32>
      %parallel_loop3A_616 = arith.constant 128 : i32
      %parallel_loop3A_617 = vector.broadcast %parallel_loop3A_616 : i32 to vector<16xi32>
      %parallel_loop3A_618 = arith.addi %parallel_loop3A_615, %parallel_loop3A_617 : vector<16xi32>
      %parallel_loop3A_619 = arith.addi %mul3A_5, %parallel_loop3A_618 : vector<16xi32>
      tpu.vector_store_idx %arg8[%parallel_loop3A_619], %broadcast_in_dim3A_6 {add = true} : memref<4128xi32, #tpu.memory_space<vmem>>[vector<16xi32>], vector<16xi32>,
    } {sc.loop_unroll_factor = 8 : i64, sc.parallel_access}
    %swap3A_453 = arith.constant 256 : index
    %swap3A_454 = tpu.vector_load %arg9[%swap3A_453] {strides = array<i32>} : memref<272xi32, #tpu.memory_space<vmem>>, vector<16xi32>,
    tpu.vector_store %arg9[%swap3A_453], %broadcast_in_dim3A_8 {strides = array<i32>} : memref<272xi32, #tpu.memory_space<vmem>>, vector<16xi32>,
    %scan3A_455 = arith.constant 0 : i32
    %scan3A_456 = arith.constant 0 : i32
    %scan3A_457 = arith.constant 0 : i32
    %scan3A_458 = arith.constant 16 : i32
    %scan3A_459 = arith.addi %scan3A_457, %scan3A_458 : i32
    %scan3A_460 = arith.constant 1 : i32
    %scan3A_461:2 = scf.for %scan3A_600 = %scan3A_457 to %scan3A_459 step %scan3A_460 iter_args(%scan3A_601 = %scan3A_455, %scan3A_602 = %scan3A_456) -> (i32, i32)  : i32 {
      %sub3A_603 = arith.constant 15 : i32
      %sub3A_604 = arith.subi %sub3A_603, %scan3A_600 : i32
      %mul3A_605 = arith.constant 16 : i32
      %mul3A_606 = arith.muli %sub3A_604, %mul3A_605 : i32
      %add3A_607 = arith.constant 0 : i32
      %add3A_608 = arith.addi %add3A_607, %mul3A_606 : i32
      %get3A = arith.index_cast %add3A_608 : i32 to index
      %get3A_609 = tpu.vector_load %arg8[%get3A] {strides = array<i32>} : memref<4128xi32, #tpu.memory_space<vmem>>, vector<16xi32>,
      %add3A_610 = arith.addi %broadcast_in_dim3A_8, %get3A_609 : vector<16xi32>
      %mul3A_611 = arith.constant 16 : i32
      %mul3A_612 = arith.muli %sub3A_604, %mul3A_611 : i32
      %add3A_613 = arith.constant 0 : i32
      %add3A_614 = arith.addi %add3A_613, %mul3A_612 : i32
      %swap3A_615 = arith.index_cast %add3A_614 : i32 to index
      %swap3A_616 = tpu.vector_load %arg8[%swap3A_615] {strides = array<i32>} : memref<4128xi32, #tpu.memory_space<vmem>>, vector<16xi32>,
      tpu.vector_store %arg8[%swap3A_615], %broadcast_in_dim3A_8 {strides = array<i32>} : memref<4128xi32, #tpu.memory_space<vmem>>, vector<16xi32>,
      %mul3A_617 = arith.constant 16 : i32
      %mul3A_618 = arith.muli %sub3A_604, %mul3A_617 : i32
      %add3A_619 = arith.constant 257 : i32
      %add3A_620 = arith.addi %add3A_619, %mul3A_618 : i32
      %get3A_621 = arith.index_cast %add3A_620 : i32 to index
      %get3A_622 = tpu.vector_load %arg8[%get3A_621] {strides = array<i32>} : memref<4128xi32, #tpu.memory_space<vmem>>, vector<16xi32>,
      %add3A_623 = arith.addi %add3A_610, %get3A_622 : vector<16xi32>
      %mul3A_624 = arith.constant 16 : i32
      %mul3A_625 = arith.muli %sub3A_604, %mul3A_624 : i32
      %add3A_626 = arith.constant 257 : i32
      %add3A_627 = arith.addi %add3A_626, %mul3A_625 : i32
      %swap3A_628 = arith.index_cast %add3A_627 : i32 to index
      %swap3A_629 = tpu.vector_load %arg8[%swap3A_628] {strides = array<i32>} : memref<4128xi32, #tpu.memory_space<vmem>>, vector<16xi32>,
      tpu.vector_store %arg8[%swap3A_628], %broadcast_in_dim3A_8 {strides = array<i32>} : memref<4128xi32, #tpu.memory_space<vmem>>, vector<16xi32>,
      %mul3A_630 = arith.constant 16 : i32
      %mul3A_631 = arith.muli %sub3A_604, %mul3A_630 : i32
      %add3A_632 = arith.constant 514 : i32
      %add3A_633 = arith.addi %add3A_632, %mul3A_631 : i32
      %get3A_634 = arith.index_cast %add3A_633 : i32 to index
      %get3A_635 = tpu.vector_load %arg8[%get3A_634] {strides = array<i32>} : memref<4128xi32, #tpu.memory_space<vmem>>, vector<16xi32>,
      %add3A_636 = arith.addi %add3A_623, %get3A_635 : vector<16xi32>
      %mul3A_637 = arith.constant 16 : i32
      %mul3A_638 = arith.muli %sub3A_604, %mul3A_637 : i32
      %add3A_639 = arith.constant 514 : i32
      %add3A_640 = arith.addi %add3A_639, %mul3A_638 : i32
      %swap3A_641 = arith.index_cast %add3A_640 : i32 to index
      %swap3A_642 = tpu.vector_load %arg8[%swap3A_641] {strides = array<i32>} : memref<4128xi32, #tpu.memory_space<vmem>>, vector<16xi32>,
      tpu.vector_store %arg8[%swap3A_641], %broadcast_in_dim3A_8 {strides = array<i32>} : memref<4128xi32, #tpu.memory_space<vmem>>, vector<16xi32>,
      %mul3A_643 = arith.constant 16 : i32
      %mul3A_644 = arith.muli %sub3A_604, %mul3A_643 : i32
      %add3A_645 = arith.constant 771 : i32
      %add3A_646 = arith.addi %add3A_645, %mul3A_644 : i32
      %get3A_647 = arith.index_cast %add3A_646 : i32 to index
      %get3A_648 = tpu.vector_load %arg8[%get3A_647] {strides = array<i32>} : memref<4128xi32, #tpu.memory_space<vmem>>, vector<16xi32>,
      %add3A_649 = arith.addi %add3A_636, %get3A_648 : vector<16xi32>
      %mul3A_650 = arith.constant 16 : i32
      %mul3A_651 = arith.muli %sub3A_604, %mul3A_650 : i32
      %add3A_652 = arith.constant 771 : i32
      %add3A_653 = arith.addi %add3A_652, %mul3A_651 : i32
      %swap3A_654 = arith.index_cast %add3A_653 : i32 to index
      %swap3A_655 = tpu.vector_load %arg8[%swap3A_654] {strides = array<i32>} : memref<4128xi32, #tpu.memory_space<vmem>>, vector<16xi32>,
      tpu.vector_store %arg8[%swap3A_654], %broadcast_in_dim3A_8 {strides = array<i32>} : memref<4128xi32, #tpu.memory_space<vmem>>, vector<16xi32>,
      %mul3A_656 = arith.constant 16 : i32
      %mul3A_657 = arith.muli %sub3A_604, %mul3A_656 : i32
      %add3A_658 = arith.constant 1028 : i32
      %add3A_659 = arith.addi %add3A_658, %mul3A_657 : i32
      %get3A_660 = arith.index_cast %add3A_659 : i32 to index
      %get3A_661 = tpu.vector_load %arg8[%get3A_660] {strides = array<i32>} : memref<4128xi32, #tpu.memory_space<vmem>>, vector<16xi32>,
      %add3A_662 = arith.addi %add3A_649, %get3A_661 : vector<16xi32>
      %mul3A_663 = arith.constant 16 : i32
      %mul3A_664 = arith.muli %sub3A_604, %mul3A_663 : i32
      %add3A_665 = arith.constant 1028 : i32
      %add3A_666 = arith.addi %add3A_665, %mul3A_664 : i32
      %swap3A_667 = arith.index_cast %add3A_666 : i32 to index
      %swap3A_668 = tpu.vector_load %arg8[%swap3A_667] {strides = array<i32>} : memref<4128xi32, #tpu.memory_space<vmem>>, vector<16xi32>,
      tpu.vector_store %arg8[%swap3A_667], %broadcast_in_dim3A_8 {strides = array<i32>} : memref<4128xi32, #tpu.memory_space<vmem>>, vector<16xi32>,
      %mul3A_669 = arith.constant 16 : i32
      %mul3A_670 = arith.muli %sub3A_604, %mul3A_669 : i32
      %add3A_671 = arith.constant 1285 : i32
      %add3A_672 = arith.addi %add3A_671, %mul3A_670 : i32
      %get3A_673 = arith.index_cast %add3A_672 : i32 to index
      %get3A_674 = tpu.vector_load %arg8[%get3A_673] {strides = array<i32>} : memref<4128xi32, #tpu.memory_space<vmem>>, vector<16xi32>,
      %add3A_675 = arith.addi %add3A_662, %get3A_674 : vector<16xi32>
      %mul3A_676 = arith.constant 16 : i32
      %mul3A_677 = arith.muli %sub3A_604, %mul3A_676 : i32
      %add3A_678 = arith.constant 1285 : i32
      %add3A_679 = arith.addi %add3A_678, %mul3A_677 : i32
      %swap3A_680 = arith.index_cast %add3A_679 : i32 to index
      %swap3A_681 = tpu.vector_load %arg8[%swap3A_680] {strides = array<i32>} : memref<4128xi32, #tpu.memory_space<vmem>>, vector<16xi32>,
      tpu.vector_store %arg8[%swap3A_680], %broadcast_in_dim3A_8 {strides = array<i32>} : memref<4128xi32, #tpu.memory_space<vmem>>, vector<16xi32>,
      %mul3A_682 = arith.constant 16 : i32
      %mul3A_683 = arith.muli %sub3A_604, %mul3A_682 : i32
      %add3A_684 = arith.constant 1542 : i32
      %add3A_685 = arith.addi %add3A_684, %mul3A_683 : i32
      %get3A_686 = arith.index_cast %add3A_685 : i32 to index
      %get3A_687 = tpu.vector_load %arg8[%get3A_686] {strides = array<i32>} : memref<4128xi32, #tpu.memory_space<vmem>>, vector<16xi32>,
      %add3A_688 = arith.addi %add3A_675, %get3A_687 : vector<16xi32>
      %mul3A_689 = arith.constant 16 : i32
      %mul3A_690 = arith.muli %sub3A_604, %mul3A_689 : i32
      %add3A_691 = arith.constant 1542 : i32
      %add3A_692 = arith.addi %add3A_691, %mul3A_690 : i32
      %swap3A_693 = arith.index_cast %add3A_692 : i32 to index
      %swap3A_694 = tpu.vector_load %arg8[%swap3A_693] {strides = array<i32>} : memref<4128xi32, #tpu.memory_space<vmem>>, vector<16xi32>,
      tpu.vector_store %arg8[%swap3A_693], %broadcast_in_dim3A_8 {strides = array<i32>} : memref<4128xi32, #tpu.memory_space<vmem>>, vector<16xi32>,
      %mul3A_695 = arith.constant 16 : i32
      %mul3A_696 = arith.muli %sub3A_604, %mul3A_695 : i32
      %add3A_697 = arith.constant 1799 : i32
      %add3A_698 = arith.addi %add3A_697, %mul3A_696 : i32
      %get3A_699 = arith.index_cast %add3A_698 : i32 to index
      %get3A_700 = tpu.vector_load %arg8[%get3A_699] {strides = array<i32>} : memref<4128xi32, #tpu.memory_space<vmem>>, vector<16xi32>,
      %add3A_701 = arith.addi %add3A_688, %get3A_700 : vector<16xi32>
      %mul3A_702 = arith.constant 16 : i32
      %mul3A_703 = arith.muli %sub3A_604, %mul3A_702 : i32
      %add3A_704 = arith.constant 1799 : i32
      %add3A_705 = arith.addi %add3A_704, %mul3A_703 : i32
      %swap3A_706 = arith.index_cast %add3A_705 : i32 to index
      %swap3A_707 = tpu.vector_load %arg8[%swap3A_706] {strides = array<i32>} : memref<4128xi32, #tpu.memory_space<vmem>>, vector<16xi32>,
      tpu.vector_store %arg8[%swap3A_706], %broadcast_in_dim3A_8 {strides = array<i32>} : memref<4128xi32, #tpu.memory_space<vmem>>, vector<16xi32>,
      %mul3A_708 = arith.constant 16 : i32
      %mul3A_709 = arith.muli %sub3A_604, %mul3A_708 : i32
      %add3A_710 = arith.constant 2056 : i32
      %add3A_711 = arith.addi %add3A_710, %mul3A_709 : i32
      %get3A_712 = arith.index_cast %add3A_711 : i32 to index
      %get3A_713 = tpu.vector_load %arg8[%get3A_712] {strides = array<i32>} : memref<4128xi32, #tpu.memory_space<vmem>>, vector<16xi32>,
      %add3A_714 = arith.addi %add3A_701, %get3A_713 : vector<16xi32>
      %mul3A_715 = arith.constant 16 : i32
      %mul3A_716 = arith.muli %sub3A_604, %mul3A_715 : i32
      %add3A_717 = arith.constant 2056 : i32
      %add3A_718 = arith.addi %add3A_717, %mul3A_716 : i32
      %swap3A_719 = arith.index_cast %add3A_718 : i32 to index
      %swap3A_720 = tpu.vector_load %arg8[%swap3A_719] {strides = array<i32>} : memref<4128xi32, #tpu.memory_space<vmem>>, vector<16xi32>,
      tpu.vector_store %arg8[%swap3A_719], %broadcast_in_dim3A_8 {strides = array<i32>} : memref<4128xi32, #tpu.memory_space<vmem>>, vector<16xi32>,
      %mul3A_721 = arith.constant 16 : i32
      %mul3A_722 = arith.muli %sub3A_604, %mul3A_721 : i32
      %add3A_723 = arith.constant 2313 : i32
      %add3A_724 = arith.addi %add3A_723, %mul3A_722 : i32
      %get3A_725 = arith.index_cast %add3A_724 : i32 to index
      %get3A_726 = tpu.vector_load %arg8[%get3A_725] {strides = array<i32>} : memref<4128xi32, #tpu.memory_space<vmem>>, vector<16xi32>,
      %add3A_727 = arith.addi %add3A_714, %get3A_726 : vector<16xi32>
      %mul3A_728 = arith.constant 16 : i32
      %mul3A_729 = arith.muli %sub3A_604, %mul3A_728 : i32
      %add3A_730 = arith.constant 2313 : i32
      %add3A_731 = arith.addi %add3A_730, %mul3A_729 : i32
      %swap3A_732 = arith.index_cast %add3A_731 : i32 to index
      %swap3A_733 = tpu.vector_load %arg8[%swap3A_732] {strides = array<i32>} : memref<4128xi32, #tpu.memory_space<vmem>>, vector<16xi32>,
      tpu.vector_store %arg8[%swap3A_732], %broadcast_in_dim3A_8 {strides = array<i32>} : memref<4128xi32, #tpu.memory_space<vmem>>, vector<16xi32>,
      %mul3A_734 = arith.constant 16 : i32
      %mul3A_735 = arith.muli %sub3A_604, %mul3A_734 : i32
      %add3A_736 = arith.constant 2570 : i32
      %add3A_737 = arith.addi %add3A_736, %mul3A_735 : i32
      %get3A_738 = arith.index_cast %add3A_737 : i32 to index
      %get3A_739 = tpu.vector_load %arg8[%get3A_738] {strides = array<i32>} : memref<4128xi32, #tpu.memory_space<vmem>>, vector<16xi32>,
      %add3A_740 = arith.addi %add3A_727, %get3A_739 : vector<16xi32>
      %mul3A_741 = arith.constant 16 : i32
      %mul3A_742 = arith.muli %sub3A_604, %mul3A_741 : i32
      %add3A_743 = arith.constant 2570 : i32
      %add3A_744 = arith.addi %add3A_743, %mul3A_742 : i32
      %swap3A_745 = arith.index_cast %add3A_744 : i32 to index
      %swap3A_746 = tpu.vector_load %arg8[%swap3A_745] {strides = array<i32>} : memref<4128xi32, #tpu.memory_space<vmem>>, vector<16xi32>,
      tpu.vector_store %arg8[%swap3A_745], %broadcast_in_dim3A_8 {strides = array<i32>} : memref<4128xi32, #tpu.memory_space<vmem>>, vector<16xi32>,
      %mul3A_747 = arith.constant 16 : i32
      %mul3A_748 = arith.muli %sub3A_604, %mul3A_747 : i32
      %add3A_749 = arith.constant 2827 : i32
      %add3A_750 = arith.addi %add3A_749, %mul3A_748 : i32
      %get3A_751 = arith.index_cast %add3A_750 : i32 to index
      %get3A_752 = tpu.vector_load %arg8[%get3A_751] {strides = array<i32>} : memref<4128xi32, #tpu.memory_space<vmem>>, vector<16xi32>,
      %add3A_753 = arith.addi %add3A_740, %get3A_752 : vector<16xi32>
      %mul3A_754 = arith.constant 16 : i32
      %mul3A_755 = arith.muli %sub3A_604, %mul3A_754 : i32
      %add3A_756 = arith.constant 2827 : i32
      %add3A_757 = arith.addi %add3A_756, %mul3A_755 : i32
      %swap3A_758 = arith.index_cast %add3A_757 : i32 to index
      %swap3A_759 = tpu.vector_load %arg8[%swap3A_758] {strides = array<i32>} : memref<4128xi32, #tpu.memory_space<vmem>>, vector<16xi32>,
      tpu.vector_store %arg8[%swap3A_758], %broadcast_in_dim3A_8 {strides = array<i32>} : memref<4128xi32, #tpu.memory_space<vmem>>, vector<16xi32>,
      %mul3A_760 = arith.constant 16 : i32
      %mul3A_761 = arith.muli %sub3A_604, %mul3A_760 : i32
      %add3A_762 = arith.constant 3084 : i32
      %add3A_763 = arith.addi %add3A_762, %mul3A_761 : i32
      %get3A_764 = arith.index_cast %add3A_763 : i32 to index
      %get3A_765 = tpu.vector_load %arg8[%get3A_764] {strides = array<i32>} : memref<4128xi32, #tpu.memory_space<vmem>>, vector<16xi32>,
      %add3A_766 = arith.addi %add3A_753, %get3A_765 : vector<16xi32>
      %mul3A_767 = arith.constant 16 : i32
      %mul3A_768 = arith.muli %sub3A_604, %mul3A_767 : i32
      %add3A_769 = arith.constant 3084 : i32
      %add3A_770 = arith.addi %add3A_769, %mul3A_768 : i32
      %swap3A_771 = arith.index_cast %add3A_770 : i32 to index
      %swap3A_772 = tpu.vector_load %arg8[%swap3A_771] {strides = array<i32>} : memref<4128xi32, #tpu.memory_space<vmem>>, vector<16xi32>,
      tpu.vector_store %arg8[%swap3A_771], %broadcast_in_dim3A_8 {strides = array<i32>} : memref<4128xi32, #tpu.memory_space<vmem>>, vector<16xi32>,
      %mul3A_773 = arith.constant 16 : i32
      %mul3A_774 = arith.muli %sub3A_604, %mul3A_773 : i32
      %add3A_775 = arith.constant 3341 : i32
      %add3A_776 = arith.addi %add3A_775, %mul3A_774 : i32
      %get3A_777 = arith.index_cast %add3A_776 : i32 to index
      %get3A_778 = tpu.vector_load %arg8[%get3A_777] {strides = array<i32>} : memref<4128xi32, #tpu.memory_space<vmem>>, vector<16xi32>,
      %add3A_779 = arith.addi %add3A_766, %get3A_778 : vector<16xi32>
      %mul3A_780 = arith.constant 16 : i32
      %mul3A_781 = arith.muli %sub3A_604, %mul3A_780 : i32
      %add3A_782 = arith.constant 3341 : i32
      %add3A_783 = arith.addi %add3A_782, %mul3A_781 : i32
      %swap3A_784 = arith.index_cast %add3A_783 : i32 to index
      %swap3A_785 = tpu.vector_load %arg8[%swap3A_784] {strides = array<i32>} : memref<4128xi32, #tpu.memory_space<vmem>>, vector<16xi32>,
      tpu.vector_store %arg8[%swap3A_784], %broadcast_in_dim3A_8 {strides = array<i32>} : memref<4128xi32, #tpu.memory_space<vmem>>, vector<16xi32>,
      %mul3A_786 = arith.constant 16 : i32
      %mul3A_787 = arith.muli %sub3A_604, %mul3A_786 : i32
      %add3A_788 = arith.constant 3598 : i32
      %add3A_789 = arith.addi %add3A_788, %mul3A_787 : i32
      %get3A_790 = arith.index_cast %add3A_789 : i32 to index
      %get3A_791 = tpu.vector_load %arg8[%get3A_790] {strides = array<i32>} : memref<4128xi32, #tpu.memory_space<vmem>>, vector<16xi32>,
      %add3A_792 = arith.addi %add3A_779, %get3A_791 : vector<16xi32>
      %mul3A_793 = arith.constant 16 : i32
      %mul3A_794 = arith.muli %sub3A_604, %mul3A_793 : i32
      %add3A_795 = arith.constant 3598 : i32
      %add3A_796 = arith.addi %add3A_795, %mul3A_794 : i32
      %swap3A_797 = arith.index_cast %add3A_796 : i32 to index
      %swap3A_798 = tpu.vector_load %arg8[%swap3A_797] {strides = array<i32>} : memref<4128xi32, #tpu.memory_space<vmem>>, vector<16xi32>,
      tpu.vector_store %arg8[%swap3A_797], %broadcast_in_dim3A_8 {strides = array<i32>} : memref<4128xi32, #tpu.memory_space<vmem>>, vector<16xi32>,
      %mul3A_799 = arith.constant 16 : i32
      %mul3A_800 = arith.muli %sub3A_604, %mul3A_799 : i32
      %add3A_801 = arith.constant 3855 : i32
      %add3A_802 = arith.addi %add3A_801, %mul3A_800 : i32
      %get3A_803 = arith.index_cast %add3A_802 : i32 to index
      %get3A_804 = tpu.vector_load %arg8[%get3A_803] {strides = array<i32>} : memref<4128xi32, #tpu.memory_space<vmem>>, vector<16xi32>,
      %add3A_805 = arith.addi %add3A_792, %get3A_804 : vector<16xi32>
      %mul3A_806 = arith.constant 16 : i32
      %mul3A_807 = arith.muli %sub3A_604, %mul3A_806 : i32
      %add3A_808 = arith.constant 3855 : i32
      %add3A_809 = arith.addi %add3A_808, %mul3A_807 : i32
      %swap3A_810 = arith.index_cast %add3A_809 : i32 to index
      %swap3A_811 = tpu.vector_load %arg8[%swap3A_810] {strides = array<i32>} : memref<4128xi32, #tpu.memory_space<vmem>>, vector<16xi32>,
      tpu.vector_store %arg8[%swap3A_810], %broadcast_in_dim3A_8 {strides = array<i32>} : memref<4128xi32, #tpu.memory_space<vmem>>, vector<16xi32>,
      %rev3A = arith.constant 15 : i32
      %rev3A_812 = vector.broadcast %rev3A : i32 to vector<16xi32>
      %rev3A_813 = tpu.iota {dimensions = array<i32: 0>} : vector<16xi32>
      %rev3A_814 = arith.subi %rev3A_812, %rev3A_813 : vector<16xi32>
      %rev3A_815 = tpu.dynamic_gather %add3A_805[%rev3A_814] in [0] : vector<16xi32>, vector<16xi32> -> vector<16xi32>
      %cumsum3A = arith.constant true
      %cumsum3A_816 = vector.broadcast %cumsum3A : i1 to vector<16xi1>
      %cumsum3A_817 = tpu.scan <sum>, %rev3A_815 masked %cumsum3A_816 : vector<16xi32>, vector<16xi1> -> vector<16xi32>
      %rev3A_818 = arith.constant 15 : i32
      %rev3A_819 = vector.broadcast %rev3A_818 : i32 to vector<16xi32>
      %rev3A_820 = tpu.iota {dimensions = array<i32: 0>} : vector<16xi32>
      %rev3A_821 = arith.subi %rev3A_819, %rev3A_820 : vector<16xi32>
      %rev3A_822 = tpu.dynamic_gather %cumsum3A_817[%rev3A_821] in [0] : vector<16xi32>, vector<16xi32> -> vector<16xi32>
      %add3A_823 = vector.broadcast %scan3A_601 : i32 to vector<16xi32>
      %add3A_824 = arith.addi %rev3A_822, %add3A_823 : vector<16xi32>
      %mul3A_825 = arith.constant 16 : i32
      %mul3A_826 = arith.muli %sub3A_604, %mul3A_825 : i32
      %swap3A_827 = arith.index_cast %mul3A_826 : i32 to index
      %swap3A_828 = tpu.vector_load %arg9[%swap3A_827] {strides = array<i32>} : memref<272xi32, #tpu.memory_space<vmem>>, vector<16xi32>,
      tpu.vector_store %arg9[%swap3A_827], %add3A_824 {strides = array<i32>} : memref<272xi32, #tpu.memory_space<vmem>>, vector<16xi32>,
      %ge3A = arith.constant 64 : i32
      %ge3A_829 = vector.broadcast %ge3A : i32 to vector<16xi32>
      %ge3A_830 = arith.cmpi sge, %add3A_824, %ge3A_829 : vector<16xi32>
      %all_reduce_population_count3A = tpu.all_reduce %ge3A_830 {dim = 0 : i64, kind = #tpu.reduction_kind<sum>} : vector<16xi1> -> vector<16xi32>
      %reduce_max3A_831 = arith.constant true
      %reduce_max3A_832 = vector.broadcast %reduce_max3A_831 : i1 to vector<16xi1>
      %reduce_max3A_833 = arith.constant -2147483648 : i32
      %reduce_max3A_834 = vector.broadcast %reduce_max3A_833 : i32 to vector<16xi32>
      %reduce_max3A_835 = arith.xori %all_reduce_population_count3A, %reduce_max3A_834 : vector<16xi32>
      %reduce_max3A_836 = tpu.scan <max>, %reduce_max3A_835 masked %reduce_max3A_832 : vector<16xi32>, vector<16xi1> -> vector<16xi32>
      %reduce_max3A_837 = arith.xori %reduce_max3A_836, %reduce_max3A_834 : vector<16xi32>
      %reduce_max3A_838 = vector.extract %reduce_max3A_837[15] : i32 from vector<16xi32>
      %add3A_839 = arith.addi %scan3A_602, %reduce_max3A_838 : i32
      %reduce_max3A_840 = arith.constant true
      %reduce_max3A_841 = vector.broadcast %reduce_max3A_840 : i1 to vector<16xi1>
      %reduce_max3A_842 = arith.constant -2147483648 : i32
      %reduce_max3A_843 = vector.broadcast %reduce_max3A_842 : i32 to vector<16xi32>
      %reduce_max3A_844 = arith.xori %add3A_824, %reduce_max3A_843 : vector<16xi32>
      %reduce_max3A_845 = tpu.scan <max>, %reduce_max3A_844 masked %reduce_max3A_841 : vector<16xi32>, vector<16xi1> -> vector<16xi32>
      %reduce_max3A_846 = arith.xori %reduce_max3A_845, %reduce_max3A_843 : vector<16xi32>
      %reduce_max3A_847 = vector.extract %reduce_max3A_846[15] : i32 from vector<16xi32>
      scf.yield %reduce_max3A_847, %add3A_839 : i32, i32
    }
    %scan3A_462 = arith.constant 16 : i32
    %sub3A_463 = arith.constant 1 : i32
    %sub3A_464 = arith.subi %scan3A_461#1, %sub3A_463 : i32
    %add3A_465 = arith.constant 1 : i32
    %add3A_466 = arith.addi %sub3A_464, %add3A_465 : i32
    %broadcast_in_dim3A_467 = vector.broadcast %add3A_466 : i32 to vector<16xi32>
    %gather3A_468 = tpu.vector_load_idx %arg9[%broadcast_in_dim3A_467] : memref<272xi32, #tpu.memory_space<vmem>>[vector<16xi32>], vector<16xi32>,
    %reduce_max3A_469 = arith.constant true
    %reduce_max3A_470 = vector.broadcast %reduce_max3A_469 : i1 to vector<16xi1>
    %reduce_max3A_471 = arith.constant -2147483648 : i32
    %reduce_max3A_472 = vector.broadcast %reduce_max3A_471 : i32 to vector<16xi32>
    %reduce_max3A_473 = arith.xori %gather3A_468, %reduce_max3A_472 : vector<16xi32>
    %reduce_max3A_474 = tpu.scan <max>, %reduce_max3A_473 masked %reduce_max3A_470 : vector<16xi32>, vector<16xi1> -> vector<16xi32>
    %reduce_max3A_475 = arith.xori %reduce_max3A_474, %reduce_max3A_472 : vector<16xi32>
    %reduce_max3A_476 = vector.extract %reduce_max3A_475[15] : i32 from vector<16xi32>
    %sub3A_477 = arith.constant 64 : i32
    %sub3A_478 = arith.subi %sub3A_477, %reduce_max3A_476 : i32
    %sub3A_479 = arith.constant 128 : i32
    %sub3A_480 = arith.subi %sub3A_464, %sub3A_479 : i32
    %shift_left3A_481 = arith.constant 24 : i32
    %shift_left3A_482 = arith.shli %sub3A_480, %shift_left3A_481 : i32
    %broadcast_in_dim3A_483 = vector.broadcast %shift_left3A_482 : i32 to vector<16xi32>
    %lt3A_484 = arith.constant 0 : i32
    %lt3A_485 = vector.broadcast %lt3A_484 : i32 to vector<16xi32>
    %lt3A_486 = arith.cmpi slt, %broadcast_in_dim3A_483, %lt3A_485 : vector<16xi32>
    %xor3A_487 = arith.constant 2147483647 : i32
    %xor3A_488 = vector.broadcast %xor3A_487 : i32 to vector<16xi32>
    %xor3A_489 = arith.xori %broadcast_in_dim3A_483, %xor3A_488 : vector<16xi32>
    %select_n3A_490 = arith.select %lt3A_486, %xor3A_489, %broadcast_in_dim3A_483 : vector<16xi1>, vector<16xi32>
    %bitcast3A_491 = vector.bitcast %select_n3A_490 : vector<16xi32> to vector<16xf32>
    %eq3A_492 = arith.constant 255 : i32
    %eq3A_493 = arith.cmpi eq, %sub3A_464, %eq3A_492 : i32
    %sub3A_494 = arith.constant 127 : i32
    %sub3A_495 = arith.subi %sub3A_464, %sub3A_494 : i32
    %shift_left3A_496 = arith.constant 24 : i32
    %shift_left3A_497 = arith.shli %sub3A_495, %shift_left3A_496 : i32
    %broadcast_in_dim3A_498 = vector.broadcast %shift_left3A_497 : i32 to vector<16xi32>
    %lt3A_499 = arith.constant 0 : i32
    %lt3A_500 = vector.broadcast %lt3A_499 : i32 to vector<16xi32>
    %lt3A_501 = arith.cmpi slt, %broadcast_in_dim3A_498, %lt3A_500 : vector<16xi32>
    %xor3A_502 = arith.constant 2147483647 : i32
    %xor3A_503 = vector.broadcast %xor3A_502 : i32 to vector<16xi32>
    %xor3A_504 = arith.xori %broadcast_in_dim3A_498, %xor3A_503 : vector<16xi32>
    %select_n3A_505 = arith.select %lt3A_501, %xor3A_504, %broadcast_in_dim3A_498 : vector<16xi1>, vector<16xi32>
    %bitcast3A_506 = vector.bitcast %select_n3A_505 : vector<16xi32> to vector<16xf32>
    %jit3A_507 = arith.constant 0x7F800000 : f32
    %broadcast_in_dim3A_508 = vector.broadcast %jit3A_507 : f32 to vector<16xf32>
    %select_n3A_509 = arith.select %eq3A_493, %broadcast_in_dim3A_508, %bitcast3A_506 : vector<16xf32>
    %broadcast_in_dim3A_510 = arith.constant -2147483648 : i32
    %broadcast_in_dim3A_511 = vector.broadcast %broadcast_in_dim3A_510 : i32 to vector<16xi32>
    %parallel_loop3A_512 = arith.constant 0 : i32
    %parallel_loop3A_513 = arith.constant 256 : i32
    %parallel_loop3A_514 = arith.constant 1 : i32
    scf.for %parallel_loop3A_600 = %parallel_loop3A_512 to %parallel_loop3A_513 step %parallel_loop3A_514  : i32 {
      %parallel_loop3A_601 = arith.constant 16 : i32
      %parallel_loop3A_602 = arith.muli %parallel_loop3A_600, %parallel_loop3A_601 : i32
      %parallel_loop3A_603 = arith.index_cast %parallel_loop3A_602 : i32 to index
      %parallel_loop3A_604 = tpu.vector_load %arg7[%parallel_loop3A_603] {strides = array<i32>} : memref<4096xi32, #tpu.memory_space<vmem>>, vector<16xi32>,
      tpu.vector_store %arg7[%parallel_loop3A_603], %broadcast_in_dim3A_511 {strides = array<i32>} : memref<4096xi32, #tpu.memory_space<vmem>>, vector<16xi32>,
    } {sc.loop_unroll_factor = 8 : i64, sc.parallel_access}
    %sub3A_515 = arith.constant 1 : i32
    %sub3A_516 = vector.broadcast %sub3A_515 : i32 to vector<16xi32>
    %sub3A_517 = arith.subi %broadcast_in_dim3A_8, %sub3A_516 : vector<16xi32>
    %sub3A_518 = arith.constant 1 : i32
    %sub3A_519 = vector.broadcast %sub3A_518 : i32 to vector<16xi32>
    %sub3A_520 = arith.subi %broadcast_in_dim3A_8, %sub3A_519 : vector<16xi32>
    %parallel_loop3A_521 = arith.constant 0 : i32
    %parallel_loop3A_522 = arith.constant 1024 : i32
    %parallel_loop3A_523 = arith.constant 1 : i32
    %parallel_loop3A_524:2 = scf.for %parallel_loop3A_600 = %parallel_loop3A_521 to %parallel_loop3A_522 step %parallel_loop3A_523 iter_args(%parallel_loop3A_601 = %sub3A_517, %parallel_loop3A_602 = %sub3A_520) -> (vector<16xi32>, vector<16xi32>)  : i32 {
      %parallel_loop3A_603 = arith.constant 2 : i32
      %parallel_loop3A_604 = arith.muli %parallel_loop3A_603, %parallel_loop3A_600 : i32
      %parallel_loop3A_605 = arith.constant 16 : i32
      %parallel_loop3A_606 = arith.muli %parallel_loop3A_604, %parallel_loop3A_605 : i32
      %parallel_loop3A_607 = arith.index_cast %parallel_loop3A_606 : i32 to index
      %parallel_loop3A_608 = tpu.vector_load %arg4[%parallel_loop3A_607] {strides = array<i32>} : memref<32768xf32, #tpu.memory_space<vmem>>, vector<16xf32>,
      %parallel_loop3A_609 = arith.constant 2 : i32
      %parallel_loop3A_610 = arith.muli %parallel_loop3A_609, %parallel_loop3A_600 : i32
      %parallel_loop3A_611 = arith.constant 1 : i32
      %parallel_loop3A_612 = arith.addi %parallel_loop3A_610, %parallel_loop3A_611 : i32
      %parallel_loop3A_613 = arith.constant 16 : i32
      %parallel_loop3A_614 = arith.muli %parallel_loop3A_612, %parallel_loop3A_613 : i32
      %parallel_loop3A_615 = arith.index_cast %parallel_loop3A_614 : i32 to index
      %parallel_loop3A_616 = tpu.vector_load %arg4[%parallel_loop3A_615] {strides = array<i32>} : memref<32768xf32, #tpu.memory_space<vmem>>, vector<16xf32>,
      %parallel_loop3A_617 = arith.cmpf oge, %parallel_loop3A_608, %bitcast3A_491 : vector<16xf32>
      %parallel_loop3A_618 = arith.cmpf olt, %parallel_loop3A_608, %select_n3A_509 : vector<16xf32>
      %parallel_loop3A_619 = arith.andi %parallel_loop3A_617, %parallel_loop3A_618 : vector<16xi1>
      %parallel_loop3A_620 = arith.cmpf oge, %parallel_loop3A_616, %bitcast3A_491 : vector<16xf32>
      %parallel_loop3A_621 = arith.cmpf olt, %parallel_loop3A_616, %select_n3A_509 : vector<16xf32>
      %parallel_loop3A_622 = arith.andi %parallel_loop3A_620, %parallel_loop3A_621 : vector<16xi1>
      %parallel_loop3A_623 = tpu.scan <sum>, %broadcast_in_dim3A_6 masked %parallel_loop3A_619 : vector<16xi32>, vector<16xi1> -> vector<16xi32>
      %parallel_loop3A_624 = arith.addi %parallel_loop3A_601, %parallel_loop3A_623 : vector<16xi32>
      %parallel_loop3A_625 = arith.constant 2047 : i32
      %parallel_loop3A_626 = vector.broadcast %parallel_loop3A_625 : i32 to vector<16xi32>
      %parallel_loop3A_627 = arith.minsi %parallel_loop3A_624, %parallel_loop3A_626 : vector<16xi32>
      %parallel_loop3A_628 = tpu.scan <sum>, %broadcast_in_dim3A_6 masked %parallel_loop3A_622 : vector<16xi32>, vector<16xi1> -> vector<16xi32>
      %parallel_loop3A_629 = arith.addi %parallel_loop3A_602, %parallel_loop3A_628 : vector<16xi32>
      %parallel_loop3A_630 = arith.constant 2047 : i32
      %parallel_loop3A_631 = vector.broadcast %parallel_loop3A_630 : i32 to vector<16xi32>
      %parallel_loop3A_632 = arith.minsi %parallel_loop3A_629, %parallel_loop3A_631 : vector<16xi32>
      %parallel_loop3A_633 = arith.constant 2048 : i32
      %parallel_loop3A_634 = vector.broadcast %parallel_loop3A_633 : i32 to vector<16xi32>
      %parallel_loop3A_635 = arith.addi %parallel_loop3A_632, %parallel_loop3A_634 : vector<16xi32>
      %parallel_loop3A_636 = vector.bitcast %parallel_loop3A_608 : vector<16xf32> to vector<16xi32>
      tpu.vector_store_idx %arg7[%parallel_loop3A_627], %parallel_loop3A_636 masked %parallel_loop3A_619 : memref<4096xi32, #tpu.memory_space<vmem>>[vector<16xi32>], vector<16xi32>, vector<16xi1>
      %parallel_loop3A_637 = vector.bitcast %parallel_loop3A_616 : vector<16xf32> to vector<16xi32>
      tpu.vector_store_idx %arg7[%parallel_loop3A_635], %parallel_loop3A_637 masked %parallel_loop3A_622 : memref<4096xi32, #tpu.memory_space<vmem>>[vector<16xi32>], vector<16xi32>, vector<16xi1>
      %parallel_loop3A_638 = tpu.all_reduce %parallel_loop3A_619 {dim = 0 : i64, kind = #tpu.reduction_kind<sum>} : vector<16xi1> -> vector<16xi32>
      %parallel_loop3A_639 = arith.addi %parallel_loop3A_601, %parallel_loop3A_638 : vector<16xi32>
      %parallel_loop3A_640 = tpu.all_reduce %parallel_loop3A_622 {dim = 0 : i64, kind = #tpu.reduction_kind<sum>} : vector<16xi1> -> vector<16xi32>
      %parallel_loop3A_641 = arith.addi %parallel_loop3A_602, %parallel_loop3A_640 : vector<16xi32>
      scf.yield %parallel_loop3A_639, %parallel_loop3A_641 : vector<16xi32>, vector<16xi32>
    } {sc.loop_unroll_factor = 4 : i64, sc.parallel_access}
    %reduce_max3A_525 = arith.constant true
    %reduce_max3A_526 = vector.broadcast %reduce_max3A_525 : i1 to vector<16xi1>
    %reduce_max3A_527 = arith.constant -2147483648 : i32
    %reduce_max3A_528 = vector.broadcast %reduce_max3A_527 : i32 to vector<16xi32>
    %reduce_max3A_529 = arith.xori %parallel_loop3A_524#0, %reduce_max3A_528 : vector<16xi32>
    %reduce_max3A_530 = tpu.scan <max>, %reduce_max3A_529 masked %reduce_max3A_526 : vector<16xi32>, vector<16xi1> -> vector<16xi32>
    %reduce_max3A_531 = arith.xori %reduce_max3A_530, %reduce_max3A_528 : vector<16xi32>
    %reduce_max3A_532 = vector.extract %reduce_max3A_531[15] : i32 from vector<16xi32>
    %add3A_533 = arith.constant 1 : i32
    %add3A_534 = arith.addi %reduce_max3A_532, %add3A_533 : i32
    %reduce_max3A_535 = arith.constant true
    %reduce_max3A_536 = vector.broadcast %reduce_max3A_535 : i1 to vector<16xi1>
    %reduce_max3A_537 = arith.constant -2147483648 : i32
    %reduce_max3A_538 = vector.broadcast %reduce_max3A_537 : i32 to vector<16xi32>
    %reduce_max3A_539 = arith.xori %parallel_loop3A_524#1, %reduce_max3A_538 : vector<16xi32>
    %reduce_max3A_540 = tpu.scan <max>, %reduce_max3A_539 masked %reduce_max3A_536 : vector<16xi32>, vector<16xi1> -> vector<16xi32>
    %reduce_max3A_541 = arith.xori %reduce_max3A_540, %reduce_max3A_538 : vector<16xi32>
    %reduce_max3A_542 = vector.extract %reduce_max3A_541[15] : i32 from vector<16xi32>
    %add3A_543 = arith.constant 1 : i32
    %add3A_544 = arith.addi %reduce_max3A_542, %add3A_543 : i32
    %gt3A_545 = arith.constant 2048 : i32
    %gt3A_546 = arith.cmpi sgt, %add3A_534, %gt3A_545 : i32
    %gt3A_547 = arith.constant 2048 : i32
    %gt3A_548 = arith.cmpi sgt, %add3A_544, %gt3A_547 : i32
    %or3A_549 = arith.ori %gt3A_546, %gt3A_548 : i1
    %le3A_550 = arith.constant 128 : i32
    %le3A_551 = arith.cmpi sle, %sub3A_464, %le3A_550 : i32
    %or3A_552 = arith.ori %or3A_549, %le3A_551 : i1
    %sub3A_553 = arith.constant 128 : i32
    %sub3A_554 = arith.subi %sub3A_464, %sub3A_553 : i32
    %shift_left3A_555 = arith.constant 24 : i32
    %shift_left3A_556 = arith.shli %sub3A_554, %shift_left3A_555 : i32
    %broadcast_in_dim3A_557 = vector.broadcast %shift_left3A_556 : i32 to vector<16xi32>
    %convert_element_type3A_558 = arith.extui %or3A_552 : i1 to i32
    %cond3A_559 = arith.constant 0 : i32
    %cond3A_560 = arith.constant 0 : i32
    %cond3A_561 = arith.cmpi ne, %convert_element_type3A_558, %cond3A_560 : i32
    %cond3A_562 = scf.if %cond3A_561 -> (vector<16xi32>) {
      %broadcast_in_dim3A_600 = arith.constant 64 : i32
      %broadcast_in_dim3A_601 = vector.broadcast %broadcast_in_dim3A_600 : i32 to vector<16xi32>
      %scan3A_602 = arith.constant 0 : i32
      %scan3A_603 = arith.constant 24 : i32
      %scan3A_604 = arith.addi %scan3A_602, %scan3A_603 : i32
      %scan3A_605 = arith.constant 1 : i32
      %scan3A_606 = scf.for %scan3A_608 = %scan3A_602 to %scan3A_604 step %scan3A_605 iter_args(%scan3A_609 = %broadcast_in_dim3A_557) -> (vector<16xi32>)  : i32 {
        %sub3A_610 = arith.constant 23 : i32
        %sub3A_611 = arith.subi %sub3A_610, %scan3A_608 : i32
        %shift_left3A_612 = arith.constant 1 : i32
        %shift_left3A_613 = arith.shli %shift_left3A_612, %sub3A_611 : i32
        %or3A_614 = vector.broadcast %shift_left3A_613 : i32 to vector<16xi32>
        %or3A_615 = arith.ori %scan3A_609, %or3A_614 : vector<16xi32>
        %parallel_loop3A_616 = arith.constant 0 : i32
        %parallel_loop3A_617 = arith.constant 2048 : i32
        %parallel_loop3A_618 = arith.constant 1 : i32
        %parallel_loop3A_619 = scf.for %parallel_loop3A_621 = %parallel_loop3A_616 to %parallel_loop3A_617 step %parallel_loop3A_618 iter_args(%parallel_loop3A_622 = %broadcast_in_dim3A_8) -> (vector<16xi32>)  : i32 {
          %parallel_loop3A_623 = arith.constant 16 : i32
          %parallel_loop3A_624 = arith.muli %parallel_loop3A_621, %parallel_loop3A_623 : i32
          %parallel_loop3A_625 = arith.index_cast %parallel_loop3A_624 : i32 to index
          %parallel_loop3A_626 = tpu.vector_load %arg4[%parallel_loop3A_625] {strides = array<i32>} : memref<32768xf32, #tpu.memory_space<vmem>>, vector<16xf32>,
          %parallel_loop3A_627 = vector.bitcast %parallel_loop3A_626 : vector<16xf32> to vector<16xi32>
          %parallel_loop3A_628 = arith.constant 31 : i32
          %parallel_loop3A_629 = vector.broadcast %parallel_loop3A_628 : i32 to vector<16xi32>
          %parallel_loop3A_630 = arith.shrsi %parallel_loop3A_627, %parallel_loop3A_629 : vector<16xi32>
          %parallel_loop3A_631 = arith.constant 2147483647 : i32
          %parallel_loop3A_632 = vector.broadcast %parallel_loop3A_631 : i32 to vector<16xi32>
          %parallel_loop3A_633 = arith.andi %parallel_loop3A_630, %parallel_loop3A_632 : vector<16xi32>
          %parallel_loop3A_634 = arith.xori %parallel_loop3A_627, %parallel_loop3A_633 : vector<16xi32>
          %parallel_loop3A_635 = arith.cmpi sge, %parallel_loop3A_634, %or3A_615 : vector<16xi32>
          %parallel_loop3A_636 = tpu.all_reduce %parallel_loop3A_635 {dim = 0 : i64, kind = #tpu.reduction_kind<sum>} : vector<16xi1> -> vector<16xi32>
          %parallel_loop3A_637 = arith.addi %parallel_loop3A_622, %parallel_loop3A_636 : vector<16xi32>
          scf.yield %parallel_loop3A_637 : vector<16xi32>
        } {sc.loop_unroll_factor = 4 : i64, sc.parallel_access}
        %ge3A = arith.cmpi sge, %parallel_loop3A_619, %broadcast_in_dim3A_601 : vector<16xi32>
        %select_n3A_620 = arith.select %ge3A, %or3A_615, %scan3A_609 : vector<16xi1>, vector<16xi32>
        scf.yield %select_n3A_620 : vector<16xi32>
      }
      %scan3A_607 = arith.constant 24 : i32
      scf.yield %scan3A_606 : vector<16xi32>
    } else {
      %max3A = arith.maxsi %add3A_534, %add3A_544 : i32
      %add3A_600 = arith.constant 15 : i32
      %add3A_601 = arith.addi %max3A, %add3A_600 : i32
      %jit3A_602 = arith.constant 16 : i32
      %div3A = arith.divsi %add3A_601, %jit3A_602 : i32
      %sign3A = arith.constant 0 : i32
      %sign3A_603 = arith.cmpi sgt, %add3A_601, %sign3A : i32
      %sign3A_604 = arith.extui %sign3A_603 : i1 to i32
      %sign3A_605 = arith.constant 0 : i32
      %sign3A_606 = arith.cmpi slt, %add3A_601, %sign3A_605 : i32
      %sign3A_607 = arith.extui %sign3A_606 : i1 to i32
      %sign3A_608 = arith.subi %sign3A_604, %sign3A_607 : i32
      %sign3A_609 = arith.constant 0 : i32
      %sign3A_610 = arith.cmpi sgt, %jit3A_602, %sign3A_609 : i32
      %sign3A_611 = arith.extui %sign3A_610 : i1 to i32
      %sign3A_612 = arith.constant 0 : i32
      %sign3A_613 = arith.cmpi slt, %jit3A_602, %sign3A_612 : i32
      %sign3A_614 = arith.extui %sign3A_613 : i1 to i32
      %sign3A_615 = arith.subi %sign3A_611, %sign3A_614 : i32
      %ne3A = arith.cmpi ne, %sign3A_608, %sign3A_615 : i32
      %rem3A = arith.remsi %add3A_601, %jit3A_602 : i32
      %ne3A_616 = arith.constant 0 : i32
      %ne3A_617 = arith.cmpi ne, %rem3A, %ne3A_616 : i32
      %and3A = arith.andi %ne3A, %ne3A_617 : i1
      %sub3A_618 = arith.constant 1 : i32
      %sub3A_619 = arith.subi %div3A, %sub3A_618 : i32
      %select_n3A_620 = arith.select %and3A, %sub3A_619, %div3A : i32
      %broadcast_in_dim3A_621 = vector.broadcast %sub3A_478 : i32 to vector<16xi32>
      %scan3A_622 = arith.constant 0 : i32
      %scan3A_623 = arith.constant 24 : i32
      %scan3A_624 = arith.addi %scan3A_622, %scan3A_623 : i32
      %scan3A_625 = arith.constant 1 : i32
      %scan3A_626 = scf.for %scan3A_628 = %scan3A_622 to %scan3A_624 step %scan3A_625 iter_args(%scan3A_629 = %broadcast_in_dim3A_557) -> (vector<16xi32>)  : i32 {
        %sub3A_630 = arith.constant 23 : i32
        %sub3A_631 = arith.subi %sub3A_630, %scan3A_628 : i32
        %shift_left3A_632 = arith.constant 1 : i32
        %shift_left3A_633 = arith.shli %shift_left3A_632, %sub3A_631 : i32
        %or3A_634 = vector.broadcast %shift_left3A_633 : i32 to vector<16xi32>
        %or3A_635 = arith.ori %scan3A_629, %or3A_634 : vector<16xi32>
        %parallel_loop3A_636 = arith.constant 0 : i32
        %parallel_loop3A_637 = arith.constant 1 : i32
        %parallel_loop3A_638:2 = scf.for %parallel_loop3A_641 = %parallel_loop3A_636 to %select_n3A_620 step %parallel_loop3A_637 iter_args(%parallel_loop3A_642 = %broadcast_in_dim3A_8, %parallel_loop3A_643 = %broadcast_in_dim3A_8) -> (vector<16xi32>, vector<16xi32>)  : i32 {
          %parallel_loop3A_644 = arith.constant 16 : i32
          %parallel_loop3A_645 = arith.muli %parallel_loop3A_641, %parallel_loop3A_644 : i32
          %parallel_loop3A_646 = arith.index_cast %parallel_loop3A_645 : i32 to index
          %parallel_loop3A_647 = tpu.vector_load %arg7[%parallel_loop3A_646] {strides = array<i32>} : memref<4096xi32, #tpu.memory_space<vmem>>, vector<16xi32>,
          %parallel_loop3A_648 = arith.constant 16 : i32
          %parallel_loop3A_649 = arith.muli %parallel_loop3A_641, %parallel_loop3A_648 : i32
          %parallel_loop3A_650 = arith.constant 2048 : i32
          %parallel_loop3A_651 = arith.addi %parallel_loop3A_650, %parallel_loop3A_649 : i32
          %parallel_loop3A_652 = arith.index_cast %parallel_loop3A_651 : i32 to index
          %parallel_loop3A_653 = tpu.vector_load %arg7[%parallel_loop3A_652] {strides = array<i32>} : memref<4096xi32, #tpu.memory_space<vmem>>, vector<16xi32>,
          %parallel_loop3A_654 = arith.cmpi sge, %parallel_loop3A_647, %or3A_635 : vector<16xi32>
          %parallel_loop3A_655 = tpu.all_reduce %parallel_loop3A_654 {dim = 0 : i64, kind = #tpu.reduction_kind<sum>} : vector<16xi1> -> vector<16xi32>
          %parallel_loop3A_656 = arith.addi %parallel_loop3A_642, %parallel_loop3A_655 : vector<16xi32>
          %parallel_loop3A_657 = arith.cmpi sge, %parallel_loop3A_653, %or3A_635 : vector<16xi32>
          %parallel_loop3A_658 = tpu.all_reduce %parallel_loop3A_657 {dim = 0 : i64, kind = #tpu.reduction_kind<sum>} : vector<16xi1> -> vector<16xi32>
          %parallel_loop3A_659 = arith.addi %parallel_loop3A_643, %parallel_loop3A_658 : vector<16xi32>
          scf.yield %parallel_loop3A_656, %parallel_loop3A_659 : vector<16xi32>, vector<16xi32>
        } {sc.loop_unroll_factor = 1 : i64, sc.parallel_access}
        %add3A_639 = arith.addi %parallel_loop3A_638#0, %parallel_loop3A_638#1 : vector<16xi32>
        %ge3A = arith.cmpi sge, %add3A_639, %broadcast_in_dim3A_621 : vector<16xi32>
        %select_n3A_640 = arith.select %ge3A, %or3A_635, %scan3A_629 : vector<16xi1>, vector<16xi32>
        scf.yield %select_n3A_640 : vector<16xi32>
      }
      %scan3A_627 = arith.constant 24 : i32
      scf.yield %scan3A_626 : vector<16xi32>
    }
    %lt3A_563 = arith.constant 0 : i32
    %lt3A_564 = vector.broadcast %lt3A_563 : i32 to vector<16xi32>
    %lt3A_565 = arith.cmpi slt, %cond3A_562, %lt3A_564 : vector<16xi32>
    %xor3A_566 = arith.constant 2147483647 : i32
    %xor3A_567 = vector.broadcast %xor3A_566 : i32 to vector<16xi32>
    %xor3A_568 = arith.xori %cond3A_562, %xor3A_567 : vector<16xi32>
    %select_n3A_569 = arith.select %lt3A_565, %xor3A_568, %cond3A_562 : vector<16xi1>, vector<16xi32>
    %bitcast3A_570 = vector.bitcast %select_n3A_569 : vector<16xi32> to vector<16xf32>
    %parallel_loop3A_571 = arith.constant 0 : i32
    %parallel_loop3A_572 = arith.constant 2048 : i32
    %parallel_loop3A_573 = arith.constant 1 : i32
    scf.for %parallel_loop3A_600 = %parallel_loop3A_571 to %parallel_loop3A_572 step %parallel_loop3A_573  : i32 {
      %parallel_loop3A_601 = arith.constant 16 : i32
      %parallel_loop3A_602 = arith.muli %parallel_loop3A_600, %parallel_loop3A_601 : i32
      %parallel_loop3A_603 = arith.index_cast %parallel_loop3A_602 : i32 to index
      %parallel_loop3A_604 = tpu.vector_load %arg4[%parallel_loop3A_603] {strides = array<i32>} : memref<32768xf32, #tpu.memory_space<vmem>>, vector<16xf32>,
      %parallel_loop3A_605 = arith.cmpf oge, %parallel_loop3A_604, %bitcast3A_570 : vector<16xf32>
      %parallel_loop3A_606 = arith.constant 0.000000e+00 : f32
      %parallel_loop3A_607 = vector.broadcast %parallel_loop3A_606 : f32 to vector<16xf32>
      %parallel_loop3A_608 = arith.select %parallel_loop3A_605, %parallel_loop3A_604, %parallel_loop3A_607 : vector<16xi1>, vector<16xf32>
      %parallel_loop3A_609 = arith.constant 16 : i32
      %parallel_loop3A_610 = arith.muli %parallel_loop3A_600, %parallel_loop3A_609 : i32
      %parallel_loop3A_611 = arith.index_cast %parallel_loop3A_610 : i32 to index
      %parallel_loop3A_612 = tpu.vector_load %arg4[%parallel_loop3A_611] {strides = array<i32>} : memref<32768xf32, #tpu.memory_space<vmem>>, vector<16xf32>,
      tpu.vector_store %arg4[%parallel_loop3A_611], %parallel_loop3A_608 {strides = array<i32>} : memref<32768xf32, #tpu.memory_space<vmem>>, vector<16xf32>,
    } {sc.loop_unroll_factor = 16 : i64, sc.parallel_access}
    %add3A_574 = arith.constant 3 : i32
    %add3A_575 = arith.addi %mul3A_2, %add3A_574 : i32
    %dma_start3A_576 = arith.constant 0 : i32
    %dma_start3A_577 = tpu.memref_slice %arg3[%add3A_575, %dma_start3A_576] : memref<128x32768xf32, #tpu.memory_space<hbm>> -> memref<1x32768xf32, #tpu.memory_space<hbm>>
    %dma_start3A_578 = tpu.memref_squeeze %dma_start3A_577 : memref<1x32768xf32, #tpu.memory_space<hbm>> -> memref<32768xf32, #tpu.memory_space<hbm>>
    %dma_start3A_579 = arith.constant 0 : i32
    %dma_start3A_580 = tpu.memref_slice %arg3[%add3A_575, %dma_start3A_579] : memref<128x32768xf32, #tpu.memory_space<hbm>> -> memref<1x32768xf32, #tpu.memory_space<hbm>>
    %dma_start3A_581 = tpu.memref_squeeze %dma_start3A_580 : memref<1x32768xf32, #tpu.memory_space<hbm>> -> memref<32768xf32, #tpu.memory_space<hbm>>
    tpu.enqueue_dma source(%arg4 : memref<32768xf32, #tpu.memory_space<vmem>>) target(%dma_start3A_581 : memref<32768xf32, #tpu.memory_space<hbm>>) target_semaphore(%arg17 : memref<!tpu.dma_semaphore, #tpu.memory_space<semaphore_mem>>)
    %dma_wait3A_582 = arith.constant 0 : i32
    %dma_wait3A_583 = tpu.memref_slice %arg3[%add3A_285, %dma_wait3A_582] : memref<128x32768xf32, #tpu.memory_space<hbm>> -> memref<1x32768xf32, #tpu.memory_space<hbm>>
    %dma_wait3A_584 = tpu.memref_squeeze %dma_wait3A_583 : memref<1x32768xf32, #tpu.memory_space<hbm>> -> memref<32768xf32, #tpu.memory_space<hbm>>
    %dma_wait3A_585 = arith.constant 0 : i32
    %dma_wait3A_586 = tpu.memref_slice %arg3[%add3A_285, %dma_wait3A_585] : memref<128x32768xf32, #tpu.memory_space<hbm>> -> memref<1x32768xf32, #tpu.memory_space<hbm>>
    %dma_wait3A_587 = tpu.memref_squeeze %dma_wait3A_586 : memref<1x32768xf32, #tpu.memory_space<hbm>> -> memref<32768xf32, #tpu.memory_space<hbm>>
    tpu.wait_dma2 semaphore(%arg15 : memref<!tpu.dma_semaphore, #tpu.memory_space<semaphore_mem>>) src(%arg5 : memref<32768xf32, #tpu.memory_space<vmem>>) dst(%dma_wait3A_587 : memref<32768xf32, #tpu.memory_space<hbm>>)
    %dma_wait3A_588 = arith.constant 0 : i32
    %dma_wait3A_589 = tpu.memref_slice %arg3[%add3A_437, %dma_wait3A_588] : memref<128x32768xf32, #tpu.memory_space<hbm>> -> memref<1x32768xf32, #tpu.memory_space<hbm>>
    %dma_wait3A_590 = tpu.memref_squeeze %dma_wait3A_589 : memref<1x32768xf32, #tpu.memory_space<hbm>> -> memref<32768xf32, #tpu.memory_space<hbm>>
    %dma_wait3A_591 = arith.constant 0 : i32
    %dma_wait3A_592 = tpu.memref_slice %arg3[%add3A_437, %dma_wait3A_591] : memref<128x32768xf32, #tpu.memory_space<hbm>> -> memref<1x32768xf32, #tpu.memory_space<hbm>>
    %dma_wait3A_593 = tpu.memref_squeeze %dma_wait3A_592 : memref<1x32768xf32, #tpu.memory_space<hbm>> -> memref<32768xf32, #tpu.memory_space<hbm>>
    tpu.wait_dma2 semaphore(%arg16 : memref<!tpu.dma_semaphore, #tpu.memory_space<semaphore_mem>>) src(%arg6 : memref<32768xf32, #tpu.memory_space<vmem>>) dst(%dma_wait3A_593 : memref<32768xf32, #tpu.memory_space<hbm>>)
    %dma_wait3A_594 = arith.constant 0 : i32
    %dma_wait3A_595 = tpu.memref_slice %arg3[%add3A_575, %dma_wait3A_594] : memref<128x32768xf32, #tpu.memory_space<hbm>> -> memref<1x32768xf32, #tpu.memory_space<hbm>>
    %dma_wait3A_596 = tpu.memref_squeeze %dma_wait3A_595 : memref<1x32768xf32, #tpu.memory_space<hbm>> -> memref<32768xf32, #tpu.memory_space<hbm>>
    %dma_wait3A_597 = arith.constant 0 : i32
    %dma_wait3A_598 = tpu.memref_slice %arg3[%add3A_575, %dma_wait3A_597] : memref<128x32768xf32, #tpu.memory_space<hbm>> -> memref<1x32768xf32, #tpu.memory_space<hbm>>
    %dma_wait3A_599 = tpu.memref_squeeze %dma_wait3A_598 : memref<1x32768xf32, #tpu.memory_space<hbm>> -> memref<32768xf32, #tpu.memory_space<hbm>>
    tpu.wait_dma2 semaphore(%arg17 : memref<!tpu.dma_semaphore, #tpu.memory_space<semaphore_mem>>) src(%arg4 : memref<32768xf32, #tpu.memory_space<vmem>>) dst(%dma_wait3A_599 : memref<32768xf32, #tpu.memory_space<hbm>>)
    return
  }
}

</mosaic_0001>

<sc_bundles>
// kernel: kernel.3.cloned.1.call-start
scs
__scs_entry_jumppad:
0x0: {  	(pc) =	sbr.rel $0x88, $3  }
0x1: {  	(tag) =	ssettag $0x0;
	lr =	simm.s32 $0x1  }
0x2: {  	[smem:$0x3FA0] =	sst lr;
	_ =	strace $0xD0000000  }
0x3: {  	_ = 	snop  }
0x4: {  	_ = 	snop  }
0x5: {  	_ = 	snop  }
0x6: {  	_ = 	snop  }
0x7: {  	_ = 	snop  }
__scs_overlays_trampoline_lowered:
0x8: {  	[smem:$0x3FAF] =	sst s0  }
0x9: {  	[smem:$0x3FB0] =	sst s1  }
0xa: {  	[smem:$0x3FB1] =	sst s2  }
0xb: {  	[smem:$0x3FB2] =	sst s3  }
0xc: {  	[smem:$0x3FB3] =	sst s4  }
0xd: {  	[smem:$0x3FB4] =	sst s5  }
0xe: {  	[smem:$0x3FB5] =	sst s6  }
0xf: {  	[smem:$0x3FB6] =	sst s7  }
0x10: {  	[smem:$0x3FB7] =	sst s8  }
0x11: {  	[smem:$0x3FB8] =	sst s9;
	s0 =	simm.s32 @!p0 $0x0  }
0x12: {  	s1 =	sld [smem:$0x3F9E];
	s0 =	simm.s32 @p0 $0x1  }
0x13: {  	[smem:$0x3FB9] =	sst s0;
	s0 =	simm.s32 @!p1 $0x0  }
0x14: {  	s2 =	sld [smem:$0x3F9D];
	s0 =	simm.s32 @p1 $0x1  }
0x15: {  	[smem:$0x3FBA] =	sst s0;
	s0 =	simm.s32 @!p2 $0x0  }
0x16: {  	s3 =	sld [smem:$0x3FDB];
	s0 =	simm.s32 @p2 $0x1  }
0x17: {  	s4 =	simm.s32 $0x1BF5;
	[smem:$0x3FBC] =	sst s0  }
0x18: {  	s0 =	sld [smem:$0x3F9F];
	_ =	swait.ge [sflag:s4], $0x0  }
0x19: {  	s7 =	sld [smem:$0x3FA0]  }
0x1a: {  	s8 =	sadd.s32 $0xFFFFE003, lr  }
0x1b: {  	s9 =	sadd.s32 $0xFFFFFEF7, lr;
	s5 =	simm.s32 $0xFFFFFFFF;
	p2 =	slt.u32 s8, $0xFFFFF086  }
0x1c: {  	p1 =	slt.u32 s9, $0xF7A;
	s5 =	simm.s32 @!p2 $0x0  }
0x1d: {  	s5 =	simm.s32 @p1 $0x1;
	p0 =	seq.s32 s7, s2  }
0x1e: {  	s7 =	smul.u32 @!p0 $0xF7A, s2;
	p2 =	seq.s32 @!p0 s5, $0x0  }
0x1f: {  	s9 =	smul.u32 $0xF7A, s1;
	s8 =	simm.s32 @!p0 $0x1BF5;
	p2 =	por !p2, p0  }
0x20: {  	[sflag:s8] =	ssyncset.s32 @!p0 $0xFFFFF086;
	s6 =	sadd.s32 @!p0 s3, s7;
	s7 =	simm.s32 @!p0 $0x108  }
0x21: {  	s3 =	sadd.s32 s3, s9;
	s6 =	sadd.s32 @!p0 $0x88, s6;
	s7 =	simm.s32 @p2 $0x1082  }
0x22: {  	[simem:s7], [sflag:s8] =	dma.local @!p0 [hbm:s6], $0xF7A  }
0x23: {  	s9 =	sor.u32 $0xD0000000, s2;
	s6 =	simm.s32 $0x108;
	_ =	swait.ge @!p0 [sflag:s8], $0x0  }
0x24: {  	s3 =	sadd.s32 $0x88, s3;
	s6 =	simm.s32 @!p1 $0x1082;
	[sflag:s4] =	ssyncset.s32 $0xFFFFF086  }
0x25: {  	[simem:s6], [sflag:s4] =	dma.local [hbm:s3], $0xF7A  }
0x26: {  	[smem:$0x3FA0] =	sst s1;
	(tag) =	ssettag s2;
	_ =	strace s9  }
0x27: {  	s1 =	sld [smem:$0x3FB0]  }
0x28: {  	s2 =	sld [smem:$0x3FB1]  }
0x29: {  	s4 =	sld [smem:$0x3FB3]  }
0x2a: {  	p0 =	seq.s32 s5, $0x0;
	s5 =	sld [smem:$0x3FB4]  }
0x2b: {  	s6 =	sld [smem:$0x3FB5]  }
0x2c: {  	s7 =	sld [smem:$0x3FB6]  }
0x2d: {  	s3 =	simm.s32 $0x108;
	s8 =	sld [smem:$0x3FB7]  }
0x2e: {  	s3 =	simm.s32 @!p0 $0x1082;
	s9 =	sld [smem:$0x3FB8]  }
0x2f: {  	lr =	sadd.s32 s0, s3;
	s0 =	sld [smem:$0x3FAF]  }
0x30: {  	s3 =	sld [smem:$0x3FB2]  }
0x31: {  	[smem:$0x3FBB] =	sst s10  }
0x32: {  	s10 =	sld [smem:$0x3FB9];
	_ =	sdelay $0x3  }
0x33: {  	p0 =	seq.s32 s10, $0x1;
	s10 =	sld [smem:$0x3FBB];
	_ =	sdelay $0x3  }
0x34: {  	[smem:$0x3FBB] =	sst s10  }
0x35: {  	s10 =	sld [smem:$0x3FBA];
	_ =	sdelay $0x3  }
0x36: {  	p1 =	seq.s32 s10, $0x1;
	s10 =	sld [smem:$0x3FBB];
	_ =	sdelay $0x3  }
0x37: {  	[smem:$0x3FBB] =	sst s10  }
0x38: {  	s10 =	sld [smem:$0x3FBC]  }
0x39: {  	_ = 	snop;
	(pc) =	sbr.ind lr, $3  }
0x3a: {  	_ = 	snop  }
0x3b: {  	_ = 	snop  }
0x3c: {  	p2 =	seq.s32 s10, $0x1;
	s10 =	sld [smem:$0x3FBB]  }
0x3d: {  	_ =	shalt  }
0x3e: {  	_ =	shalt  }
0x3f: {  	_ =	shalt  }
0x40: {  	_ =	shalt  }
0x41: {  	_ =	shalt  }
0x42: {  	_ =	shalt  }
0x43: {  	_ =	shalt  }
0x44: {  	_ =	shalt  }
0x45: {  	_ =	shalt  }
0x46: {  	_ =	shalt  }
0x47: {  	_ =	shalt  }
0x48: {  	_ =	shalt  }
0x49: {  	_ =	shalt  }
0x4a: {  	_ =	shalt  }
0x4b: {  	_ =	shalt  }
0x4c: {  	_ =	shalt  }
0x4d: {  	_ =	shalt  }
0x4e: {  	_ =	shalt  }
0x4f: {  	_ =	shalt  }
0x50: {  	_ =	shalt  }
0x51: {  	_ =	shalt  }
0x52: {  	_ =	shalt  }
0x53: {  	_ =	shalt  }
0x54: {  	_ =	shalt  }
0x55: {  	_ =	shalt  }
0x56: {  	_ =	shalt  }
0x57: {  	_ =	shalt  }
0x58: {  	_ =	shalt  }
0x59: {  	_ =	shalt  }
0x5a: {  	_ =	shalt  }
0x5b: {  	_ =	shalt  }
0x5c: {  	_ =	shalt  }
0x5d: {  	_ =	shalt  }
0x5e: {  	_ =	shalt  }
0x5f: {  	_ =	shalt  }
0x60: {  	_ =	shalt  }
0x61: {  	_ =	shalt  }
0x62: {  	_ =	shalt  }
0x63: {  	_ =	shalt  }
0x64: {  	_ =	shalt  }
0x65: {  	_ =	shalt  }
0x66: {  	_ =	shalt  }
0x67: {  	_ =	shalt  }
0x68: {  	_ =	shalt  }
0x69: {  	_ =	shalt  }
0x6a: {  	_ =	shalt  }
0x6b: {  	_ =	shalt  }
0x6c: {  	_ =	shalt  }
0x6d: {  	_ =	shalt  }
0x6e: {  	_ =	shalt  }
0x6f: {  	_ =	shalt  }
0x70: {  	_ =	shalt  }
0x71: {  	_ =	shalt  }
0x72: {  	_ =	shalt  }
0x73: {  	_ =	shalt  }
0x74: {  	_ =	shalt  }
0x75: {  	_ =	shalt  }
0x76: {  	_ =	shalt  }
0x77: {  	_ =	shalt  }
0x78: {  	_ =	shalt  }
0x79: {  	_ =	shalt  }
0x7a: {  	_ =	shalt  }
0x7b: {  	_ =	shalt  }
0x7c: {  	_ =	shalt  }
0x7d: {  	_ =	shalt  }
0x7e: {  	_ =	shalt  }
0x7f: {  	_ =	shalt  }
0x80: {  	_ =	shalt  }
0x81: {  	_ =	shalt  }
0x82: {  	_ =	shalt  }
0x83: {  	_ =	shalt  }
0x84: {  	_ =	shalt  }
0x85: {  	_ =	shalt  }
0x86: {  	_ =	shalt  }
0x87: {  	_ =	shalt  }
.Lfunc_end0:
.L_simem_size_0:
called_computation_lowered:
.L_overlay_start_0:
0x88: {  	s2 =	sld [smem:$0x3FD9]  }
0x89: {  	s3 =	sld [smem:$0x3FFE];
	_ =	sdelay $0x1  }
0x8a: {  	s1 =	srdreg.scid  }
0x8b: {  	s0 =	sand.u32 $0x1, s1  }
0x8c: {  	s18 =	sshll.u32 s0, $0xA;
	s2 =	sadd.s32 s3, s2  }
0x8d: {  	s2 =	sadd.s32 s2, s18  }
0x8e: {  	[smem:$0x3FC7] =	sst s2  }
0x8f: {  	_ = 	snop  }
0x90: {  	s2 =	sld [smem:$0x3FC9]  }
0x91: {  	s19 =	sld [smem:$0x3FD0];
	(tm) =	ssettm $0x1  }
0x92: {  	s4 =	sld [smem:$0x3FFB];
	_ =	sdelay $0x3  }
0x93: {  	_ =	strace s4  }
0x94: {  	s4 =	sld [smem:$0x3FFC];
	_ =	sdelay $0x3  }
0x95: {  	_ =	strace s4  }
0x96: {  	s4 =	sld [smem:$0x3FFD];
	_ =	sdelay $0x3  }
0x97: {  	_ =	strace s4  }
0x98: {  	_ =	strace $0x8FFFFFFF  }
0x99: {  	s20 =	sld [smem:$0x3FDB];
	_ =	sdelay $0x1  }
0x9a: {  	s5 =	simm.s32 $_scs_section_size  }
0x9b: {  	s6 =	simm.s32 $_size__tile_overlayer_lowered;
	s7 =	simm.s32 $_tile_overlayer_lowered  }
0x9c: {  	s23 =	simm.s32 $0x1BFF;
	s22 =	sshll.u32 s7, $0x1;
	s4 =	sadd.s32 s5, s20  }
0x9d: {  	s8 =	simm.s32 $0x0;
	s21 =	sshll.u32 s6, $0x1;
	s6 =	sadd.s32 s22, s4  }
0x9e: {  	[timem:s8], [sflag:s23] =	dma.local [hbm:s6], s21  }
0x9f: {  	_ =	swait.ge [sflag:s23], s21  }
0xa0: {  	s5 =	ssub.s32 $0x0, s21;
	[sflag:s23] =	ssyncset.done $0x0  }
0xa1: {  	[sflag:s23] =	ssyncadd.s32 s5;
	_ =	sdelay $0x1  }
0xa2: {  	s24 =	simm.s32 $0x1B8B  }
0xa3: {  	_ =	swait.ge [sflag:s24], $0x1  }
0xa4: {  	[sflag:s24] =	ssyncset.done $0x0  }
0xa5: {  	s25 =	simm.s32 $0x1B8E;
	[sflag:s24] =	ssyncadd.s32 $0xFFFFFFFF  }
0xa6: {  	s26 =	simm.s32 $execute0_lowered;
	[smem:$0x3FD2] =	sst s25  }
0xa7: {  	s5 =	sshll.u32 s26, $0x1;
	_ =	strace $0x80000046;
	[dreg:$0x1] =	wrdreg $0xFFFFFFFF  }
0xa8: {  	s28 =	simm.s32 $_size_execute0_lowered;
	s4 =	sadd.s32 s4, s5;
	[dreg:$0x0] =	wrdreg $0x0  }
0xa9: {  	s5 =	sshll.u32 s28, $0x1;
	[dreg:$0x2] =	wrdreg s4  }
0xaa: {  	[dreg:$0x3] =	wrdreg s5  }
0xab: {  	[dreg:$0x4] =	wrdreg $0xC0  }
0xac: {  	_ =	task [dreg:s8], $0x5FFFF  }
0xad: {  	[dreg:$0x1] =	wrdreg $0xFFFFFFFF  }
0xae: {  	[dreg:$0x0] =	wrdreg $0x60  }
0xaf: {  	[dreg:$0x2] =	wrdreg s2  }
0xb0: {  	[dreg:$0x3] =	wrdreg s19  }
0xb1: {  	[dreg:$0x4] =	wrdreg $0x9  }
0xb2: {  	_ =	task.clear_ibuf [dreg:s8], $0x5FFFF;
	_ =	strace $0x90000046  }
0xb3: {  	s29 =	simm.s32 $0x9;
	_ =	strace $0x80000048  }
0xb4: {  	_ =	swait.ge [sflag:s29], $0x1  }
0xb5: {  	[sflag:s29] =	ssyncadd.s32 $0xFFFFFFFF  }
0xb6: {  	_ =	strace $0x90000048  }
0xb7: {  	_ =	sfence  }
0xb8: {  	s30 =	sld [smem:$0x0];
	_ =	sdelay $0x2  }
0xb9: {  	s31 =	sshll.u32 s1, $0xD;
	s1 =	sshrl.u32 s1, $0x2  }
0xba: {  	s3 =	sand.u32 $0x4000, s31;
	s1 =	sadd.s32 s1, s30  }
0xbb: {  	s0 =	sor.u32 s3, s0;
	s1 =	sshll.u32 s1, $0x11  }
0xbc: {  	s0 =	sor.u32 s1, s0  }
0xbd: {  	s0 =	sadd.s32 $0x8F2B, s0  }
0xbe: {  	[sflag:s0] =	ssyncadd.remote.s32 $0x1  }
0xbf: {  	_ =	sfence.sel $0xFFFF  }
0xc0: {  	[dreg:$0x0] =	wrdreg $0xFFFFFFFF;
	(pc) =	sbr.abs _section_cstart, $3  }
0xc1: {  	[dreg:$0x1] =	wrdreg $0xFFFFFFFF  }
0xc2: {  	_ =	task.clear_ibuf [dreg:s8], $0x2FFFF;
	_ =	strace $0x9FFFFFFF  }
0xc3: {  	(tm) =	ssettm $0x7FFFFFFF  }
tec
execute0_lowered:
.L_overlay_start_1:
0x0: {  	(tag) =	ssettag $0x1  }
0x1: {  	s0 =	rddreg [dreg:$0x0]  }
0x2: {  	s1 =	rddreg [dreg:$0x1]  }
0x3: {  	s2 =	simm.s32 $0x0;
	s3 =	srdreg.scid;
	s5 =	stileid.u32  }
0x4: {  	s12 =	simm.s32 $0x80;
	s13 =	simm.s32 $0x400;
	s16 =	simm.s32 $0x1  }
0x5: {  	s17 =	simm.s32 $0x19000;
	s18 =	simm.s32 $0x1A080;
	s19 =	simm.s32 $0x18000  }
0x6: {  	s20 =	simm.s32 $0x800000;
	s21 =	simm.s32 $0x2;
	s22 =	simm.s32 $0x5  }
0x7: {  	s23 =	simm.s32 $0x3;
	s24 =	simm.s32 $0x4;
	s25 =	simm.s32 $0x6  }
0x8: {  	s26 =	simm.s32 $0x7;
	s28 =	simm.s32 $0x8;
	s3 =	sand.u32 $0x1, s3  }
0x9: {  	s29 =	simm.s32 $0x0;
	[smem:$0x7FF] =	sst s2;
	s4 =	ssub.s32 $0x2, s3  }
0xa: {  	s5 =	sshll.u32 s5, $0xF;
	s3 =	sshll.u32 s3, $0x6;
	s6 =	sshrl.u32 s4, $0x1  }
0xb: {  	_ =	strace $0x80000047;
	s8 =	sor.u32 s3, s5;
	s11 =	ssub.s32 s4, s6  }
0xc: {  	v0 =	vlaneseq.u32;
	s7 =	sor.u32 $0x10, s8;
	s9 =	sor.u32 $0x20, s8;
	s3 =	sadd.s32 s0, s8  }
0xd: {  	v1 =	vmul.u32 $0x101, v0;
	v3 =	vmul.u32 $0xFFFFFFFF, v0;
	s6 =	sadd.s32 s1, s8;
	s10 =	sor.u32 $0x30, s8;
	s4 =	sadd.s32 s0, s7  }
0xe: {  	v2 =	vimm.s32 $0x1;
	v4 =	vimm.s32 $0x80000000;
	s5 =	sadd.s32 s0, s9;
	s7 =	sadd.s32 s1, s7;
	s8 =	sadd.s32 s0, s10  }
0xf: {  	v0 =	vimm.s32 $0x0;
	v1 =	vadd.s32 $0x80, v1;
	v3 =	vadd.s32 $0xF, v3;
	s9 =	sadd.s32 s1, s9;
	s10 =	sadd.s32 s1, s10;
	s11 =	smax.u32 s11, $0x1  }
.LBB2_1:
0x10: {  	s0 =	simm.s32 $0x19040  }
0x11: {  	[tilespmem:s0+$0xFFFFFFC0] =	vst v0  }
0x12: {  	[tilespmem:s0+$0x30] =	vst v0  }
0x13: {  	[tilespmem:s0+$0x20] =	vst v0  }
0x14: {  	[tilespmem:s0+$0x10] =	vst v0  }
0x15: {  	[tilespmem:s0+$0x0] =	vst v0  }
0x16: {  	[tilespmem:s0+$0xFFFFFFF0] =	vst v0  }
0x17: {  	s1 =	simm.s32 $0x0;
	[tilespmem:s0+$0xFFFFFFE0] =	vst v0  }
.LBB2_2:
0x18: {  	s1 =	sadd.s32 $0x8, s1;
	[tilespmem:s0+$0xFFFFFFD0] =	vst v0;
	s0 =	sadd.s32 $0x80, s0  }
0x19: {  	[tilespmem:s0+$0xFFFFFFC0] =	vst v0;
	p0 =	slt.u32 s1, $0xF8  }
0x1a: {  	[tilespmem:s0+$0x30] =	vst v0  }
.Ltmp0:
0x1b: {  	[tilespmem:s0+$0x20] =	vst v0;
	(pc) =	sbr.rel @p0 .LBB2_2-.Ltmp0, $4  }
0x1c: {  	[tilespmem:s0+$0x10] =	vst v0  }
0x1d: {  	[tilespmem:s0+$0x0] =	vst v0  }
0x1e: {  	[tilespmem:s0+$0xFFFFFFF0] =	vst v0  }
0x1f: {  	[tilespmem:s0+$0xFFFFFFE0] =	vst v0  }
0x20: {  	[tilespmem:s0+$0xFFFFFFD0] =	vst v0  }
0x21: {  	[tilespmem:$0x1A000] =	vst v0  }
0x22: {  	[tilespmem:s2], [sflag:$0x1] =	stream.strided.gather [hbm4b:s3+s12], $0x8000, s13, s12, $0x38;
	[tilespmem:$0x1A200] =	vst v63  }
0x23: {  	s15 =	simm.s32 $0x8000  }
0x24: {  	[tilespmem:s15], [sflag:$0x2] =	stream.strided.gather [hbm4b:s4+s12], $0x8000, s13, s12, $0x38;
	[tilespmem:$0x1A200] =	vst v63  }
0x25: {  	s30 =	simm.s32 $0x10000  }
0x26: {  	[tilespmem:s30], [sflag:$0x3] =	stream.strided.gather [hbm4b:s5+s12], $0x8000, s13, s12, $0x38;
	[tilespmem:$0x1A200] =	vst v63  }
0x27: {  	_ =	swait.ge [sflag:s16], $0x8000  }
0x28: {  	[sflag:s16] =	ssyncset.done $0x0  }
0x29: {  	s31 =	simm.s32 $0x40;
	[sflag:s16] =	ssyncadd.s32 $0xFFFF8000  }
0x2a: {  	v5 =	vld [tilespmem:s31+$0x30]  }
0x2b: {  	v6 =	vld [tilespmem:s31+$0xFFFFFFD0]  }
0x2c: {  	v7 =	vld [tilespmem:s31+$0xFFFFFFE0]  }
0x2d: {  	v8 =	vld [tilespmem:s31+$0xFFFFFFF0]  }
0x2e: {  	v9 =	vld [tilespmem:s31+$0x0];
	_ =	sdelay $0x1  }
0x2f: {  	v10 =	vld [tilespmem:s31+$0x10]  }
0x30: {  	v13 =	vld [tilespmem:s31+$0x20]  }
0x31: {  	v14 =	vld [tilespmem:s31+$0xFFFFFFC0];
	v11 =	vshra.s32 v5, $0x1F;
	v12 =	vshra.s32 v6, $0x1F;
	v15 =	vshra.s32 v7, $0x1F  }
0x32: {  	v62 =	vshra.s32 v8, $0x1F;
	v16 =	vshra.s32 v9, $0x1F;
	v11 =	vand.u32 $0x7F000000, v11  }
0x33: {  	v12 =	vand.u32 $0x7F000000, v12;
	v5 =	vxor.u32 v5, v11;
	v11 =	vand.u32 $0x7F000000, v15  }
0x34: {  	v15 =	vand.u32 $0x7F000000, v62;
	v12 =	vxor.u32 v6, v12;
	v5 =	vshra.s32 v5, $0x18  }
0x35: {  	v6 =	vshra.s32 v10, $0x1F;
	v63 =	vxor.u32 v7, v11;
	v17 =	vadd.s32 v1, v5  }
0x36: {  	v7 =	vand.u32 $0x7F000000, v6;
	v6 =	vshra.s32 v13, $0x1F;
	v11 =	vshra.s32 v14, $0x1F  }
0x37: {  	v15 =	vxor.u32 v8, v15;
	v5 =	vand.u32 $0x7F000000, v16;
	v8 =	vand.u32 $0x7F000000, v6  }
0x38: {  	v11 =	vand.u32 $0x7F000000, v11;
	v6 =	vxor.u32 v9, v5;
	v5 =	vxor.u32 v10, v7  }
0x39: {  	v9 =	vxor.u32 v14, v11;
	v7 =	vshra.s32 v12, $0x18;
	v8 =	vxor.u32 v13, v8  }
0x3a: {  	s0 =	simm.s32 $0x0;
	s1 =	simm.s32 $0xC0;
	v10 =	vshra.s32 v63, $0x18;
	v11 =	vshra.s32 v9, $0x18;
	v9 =	vshra.s32 v15, $0x18;
	[tilespmem:v17+s17+$0x0] =	vst.idx.add.s32.msk $0xffff, v2  }
.LBB2_4:
0x3b: {  	v12 =	vld [tilespmem:s1+$0x30];
	s0 =	sadd.s32 $0x8, s0;
	v6 =	vshra.s32 v6, $0x18;
	v5 =	vshra.s32 v5, $0x18;
	v8 =	vshra.s32 v8, $0x18  }
0x3c: {  	v11 =	vadd.s32 v1, v11;
	v7 =	vadd.s32 v1, v7;
	v10 =	vadd.s32 v1, v10;
	v13 =	vld [tilespmem:s1+$0xFFFFFFD0];
	p0 =	slt.u32 s0, $0x7F8  }
0x3d: {  	v9 =	vadd.s32 v1, v9;
	v6 =	vadd.s32 v1, v6;
	v15 =	vadd.s32 v1, v5;
	v14 =	vld [tilespmem:s1+$0xFFFFFFE0]  }
0x3e: {  	v16 =	vadd.s32 v1, v8;
	v5 =	vld [tilespmem:s1+$0xFFFFFFF0]  }
0x3f: {  	v8 =	vld [tilespmem:s1+$0x0]  }
0x40: {  	v17 =	vld [tilespmem:s1+$0x10];
	v18 =	vshra.s32 v12, $0x1F  }
0x41: {  	v19 =	vshra.s32 v13, $0x1F;
	v20 =	vld [tilespmem:s1+$0x20];
	v18 =	vand.u32 $0x7F000000, v18  }
0x42: {  	v21 =	vld [tilespmem:s1+$0xFFFFFFC0];
	v19 =	vand.u32 $0x7F000000, v19;
	v22 =	vshra.s32 v14, $0x1F;
	v12 =	vxor.u32 v12, v18  }
0x43: {  	v18 =	vand.u32 $0x7F000000, v22;
	v22 =	vshra.s32 v5, $0x1F;
	v12 =	vshra.s32 v12, $0x18;
	[tilespmem:v11+s17+$0x0] =	vst.idx.add.s32.msk $0xffff, v2  }
0x44: {  	v11 =	vand.u32 $0x7F000000, v22;
	v22 =	vshra.s32 v8, $0x1F;
	v12 =	vadd.s32 v1, v12;
	[tilespmem:v7+s17+$0x0] =	vst.idx.add.s32.msk $0xffff, v2  }
0x45: {  	v7 =	vxor.u32 v13, v19;
	v13 =	vand.u32 $0x7F000000, v22;
	v19 =	vshra.s32 v17, $0x1F;
	[tilespmem:v10+s17+$0x0] =	vst.idx.add.s32.msk $0xffff, v2  }
.Ltmp1:
0x46: {  	v10 =	vxor.u32 v14, v18;
	v14 =	vand.u32 $0x7F000000, v19;
	v18 =	vshra.s32 v20, $0x1F;
	[tilespmem:v9+s17+$0x0] =	vst.idx.add.s32.msk $0xffff, v2;
	(pc) =	sbr.rel @p0 .LBB2_4-.Ltmp1, $4  }
0x47: {  	v19 =	vxor.u32 v5, v11;
	v9 =	vshra.s32 v21, $0x1F;
	v11 =	vand.u32 $0x7F000000, v18;
	[tilespmem:v6+s17+$0x0] =	vst.idx.add.s32.msk $0xffff, v2  }
0x48: {  	v6 =	vxor.u32 v8, v13;
	v5 =	vxor.u32 v17, v14;
	v9 =	vand.u32 $0x7F000000, v9;
	[tilespmem:v15+s17+$0x0] =	vst.idx.add.s32.msk $0xffff, v2  }
0x49: {  	v7 =	vshra.s32 v7, $0x18;
	v8 =	vxor.u32 v20, v11;
	v9 =	vxor.u32 v21, v9;
	[tilespmem:v12+s17+$0x0] =	vst.idx.add.s32.msk $0xffff, v2  }
0x4a: {  	s1 =	sadd.s32 $0x80, s1;
	v10 =	vshra.s32 v10, $0x18;
	v11 =	vshra.s32 v9, $0x18;
	v9 =	vshra.s32 v19, $0x18;
	[tilespmem:v16+s17+$0x0] =	vst.idx.add.s32.msk $0xffff, v2  }
0x4b: {  	v11 =	vadd.s32 v1, v11  }
0x4c: {  	v7 =	vadd.s32 v1, v7  }
0x4d: {  	v10 =	vadd.s32 v1, v10  }
0x4e: {  	v6 =	vshra.s32 v6, $0x18;
	v9 =	vadd.s32 v1, v9  }
0x4f: {  	v5 =	vshra.s32 v5, $0x18;
	v6 =	vadd.s32 v1, v6  }
0x50: {  	v8 =	vshra.s32 v8, $0x18;
	v5 =	vadd.s32 v1, v5;
	[tilespmem:v11+s17+$0x0] =	vst.idx.add.s32.msk $0xffff, v2  }
0x51: {  	v8 =	vadd.s32 v1, v8;
	[tilespmem:v7+s17+$0x0] =	vst.idx.add.s32.msk $0xffff, v2  }
0x52: {  	[tilespmem:v10+s17+$0x0] =	vst.idx.add.s32.msk $0xffff, v2  }
0x53: {  	[tilespmem:v9+s17+$0x0] =	vst.idx.add.s32.msk $0xffff, v2  }
0x54: {  	[tilespmem:v6+s17+$0x0] =	vst.idx.add.s32.msk $0xffff, v2  }
0x55: {  	[tilespmem:v5+s17+$0x0] =	vst.idx.add.s32.msk $0xffff, v2  }
0x56: {  	[tilespmem:v8+s17+$0x0] =	vst.idx.add.s32.msk $0xffff, v2  }
0x57: {  	s1 =	simm.s32 $0x0;
	[tilespmem:$0x1A180] =	vst v0  }
0x58: {  	v6 =	vld [tilespmem:s1+$0x190F0]  }
0x59: {  	v7 =	vld [tilespmem:s1+$0x191F1]  }
0x5a: {  	v5 =	vld [tilespmem:s1+$0x192F2]  }
0x5b: {  	v8 =	vld [tilespmem:s1+$0x193F3]  }
0x5c: {  	v9 =	vld [tilespmem:s1+$0x194F4]  }
0x5d: {  	v10 =	vld [tilespmem:s1+$0x195F5]  }
0x5e: {  	v11 =	vld [tilespmem:s1+$0x196F6];
	v6 =	vadd.s32 v6, v7  }
0x5f: {  	v12 =	vld [tilespmem:s1+$0x197F7];
	v5 =	vadd.s32 v5, v6  }
0x60: {  	v13 =	vld [tilespmem:s1+$0x198F8];
	v5 =	vadd.s32 v8, v5  }
0x61: {  	v14 =	vld [tilespmem:s1+$0x199F9];
	v5 =	vadd.s32 v9, v5  }
0x62: {  	[tilespmem:s1+$0x190F0] =	vst v0;
	v15 =	vld [tilespmem:s1+$0x19AFA];
	v5 =	vadd.s32 v10, v5  }
0x63: {  	[tilespmem:s1+$0x191F1] =	vst v0;
	v16 =	vld [tilespmem:s1+$0x19BFB];
	v5 =	vadd.s32 v11, v5  }
0x64: {  	[tilespmem:s1+$0x193F3] =	vst v0;
	v7 =	vld [tilespmem:s1+$0x19CFC];
	v5 =	vadd.s32 v12, v5  }
0x65: {  	[tilespmem:s1+$0x194F4] =	vst v0;
	v6 =	vld [tilespmem:s1+$0x19DFD];
	v5 =	vadd.s32 v13, v5  }
0x66: {  	[tilespmem:s1+$0x195F5] =	vst v0;
	v8 =	vld [tilespmem:s1+$0x19EFE];
	v5 =	vadd.s32 v14, v5  }
0x67: {  	[tilespmem:s1+$0x196F6] =	vst v0;
	v9 =	vld [tilespmem:s1+$0x19FFF];
	v5 =	vadd.s32 v15, v5  }
0x68: {  	[tilespmem:s1+$0x192F2] =	vst v0;
	v5 =	vadd.s32 v16, v5  }
0x69: {  	[tilespmem:s1+$0x198F8] =	vst v0;
	v5 =	vadd.s32 v7, v5  }
0x6a: {  	[tilespmem:s1+$0x199F9] =	vst v0;
	v5 =	vadd.s32 v6, v5  }
0x6b: {  	[tilespmem:s1+$0x19AFA] =	vst v0;
	v5 =	vadd.s32 v8, v5  }
0x6c: {  	[tilespmem:s1+$0x19BFB] =	vst v0;
	v5 =	vadd.s32 v9, v5  }
0x6d: {  	[tilespmem:s1+$0x19CFC] =	vst v0;
	v5 =	vperm.xlane v5, v3  }
0x6e: {  	[tilespmem:s1+$0x19DFD] =	vst v0  }
0x6f: {  	[tilespmem:s1+$0x19EFE] =	vst v0;
	(xrf0) =	vadd.scan.msk.s32 $0xffff, v5  }
0x70: {  	s30 =	simm.s32 $0xFFFFFFF0;
	[tilespmem:s1+$0x19FFF] =	vst v0  }
0x71: {  	v10 =	vld [tilespmem:s30+$0x192F2]  }
0x72: {  	v11 =	vld [tilespmem:s30+$0x190F0];
	[tilespmem:s1+$0x197F7] =	vst v0  }
0x73: {  	v12 =	vld [tilespmem:s30+$0x191F1];
	_ =	sdelay $0x1  }
0x74: {  	v14, _, _ =	vpop (xrf0)  }
0x75: {  	v7 =	vld [tilespmem:s30+$0x193F3];
	v14 =	vperm.xlane v14, v3  }
0x76: {  	s31 =	simm.s32 $0x0;
	v6 =	vld [tilespmem:s30+$0x194F4]  }
0x77: {  	v11 =	vadd.s32 v11, v12;
	v8 =	vld [tilespmem:s30+$0x195F5];
	v12 =	vadd.s32 s31, v14  }
0x78: {  	v10 =	vadd.s32 v10, v11;
	v11 =	vxor.u32 $0x80000000, v12  }
0x79: {  	(xrf0) =	vmax.scan.msk.u32 $0xffff, v11  }
0x7a: {  	v7 =	vadd.s32 v7, v10;
	v5 =	vld [tilespmem:s30+$0x196F6]  }
0x7b: {  	v9 =	vld [tilespmem:s30+$0x197F7];
	v6 =	vadd.s32 v6, v7  }
0x7c: {  	v13 =	vld [tilespmem:s30+$0x198F8];
	v6 =	vadd.s32 v8, v6  }
0x7d: {  	v15 =	vld [tilespmem:s30+$0x199F9]  }
0x7e: {  	v63 =	vld [tilespmem:s30+$0x19AFA]  }
0x7f: {  	v5 =	vadd.s32 v5, v6;
	v14 =	vld [tilespmem:s30+$0x19BFB];
	v6, _, _ =	vpop (xrf0)  }
0x80: {  	v7 =	vld [tilespmem:s30+$0x19CFC];
	v5 =	vadd.s32 v9, v5;
	(v2sf) =	vpush v6, $0xF  }
0x81: {  	v5 =	vadd.s32 v13, v5  }
0x82: {  	v8 =	vld [tilespmem:s30+$0x19DFD];
	v5 =	vadd.s32 v15, v5  }
0x83: {  	v9 =	vld [tilespmem:s30+$0x19EFE];
	v5 =	vadd.s32 v63, v5  }
0x84: {  	v10 =	vld [tilespmem:s30+$0x19FFF];
	vm0 =	vgt.s32 v12, $0x3F;
	v5 =	vadd.s32 v14, v5  }
0x85: {  	[tilespmem:s30+$0x190F0] =	vst v0;
	v5 =	vadd.s32 v7, v5;
	v7 =	vmpcnt.ones.xlane vm0  }
0x86: {  	[tilespmem:s30+$0x191F1] =	vst v0  }
0x87: {  	[tilespmem:s30+$0x192F2] =	vst v0;
	v5 =	vadd.s32 v8, v5;
	v7 =	vxor.u32 $0x80000000, v7  }
0x88: {  	[tilespmem:s30+$0x19AFA] =	vst v0;
	v5 =	vadd.s32 v9, v5;
	(xrf0) =	vmax.scan.msk.u32 $0xffff, v7  }
0x89: {  	[tilespmem:s30+$0x198F8] =	vst v0;
	v5 =	vadd.s32 v10, v5  }
0x8a: {  	[tilespmem:s30+$0x199F9] =	vst v0;
	v5 =	vperm.xlane v5, v3  }
0x8b: {  	[tilespmem:s30+$0x193F3] =	vst v0  }
0x8c: {  	[tilespmem:s30+$0x194F4] =	vst v0  }
0x8d: {  	[tilespmem:s30+$0x195F5] =	vst v0  }
0x8e: {  	[tilespmem:s30+$0x19FFF] =	vst v0;
	(xrf0) =	vadd.scan.msk.s32 $0xffff, v5;
	v5, _, _ =	vpop (xrf0)  }
0x8f: {  	[tilespmem:s30+$0x196F6] =	vst v0;
	s15 =	spop (v2sf);
	(v2sf) =	vpush v5, $0xF  }
0x90: {  	[tilespmem:s30+$0x19CFC] =	vst v0  }
0x91: {  	[tilespmem:s30+$0x19DFD] =	vst v0  }
0x92: {  	[tilespmem:s30+$0x19EFE] =	vst v0  }
0x93: {  	s0 =	simm.s32 $0xFFFFFFE0;
	[tilespmem:s30+$0x19BFB] =	vst v0  }
0x94: {  	v6 =	vld [tilespmem:s0+$0x192F2];
	[tilespmem:s1+$0x1A170] =	vst v12  }
0x95: {  	v11 =	vld [tilespmem:s0+$0x190F0];
	[tilespmem:s30+$0x197F7] =	vst v0  }
0x96: {  	v12 =	vld [tilespmem:s0+$0x191F1]  }
0x97: {  	[tilespmem:s0+$0x190F0] =	vst v0  }
0x98: {  	[tilespmem:s0+$0x191F1] =	vst v0;
	v10 =	vld [tilespmem:s0+$0x193F3]  }
0x99: {  	[tilespmem:s0+$0x193F3] =	vst v0;
	v7 =	vld [tilespmem:s0+$0x194F4];
	v9, _, _ =	vpop (xrf0)  }
0x9a: {  	[tilespmem:s0+$0x194F4] =	vst v0;
	v8 =	vld [tilespmem:s0+$0x195F5];
	v13 =	vperm.xlane v9, v3  }
0x9b: {  	[tilespmem:s0+$0x195F5] =	vst v0;
	v12 =	vadd.s32 v11, v12;
	v11 =	vld [tilespmem:s0+$0x197F7];
	s14 =	sxor.u32 $0x80000000, s15  }
0x9c: {  	s1 =	simm.s32 $0xFFFFFF40;
	v9 =	vld [tilespmem:s0+$0x196F6];
	[tilespmem:s0+$0x196F6] =	vst v0;
	v5 =	vadd.s32 s14, v13  }
.LBB2_6:
0x9d: {  	p0 =	sne.s32 s1, $0xFFFFFC40  }
0x9e: {  	v6 =	vadd.s32 v6, v12;
	[tilespmem:s0+$0x192F2] =	vst v0;
	v12 =	vld [tilespmem:s0+$0x198F8];
	vm0 =	vgt.s32 v5, $0x3F;
	v13 =	vxor.u32 $0x80000000, v5;
	s14 =	spop (v2sf);
	s15 =	smov.u32 s1;
	s1 =	sadd.s32 $0xFFFFFFC0, s1  }
0x9f: {  	v6 =	vadd.s32 v10, v6;
	[tilespmem:s0+$0x198F8] =	vst v0;
	v10 =	vld [tilespmem:s0+$0x199F9];
	v14 =	vmpcnt.ones.xlane vm0;
	(xrf0) =	vmax.scan.msk.u32 $0xffff, v13;
	s14 =	sadd.s32 s14, s31  }
0xa0: {  	v6 =	vadd.s32 v7, v6;
	[tilespmem:s0+$0x199F9] =	vst v0;
	v7 =	vld [tilespmem:s0+$0x19AFA];
	s31 =	sadd.s32 $0x80000000, s14  }
0xa1: {  	v6 =	vadd.s32 v8, v6;
	[tilespmem:s0+$0x19AFA] =	vst v0;
	v8 =	vld [tilespmem:s0+$0x19BFB];
	v13 =	vxor.u32 $0x80000000, v14  }
0xa2: {  	v6 =	vadd.s32 v9, v6;
	[tilespmem:s0+$0x19BFB] =	vst v0;
	v9 =	vld [tilespmem:s0+$0x19CFC];
	(xrf0) =	vmax.scan.msk.u32 $0xffff, v13  }
0xa3: {  	v6 =	vadd.s32 v11, v6;
	[tilespmem:s0+$0x19CFC] =	vst v0;
	v11 =	vld [tilespmem:s0+$0x19DFD]  }
0xa4: {  	v6 =	vadd.s32 v12, v6;
	[tilespmem:s0+$0x19DFD] =	vst v0;
	v12 =	vld [tilespmem:s0+$0x19EFE]  }
0xa5: {  	v6 =	vadd.s32 v10, v6;
	[tilespmem:s0+$0x19EFE] =	vst v0;
	v10 =	vld [tilespmem:s0+$0x19FFF];
	v13, _, _ =	vpop (xrf0)  }
0xa6: {  	v6 =	vadd.s32 v7, v6;
	[tilespmem:s0+$0x19FFF] =	vst v0;
	(v2sf) =	vpush v13, $0xF  }
0xa7: {  	v6 =	vadd.s32 v8, v6  }
0xa8: {  	v6 =	vadd.s32 v9, v6;
	v7, _, _ =	vpop (xrf0)  }
0xa9: {  	v6 =	vadd.s32 v11, v6;
	(v2sf) =	vpush v7, $0xF  }
0xaa: {  	v6 =	vadd.s32 v12, v6  }
0xab: {  	v6 =	vadd.s32 v10, v6  }
0xac: {  	v6 =	vperm.xlane v6, v3;
	_ =	sdelay $0x1  }
0xad: {  	(xrf0) =	vadd.scan.msk.s32 $0xffff, v6  }
0xae: {  	s14 =	sshra.s32 s15, $0x2  }
0xaf: {  	v6 =	vld [tilespmem:s14+$0x192F2];
	[tilespmem:s30+$0x1A170] =	vst v5;
	s30 =	smov.u32 s0;
	s0 =	smov.u32 s14  }
0xb0: {  	v5 =	vld [tilespmem:s0+$0x190F0];
	[tilespmem:s30+$0x197F7] =	vst v0  }
0xb1: {  	[tilespmem:s0+$0x190F0] =	vst v0;
	v11 =	vld [tilespmem:s0+$0x191F1]  }
.Ltmp2:
0xb2: {  	[tilespmem:s0+$0x191F1] =	vst v0;
	v10 =	vld [tilespmem:s0+$0x193F3];
	(pc) =	sbr.rel @p0 .LBB2_6-.Ltmp2, $4  }
0xb3: {  	[tilespmem:s0+$0x193F3] =	vst v0;
	v7 =	vld [tilespmem:s0+$0x194F4];
	v9, _, _ =	vpop (xrf0)  }
0xb4: {  	[tilespmem:s0+$0x194F4] =	vst v0;
	v8 =	vld [tilespmem:s0+$0x195F5];
	v13 =	vperm.xlane v9, v3;
	s14 =	spop (v2sf)  }
0xb5: {  	[tilespmem:s0+$0x195F5] =	vst v0;
	v9 =	vld [tilespmem:s0+$0x196F6];
	s14 =	sxor.u32 $0x80000000, s14  }
0xb6: {  	v12 =	vadd.s32 v5, v11;
	[tilespmem:s0+$0x196F6] =	vst v0;
	v11 =	vld [tilespmem:s0+$0x197F7];
	v5 =	vadd.s32 s14, v13  }
0xb7: {  	v6 =	vadd.s32 v6, v12;
	v59 =	vxor.u32 $0x80000000, v5  }
0xb8: {  	v13 =	vld [tilespmem:s0+$0x198F8];
	v6 =	vadd.s32 v10, v6;
	(xrf0) =	vmax.scan.msk.u32 $0xffff, v59  }
0xb9: {  	v14 =	vld [tilespmem:s0+$0x199F9];
	v6 =	vadd.s32 v7, v6  }
0xba: {  	v15 =	vld [tilespmem:s0+$0x19AFA];
	v6 =	vadd.s32 v8, v6  }
0xbb: {  	v16 =	vld [tilespmem:s0+$0x19BFB];
	v6 =	vadd.s32 v9, v6  }
0xbc: {  	v7 =	vld [tilespmem:s0+$0x19CFC];
	v6 =	vadd.s32 v11, v6  }
0xbd: {  	v8 =	vld [tilespmem:s0+$0x19DFD];
	v6 =	vadd.s32 v13, v6  }
0xbe: {  	v60 =	vld [tilespmem:s0+$0x19EFE];
	v6 =	vadd.s32 v14, v6;
	v61, _, _ =	vpop (xrf0)  }
0xbf: {  	v62 =	vld [tilespmem:s0+$0x19FFF];
	v6 =	vadd.s32 v15, v6;
	(v2sf) =	vpush v61, $0xF  }
0xc0: {  	v6 =	vadd.s32 v16, v6  }
0xc1: {  	v6 =	vadd.s32 v7, v6  }
0xc2: {  	vm0 =	vgt.s32 v5, $0x3F;
	v6 =	vadd.s32 v8, v6  }
0xc3: {  	v7 =	vmpcnt.ones.xlane vm0;
	v6 =	vadd.s32 v60, v6  }
0xc4: {  	v6 =	vadd.s32 v62, v6  }
0xc5: {  	v7 =	vxor.u32 $0x80000000, v7;
	v6 =	vperm.xlane v6, v3  }
0xc6: {  	(xrf0) =	vmax.scan.msk.u32 $0xffff, v7  }
0xc7: {  	(xrf0) =	vadd.scan.msk.s32 $0xffff, v6;
	_ =	sdelay $0x4  }
0xc8: {  	v6, _, _ =	vpop (xrf0)  }
0xc9: {  	s1 =	spop (v2sf);
	v7, _, _ =	vpop (xrf0)  }
0xca: {  	v7 =	vperm.xlane v7, v3;
	s14 =	spop (v2sf)  }
0xcb: {  	s14 =	sxor.u32 $0x80000000, s14  }
0xcc: {  	v7 =	vadd.s32 s14, v7  }
0xcd: {  	vm15 =	vgt.s32 v7, $0x3F  }
0xce: {  	v8 =	vmpcnt.ones.xlane vm15  }
0xcf: {  	v63 =	vxor.u32 $0x80000000, v7  }
0xd0: {  	(xrf0) =	vmax.scan.msk.u32 $0xffff, v63;
	v8 =	vxor.u32 $0x80000000, v8  }
0xd1: {  	(xrf0) =	vmax.scan.msk.u32 $0xffff, v8;
	_ =	sdelay $0x4  }
0xd2: {  	(v2sf) =	vpush v6, $0xF;
	v6, _, _ =	vpop (xrf0)  }
0xd3: {  	(v2sf) =	vpush v6, $0xF;
	v6, _, _ =	vpop (xrf0)  }
0xd4: {  	(v2sf) =	vpush v6, $0xF;
	_ =	sdelay $0xa  }
0xd5: {  	[tilespmem:s0+$0x192F2] =	vst v0  }
0xd6: {  	[tilespmem:s0+$0x198F8] =	vst v0;
	s1 =	sadd.s32 s1, s31  }
0xd7: {  	[tilespmem:s0+$0x199F9] =	vst v0;
	s1 =	sadd.s32 $0x80000000, s1;
	s15 =	spop (v2sf)  }
0xd8: {  	[tilespmem:s0+$0x19AFA] =	vst v0;
	s1 =	sadd.s32 s15, s1;
	s31 =	spop (v2sf)  }
0xd9: {  	[tilespmem:s0+$0x19BFB] =	vst v0;
	s1 =	sadd.s32 $0x80000000, s1;
	s14 =	spop (v2sf)  }
0xda: {  	[tilespmem:s0+$0x19EFE] =	vst v0;
	s1 =	sadd.s32 s14, s1  }
0xdb: {  	[tilespmem:s0+$0x19FFF] =	vst v0;
	s1 =	sadd.s32 $0x80000000, s1  }
0xdc: {  	[tilespmem:s0+$0x19CFC] =	vst v0;
	v6 =	vmov s1  }
0xdd: {  	[tilespmem:s0+$0x19DFD] =	vst v0  }
0xde: {  	[tilespmem:s30+$0x1A170] =	vst v5  }
0xdf: {  	[tilespmem:s0+$0x197F7] =	vst v0  }
0xe0: {  	[tilespmem:s0+$0x1A170] =	vst v7;
	s0 =	simm.s32 $0x18040  }
0xe1: {  	v6 =	vld.idx.msk [tilespmem:v6+s18+$0x0], $0xffff;
	[tilespmem:s0+$0xFFFFFFC0] =	vst v4  }
0xe2: {  	[tilespmem:s0+$0x30] =	vst v4  }
0xe3: {  	[tilespmem:s0+$0x20] =	vst v4  }
0xe4: {  	[tilespmem:s0+$0x10] =	vst v4  }
0xe5: {  	[tilespmem:s0+$0x0] =	vst v4  }
0xe6: {  	[tilespmem:s0+$0xFFFFFFF0] =	vst v4  }
0xe7: {  	s14 =	simm.s32 $0x0;
	[tilespmem:s0+$0xFFFFFFE0] =	vst v4  }
.LBB2_8:
0xe8: {  	s14 =	sadd.s32 $0x8, s14;
	[tilespmem:s0+$0xFFFFFFD0] =	vst v4;
	s0 =	sadd.s32 $0x80, s0  }
0xe9: {  	[tilespmem:s0+$0xFFFFFFC0] =	vst v4;
	p0 =	slt.u32 s14, $0xF8  }
0xea: {  	[tilespmem:s0+$0x30] =	vst v4  }
.Ltmp3:
0xeb: {  	[tilespmem:s0+$0x20] =	vst v4;
	(pc) =	sbr.rel @p0 .LBB2_8-.Ltmp3, $4  }
0xec: {  	[tilespmem:s0+$0x10] =	vst v4  }
0xed: {  	[tilespmem:s0+$0x0] =	vst v4  }
0xee: {  	[tilespmem:s0+$0xFFFFFFF0] =	vst v4  }
0xef: {  	[tilespmem:s0+$0xFFFFFFE0] =	vst v4  }
0xf0: {  	[tilespmem:s0+$0xFFFFFFD0] =	vst v4;
	s0 =	simm.s32 $0x40  }
0xf1: {  	v9 =	vld [tilespmem:s0+$0xFFFFFFD0]  }
0xf2: {  	s14 =	sshll.u32 s1, $0x18;
	v11 =	vld [tilespmem:s0+$0xFFFFFFF0]  }
0xf3: {  	s15 =	sxor.u32 $0x80000000, s14;
	v8 =	vld [tilespmem:s0+$0x0]  }
0xf4: {  	s14 =	sadd.s32 $0x7F000000, s14;
	v7 =	vld [tilespmem:s0+$0x30];
	v10 =	vmov s15  }
0xf5: {  	s30 =	sadd.s32 $0xFFFFFFFF, s1;
	v16 =	vld [tilespmem:s0+$0xFFFFFFE0];
	v5 =	vmov s14;
	vm0 =	vlt.s32 v10, $0x0;
	v12 =	vxor.u32 $0x7FFFFFFF, v10  }
0xf6: {  	p0 =	seq.s32 s30, $0xFF;
	v15 =	vld [tilespmem:s0+$0x20];
	v13 =	vxor.u32 $0x7FFFFFFF, v5;
	v12 =	vnsel vm0, s15, v12;
	vm0 =	vlt.s32 v5, $0x0  }
0xf7: {  	v10 =	vld [tilespmem:s0+$0x10];
	v13 =	vnsel vm0, s14, v13;
	v14 =	vpsel p0, $0x7F800000, v12  }
0xf8: {  	v12 =	vld [tilespmem:s0+$0xFFFFFFC0];
	vm0 =	vge.f32 v11, v13;
	vm1 =	vlt.f32 v11, v14  }
0xf9: {  	v19 =	vimm.s32 $0xFFFFFFFF;
	vm2 =	vge.f32 v9, v13;
	vm0 =	vmand vm0, vm1  }
0xfa: {  	vm3 =	vlt.f32 v9, v14;
	vm4 =	vge.f32 v8, v13;
	vm7 =	vge.f32 v16, v13;
	(xrf0) =	vadd.scan.msk.s32 vm0, v2  }
0xfb: {  	vm10 =	vge.f32 v15, v13;
	vm1 =	vmand vm2, vm3;
	vm2 =	vlt.f32 v7, v14  }
0xfc: {  	vm3 =	vlt.f32 v16, v14;
	vm5 =	vge.f32 v10, v13;
	vm8 =	vlt.f32 v10, v14;
	(xrf0) =	vadd.scan.msk.s32 vm1, v2  }
0xfd: {  	v17 =	vmpcnt.ones.xlane vm1;
	vm6 =	vge.f32 v12, v13;
	vm9 =	vlt.f32 v12, v14  }
0xfe: {  	vm3 =	vmand vm7, vm3;
	vm7 =	vmand vm6, vm9;
	vm6 =	vge.f32 v7, v13  }
0xff: {  	v18 =	vmpcnt.ones.xlane vm0;
	v17 =	vadd.s32 v19, v17;
	vm2 =	vmand vm6, vm2;
	(xrf0) =	vadd.scan.msk.s32 vm7, v2  }
0x100: {  	v20 =	vmpcnt.ones.xlane vm3;
	vm9 =	vlt.f32 v15, v14;
	vm6 =	vlt.f32 v8, v14;
	v21, _, _ =	vpop (xrf0);
	(xrf0) =	vadd.scan.msk.s32 vm2, v2  }
0x101: {  	v18 =	vadd.s32 v17, v18;
	v22 =	vmpcnt.ones.xlane vm7;
	vm6 =	vmand vm4, vm6;
	(xrf0) =	vadd.scan.msk.s32 vm3, v2  }
0x102: {  	vm4 =	vmand vm5, vm8;
	vm5 =	vmand vm10, vm9;
	v21 =	vadd.s32 v17, v21;
	v17, _, _ =	vpop (xrf0);
	(xrf0) =	vadd.scan.msk.s32 vm6, v2  }
0x103: {  	v24 =	vmpcnt.ones.xlane vm4;
	v25 =	vadd.s32 v19, v22;
	v23 =	vadd.s32 v19, v17;
	(xrf0) =	vadd.scan.msk.s32 vm4, v2  }
0x104: {  	v27 =	vmpcnt.ones.xlane vm6;
	v20 =	vadd.s32 v25, v20;
	vm11 =	vlt.s32 v21, $0x7FF  }
0x105: {  	v24 =	vadd.s32 v18, v24;
	v17 =	vnsel vm11, $0x7FF, v21;
	vm8 =	vlt.s32 v23, $0x7FF;
	v22, _, _ =	vpop (xrf0)  }
0x106: {  	v21 =	vmpcnt.ones.xlane vm2;
	v22 =	vadd.s32 v19, v22;
	v19 =	vnsel vm8, $0x7FF, v23;
	v23, _, _ =	vpop (xrf0)  }
0x107: {  	v17 =	vadd.s32 $0x800, v17;
	vm8 =	vlt.s32 v22, $0x7FF;
	(xrf0) =	vadd.scan.msk.s32 vm5, v2;
	v23 =	vadd.s32 v24, v23;
	v26, _, _ =	vpop (xrf0)  }
0x108: {  	v19 =	vadd.s32 $0x800, v19;
	v26 =	vadd.s32 v25, v26;
	vm9 =	vlt.s32 v23, $0x7FF;
	v25, _, _ =	vpop (xrf0)  }
0x109: {  	s31 =	simm.s32 $0xC0;
	s0 =	simm.s32 $0x0;
	v25 =	vadd.s32 v20, v25;
	v20 =	vadd.s32 v20, v27;
	v23 =	vnsel vm9, $0x7FF, v23;
	v27, _, _ =	vpop (xrf0)  }
.LBB2_10:
0x10a: {  	v28 =	vld [tilespmem:s31+$0xFFFFFFD0];
	s0 =	sadd.s32 $0x4, s0;
	v22 =	vnsel vm8, $0x7FF, v22;
	vm8 =	vlt.s32 v26, $0x7FF;
	v18 =	vadd.s32 v18, v27  }
0x10b: {  	v21 =	vadd.s32 v24, v21;
	v27 =	vld [tilespmem:s31+$0xFFFFFFF0];
	p0 =	slt.u32 s0, $0x3FC;
	v26 =	vnsel vm8, $0x7FF, v26;
	vm8 =	vlt.s32 v18, $0x7FF  }
0x10c: {  	v24 =	vld [tilespmem:s31+$0x0];
	v18 =	vnsel vm8, $0x7FF, v18  }
0x10d: {  	vm8 =	vlt.s32 v25, $0x7FF;
	v29 =	vld [tilespmem:s31+$0x30];
	v30, _, _ =	vpop (xrf0)  }
0x10e: {  	v23 =	vadd.s32 $0x800, v23;
	v25 =	vnsel vm8, $0x7FF, v25;
	v31 =	vld [tilespmem:s31+$0x10];
	v30 =	vadd.s32 v20, v30  }
0x10f: {  	vm8 =	vge.f32 v28, v13;
	v32 =	vld [tilespmem:s31+$0xFFFFFFE0];
	[tilespmem:v22+s19+$0x0] =	vst.idx.msk vm7, v12;
	vm7 =	vlt.s32 v30, $0x7FF;
	v22 =	vmpcnt.ones.xlane vm5  }
0x110: {  	v18 =	vadd.s32 $0x800, v18;
	vm9 =	vlt.f32 v28, v14;
	v12 =	vld [tilespmem:s31+$0xFFFFFFC0];
	[tilespmem:v19+s19+$0x0] =	vst.idx.msk vm1, v9;
	v19 =	vnsel vm7, $0x7FF, v30;
	v9 =	vmovc v28  }
0x111: {  	vm1 =	vmand vm8, vm9;
	vm7 =	vge.f32 v27, v13;
	vm9 =	vlt.f32 v27, v14;
	v28 =	vld [tilespmem:s31+$0x20];
	[tilespmem:v26+s19+$0x0] =	vst.idx.msk vm3, v16  }
0x112: {  	vm8 =	vge.f32 v24, v13;
	vm11 =	vlt.f32 v29, v14;
	[tilespmem:v17+s19+$0x0] =	vst.idx.msk vm0, v11;
	vm0 =	vmand vm7, vm9  }
0x113: {  	vm9 =	vge.f32 v31, v13;
	vm10 =	vlt.f32 v31, v14;
	(xrf0) =	vadd.scan.msk.s32 vm0, v2;
	[tilespmem:v25+s19+$0x0] =	vst.idx.msk vm6, v8  }
0x114: {  	v20 =	vadd.s32 v20, v22;
	v11 =	vmovc v27;
	v8 =	vmov v24;
	vm3 =	vlt.f32 v32, v14;
	(xrf0) =	vadd.scan.msk.s32 vm1, v2  }
0x115: {  	v16 =	vmpcnt.ones.xlane vm1;
	vm7 =	vge.f32 v32, v13;
	vm6 =	vge.f32 v12, v13;
	[tilespmem:v19+s19+$0x0] =	vst.idx.msk vm5, v15  }
0x116: {  	vm5 =	vlt.f32 v12, v14;
	vm3 =	vmand vm7, vm3;
	vm12 =	vge.f32 v28, v13;
	[tilespmem:v23+s19+$0x0] =	vst.idx.msk vm2, v7  }
0x117: {  	vm7 =	vmand vm6, vm5;
	v23 =	vmpcnt.ones.xlane vm3;
	vm2 =	vge.f32 v29, v13;
	v7 =	vmovc v29;
	[tilespmem:v18+s19+$0x0] =	vst.idx.msk vm4, v10  }
0x118: {  	v22 =	vmpcnt.ones.xlane vm0;
	vm5 =	vlt.f32 v28, v14;
	vm2 =	vmand vm2, vm11;
	v10 =	vmovc v31;
	(xrf0) =	vadd.scan.msk.s32 vm7, v2  }
0x119: {  	v24 =	vadd.s32 v21, v16;
	v19 =	vmpcnt.ones.xlane vm7;
	vm4 =	vlt.f32 v8, v14;
	v17, _, _ =	vpop (xrf0);
	(xrf0) =	vadd.scan.msk.s32 vm2, v2  }
0x11a: {  	v18 =	vadd.s32 v24, v22;
	vm6 =	vmand vm8, vm4;
	v17 =	vadd.s32 v24, v17;
	v15, _, _ =	vpop (xrf0);
	(xrf0) =	vadd.scan.msk.s32 vm3, v2  }
0x11b: {  	v16 =	vmovc v32;
	vm5 =	vmand vm12, vm5;
	vm4 =	vmand vm9, vm10;
	vm8 =	vlt.s32 v17, $0x7FF;
	(xrf0) =	vadd.scan.msk.s32 vm6, v2  }
0x11c: {  	v24 =	vadd.s32 v21, v15;
	v15 =	vmovc v28;
	v17 =	vnsel vm8, $0x7FF, v17;
	(xrf0) =	vadd.scan.msk.s32 vm4, v2  }
0x11d: {  	v25 =	vmpcnt.ones.xlane vm4;
	vm8 =	vlt.s32 v24, $0x7FF;
	v17 =	vadd.s32 $0x800, v17  }
.Ltmp4:
0x11e: {  	v27 =	vadd.s32 v20, v19;
	v28 =	vmpcnt.ones.xlane vm6;
	v21 =	vmpcnt.ones.xlane vm2;
	v19, _, _ =	vpop (xrf0);
	(pc) =	sbr.rel @p0 .LBB2_10-.Ltmp4, $4  }
0x11f: {  	v22 =	vadd.s32 v20, v19;
	v19 =	vnsel vm8, $0x7FF, v24;
	v24 =	vadd.s32 v18, v25;
	v20, _, _ =	vpop (xrf0)  }
0x120: {  	vm8 =	vlt.s32 v22, $0x7FF;
	v19 =	vadd.s32 $0x800, v19;
	v29 =	vadd.s32 v24, v20;
	v20, _, _ =	vpop (xrf0);
	(xrf0) =	vadd.scan.msk.s32 vm5, v2  }
0x121: {  	v26 =	vadd.s32 v27, v20;
	v20 =	vadd.s32 v27, v23;
	vm9 =	vlt.s32 v29, $0x7FF;
	v23, _, _ =	vpop (xrf0)  }
0x122: {  	s31 =	sadd.s32 $0x80, s31;
	v25 =	vadd.s32 v20, v23;
	v20 =	vadd.s32 v20, v28;
	v23 =	vnsel vm9, $0x7FF, v29;
	v27, _, _ =	vpop (xrf0)  }
0x123: {  	v13 =	vmpcnt.ones.xlane vm5;
	_ =	sdelay $0x1  }
0x124: {  	v13 =	vadd.s32 v20, v13  }
0x125: {  	v13 =	vxor.u32 $0x80000000, v13  }
0x126: {  	v14 =	vadd.s32 v24, v21;
	(xrf0) =	vmax.scan.msk.u32 $0xffff, v13  }
0x127: {  	v53 =	vxor.u32 $0x80000000, v14  }
0x128: {  	(xrf0) =	vmax.scan.msk.u32 $0xffff, v53;
	_ =	sdelay $0x2  }
0x129: {  	v54, _, _ =	vpop (xrf0)  }
0x12a: {  	v55, _, _ =	vpop (xrf0)  }
0x12b: {  	(v2sf) =	vpush v55, $0xF  }
0x12c: {  	v56, _, _ =	vpop (xrf0)  }
0x12d: {  	(v2sf) =	vpush v56, $0xF;
	_ =	sdelay $0xa  }
0x12e: {  	v57 =	vnsel vm8, $0x7FF, v22  }
0x12f: {  	vm12 =	vlt.s32 v26, $0x7FF  }
0x130: {  	vm13 =	vlt.s32 v25, $0x7FF;
	v18 =	vadd.s32 v18, v27;
	v58 =	vnsel vm12, $0x7FF, v26;
	s0 =	spop (v2sf)  }
0x131: {  	p0 =	slt.s32 s30, $0x81;
	v59 =	vnsel vm13, $0x7FF, v25;
	vm15 =	vlt.s32 v18, $0x7FF;
	s0 =	sadd.s32 $0x80000001, s0  }
0x132: {  	v61 =	vnsel vm15, $0x7FF, v18;
	v13 =	vadd.s32 v20, v54;
	s1 =	spop (v2sf);
	p1 =	sgt.s32 @!p0 s0, $0x800  }
0x133: {  	v63 =	vadd.s32 $0x800, v61;
	vm14 =	vlt.s32 v13, $0x7FF;
	[tilespmem:v57+s19+$0x0] =	vst.idx.msk vm7, v12;
	s1 =	sadd.s32 $0x80000001, s1;
	p1 =	por p0, p1  }
0x134: {  	v60 =	vnsel vm14, $0x7FF, v13;
	[tilespmem:v19+s19+$0x0] =	vst.idx.msk vm1, v9;
	p2 =	slt.s32 @!p1 s1, $0x801  }
0x135: {  	v62 =	vadd.s32 $0x800, v23;
	[tilespmem:v58+s19+$0x0] =	vst.idx.msk vm3, v16;
	p2 =	por p1, !p2  }
.Ltmp5:
0x136: {  	[tilespmem:v59+s19+$0x0] =	vst.idx.msk vm6, v8;
	(pc) =	sbr.rel @p2 .LBB2_12-.Ltmp5, $4  }
0x137: {  	[tilespmem:v17+s19+$0x0] =	vst.idx.msk vm0, v11  }
0x138: {  	[tilespmem:v63+s19+$0x0] =	vst.idx.msk vm4, v10  }
0x139: {  	[tilespmem:v60+s19+$0x0] =	vst.idx.msk vm5, v15  }
0x13a: {  	[tilespmem:v62+s19+$0x0] =	vst.idx.msk vm2, v7  }
0x13b: {  	v6 =	vxor.u32 $0x80000000, v6  }
0x13c: {  	(xrf0) =	vmax.scan.msk.u32 $0xffff, v6;
	_ =	sdelay $0x5  }
0x13d: {  	v6, _, _ =	vpop (xrf0)  }
0x13e: {  	(v2sf) =	vpush v6, $0xF;
	_ =	sdelay $0x8  }
0x13f: {  	p0 =	sgt.s32 s0, s1  }
0x140: {  	s1 =	smov.u32 @p0 s0  }
0x141: {  	s0 =	sadd.s32 $0xF, s1  }
0x142: {  	s14 =	sand.u32 $0xF, s0;
	s15 =	sshra.s32 s0, $0x1F  }
0x143: {  	p0 =	slt.s32 s1, $0xFFFFFFF2;
	p1 =	sne.s32 s14, $0x0;
	s31 =	sshrl.u32 s15, $0x1C  }
.Ltmp6:
0x144: {  	s14 =	simm.s32 $0x1;
	p0 =	por !p0, !p1;
	(pc) =	sbr.rel .LBB2_17-.Ltmp6, $4  }
0x145: {  	s0 =	sadd.s32 s31, s0;
	p0 =	por !p0, !p0;
	s30 =	spop (v2sf)  }
0x146: {  	s0 =	sshra.s32 s0, $0x4;
	s14 =	simm.s32 @!p0 $0x0;
	s1 =	sxor.u32 $0x80000000, s30  }
0x147: {  	s0 =	ssub.s32 s0, s14;
	s1 =	ssub.s32 $0x40, s1  }
0x148: {  	p0 =	slt.s32 s0, $0x1;
	v6 =	vmov s1;
	s1 =	simm.s32 $0x0  }
.LBB2_20:
0x149: {  	vm0 =	vge.s32 v9, v7;
	vm1 =	vge.s32 v11, v7  }
0x14a: {  	v9 =	vmpcnt.ones.xlane vm0;
	v11 =	vmpcnt.ones.xlane vm1;
	_ =	sdelay $0x1  }
0x14b: {  	v8 =	vadd.s32 v8, v9;
	v9 =	vadd.s32 v10, v11  }
0x14c: {  	v8 =	vadd.s32 v8, v9  }
.LBB2_21:
0x14d: {  	s1 =	sadd.s32 $0x1, s1  }
0x14e: {  	p1 =	seq.s32 s1, $0x18  }
.Ltmp7:
0x14f: {  	_ = 	snop;
	(pc) =	sbr.rel @p1 .LBB2_22-.Ltmp7, $3  }
0x150: {  	_ =	sdelay $0x1  }
0x151: {  	vm0 =	vlt.s32 v8, v6  }
0x152: {  	v5 =	vsel vm0, v5, v7  }
.LBB2_17:
.Ltmp8:
0x153: {  	(pc) =	sbr.rel @p0 .LBB2_21-.Ltmp8, $3  }
0x154: {  	_ =	sdelay $0x1  }
0x155: {  	s14 =	sshrl.u32 s20, s1  }
0x156: {  	v8 =	vimm.s32 $0x0;
	v7 =	vor.u32 s14, v5  }
0x157: {  	s14 =	simm.s32 $0x0;
	s30 =	simm.s32 $0x18000  }
0x158: {  	p1 =	seq.s32 s0, $0x1;
	v9 =	vld [tilespmem:s30+$0x0];
	s14 =	sand.u32 $0xFFFFFFF0, s14  }
.Ltmp9:
0x159: {  	v11 =	vld [tilespmem:s14+$0x18800];
	(pc) =	sbr.rel @p1 .LBB2_20-.Ltmp9, $2  }
0x15a: {  	_ =	sdelay $0x2  }
0x15b: {  	s31 =	simm.s32 $0x10;
	v10 =	vimm.s32 $0x0;
	s30 =	sadd.s32 $0xFFFFFFFF, s0;
	s14 =	simm.s32 $0x18010  }
.LBB2_19:
0x15c: {  	s15 =	sand.u32 $0xFFFFFFF0, s31;
	p1 =	seq.s32 s30, $0x1;
	s30 =	sadd.s32 $0xFFFFFFFF, s30;
	vm0 =	vge.s32 v9, v7;
	v9 =	vld [tilespmem:s14+$0x0];
	vm1 =	vge.s32 v11, v7  }
.Ltmp10:
0x15d: {  	v11 =	vld [tilespmem:s15+$0x18800];
	v12 =	vmpcnt.ones.xlane vm0;
	v13 =	vmpcnt.ones.xlane vm1;
	(pc) =	sbr.rel @!p1 .LBB2_19-.Ltmp10, $3  }
0x15e: {  	_ = 	snop  }
0x15f: {  	v8 =	vadd.s32 v8, v12;
	v10 =	vadd.s32 v10, v13;
	_ =	sdelay $0x1  }
0x160: {  	s31 =	sadd.s32 $0x10, s31;
	s14 =	sadd.s32 $0x10, s14  }
.Ltmp11:
0x161: {  	_ = 	snop;
	(pc) =	sbr.rel .LBB2_20-.Ltmp11, $1  }
0x162: {  	_ =	sdelay $0x3  }
.LBB2_12:
0x163: {  	s0 =	simm.s32 $0x0  }
0x164: {  	v6 =	vpsel p0, v5, v5;
	s0 =	simm.s32 @p0 $0x0  }
0x165: {  	v5 =	vpsel p1, v6, v5;
	s0 =	simm.s32 @!p1 $0x0  }
.LBB2_13:
0x166: {  	s1 =	simm.s32 $0x20  }
0x167: {  	v10 =	vld [tilespmem:s1+$0x10]  }
0x168: {  	v11 =	vld [tilespmem:s1+$0x0]  }
0x169: {  	v9 =	vld [tilespmem:s1+$0xFFFFFFE0]  }
0x16a: {  	v12 =	vld [tilespmem:s1+$0xFFFFFFF0];
	_ =	sdelay $0x2  }
0x16b: {  	s31 =	sshrl.u32 s20, s0  }
0x16c: {  	v6 =	vor.u32 s31, v5;
	v14 =	vshra.s32 v10, $0x1F  }
0x16d: {  	s14 =	simm.s32 $0x60;
	v8 =	vshra.s32 v9, $0x1F;
	v15 =	vshra.s32 v11, $0x1F;
	v17 =	vshra.s32 v12, $0x1F  }
0x16e: {  	v7 =	vld [tilespmem:s14+$0x10];
	v16 =	vand.u32 $0x7FFFFFFF, v8;
	v17 =	vand.u32 $0x7FFFFFFF, v17;
	v14 =	vand.u32 $0x7FFFFFFF, v14  }
0x16f: {  	v8 =	vld [tilespmem:s14+$0x0];
	v15 =	vand.u32 $0x7FFFFFFF, v15;
	v16 =	vxor.u32 v9, v16;
	v12 =	vxor.u32 v12, v17  }
0x170: {  	v9 =	vld [tilespmem:s14+$0xFFFFFFE0];
	v11 =	vxor.u32 v11, v15;
	v10 =	vxor.u32 v10, v14;
	vm0 =	vge.s32 v16, v6  }
0x171: {  	vm13 =	vge.s32 v12, v6;
	vm15 =	vge.s32 v10, v6;
	v10 =	vld [tilespmem:s14+$0xFFFFFFF0];
	v16 =	vmpcnt.ones.xlane vm0  }
0x172: {  	v13 =	vimm.s32 $0x0;
	vm14 =	vge.s32 v11, v6;
	v12 =	vmpcnt.ones.xlane vm13  }
0x173: {  	v15 =	vmpcnt.ones.xlane vm14;
	v13 =	vadd.s32 v13, v16  }
0x174: {  	v11 =	vshra.s32 v7, $0x1F;
	v16 =	vadd.s32 v12, v13;
	v13 =	vmpcnt.ones.xlane vm15  }
0x175: {  	s30 =	simm.s32 $0xA0;
	s1 =	simm.s32 $0x4;
	v14 =	vshra.s32 v9, $0x1F;
	v12 =	vshra.s32 v8, $0x1F;
	v15 =	vadd.s32 v15, v16  }
.LBB2_14:
0x176: {  	v16 =	vld [tilespmem:s30+$0x10];
	v14 =	vand.u32 $0x7FFFFFFF, v14;
	v17 =	vshra.s32 v10, $0x1F;
	v13 =	vadd.s32 v13, v15  }
0x177: {  	v11 =	vand.u32 $0x7FFFFFFF, v11;
	s1 =	sadd.s32 $0x4, s1;
	v15 =	vld [tilespmem:s30+$0x0];
	v14 =	vxor.u32 v9, v14;
	v17 =	vand.u32 $0x7FFFFFFF, v17  }
0x178: {  	v12 =	vand.u32 $0x7FFFFFFF, v12;
	p0 =	slt.u32 s1, $0x7FC;
	v9 =	vld [tilespmem:s30+$0xFFFFFFE0];
	vm0 =	vge.s32 v14, v6;
	v14 =	vxor.u32 v10, v17  }
.Ltmp12:
0x179: {  	v8 =	vxor.u32 v8, v12;
	v10 =	vld [tilespmem:s30+$0xFFFFFFF0];
	v17 =	vmpcnt.ones.xlane vm0;
	vm0 =	vge.s32 v14, v6;
	(pc) =	sbr.rel @p0 .LBB2_14-.Ltmp12, $4  }
0x17a: {  	v11 =	vxor.u32 v7, v11;
	v12 =	vmpcnt.ones.xlane vm0;
	vm0 =	vge.s32 v8, v6  }
0x17b: {  	v14 =	vadd.s32 v13, v17;
	v17 =	vmpcnt.ones.xlane vm0;
	vm0 =	vge.s32 v11, v6;
	v7 =	vmovc v16  }
0x17c: {  	v11 =	vshra.s32 v7, $0x1F;
	v16 =	vadd.s32 v12, v14;
	v13 =	vmpcnt.ones.xlane vm0;
	v8 =	vmovc v15  }
0x17d: {  	s30 =	sadd.s32 $0x40, s30;
	v14 =	vshra.s32 v9, $0x1F;
	v12 =	vshra.s32 v8, $0x1F;
	v15 =	vadd.s32 v17, v16  }
0x17e: {  	v14 =	vand.u32 $0x7FFFFFFF, v14;
	v16 =	vshra.s32 v10, $0x1F;
	v13 =	vadd.s32 v13, v15  }
0x17f: {  	v11 =	vand.u32 $0x7FFFFFFF, v11;
	v9 =	vxor.u32 v9, v14;
	v57 =	vand.u32 $0x7FFFFFFF, v16  }
0x180: {  	v59 =	vand.u32 $0x7FFFFFFF, v12;
	vm0 =	vge.s32 v9, v6;
	v58 =	vxor.u32 v10, v57  }
0x181: {  	v8 =	vxor.u32 v8, v59;
	v60 =	vmpcnt.ones.xlane vm0;
	vm12 =	vge.s32 v58, v6  }
0x182: {  	s0 =	sadd.s32 $0x1, s0;
	v7 =	vxor.u32 v7, v11;
	vm13 =	vge.s32 v8, v6;
	v9 =	vmpcnt.ones.xlane vm12  }
0x183: {  	p0 =	seq.s32 s0, $0x18;
	vm14 =	vge.s32 v7, v6;
	v62 =	vmpcnt.ones.xlane vm13;
	v61 =	vadd.s32 v13, v60  }
.Ltmp13:
0x184: {  	v63 =	vmpcnt.ones.xlane vm14;
	v7 =	vadd.s32 v9, v61;
	(pc) =	sbr.rel @!p0 .LBB2_13-.Ltmp13, $4  }
0x185: {  	v7 =	vadd.s32 v62, v7  }
0x186: {  	v7 =	vadd.s32 v63, v7  }
0x187: {  	vm15 =	vgt.s32 v7, $0x3F  }
0x188: {  	v5 =	vsel vm15, v6, v5  }
.LBB2_22:
0x189: {  	s0 =	simm.s32 $0x80  }
0x18a: {  	v6 =	vld [tilespmem:s0+$0x70]  }
0x18b: {  	v7 =	vld [tilespmem:s0+$0xFFFFFF90]  }
0x18c: {  	v8 =	vld [tilespmem:s0+$0xFFFFFFA0]  }
0x18d: {  	vm0 =	vlt.s32 v5, $0x0;
	v9 =	vxor.u32 $0x7FFFFFFF, v5;
	v10 =	vld [tilespmem:s0+$0xFFFFFFB0]  }
0x18e: {  	v5 =	vsel vm0, v9, v5;
	v9 =	vld [tilespmem:s0+$0xFFFFFFC0]  }
0x18f: {  	v11 =	vld [tilespmem:s0+$0xFFFFFFD0];
	vm0 =	vge.f32 v6, v5  }
0x190: {  	v12 =	vld [tilespmem:s0+$0xFFFFFFE0];
	vm1 =	vge.f32 v7, v5;
	v6 =	vnsel vm0, $0x0, v6  }
0x191: {  	v13 =	vld [tilespmem:s0+$0xFFFFFFF0];
	v7 =	vnsel vm1, $0x0, v7;
	vm0 =	vge.f32 v8, v5;
	[tilespmem:s0+$0x70] =	vst v6  }
0x192: {  	[tilespmem:s0+$0xFFFFFF90] =	vst v7;
	v6 =	vnsel vm0, $0x0, v8;
	vm0 =	vge.f32 v10, v5;
	v8 =	vld [tilespmem:s0+$0x0]  }
0x193: {  	v14 =	vld [tilespmem:s0+$0x10];
	[tilespmem:s0+$0xFFFFFFA0] =	vst v6;
	v6 =	vnsel vm0, $0x0, v10;
	vm0 =	vge.f32 v9, v5  }
0x194: {  	[tilespmem:s0+$0xFFFFFFB0] =	vst v6;
	v7 =	vnsel vm0, $0x0, v9;
	vm0 =	vge.f32 v11, v5;
	v6 =	vld [tilespmem:s0+$0x20]  }
0x195: {  	[tilespmem:s0+$0xFFFFFFC0] =	vst v7;
	v9 =	vnsel vm0, $0x0, v11;
	vm0 =	vge.f32 v12, v5;
	v7 =	vld [tilespmem:s0+$0x30]  }
0x196: {  	[tilespmem:s0+$0xFFFFFFD0] =	vst v9;
	v10 =	vnsel vm0, $0x0, v12;
	vm0 =	vge.f32 v13, v5;
	v9 =	vld [tilespmem:s0+$0x40]  }
0x197: {  	v11 =	vld [tilespmem:s0+$0x50];
	[tilespmem:s0+$0xFFFFFFE0] =	vst v10;
	v10 =	vnsel vm0, $0x0, v13;
	vm0 =	vge.f32 v8, v5  }
0x198: {  	[tilespmem:s0+$0xFFFFFFF0] =	vst v10;
	v12 =	vnsel vm0, $0x0, v8;
	vm0 =	vge.f32 v14, v5;
	v10 =	vld [tilespmem:s0+$0x60]  }
0x199: {  	s1 =	simm.s32 $0x0;
	s30 =	simm.s32 $0x180;
	v8 =	vld [tilespmem:s0+$0xFFFFFF80];
	[tilespmem:s0+$0x0] =	vst v12;
	v12 =	vnsel vm0, $0x0, v14;
	vm0 =	vge.f32 v6, v5  }
.LBB2_23:
0x19a: {  	v13 =	vld [tilespmem:s30+$0x70];
	s1 =	sadd.s32 $0x10, s1;
	[tilespmem:s0+$0x10] =	vst v12;
	v6 =	vnsel vm0, $0x0, v6;
	vm0 =	vge.f32 v7, v5  }
0x19b: {  	v12 =	vld [tilespmem:s30+$0xFFFFFF90];
	p0 =	slt.u32 s1, $0x7F0;
	[tilespmem:s0+$0x20] =	vst v6;
	v6 =	vnsel vm0, $0x0, v7;
	vm0 =	vge.f32 v9, v5  }
0x19c: {  	v7 =	vld [tilespmem:s30+$0xFFFFFFA0];
	[tilespmem:s0+$0x30] =	vst v6;
	v6 =	vnsel vm0, $0x0, v9;
	vm0 =	vge.f32 v11, v5  }
0x19d: {  	v9 =	vld [tilespmem:s30+$0xFFFFFFB0];
	[tilespmem:s0+$0x40] =	vst v6;
	v6 =	vnsel vm0, $0x0, v11;
	vm0 =	vge.f32 v10, v5  }
0x19e: {  	v11 =	vld [tilespmem:s30+$0xFFFFFFC0];
	vm1 =	vge.f32 v8, v5;
	[tilespmem:s0+$0x50] =	vst v6;
	v6 =	vnsel vm0, $0x0, v10  }
0x19f: {  	v10 =	vld [tilespmem:s30+$0xFFFFFFD0];
	vm0 =	vge.f32 v13, v5;
	v8 =	vnsel vm1, $0x0, v8;
	[tilespmem:s0+$0x60] =	vst v6  }
0x1a0: {  	vm1 =	vge.f32 v12, v5;
	v14 =	vld [tilespmem:s30+$0xFFFFFFE0];
	v6 =	vnsel vm0, $0x0, v13;
	[tilespmem:s0+$0xFFFFFF80] =	vst v8;
	s0 =	smov.u32 s30  }
0x1a1: {  	v8 =	vnsel vm1, $0x0, v12;
	vm0 =	vge.f32 v7, v5;
	v12 =	vld [tilespmem:s30+$0xFFFFFFF0];
	[tilespmem:s30+$0x70] =	vst v6  }
0x1a2: {  	[tilespmem:s30+$0xFFFFFF90] =	vst v8;
	v6 =	vnsel vm0, $0x0, v7;
	vm0 =	vge.f32 v9, v5;
	v8 =	vld [tilespmem:s30+$0x0]  }
0x1a3: {  	[tilespmem:s30+$0xFFFFFFA0] =	vst v6;
	v6 =	vnsel vm0, $0x0, v9;
	vm0 =	vge.f32 v11, v5;
	v13 =	vld [tilespmem:s30+$0x10]  }
0x1a4: {  	[tilespmem:s30+$0xFFFFFFB0] =	vst v6;
	v7 =	vnsel vm0, $0x0, v11;
	vm0 =	vge.f32 v10, v5;
	v6 =	vld [tilespmem:s30+$0x20]  }
.Ltmp14:
0x1a5: {  	[tilespmem:s30+$0xFFFFFFC0] =	vst v7;
	v9 =	vnsel vm0, $0x0, v10;
	vm0 =	vge.f32 v14, v5;
	v7 =	vld [tilespmem:s30+$0x30];
	(pc) =	sbr.rel @p0 .LBB2_23-.Ltmp14, $4  }
0x1a6: {  	[tilespmem:s30+$0xFFFFFFD0] =	vst v9;
	v10 =	vnsel vm0, $0x0, v14;
	vm0 =	vge.f32 v12, v5;
	v9 =	vld [tilespmem:s30+$0x40]  }
0x1a7: {  	[tilespmem:s30+$0xFFFFFFE0] =	vst v10;
	v10 =	vnsel vm0, $0x0, v12;
	vm0 =	vge.f32 v8, v5;
	v11 =	vld [tilespmem:s30+$0x50]  }
0x1a8: {  	[tilespmem:s30+$0xFFFFFFF0] =	vst v10;
	v12 =	vnsel vm0, $0x0, v8;
	vm0 =	vge.f32 v13, v5;
	v10 =	vld [tilespmem:s30+$0x60]  }
0x1a9: {  	s30 =	sadd.s32 $0x100, s30;
	v8 =	vld [tilespmem:s0+$0xFFFFFF80];
	[tilespmem:s0+$0x0] =	vst v12;
	v12 =	vnsel vm0, $0x0, v13;
	vm0 =	vge.f32 v6, v5  }
0x1aa: {  	[tilespmem:s0+$0x10] =	vst v12;
	v6 =	vnsel vm0, $0x0, v6;
	vm12 =	vge.f32 v7, v5  }
0x1ab: {  	[tilespmem:s0+$0x20] =	vst v6;
	v6 =	vnsel vm12, $0x0, v7;
	vm13 =	vge.f32 v9, v5  }
0x1ac: {  	[tilespmem:s0+$0x30] =	vst v6;
	v6 =	vnsel vm13, $0x0, v9;
	vm14 =	vge.f32 v11, v5  }
0x1ad: {  	[tilespmem:s0+$0x40] =	vst v6;
	v6 =	vnsel vm14, $0x0, v11;
	vm15 =	vge.f32 v10, v5  }
0x1ae: {  	vm1 =	vge.f32 v8, v5;
	[tilespmem:s0+$0x50] =	vst v6;
	v5 =	vnsel vm15, $0x0, v10  }
0x1af: {  	v6 =	vnsel vm1, $0x0, v8;
	[tilespmem:s0+$0x60] =	vst v5  }
0x1b0: {  	[tilespmem:s0+$0xFFFFFF80] =	vst v6  }
0x1b1: {  	[hbm4b:s6+s12] =	stream.strided.scatter [tilespmem:s2], [sflag:$0x5], $0x8000, s13, s12, $0x38;
	[tilespmem:$0x1A200] =	vst v63  }
0x1b2: {  	_ =	swait.ge [sflag:s21], $0x8000  }
0x1b3: {  	[sflag:s21] =	ssyncset.done $0x0  }
0x1b4: {  	s31 =	simm.s32 $0x8040;
	[sflag:s21] =	ssyncadd.s32 $0xFFFF8000  }
0x1b5: {  	v5 =	vld [tilespmem:s31+$0x30]  }
0x1b6: {  	v6 =	vld [tilespmem:s31+$0xFFFFFFD0]  }
0x1b7: {  	v7 =	vld [tilespmem:s31+$0xFFFFFFE0]  }
0x1b8: {  	v8 =	vld [tilespmem:s31+$0xFFFFFFF0]  }
0x1b9: {  	v9 =	vld [tilespmem:s31+$0x0];
	_ =	sdelay $0x1  }
0x1ba: {  	v10 =	vld [tilespmem:s31+$0x10]  }
0x1bb: {  	v13 =	vld [tilespmem:s31+$0x20]  }
0x1bc: {  	v14 =	vld [tilespmem:s31+$0xFFFFFFC0];
	v11 =	vshra.s32 v5, $0x1F;
	v61 =	vshra.s32 v6, $0x1F;
	v15 =	vshra.s32 v7, $0x1F  }
0x1bd: {  	v62 =	vshra.s32 v8, $0x1F;
	v16 =	vshra.s32 v9, $0x1F;
	v11 =	vand.u32 $0x7F000000, v11  }
0x1be: {  	v12 =	vand.u32 $0x7F000000, v61;
	v5 =	vxor.u32 v5, v11;
	v11 =	vand.u32 $0x7F000000, v15  }
0x1bf: {  	v15 =	vand.u32 $0x7F000000, v62;
	v12 =	vxor.u32 v6, v12;
	v5 =	vshra.s32 v5, $0x18  }
0x1c0: {  	v6 =	vshra.s32 v10, $0x1F;
	v63 =	vxor.u32 v7, v11;
	v17 =	vadd.s32 v1, v5  }
0x1c1: {  	v7 =	vand.u32 $0x7F000000, v6;
	v6 =	vshra.s32 v13, $0x1F;
	v11 =	vshra.s32 v14, $0x1F  }
0x1c2: {  	v15 =	vxor.u32 v8, v15;
	v5 =	vand.u32 $0x7F000000, v16;
	v8 =	vand.u32 $0x7F000000, v6  }
0x1c3: {  	v11 =	vand.u32 $0x7F000000, v11;
	v6 =	vxor.u32 v9, v5;
	v5 =	vxor.u32 v10, v7  }
0x1c4: {  	v9 =	vxor.u32 v14, v11;
	v7 =	vshra.s32 v12, $0x18;
	v8 =	vxor.u32 v13, v8  }
0x1c5: {  	s1 =	simm.s32 $0x80C0;
	s0 =	simm.s32 $0x0;
	v10 =	vshra.s32 v63, $0x18;
	v11 =	vshra.s32 v9, $0x18;
	v9 =	vshra.s32 v15, $0x18;
	[tilespmem:v17+s17+$0x0] =	vst.idx.add.s32.msk $0xffff, v2  }
.LBB2_25:
0x1c6: {  	v12 =	vld [tilespmem:s1+$0x30];
	s0 =	sadd.s32 $0x8, s0;
	v6 =	vshra.s32 v6, $0x18;
	v5 =	vshra.s32 v5, $0x18;
	v8 =	vshra.s32 v8, $0x18  }
0x1c7: {  	v11 =	vadd.s32 v1, v11;
	v7 =	vadd.s32 v1, v7;
	v10 =	vadd.s32 v1, v10;
	v13 =	vld [tilespmem:s1+$0xFFFFFFD0];
	p0 =	slt.u32 s0, $0x7F8  }
0x1c8: {  	v9 =	vadd.s32 v1, v9;
	v6 =	vadd.s32 v1, v6;
	v15 =	vadd.s32 v1, v5;
	v14 =	vld [tilespmem:s1+$0xFFFFFFE0]  }
0x1c9: {  	v16 =	vadd.s32 v1, v8;
	v5 =	vld [tilespmem:s1+$0xFFFFFFF0]  }
0x1ca: {  	v8 =	vld [tilespmem:s1+$0x0]  }
0x1cb: {  	v17 =	vld [tilespmem:s1+$0x10];
	v18 =	vshra.s32 v12, $0x1F  }
0x1cc: {  	v19 =	vshra.s32 v13, $0x1F;
	v20 =	vld [tilespmem:s1+$0x20];
	v18 =	vand.u32 $0x7F000000, v18  }
0x1cd: {  	v21 =	vld [tilespmem:s1+$0xFFFFFFC0];
	v19 =	vand.u32 $0x7F000000, v19;
	v22 =	vshra.s32 v14, $0x1F;
	v12 =	vxor.u32 v12, v18  }
0x1ce: {  	v18 =	vand.u32 $0x7F000000, v22;
	v22 =	vshra.s32 v5, $0x1F;
	v12 =	vshra.s32 v12, $0x18;
	[tilespmem:v11+s17+$0x0] =	vst.idx.add.s32.msk $0xffff, v2  }
0x1cf: {  	v11 =	vand.u32 $0x7F000000, v22;
	v22 =	vshra.s32 v8, $0x1F;
	v12 =	vadd.s32 v1, v12;
	[tilespmem:v7+s17+$0x0] =	vst.idx.add.s32.msk $0xffff, v2  }
0x1d0: {  	v7 =	vxor.u32 v13, v19;
	v13 =	vand.u32 $0x7F000000, v22;
	v19 =	vshra.s32 v17, $0x1F;
	[tilespmem:v10+s17+$0x0] =	vst.idx.add.s32.msk $0xffff, v2  }
.Ltmp15:
0x1d1: {  	v10 =	vxor.u32 v14, v18;
	v14 =	vand.u32 $0x7F000000, v19;
	v18 =	vshra.s32 v20, $0x1F;
	[tilespmem:v9+s17+$0x0] =	vst.idx.add.s32.msk $0xffff, v2;
	(pc) =	sbr.rel @p0 .LBB2_25-.Ltmp15, $4  }
0x1d2: {  	v19 =	vxor.u32 v5, v11;
	v9 =	vshra.s32 v21, $0x1F;
	v11 =	vand.u32 $0x7F000000, v18;
	[tilespmem:v6+s17+$0x0] =	vst.idx.add.s32.msk $0xffff, v2  }
0x1d3: {  	v6 =	vxor.u32 v8, v13;
	v5 =	vxor.u32 v17, v14;
	v9 =	vand.u32 $0x7F000000, v9;
	[tilespmem:v15+s17+$0x0] =	vst.idx.add.s32.msk $0xffff, v2  }
0x1d4: {  	v7 =	vshra.s32 v7, $0x18;
	v8 =	vxor.u32 v20, v11;
	v9 =	vxor.u32 v21, v9;
	[tilespmem:v12+s17+$0x0] =	vst.idx.add.s32.msk $0xffff, v2  }
0x1d5: {  	s1 =	sadd.s32 $0x80, s1;
	v10 =	vshra.s32 v10, $0x18;
	v11 =	vshra.s32 v9, $0x18;
	v9 =	vshra.s32 v19, $0x18;
	[tilespmem:v16+s17+$0x0] =	vst.idx.add.s32.msk $0xffff, v2  }
0x1d6: {  	v11 =	vadd.s32 v1, v11  }
0x1d7: {  	v7 =	vadd.s32 v1, v7  }
0x1d8: {  	v10 =	vadd.s32 v1, v10  }
0x1d9: {  	v6 =	vshra.s32 v6, $0x18;
	v9 =	vadd.s32 v1, v9  }
0x1da: {  	v5 =	vshra.s32 v5, $0x18;
	v6 =	vadd.s32 v1, v6  }
0x1db: {  	v8 =	vshra.s32 v8, $0x18;
	v5 =	vadd.s32 v1, v5;
	[tilespmem:v11+s17+$0x0] =	vst.idx.add.s32.msk $0xffff, v2  }
0x1dc: {  	v8 =	vadd.s32 v1, v8;
	[tilespmem:v7+s17+$0x0] =	vst.idx.add.s32.msk $0xffff, v2  }
0x1dd: {  	[tilespmem:v10+s17+$0x0] =	vst.idx.add.s32.msk $0xffff, v2  }
0x1de: {  	[tilespmem:v9+s17+$0x0] =	vst.idx.add.s32.msk $0xffff, v2  }
0x1df: {  	[tilespmem:v6+s17+$0x0] =	vst.idx.add.s32.msk $0xffff, v2  }
0x1e0: {  	[tilespmem:v5+s17+$0x0] =	vst.idx.add.s32.msk $0xffff, v2  }
0x1e1: {  	[tilespmem:v8+s17+$0x0] =	vst.idx.add.s32.msk $0xffff, v2  }
0x1e2: {  	s1 =	simm.s32 $0x0;
	[tilespmem:$0x1A180] =	vst v0  }
0x1e3: {  	v6 =	vld [tilespmem:s1+$0x190F0]  }
0x1e4: {  	v7 =	vld [tilespmem:s1+$0x191F1]  }
0x1e5: {  	v5 =	vld [tilespmem:s1+$0x192F2]  }
0x1e6: {  	v8 =	vld [tilespmem:s1+$0x193F3]  }
0x1e7: {  	v9 =	vld [tilespmem:s1+$0x194F4]  }
0x1e8: {  	v10 =	vld [tilespmem:s1+$0x195F5]  }
0x1e9: {  	v11 =	vld [tilespmem:s1+$0x196F6];
	v6 =	vadd.s32 v6, v7  }
0x1ea: {  	v12 =	vld [tilespmem:s1+$0x197F7];
	v5 =	vadd.s32 v5, v6  }
0x1eb: {  	v13 =	vld [tilespmem:s1+$0x198F8];
	v5 =	vadd.s32 v8, v5  }
0x1ec: {  	v14 =	vld [tilespmem:s1+$0x199F9];
	v5 =	vadd.s32 v9, v5  }
0x1ed: {  	[tilespmem:s1+$0x190F0] =	vst v0;
	v15 =	vld [tilespmem:s1+$0x19AFA];
	v5 =	vadd.s32 v10, v5  }
0x1ee: {  	[tilespmem:s1+$0x191F1] =	vst v0;
	v16 =	vld [tilespmem:s1+$0x19BFB];
	v5 =	vadd.s32 v11, v5  }
0x1ef: {  	[tilespmem:s1+$0x193F3] =	vst v0;
	v7 =	vld [tilespmem:s1+$0x19CFC];
	v5 =	vadd.s32 v12, v5  }
0x1f0: {  	[tilespmem:s1+$0x194F4] =	vst v0;
	v6 =	vld [tilespmem:s1+$0x19DFD];
	v5 =	vadd.s32 v13, v5  }
0x1f1: {  	[tilespmem:s1+$0x195F5] =	vst v0;
	v8 =	vld [tilespmem:s1+$0x19EFE];
	v5 =	vadd.s32 v14, v5  }
0x1f2: {  	[tilespmem:s1+$0x196F6] =	vst v0;
	v9 =	vld [tilespmem:s1+$0x19FFF];
	v5 =	vadd.s32 v15, v5  }
0x1f3: {  	[tilespmem:s1+$0x192F2] =	vst v0;
	v5 =	vadd.s32 v16, v5  }
0x1f4: {  	[tilespmem:s1+$0x198F8] =	vst v0;
	v5 =	vadd.s32 v7, v5  }
0x1f5: {  	[tilespmem:s1+$0x199F9] =	vst v0;
	v5 =	vadd.s32 v6, v5  }
0x1f6: {  	[tilespmem:s1+$0x19AFA] =	vst v0;
	v5 =	vadd.s32 v8, v5  }
0x1f7: {  	[tilespmem:s1+$0x19BFB] =	vst v0;
	v5 =	vadd.s32 v9, v5  }
0x1f8: {  	[tilespmem:s1+$0x19CFC] =	vst v0;
	v5 =	vperm.xlane v5, v3  }
0x1f9: {  	[tilespmem:s1+$0x19DFD] =	vst v0  }
0x1fa: {  	[tilespmem:s1+$0x19EFE] =	vst v0;
	(xrf0) =	vadd.scan.msk.s32 $0xffff, v5  }
0x1fb: {  	s30 =	simm.s32 $0xFFFFFFF0;
	[tilespmem:s1+$0x19FFF] =	vst v0  }
0x1fc: {  	v10 =	vld [tilespmem:s30+$0x192F2]  }
0x1fd: {  	v11 =	vld [tilespmem:s30+$0x190F0];
	[tilespmem:s1+$0x197F7] =	vst v0  }
0x1fe: {  	v12 =	vld [tilespmem:s30+$0x191F1];
	_ =	sdelay $0x1  }
0x1ff: {  	v14, _, _ =	vpop (xrf0)  }
0x200: {  	v7 =	vld [tilespmem:s30+$0x193F3];
	v14 =	vperm.xlane v14, v3  }
0x201: {  	s31 =	simm.s32 $0x0;
	v6 =	vld [tilespmem:s30+$0x194F4]  }
0x202: {  	v11 =	vadd.s32 v11, v12;
	v8 =	vld [tilespmem:s30+$0x195F5];
	v12 =	vadd.s32 s31, v14  }
0x203: {  	v10 =	vadd.s32 v10, v11;
	v11 =	vxor.u32 $0x80000000, v12  }
0x204: {  	(xrf0) =	vmax.scan.msk.u32 $0xffff, v11  }
0x205: {  	v7 =	vadd.s32 v7, v10;
	v5 =	vld [tilespmem:s30+$0x196F6]  }
0x206: {  	v9 =	vld [tilespmem:s30+$0x197F7];
	v6 =	vadd.s32 v6, v7  }
0x207: {  	v13 =	vld [tilespmem:s30+$0x198F8];
	v6 =	vadd.s32 v8, v6  }
0x208: {  	v15 =	vld [tilespmem:s30+$0x199F9]  }
0x209: {  	v63 =	vld [tilespmem:s30+$0x19AFA]  }
0x20a: {  	v5 =	vadd.s32 v5, v6;
	v14 =	vld [tilespmem:s30+$0x19BFB];
	v6, _, _ =	vpop (xrf0)  }
0x20b: {  	v7 =	vld [tilespmem:s30+$0x19CFC];
	v5 =	vadd.s32 v9, v5;
	(v2sf) =	vpush v6, $0xF  }
0x20c: {  	v5 =	vadd.s32 v13, v5  }
0x20d: {  	v8 =	vld [tilespmem:s30+$0x19DFD];
	v5 =	vadd.s32 v15, v5  }
0x20e: {  	v9 =	vld [tilespmem:s30+$0x19EFE];
	v5 =	vadd.s32 v63, v5  }
0x20f: {  	v10 =	vld [tilespmem:s30+$0x19FFF];
	vm0 =	vgt.s32 v12, $0x3F;
	v5 =	vadd.s32 v14, v5  }
0x210: {  	[tilespmem:s30+$0x190F0] =	vst v0;
	v5 =	vadd.s32 v7, v5;
	v7 =	vmpcnt.ones.xlane vm0  }
0x211: {  	[tilespmem:s30+$0x191F1] =	vst v0  }
0x212: {  	[tilespmem:s30+$0x192F2] =	vst v0;
	v5 =	vadd.s32 v8, v5;
	v7 =	vxor.u32 $0x80000000, v7  }
0x213: {  	[tilespmem:s30+$0x19AFA] =	vst v0;
	v5 =	vadd.s32 v9, v5;
	(xrf0) =	vmax.scan.msk.u32 $0xffff, v7  }
0x214: {  	[tilespmem:s30+$0x198F8] =	vst v0;
	v5 =	vadd.s32 v10, v5  }
0x215: {  	[tilespmem:s30+$0x199F9] =	vst v0;
	v5 =	vperm.xlane v5, v3  }
0x216: {  	[tilespmem:s30+$0x193F3] =	vst v0  }
0x217: {  	[tilespmem:s30+$0x194F4] =	vst v0  }
0x218: {  	[tilespmem:s30+$0x195F5] =	vst v0  }
0x219: {  	[tilespmem:s30+$0x19FFF] =	vst v0;
	(xrf0) =	vadd.scan.msk.s32 $0xffff, v5;
	v5, _, _ =	vpop (xrf0)  }
0x21a: {  	[tilespmem:s30+$0x196F6] =	vst v0;
	s15 =	spop (v2sf);
	(v2sf) =	vpush v5, $0xF  }
0x21b: {  	[tilespmem:s30+$0x19CFC] =	vst v0  }
0x21c: {  	[tilespmem:s30+$0x19DFD] =	vst v0  }
0x21d: {  	[tilespmem:s30+$0x19EFE] =	vst v0  }
0x21e: {  	s0 =	simm.s32 $0xFFFFFFE0;
	[tilespmem:s30+$0x19BFB] =	vst v0  }
0x21f: {  	v6 =	vld [tilespmem:s0+$0x192F2];
	[tilespmem:s1+$0x1A170] =	vst v12  }
0x220: {  	v11 =	vld [tilespmem:s0+$0x190F0];
	[tilespmem:s30+$0x197F7] =	vst v0  }
0x221: {  	v12 =	vld [tilespmem:s0+$0x191F1]  }
0x222: {  	[tilespmem:s0+$0x190F0] =	vst v0  }
0x223: {  	[tilespmem:s0+$0x191F1] =	vst v0;
	v10 =	vld [tilespmem:s0+$0x193F3]  }
0x224: {  	[tilespmem:s0+$0x193F3] =	vst v0;
	v7 =	vld [tilespmem:s0+$0x194F4];
	v9, _, _ =	vpop (xrf0)  }
0x225: {  	[tilespmem:s0+$0x194F4] =	vst v0;
	v8 =	vld [tilespmem:s0+$0x195F5];
	v13 =	vperm.xlane v9, v3  }
0x226: {  	[tilespmem:s0+$0x195F5] =	vst v0;
	v12 =	vadd.s32 v11, v12;
	v11 =	vld [tilespmem:s0+$0x197F7];
	s14 =	sxor.u32 $0x80000000, s15  }
0x227: {  	s1 =	simm.s32 $0xFFFFFF40;
	v9 =	vld [tilespmem:s0+$0x196F6];
	[tilespmem:s0+$0x196F6] =	vst v0;
	v5 =	vadd.s32 s14, v13  }
.LBB2_27:
0x228: {  	p0 =	sne.s32 s1, $0xFFFFFC40  }
0x229: {  	v6 =	vadd.s32 v6, v12;
	[tilespmem:s0+$0x192F2] =	vst v0;
	v12 =	vld [tilespmem:s0+$0x198F8];
	vm0 =	vgt.s32 v5, $0x3F;
	v13 =	vxor.u32 $0x80000000, v5;
	s14 =	spop (v2sf);
	s15 =	smov.u32 s1;
	s1 =	sadd.s32 $0xFFFFFFC0, s1  }
0x22a: {  	v6 =	vadd.s32 v10, v6;
	[tilespmem:s0+$0x198F8] =	vst v0;
	v10 =	vld [tilespmem:s0+$0x199F9];
	v14 =	vmpcnt.ones.xlane vm0;
	(xrf0) =	vmax.scan.msk.u32 $0xffff, v13;
	s14 =	sadd.s32 s14, s31  }
0x22b: {  	v6 =	vadd.s32 v7, v6;
	[tilespmem:s0+$0x199F9] =	vst v0;
	v7 =	vld [tilespmem:s0+$0x19AFA];
	s31 =	sadd.s32 $0x80000000, s14  }
0x22c: {  	v6 =	vadd.s32 v8, v6;
	[tilespmem:s0+$0x19AFA] =	vst v0;
	v8 =	vld [tilespmem:s0+$0x19BFB];
	v13 =	vxor.u32 $0x80000000, v14  }
0x22d: {  	v6 =	vadd.s32 v9, v6;
	[tilespmem:s0+$0x19BFB] =	vst v0;
	v9 =	vld [tilespmem:s0+$0x19CFC];
	(xrf0) =	vmax.scan.msk.u32 $0xffff, v13  }
0x22e: {  	v6 =	vadd.s32 v11, v6;
	[tilespmem:s0+$0x19CFC] =	vst v0;
	v11 =	vld [tilespmem:s0+$0x19DFD]  }
0x22f: {  	v6 =	vadd.s32 v12, v6;
	[tilespmem:s0+$0x19DFD] =	vst v0;
	v12 =	vld [tilespmem:s0+$0x19EFE]  }
0x230: {  	v6 =	vadd.s32 v10, v6;
	[tilespmem:s0+$0x19EFE] =	vst v0;
	v10 =	vld [tilespmem:s0+$0x19FFF];
	v13, _, _ =	vpop (xrf0)  }
0x231: {  	v6 =	vadd.s32 v7, v6;
	[tilespmem:s0+$0x19FFF] =	vst v0;
	(v2sf) =	vpush v13, $0xF  }
0x232: {  	v6 =	vadd.s32 v8, v6  }
0x233: {  	v6 =	vadd.s32 v9, v6;
	v7, _, _ =	vpop (xrf0)  }
0x234: {  	v6 =	vadd.s32 v11, v6;
	(v2sf) =	vpush v7, $0xF  }
0x235: {  	v6 =	vadd.s32 v12, v6  }
0x236: {  	v6 =	vadd.s32 v10, v6  }
0x237: {  	v6 =	vperm.xlane v6, v3;
	_ =	sdelay $0x1  }
0x238: {  	(xrf0) =	vadd.scan.msk.s32 $0xffff, v6  }
0x239: {  	s14 =	sshra.s32 s15, $0x2  }
0x23a: {  	v6 =	vld [tilespmem:s14+$0x192F2];
	[tilespmem:s30+$0x1A170] =	vst v5;
	s30 =	smov.u32 s0;
	s0 =	smov.u32 s14  }
0x23b: {  	v5 =	vld [tilespmem:s0+$0x190F0];
	[tilespmem:s30+$0x197F7] =	vst v0  }
0x23c: {  	[tilespmem:s0+$0x190F0] =	vst v0;
	v11 =	vld [tilespmem:s0+$0x191F1]  }
.Ltmp16:
0x23d: {  	[tilespmem:s0+$0x191F1] =	vst v0;
	v10 =	vld [tilespmem:s0+$0x193F3];
	(pc) =	sbr.rel @p0 .LBB2_27-.Ltmp16, $4  }
0x23e: {  	[tilespmem:s0+$0x193F3] =	vst v0;
	v7 =	vld [tilespmem:s0+$0x194F4];
	v9, _, _ =	vpop (xrf0)  }
0x23f: {  	[tilespmem:s0+$0x194F4] =	vst v0;
	v8 =	vld [tilespmem:s0+$0x195F5];
	v13 =	vperm.xlane v9, v3;
	s14 =	spop (v2sf)  }
0x240: {  	[tilespmem:s0+$0x195F5] =	vst v0;
	v9 =	vld [tilespmem:s0+$0x196F6];
	s14 =	sxor.u32 $0x80000000, s14  }
0x241: {  	v12 =	vadd.s32 v5, v11;
	[tilespmem:s0+$0x196F6] =	vst v0;
	v11 =	vld [tilespmem:s0+$0x197F7];
	v5 =	vadd.s32 s14, v13  }
0x242: {  	v6 =	vadd.s32 v6, v12;
	v59 =	vxor.u32 $0x80000000, v5  }
0x243: {  	v13 =	vld [tilespmem:s0+$0x198F8];
	v6 =	vadd.s32 v10, v6;
	(xrf0) =	vmax.scan.msk.u32 $0xffff, v59  }
0x244: {  	v14 =	vld [tilespmem:s0+$0x199F9];
	v6 =	vadd.s32 v7, v6  }
0x245: {  	v15 =	vld [tilespmem:s0+$0x19AFA];
	v6 =	vadd.s32 v8, v6  }
0x246: {  	v16 =	vld [tilespmem:s0+$0x19BFB];
	v6 =	vadd.s32 v9, v6  }
0x247: {  	v7 =	vld [tilespmem:s0+$0x19CFC];
	v6 =	vadd.s32 v11, v6  }
0x248: {  	v8 =	vld [tilespmem:s0+$0x19DFD];
	v6 =	vadd.s32 v13, v6  }
0x249: {  	v60 =	vld [tilespmem:s0+$0x19EFE];
	v6 =	vadd.s32 v14, v6;
	v61, _, _ =	vpop (xrf0)  }
0x24a: {  	v62 =	vld [tilespmem:s0+$0x19FFF];
	v6 =	vadd.s32 v15, v6;
	(v2sf) =	vpush v61, $0xF  }
0x24b: {  	v6 =	vadd.s32 v16, v6  }
0x24c: {  	v6 =	vadd.s32 v7, v6  }
0x24d: {  	vm0 =	vgt.s32 v5, $0x3F;
	v6 =	vadd.s32 v8, v6  }
0x24e: {  	v7 =	vmpcnt.ones.xlane vm0;
	v6 =	vadd.s32 v60, v6  }
0x24f: {  	v6 =	vadd.s32 v62, v6  }
0x250: {  	v7 =	vxor.u32 $0x80000000, v7;
	v6 =	vperm.xlane v6, v3  }
0x251: {  	(xrf0) =	vmax.scan.msk.u32 $0xffff, v7  }
0x252: {  	(xrf0) =	vadd.scan.msk.s32 $0xffff, v6;
	_ =	sdelay $0x4  }
0x253: {  	v6, _, _ =	vpop (xrf0)  }
0x254: {  	s1 =	spop (v2sf);
	v7, _, _ =	vpop (xrf0)  }
0x255: {  	v7 =	vperm.xlane v7, v3;
	s14 =	spop (v2sf)  }
0x256: {  	s14 =	sxor.u32 $0x80000000, s14  }
0x257: {  	v7 =	vadd.s32 s14, v7  }
0x258: {  	vm15 =	vgt.s32 v7, $0x3F  }
0x259: {  	v8 =	vmpcnt.ones.xlane vm15  }
0x25a: {  	v63 =	vxor.u32 $0x80000000, v7  }
0x25b: {  	(xrf0) =	vmax.scan.msk.u32 $0xffff, v63;
	v8 =	vxor.u32 $0x80000000, v8  }
0x25c: {  	(xrf0) =	vmax.scan.msk.u32 $0xffff, v8;
	_ =	sdelay $0x4  }
0x25d: {  	(v2sf) =	vpush v6, $0xF;
	v6, _, _ =	vpop (xrf0)  }
0x25e: {  	(v2sf) =	vpush v6, $0xF;
	v6, _, _ =	vpop (xrf0)  }
0x25f: {  	(v2sf) =	vpush v6, $0xF;
	_ =	sdelay $0xa  }
0x260: {  	[tilespmem:s0+$0x192F2] =	vst v0  }
0x261: {  	[tilespmem:s0+$0x198F8] =	vst v0;
	s1 =	sadd.s32 s1, s31  }
0x262: {  	[tilespmem:s0+$0x199F9] =	vst v0;
	s1 =	sadd.s32 $0x80000000, s1;
	s15 =	spop (v2sf)  }
0x263: {  	[tilespmem:s0+$0x19AFA] =	vst v0;
	s1 =	sadd.s32 s15, s1;
	s31 =	spop (v2sf)  }
0x264: {  	[tilespmem:s0+$0x19BFB] =	vst v0;
	s1 =	sadd.s32 $0x80000000, s1;
	s14 =	spop (v2sf)  }
0x265: {  	[tilespmem:s0+$0x19EFE] =	vst v0;
	s1 =	sadd.s32 s14, s1  }
0x266: {  	[tilespmem:s0+$0x19FFF] =	vst v0;
	s1 =	sadd.s32 $0x80000000, s1  }
0x267: {  	[tilespmem:s0+$0x19CFC] =	vst v0;
	v6 =	vmov s1  }
0x268: {  	[tilespmem:s0+$0x19DFD] =	vst v0  }
0x269: {  	[tilespmem:s30+$0x1A170] =	vst v5  }
0x26a: {  	[tilespmem:s0+$0x197F7] =	vst v0  }
0x26b: {  	[tilespmem:s0+$0x1A170] =	vst v7;
	s0 =	simm.s32 $0x18040  }
0x26c: {  	v6 =	vld.idx.msk [tilespmem:v6+s18+$0x0], $0xffff;
	[tilespmem:s0+$0xFFFFFFC0] =	vst v4  }
0x26d: {  	[tilespmem:s0+$0x30] =	vst v4  }
0x26e: {  	[tilespmem:s0+$0x20] =	vst v4  }
0x26f: {  	[tilespmem:s0+$0x10] =	vst v4  }
0x270: {  	[tilespmem:s0+$0x0] =	vst v4  }
0x271: {  	[tilespmem:s0+$0xFFFFFFF0] =	vst v4  }
0x272: {  	s14 =	simm.s32 $0x0;
	[tilespmem:s0+$0xFFFFFFE0] =	vst v4  }
.LBB2_29:
0x273: {  	s14 =	sadd.s32 $0x8, s14;
	[tilespmem:s0+$0xFFFFFFD0] =	vst v4;
	s0 =	sadd.s32 $0x80, s0  }
0x274: {  	[tilespmem:s0+$0xFFFFFFC0] =	vst v4;
	p0 =	slt.u32 s14, $0xF8  }
0x275: {  	[tilespmem:s0+$0x30] =	vst v4  }
.Ltmp17:
0x276: {  	[tilespmem:s0+$0x20] =	vst v4;
	(pc) =	sbr.rel @p0 .LBB2_29-.Ltmp17, $4  }
0x277: {  	[tilespmem:s0+$0x10] =	vst v4  }
0x278: {  	[tilespmem:s0+$0x0] =	vst v4  }
0x279: {  	[tilespmem:s0+$0xFFFFFFF0] =	vst v4  }
0x27a: {  	[tilespmem:s0+$0xFFFFFFE0] =	vst v4  }
0x27b: {  	[tilespmem:s0+$0xFFFFFFD0] =	vst v4;
	s0 =	simm.s32 $0x8040  }
0x27c: {  	v9 =	vld [tilespmem:s0+$0xFFFFFFD0]  }
0x27d: {  	s14 =	sshll.u32 s1, $0x18;
	v11 =	vld [tilespmem:s0+$0xFFFFFFF0]  }
0x27e: {  	s15 =	sxor.u32 $0x80000000, s14;
	v8 =	vld [tilespmem:s0+$0x0]  }
0x27f: {  	s14 =	sadd.s32 $0x7F000000, s14;
	v7 =	vld [tilespmem:s0+$0x30];
	v10 =	vmov s15  }
0x280: {  	s30 =	sadd.s32 $0xFFFFFFFF, s1;
	v16 =	vld [tilespmem:s0+$0xFFFFFFE0];
	v5 =	vmov s14;
	vm0 =	vlt.s32 v10, $0x0;
	v12 =	vxor.u32 $0x7FFFFFFF, v10  }
0x281: {  	p0 =	seq.s32 s30, $0xFF;
	v15 =	vld [tilespmem:s0+$0x20];
	v13 =	vxor.u32 $0x7FFFFFFF, v5;
	v12 =	vnsel vm0, s15, v12;
	vm0 =	vlt.s32 v5, $0x0  }
0x282: {  	v10 =	vld [tilespmem:s0+$0x10];
	v13 =	vnsel vm0, s14, v13;
	v14 =	vpsel p0, $0x7F800000, v12  }
0x283: {  	v12 =	vld [tilespmem:s0+$0xFFFFFFC0];
	vm0 =	vge.f32 v11, v13;
	vm1 =	vlt.f32 v11, v14  }
0x284: {  	v19 =	vimm.s32 $0xFFFFFFFF;
	vm2 =	vge.f32 v9, v13;
	vm0 =	vmand vm0, vm1  }
0x285: {  	vm3 =	vlt.f32 v9, v14;
	vm4 =	vge.f32 v8, v13;
	vm7 =	vge.f32 v16, v13;
	(xrf0) =	vadd.scan.msk.s32 vm0, v2  }
0x286: {  	vm10 =	vge.f32 v15, v13;
	vm1 =	vmand vm2, vm3;
	vm2 =	vlt.f32 v7, v14  }
0x287: {  	vm3 =	vlt.f32 v16, v14;
	vm5 =	vge.f32 v10, v13;
	vm8 =	vlt.f32 v10, v14;
	(xrf0) =	vadd.scan.msk.s32 vm1, v2  }
0x288: {  	v17 =	vmpcnt.ones.xlane vm1;
	vm6 =	vge.f32 v12, v13;
	vm9 =	vlt.f32 v12, v14  }
0x289: {  	vm3 =	vmand vm7, vm3;
	vm7 =	vmand vm6, vm9;
	vm6 =	vge.f32 v7, v13  }
0x28a: {  	v18 =	vmpcnt.ones.xlane vm0;
	v17 =	vadd.s32 v19, v17;
	vm2 =	vmand vm6, vm2;
	(xrf0) =	vadd.scan.msk.s32 vm7, v2  }
0x28b: {  	v20 =	vmpcnt.ones.xlane vm3;
	vm9 =	vlt.f32 v15, v14;
	vm6 =	vlt.f32 v8, v14;
	v21, _, _ =	vpop (xrf0);
	(xrf0) =	vadd.scan.msk.s32 vm2, v2  }
0x28c: {  	v18 =	vadd.s32 v17, v18;
	v22 =	vmpcnt.ones.xlane vm7;
	vm6 =	vmand vm4, vm6;
	(xrf0) =	vadd.scan.msk.s32 vm3, v2  }
0x28d: {  	vm4 =	vmand vm5, vm8;
	vm5 =	vmand vm10, vm9;
	v21 =	vadd.s32 v17, v21;
	v17, _, _ =	vpop (xrf0);
	(xrf0) =	vadd.scan.msk.s32 vm6, v2  }
0x28e: {  	v24 =	vmpcnt.ones.xlane vm4;
	v25 =	vadd.s32 v19, v22;
	v23 =	vadd.s32 v19, v17;
	(xrf0) =	vadd.scan.msk.s32 vm4, v2  }
0x28f: {  	v27 =	vmpcnt.ones.xlane vm6;
	v20 =	vadd.s32 v25, v20;
	vm11 =	vlt.s32 v21, $0x7FF  }
0x290: {  	v24 =	vadd.s32 v18, v24;
	v17 =	vnsel vm11, $0x7FF, v21;
	vm8 =	vlt.s32 v23, $0x7FF;
	v22, _, _ =	vpop (xrf0)  }
0x291: {  	v21 =	vmpcnt.ones.xlane vm2;
	v22 =	vadd.s32 v19, v22;
	v19 =	vnsel vm8, $0x7FF, v23;
	v23, _, _ =	vpop (xrf0)  }
0x292: {  	v17 =	vadd.s32 $0x800, v17;
	vm8 =	vlt.s32 v22, $0x7FF;
	(xrf0) =	vadd.scan.msk.s32 vm5, v2;
	v23 =	vadd.s32 v24, v23;
	v26, _, _ =	vpop (xrf0)  }
0x293: {  	v19 =	vadd.s32 $0x800, v19;
	v26 =	vadd.s32 v25, v26;
	vm9 =	vlt.s32 v23, $0x7FF;
	v25, _, _ =	vpop (xrf0)  }
0x294: {  	s31 =	simm.s32 $0x80C0;
	s0 =	simm.s32 $0x0;
	v25 =	vadd.s32 v20, v25;
	v20 =	vadd.s32 v20, v27;
	v23 =	vnsel vm9, $0x7FF, v23;
	v27, _, _ =	vpop (xrf0)  }
.LBB2_31:
0x295: {  	v28 =	vld [tilespmem:s31+$0xFFFFFFD0];
	s0 =	sadd.s32 $0x4, s0;
	v22 =	vnsel vm8, $0x7FF, v22;
	vm8 =	vlt.s32 v26, $0x7FF;
	v18 =	vadd.s32 v18, v27  }
0x296: {  	v21 =	vadd.s32 v24, v21;
	v27 =	vld [tilespmem:s31+$0xFFFFFFF0];
	p0 =	slt.u32 s0, $0x3FC;
	v26 =	vnsel vm8, $0x7FF, v26;
	vm8 =	vlt.s32 v18, $0x7FF  }
0x297: {  	v24 =	vld [tilespmem:s31+$0x0];
	v18 =	vnsel vm8, $0x7FF, v18  }
0x298: {  	vm8 =	vlt.s32 v25, $0x7FF;
	v29 =	vld [tilespmem:s31+$0x30];
	v30, _, _ =	vpop (xrf0)  }
0x299: {  	v23 =	vadd.s32 $0x800, v23;
	v25 =	vnsel vm8, $0x7FF, v25;
	v31 =	vld [tilespmem:s31+$0x10];
	v30 =	vadd.s32 v20, v30  }
0x29a: {  	vm8 =	vge.f32 v28, v13;
	v32 =	vld [tilespmem:s31+$0xFFFFFFE0];
	[tilespmem:v22+s19+$0x0] =	vst.idx.msk vm7, v12;
	vm7 =	vlt.s32 v30, $0x7FF;
	v22 =	vmpcnt.ones.xlane vm5  }
0x29b: {  	v18 =	vadd.s32 $0x800, v18;
	vm9 =	vlt.f32 v28, v14;
	v12 =	vld [tilespmem:s31+$0xFFFFFFC0];
	[tilespmem:v19+s19+$0x0] =	vst.idx.msk vm1, v9;
	v19 =	vnsel vm7, $0x7FF, v30;
	v9 =	vmovc v28  }
0x29c: {  	vm1 =	vmand vm8, vm9;
	vm7 =	vge.f32 v27, v13;
	vm9 =	vlt.f32 v27, v14;
	v28 =	vld [tilespmem:s31+$0x20];
	[tilespmem:v26+s19+$0x0] =	vst.idx.msk vm3, v16  }
0x29d: {  	vm8 =	vge.f32 v24, v13;
	vm11 =	vlt.f32 v29, v14;
	[tilespmem:v17+s19+$0x0] =	vst.idx.msk vm0, v11;
	vm0 =	vmand vm7, vm9  }
0x29e: {  	vm9 =	vge.f32 v31, v13;
	vm10 =	vlt.f32 v31, v14;
	(xrf0) =	vadd.scan.msk.s32 vm0, v2;
	[tilespmem:v25+s19+$0x0] =	vst.idx.msk vm6, v8  }
0x29f: {  	v20 =	vadd.s32 v20, v22;
	v11 =	vmovc v27;
	v8 =	vmov v24;
	vm3 =	vlt.f32 v32, v14;
	(xrf0) =	vadd.scan.msk.s32 vm1, v2  }
0x2a0: {  	v16 =	vmpcnt.ones.xlane vm1;
	vm7 =	vge.f32 v32, v13;
	vm6 =	vge.f32 v12, v13;
	[tilespmem:v19+s19+$0x0] =	vst.idx.msk vm5, v15  }
0x2a1: {  	vm5 =	vlt.f32 v12, v14;
	vm3 =	vmand vm7, vm3;
	vm12 =	vge.f32 v28, v13;
	[tilespmem:v23+s19+$0x0] =	vst.idx.msk vm2, v7  }
0x2a2: {  	vm7 =	vmand vm6, vm5;
	v23 =	vmpcnt.ones.xlane vm3;
	vm2 =	vge.f32 v29, v13;
	v7 =	vmovc v29;
	[tilespmem:v18+s19+$0x0] =	vst.idx.msk vm4, v10  }
0x2a3: {  	v22 =	vmpcnt.ones.xlane vm0;
	vm5 =	vlt.f32 v28, v14;
	vm2 =	vmand vm2, vm11;
	v10 =	vmovc v31;
	(xrf0) =	vadd.scan.msk.s32 vm7, v2  }
0x2a4: {  	v24 =	vadd.s32 v21, v16;
	v19 =	vmpcnt.ones.xlane vm7;
	vm4 =	vlt.f32 v8, v14;
	v17, _, _ =	vpop (xrf0);
	(xrf0) =	vadd.scan.msk.s32 vm2, v2  }
0x2a5: {  	v18 =	vadd.s32 v24, v22;
	vm6 =	vmand vm8, vm4;
	v17 =	vadd.s32 v24, v17;
	v15, _, _ =	vpop (xrf0);
	(xrf0) =	vadd.scan.msk.s32 vm3, v2  }
0x2a6: {  	v16 =	vmovc v32;
	vm5 =	vmand vm12, vm5;
	vm4 =	vmand vm9, vm10;
	vm8 =	vlt.s32 v17, $0x7FF;
	(xrf0) =	vadd.scan.msk.s32 vm6, v2  }
0x2a7: {  	v24 =	vadd.s32 v21, v15;
	v15 =	vmovc v28;
	v17 =	vnsel vm8, $0x7FF, v17;
	(xrf0) =	vadd.scan.msk.s32 vm4, v2  }
0x2a8: {  	v25 =	vmpcnt.ones.xlane vm4;
	vm8 =	vlt.s32 v24, $0x7FF;
	v17 =	vadd.s32 $0x800, v17  }
.Ltmp18:
0x2a9: {  	v27 =	vadd.s32 v20, v19;
	v28 =	vmpcnt.ones.xlane vm6;
	v21 =	vmpcnt.ones.xlane vm2;
	v19, _, _ =	vpop (xrf0);
	(pc) =	sbr.rel @p0 .LBB2_31-.Ltmp18, $4  }
0x2aa: {  	v22 =	vadd.s32 v20, v19;
	v19 =	vnsel vm8, $0x7FF, v24;
	v24 =	vadd.s32 v18, v25;
	v20, _, _ =	vpop (xrf0)  }
0x2ab: {  	vm8 =	vlt.s32 v22, $0x7FF;
	v19 =	vadd.s32 $0x800, v19;
	v29 =	vadd.s32 v24, v20;
	v20, _, _ =	vpop (xrf0);
	(xrf0) =	vadd.scan.msk.s32 vm5, v2  }
0x2ac: {  	v26 =	vadd.s32 v27, v20;
	v20 =	vadd.s32 v27, v23;
	vm9 =	vlt.s32 v29, $0x7FF;
	v23, _, _ =	vpop (xrf0)  }
0x2ad: {  	s31 =	sadd.s32 $0x80, s31;
	v25 =	vadd.s32 v20, v23;
	v20 =	vadd.s32 v20, v28;
	v23 =	vnsel vm9, $0x7FF, v29;
	v27, _, _ =	vpop (xrf0)  }
0x2ae: {  	v13 =	vmpcnt.ones.xlane vm5;
	_ =	sdelay $0x1  }
0x2af: {  	v13 =	vadd.s32 v20, v13  }
0x2b0: {  	v13 =	vxor.u32 $0x80000000, v13  }
0x2b1: {  	v14 =	vadd.s32 v24, v21;
	(xrf0) =	vmax.scan.msk.u32 $0xffff, v13  }
0x2b2: {  	v53 =	vxor.u32 $0x80000000, v14  }
0x2b3: {  	(xrf0) =	vmax.scan.msk.u32 $0xffff, v53;
	_ =	sdelay $0x2  }
0x2b4: {  	v54, _, _ =	vpop (xrf0)  }
0x2b5: {  	v55, _, _ =	vpop (xrf0)  }
0x2b6: {  	(v2sf) =	vpush v55, $0xF  }
0x2b7: {  	v56, _, _ =	vpop (xrf0)  }
0x2b8: {  	(v2sf) =	vpush v56, $0xF;
	_ =	sdelay $0xa  }
0x2b9: {  	v57 =	vnsel vm8, $0x7FF, v22  }
0x2ba: {  	vm12 =	vlt.s32 v26, $0x7FF  }
0x2bb: {  	vm13 =	vlt.s32 v25, $0x7FF;
	v18 =	vadd.s32 v18, v27;
	v58 =	vnsel vm12, $0x7FF, v26;
	s0 =	spop (v2sf)  }
0x2bc: {  	p0 =	slt.s32 s30, $0x81;
	v59 =	vnsel vm13, $0x7FF, v25;
	vm15 =	vlt.s32 v18, $0x7FF;
	s0 =	sadd.s32 $0x80000001, s0  }
0x2bd: {  	v61 =	vnsel vm15, $0x7FF, v18;
	v13 =	vadd.s32 v20, v54;
	s1 =	spop (v2sf);
	p1 =	sgt.s32 @!p0 s0, $0x800  }
0x2be: {  	v63 =	vadd.s32 $0x800, v61;
	vm14 =	vlt.s32 v13, $0x7FF;
	[tilespmem:v57+s19+$0x0] =	vst.idx.msk vm7, v12;
	s1 =	sadd.s32 $0x80000001, s1;
	p1 =	por p0, p1  }
0x2bf: {  	v60 =	vnsel vm14, $0x7FF, v13;
	[tilespmem:v19+s19+$0x0] =	vst.idx.msk vm1, v9;
	p2 =	slt.s32 @!p1 s1, $0x801  }
0x2c0: {  	v62 =	vadd.s32 $0x800, v23;
	[tilespmem:v58+s19+$0x0] =	vst.idx.msk vm3, v16;
	p2 =	por p1, !p2  }
.Ltmp19:
0x2c1: {  	[tilespmem:v59+s19+$0x0] =	vst.idx.msk vm6, v8;
	(pc) =	sbr.rel @p2 .LBB2_33-.Ltmp19, $4  }
0x2c2: {  	[tilespmem:v17+s19+$0x0] =	vst.idx.msk vm0, v11  }
0x2c3: {  	[tilespmem:v63+s19+$0x0] =	vst.idx.msk vm4, v10  }
0x2c4: {  	[tilespmem:v60+s19+$0x0] =	vst.idx.msk vm5, v15  }
0x2c5: {  	[tilespmem:v62+s19+$0x0] =	vst.idx.msk vm2, v7  }
0x2c6: {  	v6 =	vxor.u32 $0x80000000, v6  }
0x2c7: {  	(xrf0) =	vmax.scan.msk.u32 $0xffff, v6;
	_ =	sdelay $0x5  }
0x2c8: {  	v6, _, _ =	vpop (xrf0)  }
0x2c9: {  	(v2sf) =	vpush v6, $0xF;
	_ =	sdelay $0x8  }
0x2ca: {  	p0 =	sgt.s32 s0, s1  }
0x2cb: {  	s1 =	smov.u32 @p0 s0  }
0x2cc: {  	s0 =	sadd.s32 $0xF, s1  }
0x2cd: {  	s14 =	sand.u32 $0xF, s0;
	s15 =	sshra.s32 s0, $0x1F  }
0x2ce: {  	p0 =	slt.s32 s1, $0xFFFFFFF2;
	p1 =	sne.s32 s14, $0x0;
	s31 =	sshrl.u32 s15, $0x1C  }
.Ltmp20:
0x2cf: {  	s14 =	simm.s32 $0x1;
	p0 =	por !p0, !p1;
	(pc) =	sbr.rel .LBB2_38-.Ltmp20, $4  }
0x2d0: {  	s0 =	sadd.s32 s31, s0;
	p0 =	por !p0, !p0;
	s30 =	spop (v2sf)  }
0x2d1: {  	s0 =	sshra.s32 s0, $0x4;
	s14 =	simm.s32 @!p0 $0x0;
	s1 =	sxor.u32 $0x80000000, s30  }
0x2d2: {  	s0 =	ssub.s32 s0, s14;
	s1 =	ssub.s32 $0x40, s1  }
0x2d3: {  	p0 =	slt.s32 s0, $0x1;
	v6 =	vmov s1;
	s1 =	simm.s32 $0x0  }
.LBB2_41:
0x2d4: {  	vm0 =	vge.s32 v9, v7;
	vm1 =	vge.s32 v11, v7  }
0x2d5: {  	v9 =	vmpcnt.ones.xlane vm0;
	v11 =	vmpcnt.ones.xlane vm1;
	_ =	sdelay $0x1  }
0x2d6: {  	v8 =	vadd.s32 v8, v9;
	v9 =	vadd.s32 v10, v11  }
0x2d7: {  	v8 =	vadd.s32 v8, v9  }
.LBB2_42:
0x2d8: {  	s1 =	sadd.s32 $0x1, s1  }
0x2d9: {  	p1 =	seq.s32 s1, $0x18  }
.Ltmp21:
0x2da: {  	_ = 	snop;
	(pc) =	sbr.rel @p1 .LBB2_43-.Ltmp21, $3  }
0x2db: {  	_ =	sdelay $0x1  }
0x2dc: {  	vm0 =	vlt.s32 v8, v6  }
0x2dd: {  	v5 =	vsel vm0, v5, v7  }
.LBB2_38:
.Ltmp22:
0x2de: {  	(pc) =	sbr.rel @p0 .LBB2_42-.Ltmp22, $3  }
0x2df: {  	_ =	sdelay $0x1  }
0x2e0: {  	s14 =	sshrl.u32 s20, s1  }
0x2e1: {  	v8 =	vimm.s32 $0x0;
	v7 =	vor.u32 s14, v5  }
0x2e2: {  	s14 =	simm.s32 $0x0;
	s30 =	simm.s32 $0x18000  }
0x2e3: {  	p1 =	seq.s32 s0, $0x1;
	v9 =	vld [tilespmem:s30+$0x0];
	s14 =	sand.u32 $0xFFFFFFF0, s14  }
.Ltmp23:
0x2e4: {  	v11 =	vld [tilespmem:s14+$0x18800];
	(pc) =	sbr.rel @p1 .LBB2_41-.Ltmp23, $2  }
0x2e5: {  	_ =	sdelay $0x2  }
0x2e6: {  	s31 =	simm.s32 $0x10;
	v10 =	vimm.s32 $0x0;
	s30 =	sadd.s32 $0xFFFFFFFF, s0;
	s14 =	simm.s32 $0x18010  }
.LBB2_40:
0x2e7: {  	s15 =	sand.u32 $0xFFFFFFF0, s31;
	p1 =	seq.s32 s30, $0x1;
	s30 =	sadd.s32 $0xFFFFFFFF, s30;
	vm0 =	vge.s32 v9, v7;
	v9 =	vld [tilespmem:s14+$0x0];
	vm1 =	vge.s32 v11, v7  }
.Ltmp24:
0x2e8: {  	v11 =	vld [tilespmem:s15+$0x18800];
	v12 =	vmpcnt.ones.xlane vm0;
	v13 =	vmpcnt.ones.xlane vm1;
	(pc) =	sbr.rel @!p1 .LBB2_40-.Ltmp24, $3  }
0x2e9: {  	_ = 	snop  }
0x2ea: {  	v8 =	vadd.s32 v8, v12;
	v10 =	vadd.s32 v10, v13;
	_ =	sdelay $0x1  }
0x2eb: {  	s31 =	sadd.s32 $0x10, s31;
	s14 =	sadd.s32 $0x10, s14  }
.Ltmp25:
0x2ec: {  	_ = 	snop;
	(pc) =	sbr.rel .LBB2_41-.Ltmp25, $1  }
0x2ed: {  	_ =	sdelay $0x3  }
.LBB2_33:
0x2ee: {  	s0 =	simm.s32 $0x0  }
0x2ef: {  	v6 =	vpsel p0, v5, v5;
	s0 =	simm.s32 @p0 $0x0  }
0x2f0: {  	v5 =	vpsel p1, v6, v5;
	s0 =	simm.s32 @!p1 $0x0  }
.LBB2_34:
0x2f1: {  	s1 =	simm.s32 $0x8020  }
0x2f2: {  	v10 =	vld [tilespmem:s1+$0x10]  }
0x2f3: {  	v11 =	vld [tilespmem:s1+$0x0]  }
0x2f4: {  	v9 =	vld [tilespmem:s1+$0xFFFFFFE0]  }
0x2f5: {  	v12 =	vld [tilespmem:s1+$0xFFFFFFF0];
	_ =	sdelay $0x2  }
0x2f6: {  	s31 =	sshrl.u32 s20, s0  }
0x2f7: {  	v6 =	vor.u32 s31, v5;
	v14 =	vshra.s32 v10, $0x1F  }
0x2f8: {  	s14 =	simm.s32 $0x8060;
	v8 =	vshra.s32 v9, $0x1F;
	v15 =	vshra.s32 v11, $0x1F;
	v17 =	vshra.s32 v12, $0x1F  }
0x2f9: {  	v7 =	vld [tilespmem:s14+$0x10];
	v16 =	vand.u32 $0x7FFFFFFF, v8;
	v17 =	vand.u32 $0x7FFFFFFF, v17;
	v14 =	vand.u32 $0x7FFFFFFF, v14  }
0x2fa: {  	v8 =	vld [tilespmem:s14+$0x0];
	v15 =	vand.u32 $0x7FFFFFFF, v15;
	v16 =	vxor.u32 v9, v16;
	v12 =	vxor.u32 v12, v17  }
0x2fb: {  	v9 =	vld [tilespmem:s14+$0xFFFFFFE0];
	v11 =	vxor.u32 v11, v15;
	v10 =	vxor.u32 v10, v14;
	vm0 =	vge.s32 v16, v6  }
0x2fc: {  	vm13 =	vge.s32 v12, v6;
	vm15 =	vge.s32 v10, v6;
	v10 =	vld [tilespmem:s14+$0xFFFFFFF0];
	v16 =	vmpcnt.ones.xlane vm0  }
0x2fd: {  	v13 =	vimm.s32 $0x0;
	vm14 =	vge.s32 v11, v6;
	v12 =	vmpcnt.ones.xlane vm13  }
0x2fe: {  	v15 =	vmpcnt.ones.xlane vm14;
	v13 =	vadd.s32 v13, v16  }
0x2ff: {  	v11 =	vshra.s32 v7, $0x1F;
	v16 =	vadd.s32 v12, v13;
	v13 =	vmpcnt.ones.xlane vm15  }
0x300: {  	s30 =	simm.s32 $0x80A0;
	s1 =	simm.s32 $0x4;
	v14 =	vshra.s32 v9, $0x1F;
	v12 =	vshra.s32 v8, $0x1F;
	v15 =	vadd.s32 v15, v16  }
.LBB2_35:
0x301: {  	v16 =	vld [tilespmem:s30+$0x10];
	v14 =	vand.u32 $0x7FFFFFFF, v14;
	v17 =	vshra.s32 v10, $0x1F;
	v13 =	vadd.s32 v13, v15  }
0x302: {  	v11 =	vand.u32 $0x7FFFFFFF, v11;
	s1 =	sadd.s32 $0x4, s1;
	v15 =	vld [tilespmem:s30+$0x0];
	v14 =	vxor.u32 v9, v14;
	v17 =	vand.u32 $0x7FFFFFFF, v17  }
0x303: {  	v12 =	vand.u32 $0x7FFFFFFF, v12;
	p0 =	slt.u32 s1, $0x7FC;
	v9 =	vld [tilespmem:s30+$0xFFFFFFE0];
	vm0 =	vge.s32 v14, v6;
	v14 =	vxor.u32 v10, v17  }
.Ltmp26:
0x304: {  	v8 =	vxor.u32 v8, v12;
	v10 =	vld [tilespmem:s30+$0xFFFFFFF0];
	v17 =	vmpcnt.ones.xlane vm0;
	vm0 =	vge.s32 v14, v6;
	(pc) =	sbr.rel @p0 .LBB2_35-.Ltmp26, $4  }
0x305: {  	v11 =	vxor.u32 v7, v11;
	v12 =	vmpcnt.ones.xlane vm0;
	vm0 =	vge.s32 v8, v6  }
0x306: {  	v14 =	vadd.s32 v13, v17;
	v17 =	vmpcnt.ones.xlane vm0;
	vm0 =	vge.s32 v11, v6;
	v7 =	vmovc v16  }
0x307: {  	v11 =	vshra.s32 v7, $0x1F;
	v16 =	vadd.s32 v12, v14;
	v13 =	vmpcnt.ones.xlane vm0;
	v8 =	vmovc v15  }
0x308: {  	s30 =	sadd.s32 $0x40, s30;
	v14 =	vshra.s32 v9, $0x1F;
	v12 =	vshra.s32 v8, $0x1F;
	v15 =	vadd.s32 v17, v16  }
0x309: {  	v14 =	vand.u32 $0x7FFFFFFF, v14;
	v16 =	vshra.s32 v10, $0x1F;
	v13 =	vadd.s32 v13, v15  }
0x30a: {  	v11 =	vand.u32 $0x7FFFFFFF, v11;
	v9 =	vxor.u32 v9, v14;
	v57 =	vand.u32 $0x7FFFFFFF, v16  }
0x30b: {  	v59 =	vand.u32 $0x7FFFFFFF, v12;
	vm0 =	vge.s32 v9, v6;
	v58 =	vxor.u32 v10, v57  }
0x30c: {  	v8 =	vxor.u32 v8, v59;
	v60 =	vmpcnt.ones.xlane vm0;
	vm12 =	vge.s32 v58, v6  }
0x30d: {  	s0 =	sadd.s32 $0x1, s0;
	v7 =	vxor.u32 v7, v11;
	vm13 =	vge.s32 v8, v6;
	v9 =	vmpcnt.ones.xlane vm12  }
0x30e: {  	p0 =	seq.s32 s0, $0x18;
	vm14 =	vge.s32 v7, v6;
	v62 =	vmpcnt.ones.xlane vm13;
	v61 =	vadd.s32 v13, v60  }
.Ltmp27:
0x30f: {  	v63 =	vmpcnt.ones.xlane vm14;
	v7 =	vadd.s32 v9, v61;
	(pc) =	sbr.rel @!p0 .LBB2_34-.Ltmp27, $4  }
0x310: {  	v7 =	vadd.s32 v62, v7  }
0x311: {  	v7 =	vadd.s32 v63, v7  }
0x312: {  	vm15 =	vgt.s32 v7, $0x3F  }
0x313: {  	v5 =	vsel vm15, v6, v5  }
.LBB2_43:
0x314: {  	s0 =	simm.s32 $0x8080  }
0x315: {  	v6 =	vld [tilespmem:s0+$0x70]  }
0x316: {  	v7 =	vld [tilespmem:s0+$0xFFFFFF90]  }
0x317: {  	v8 =	vld [tilespmem:s0+$0xFFFFFFA0]  }
0x318: {  	vm0 =	vlt.s32 v5, $0x0;
	v9 =	vxor.u32 $0x7FFFFFFF, v5;
	v10 =	vld [tilespmem:s0+$0xFFFFFFB0]  }
0x319: {  	v5 =	vsel vm0, v9, v5;
	v9 =	vld [tilespmem:s0+$0xFFFFFFC0]  }
0x31a: {  	v11 =	vld [tilespmem:s0+$0xFFFFFFD0];
	vm0 =	vge.f32 v6, v5  }
0x31b: {  	v12 =	vld [tilespmem:s0+$0xFFFFFFE0];
	vm1 =	vge.f32 v7, v5;
	v6 =	vnsel vm0, $0x0, v6  }
0x31c: {  	v13 =	vld [tilespmem:s0+$0xFFFFFFF0];
	v7 =	vnsel vm1, $0x0, v7;
	vm0 =	vge.f32 v8, v5;
	[tilespmem:s0+$0x70] =	vst v6  }
0x31d: {  	[tilespmem:s0+$0xFFFFFF90] =	vst v7;
	v6 =	vnsel vm0, $0x0, v8;
	vm0 =	vge.f32 v10, v5;
	v8 =	vld [tilespmem:s0+$0x0]  }
0x31e: {  	v14 =	vld [tilespmem:s0+$0x10];
	[tilespmem:s0+$0xFFFFFFA0] =	vst v6;
	v6 =	vnsel vm0, $0x0, v10;
	vm0 =	vge.f32 v9, v5  }
0x31f: {  	[tilespmem:s0+$0xFFFFFFB0] =	vst v6;
	v7 =	vnsel vm0, $0x0, v9;
	vm0 =	vge.f32 v11, v5;
	v6 =	vld [tilespmem:s0+$0x20]  }
0x320: {  	[tilespmem:s0+$0xFFFFFFC0] =	vst v7;
	v9 =	vnsel vm0, $0x0, v11;
	vm0 =	vge.f32 v12, v5;
	v7 =	vld [tilespmem:s0+$0x30]  }
0x321: {  	[tilespmem:s0+$0xFFFFFFD0] =	vst v9;
	v10 =	vnsel vm0, $0x0, v12;
	vm0 =	vge.f32 v13, v5;
	v9 =	vld [tilespmem:s0+$0x40]  }
0x322: {  	v11 =	vld [tilespmem:s0+$0x50];
	[tilespmem:s0+$0xFFFFFFE0] =	vst v10;
	v10 =	vnsel vm0, $0x0, v13;
	vm0 =	vge.f32 v8, v5  }
0x323: {  	[tilespmem:s0+$0xFFFFFFF0] =	vst v10;
	v12 =	vnsel vm0, $0x0, v8;
	vm0 =	vge.f32 v14, v5;
	v10 =	vld [tilespmem:s0+$0x60]  }
0x324: {  	s1 =	simm.s32 $0x0;
	s30 =	simm.s32 $0x8180;
	v8 =	vld [tilespmem:s0+$0xFFFFFF80];
	[tilespmem:s0+$0x0] =	vst v12;
	v12 =	vnsel vm0, $0x0, v14;
	vm0 =	vge.f32 v6, v5  }
.LBB2_44:
0x325: {  	v13 =	vld [tilespmem:s30+$0x70];
	s1 =	sadd.s32 $0x10, s1;
	[tilespmem:s0+$0x10] =	vst v12;
	v6 =	vnsel vm0, $0x0, v6;
	vm0 =	vge.f32 v7, v5  }
0x326: {  	v12 =	vld [tilespmem:s30+$0xFFFFFF90];
	p0 =	slt.u32 s1, $0x7F0;
	[tilespmem:s0+$0x20] =	vst v6;
	v6 =	vnsel vm0, $0x0, v7;
	vm0 =	vge.f32 v9, v5  }
0x327: {  	v7 =	vld [tilespmem:s30+$0xFFFFFFA0];
	[tilespmem:s0+$0x30] =	vst v6;
	v6 =	vnsel vm0, $0x0, v9;
	vm0 =	vge.f32 v11, v5  }
0x328: {  	v9 =	vld [tilespmem:s30+$0xFFFFFFB0];
	[tilespmem:s0+$0x40] =	vst v6;
	v6 =	vnsel vm0, $0x0, v11;
	vm0 =	vge.f32 v10, v5  }
0x329: {  	v11 =	vld [tilespmem:s30+$0xFFFFFFC0];
	vm1 =	vge.f32 v8, v5;
	[tilespmem:s0+$0x50] =	vst v6;
	v6 =	vnsel vm0, $0x0, v10  }
0x32a: {  	v10 =	vld [tilespmem:s30+$0xFFFFFFD0];
	vm0 =	vge.f32 v13, v5;
	v8 =	vnsel vm1, $0x0, v8;
	[tilespmem:s0+$0x60] =	vst v6  }
0x32b: {  	vm1 =	vge.f32 v12, v5;
	v14 =	vld [tilespmem:s30+$0xFFFFFFE0];
	v6 =	vnsel vm0, $0x0, v13;
	[tilespmem:s0+$0xFFFFFF80] =	vst v8;
	s0 =	smov.u32 s30  }
0x32c: {  	v8 =	vnsel vm1, $0x0, v12;
	vm0 =	vge.f32 v7, v5;
	v12 =	vld [tilespmem:s30+$0xFFFFFFF0];
	[tilespmem:s30+$0x70] =	vst v6  }
0x32d: {  	[tilespmem:s30+$0xFFFFFF90] =	vst v8;
	v6 =	vnsel vm0, $0x0, v7;
	vm0 =	vge.f32 v9, v5;
	v8 =	vld [tilespmem:s30+$0x0]  }
0x32e: {  	[tilespmem:s30+$0xFFFFFFA0] =	vst v6;
	v6 =	vnsel vm0, $0x0, v9;
	vm0 =	vge.f32 v11, v5;
	v13 =	vld [tilespmem:s30+$0x10]  }
0x32f: {  	[tilespmem:s30+$0xFFFFFFB0] =	vst v6;
	v7 =	vnsel vm0, $0x0, v11;
	vm0 =	vge.f32 v10, v5;
	v6 =	vld [tilespmem:s30+$0x20]  }
.Ltmp28:
0x330: {  	[tilespmem:s30+$0xFFFFFFC0] =	vst v7;
	v9 =	vnsel vm0, $0x0, v10;
	vm0 =	vge.f32 v14, v5;
	v7 =	vld [tilespmem:s30+$0x30];
	(pc) =	sbr.rel @p0 .LBB2_44-.Ltmp28, $4  }
0x331: {  	[tilespmem:s30+$0xFFFFFFD0] =	vst v9;
	v10 =	vnsel vm0, $0x0, v14;
	vm0 =	vge.f32 v12, v5;
	v9 =	vld [tilespmem:s30+$0x40]  }
0x332: {  	[tilespmem:s30+$0xFFFFFFE0] =	vst v10;
	v10 =	vnsel vm0, $0x0, v12;
	vm0 =	vge.f32 v8, v5;
	v11 =	vld [tilespmem:s30+$0x50]  }
0x333: {  	[tilespmem:s30+$0xFFFFFFF0] =	vst v10;
	v12 =	vnsel vm0, $0x0, v8;
	vm0 =	vge.f32 v13, v5;
	v10 =	vld [tilespmem:s30+$0x60]  }
0x334: {  	s30 =	sadd.s32 $0x100, s30;
	v8 =	vld [tilespmem:s0+$0xFFFFFF80];
	[tilespmem:s0+$0x0] =	vst v12;
	v12 =	vnsel vm0, $0x0, v13;
	vm0 =	vge.f32 v6, v5  }
0x335: {  	[tilespmem:s0+$0x10] =	vst v12;
	v6 =	vnsel vm0, $0x0, v6;
	vm12 =	vge.f32 v7, v5  }
0x336: {  	[tilespmem:s0+$0x20] =	vst v6;
	v6 =	vnsel vm12, $0x0, v7;
	vm13 =	vge.f32 v9, v5  }
0x337: {  	[tilespmem:s0+$0x30] =	vst v6;
	v6 =	vnsel vm13, $0x0, v9;
	vm14 =	vge.f32 v11, v5  }
0x338: {  	[tilespmem:s0+$0x40] =	vst v6;
	v6 =	vnsel vm14, $0x0, v11;
	vm15 =	vge.f32 v10, v5  }
0x339: {  	vm1 =	vge.f32 v8, v5;
	[tilespmem:s0+$0x50] =	vst v6;
	v5 =	vnsel vm15, $0x0, v10  }
0x33a: {  	v6 =	vnsel vm1, $0x0, v8;
	[tilespmem:s0+$0x60] =	vst v5  }
0x33b: {  	s30 =	simm.s32 $0x8000;
	[tilespmem:s0+$0xFFFFFF80] =	vst v6  }
0x33c: {  	[hbm4b:s7+s12] =	stream.strided.scatter [tilespmem:s30], [sflag:$0x6], $0x8000, s13, s12, $0x38;
	[tilespmem:$0x1A200] =	vst v63  }
0x33d: {  	_ =	swait.ge [sflag:s22], $0x8000  }
0x33e: {  	[sflag:s22] =	ssyncset.done $0x0  }
0x33f: {  	[sflag:s22] =	ssyncadd.s32 $0xFFFF8000  }
0x340: {  	[tilespmem:s2], [sflag:$0x4] =	stream.strided.gather [hbm4b:s8+s12], $0x8000, s13, s12, $0x38;
	[tilespmem:$0x1A200] =	vst v63  }
0x341: {  	_ =	swait.ge [sflag:s23], $0x8000  }
0x342: {  	[sflag:s23] =	ssyncset.done $0x0  }
0x343: {  	s31 =	simm.s32 $0x10040;
	[sflag:s23] =	ssyncadd.s32 $0xFFFF8000  }
0x344: {  	v5 =	vld [tilespmem:s31+$0x30]  }
0x345: {  	v6 =	vld [tilespmem:s31+$0xFFFFFFD0]  }
0x346: {  	v7 =	vld [tilespmem:s31+$0xFFFFFFE0]  }
0x347: {  	v8 =	vld [tilespmem:s31+$0xFFFFFFF0]  }
0x348: {  	v9 =	vld [tilespmem:s31+$0x0];
	_ =	sdelay $0x1  }
0x349: {  	v10 =	vld [tilespmem:s31+$0x10]  }
0x34a: {  	v13 =	vld [tilespmem:s31+$0x20]  }
0x34b: {  	v14 =	vld [tilespmem:s31+$0xFFFFFFC0];
	v11 =	vshra.s32 v5, $0x1F;
	v61 =	vshra.s32 v6, $0x1F;
	v15 =	vshra.s32 v7, $0x1F  }
0x34c: {  	v62 =	vshra.s32 v8, $0x1F;
	v16 =	vshra.s32 v9, $0x1F;
	v11 =	vand.u32 $0x7F000000, v11  }
0x34d: {  	v12 =	vand.u32 $0x7F000000, v61;
	v5 =	vxor.u32 v5, v11;
	v11 =	vand.u32 $0x7F000000, v15  }
0x34e: {  	v15 =	vand.u32 $0x7F000000, v62;
	v12 =	vxor.u32 v6, v12;
	v5 =	vshra.s32 v5, $0x18  }
0x34f: {  	v6 =	vshra.s32 v10, $0x1F;
	v63 =	vxor.u32 v7, v11;
	v17 =	vadd.s32 v1, v5  }
0x350: {  	v7 =	vand.u32 $0x7F000000, v6;
	v6 =	vshra.s32 v13, $0x1F;
	v11 =	vshra.s32 v14, $0x1F  }
0x351: {  	v15 =	vxor.u32 v8, v15;
	v5 =	vand.u32 $0x7F000000, v16;
	v8 =	vand.u32 $0x7F000000, v6  }
0x352: {  	v11 =	vand.u32 $0x7F000000, v11;
	v6 =	vxor.u32 v9, v5;
	v5 =	vxor.u32 v10, v7  }
0x353: {  	v9 =	vxor.u32 v14, v11;
	v7 =	vshra.s32 v12, $0x18;
	v8 =	vxor.u32 v13, v8  }
0x354: {  	s1 =	simm.s32 $0x100C0;
	s0 =	simm.s32 $0x0;
	v10 =	vshra.s32 v63, $0x18;
	v11 =	vshra.s32 v9, $0x18;
	v9 =	vshra.s32 v15, $0x18;
	[tilespmem:v17+s17+$0x0] =	vst.idx.add.s32.msk $0xffff, v2  }
.LBB2_46:
0x355: {  	v12 =	vld [tilespmem:s1+$0x30];
	s0 =	sadd.s32 $0x8, s0;
	v6 =	vshra.s32 v6, $0x18;
	v5 =	vshra.s32 v5, $0x18;
	v8 =	vshra.s32 v8, $0x18  }
0x356: {  	v11 =	vadd.s32 v1, v11;
	v7 =	vadd.s32 v1, v7;
	v10 =	vadd.s32 v1, v10;
	v13 =	vld [tilespmem:s1+$0xFFFFFFD0];
	p0 =	slt.u32 s0, $0x7F8  }
0x357: {  	v9 =	vadd.s32 v1, v9;
	v6 =	vadd.s32 v1, v6;
	v15 =	vadd.s32 v1, v5;
	v14 =	vld [tilespmem:s1+$0xFFFFFFE0]  }
0x358: {  	v16 =	vadd.s32 v1, v8;
	v5 =	vld [tilespmem:s1+$0xFFFFFFF0]  }
0x359: {  	v8 =	vld [tilespmem:s1+$0x0]  }
0x35a: {  	v17 =	vld [tilespmem:s1+$0x10];
	v18 =	vshra.s32 v12, $0x1F  }
0x35b: {  	v19 =	vshra.s32 v13, $0x1F;
	v20 =	vld [tilespmem:s1+$0x20];
	v18 =	vand.u32 $0x7F000000, v18  }
0x35c: {  	v21 =	vld [tilespmem:s1+$0xFFFFFFC0];
	v19 =	vand.u32 $0x7F000000, v19;
	v22 =	vshra.s32 v14, $0x1F;
	v12 =	vxor.u32 v12, v18  }
0x35d: {  	v18 =	vand.u32 $0x7F000000, v22;
	v22 =	vshra.s32 v5, $0x1F;
	v12 =	vshra.s32 v12, $0x18;
	[tilespmem:v11+s17+$0x0] =	vst.idx.add.s32.msk $0xffff, v2  }
0x35e: {  	v11 =	vand.u32 $0x7F000000, v22;
	v22 =	vshra.s32 v8, $0x1F;
	v12 =	vadd.s32 v1, v12;
	[tilespmem:v7+s17+$0x0] =	vst.idx.add.s32.msk $0xffff, v2  }
0x35f: {  	v7 =	vxor.u32 v13, v19;
	v13 =	vand.u32 $0x7F000000, v22;
	v19 =	vshra.s32 v17, $0x1F;
	[tilespmem:v10+s17+$0x0] =	vst.idx.add.s32.msk $0xffff, v2  }
.Ltmp29:
0x360: {  	v10 =	vxor.u32 v14, v18;
	v14 =	vand.u32 $0x7F000000, v19;
	v18 =	vshra.s32 v20, $0x1F;
	[tilespmem:v9+s17+$0x0] =	vst.idx.add.s32.msk $0xffff, v2;
	(pc) =	sbr.rel @p0 .LBB2_46-.Ltmp29, $4  }
0x361: {  	v19 =	vxor.u32 v5, v11;
	v9 =	vshra.s32 v21, $0x1F;
	v11 =	vand.u32 $0x7F000000, v18;
	[tilespmem:v6+s17+$0x0] =	vst.idx.add.s32.msk $0xffff, v2  }
0x362: {  	v6 =	vxor.u32 v8, v13;
	v5 =	vxor.u32 v17, v14;
	v9 =	vand.u32 $0x7F000000, v9;
	[tilespmem:v15+s17+$0x0] =	vst.idx.add.s32.msk $0xffff, v2  }
0x363: {  	v7 =	vshra.s32 v7, $0x18;
	v8 =	vxor.u32 v20, v11;
	v9 =	vxor.u32 v21, v9;
	[tilespmem:v12+s17+$0x0] =	vst.idx.add.s32.msk $0xffff, v2  }
0x364: {  	s1 =	sadd.s32 $0x80, s1;
	v10 =	vshra.s32 v10, $0x18;
	v11 =	vshra.s32 v9, $0x18;
	v9 =	vshra.s32 v19, $0x18;
	[tilespmem:v16+s17+$0x0] =	vst.idx.add.s32.msk $0xffff, v2  }
0x365: {  	v11 =	vadd.s32 v1, v11  }
0x366: {  	v7 =	vadd.s32 v1, v7  }
0x367: {  	v10 =	vadd.s32 v1, v10  }
0x368: {  	v6 =	vshra.s32 v6, $0x18;
	v9 =	vadd.s32 v1, v9  }
0x369: {  	v5 =	vshra.s32 v5, $0x18;
	v6 =	vadd.s32 v1, v6  }
0x36a: {  	v8 =	vshra.s32 v8, $0x18;
	v5 =	vadd.s32 v1, v5;
	[tilespmem:v11+s17+$0x0] =	vst.idx.add.s32.msk $0xffff, v2  }
0x36b: {  	v8 =	vadd.s32 v1, v8;
	[tilespmem:v7+s17+$0x0] =	vst.idx.add.s32.msk $0xffff, v2  }
0x36c: {  	[tilespmem:v10+s17+$0x0] =	vst.idx.add.s32.msk $0xffff, v2  }
0x36d: {  	[tilespmem:v9+s17+$0x0] =	vst.idx.add.s32.msk $0xffff, v2  }
0x36e: {  	[tilespmem:v6+s17+$0x0] =	vst.idx.add.s32.msk $0xffff, v2  }
0x36f: {  	[tilespmem:v5+s17+$0x0] =	vst.idx.add.s32.msk $0xffff, v2  }
0x370: {  	[tilespmem:v8+s17+$0x0] =	vst.idx.add.s32.msk $0xffff, v2  }
0x371: {  	s1 =	simm.s32 $0x0;
	[tilespmem:$0x1A180] =	vst v0  }
0x372: {  	v6 =	vld [tilespmem:s1+$0x190F0]  }
0x373: {  	v7 =	vld [tilespmem:s1+$0x191F1]  }
0x374: {  	v5 =	vld [tilespmem:s1+$0x192F2]  }
0x375: {  	v8 =	vld [tilespmem:s1+$0x193F3]  }
0x376: {  	v9 =	vld [tilespmem:s1+$0x194F4]  }
0x377: {  	v10 =	vld [tilespmem:s1+$0x195F5]  }
0x378: {  	v11 =	vld [tilespmem:s1+$0x196F6];
	v6 =	vadd.s32 v6, v7  }
0x379: {  	v12 =	vld [tilespmem:s1+$0x197F7];
	v5 =	vadd.s32 v5, v6  }
0x37a: {  	v13 =	vld [tilespmem:s1+$0x198F8];
	v5 =	vadd.s32 v8, v5  }
0x37b: {  	v14 =	vld [tilespmem:s1+$0x199F9];
	v5 =	vadd.s32 v9, v5  }
0x37c: {  	[tilespmem:s1+$0x190F0] =	vst v0;
	v15 =	vld [tilespmem:s1+$0x19AFA];
	v5 =	vadd.s32 v10, v5  }
0x37d: {  	[tilespmem:s1+$0x191F1] =	vst v0;
	v16 =	vld [tilespmem:s1+$0x19BFB];
	v5 =	vadd.s32 v11, v5  }
0x37e: {  	[tilespmem:s1+$0x193F3] =	vst v0;
	v7 =	vld [tilespmem:s1+$0x19CFC];
	v5 =	vadd.s32 v12, v5  }
0x37f: {  	[tilespmem:s1+$0x194F4] =	vst v0;
	v6 =	vld [tilespmem:s1+$0x19DFD];
	v5 =	vadd.s32 v13, v5  }
0x380: {  	[tilespmem:s1+$0x195F5] =	vst v0;
	v8 =	vld [tilespmem:s1+$0x19EFE];
	v5 =	vadd.s32 v14, v5  }
0x381: {  	[tilespmem:s1+$0x196F6] =	vst v0;
	v9 =	vld [tilespmem:s1+$0x19FFF];
	v5 =	vadd.s32 v15, v5  }
0x382: {  	[tilespmem:s1+$0x192F2] =	vst v0;
	v5 =	vadd.s32 v16, v5  }
0x383: {  	[tilespmem:s1+$0x198F8] =	vst v0;
	v5 =	vadd.s32 v7, v5  }
0x384: {  	[tilespmem:s1+$0x199F9] =	vst v0;
	v5 =	vadd.s32 v6, v5  }
0x385: {  	[tilespmem:s1+$0x19AFA] =	vst v0;
	v5 =	vadd.s32 v8, v5  }
0x386: {  	[tilespmem:s1+$0x19BFB] =	vst v0;
	v5 =	vadd.s32 v9, v5  }
0x387: {  	[tilespmem:s1+$0x19CFC] =	vst v0;
	v5 =	vperm.xlane v5, v3  }
0x388: {  	[tilespmem:s1+$0x19DFD] =	vst v0  }
0x389: {  	[tilespmem:s1+$0x19EFE] =	vst v0;
	(xrf0) =	vadd.scan.msk.s32 $0xffff, v5  }
0x38a: {  	s30 =	simm.s32 $0xFFFFFFF0;
	[tilespmem:s1+$0x19FFF] =	vst v0  }
0x38b: {  	v10 =	vld [tilespmem:s30+$0x192F2]  }
0x38c: {  	v11 =	vld [tilespmem:s30+$0x190F0];
	[tilespmem:s1+$0x197F7] =	vst v0  }
0x38d: {  	v12 =	vld [tilespmem:s30+$0x191F1];
	_ =	sdelay $0x1  }
0x38e: {  	v14, _, _ =	vpop (xrf0)  }
0x38f: {  	v7 =	vld [tilespmem:s30+$0x193F3];
	v14 =	vperm.xlane v14, v3  }
0x390: {  	s31 =	simm.s32 $0x0;
	v6 =	vld [tilespmem:s30+$0x194F4]  }
0x391: {  	v11 =	vadd.s32 v11, v12;
	v8 =	vld [tilespmem:s30+$0x195F5];
	v12 =	vadd.s32 s31, v14  }
0x392: {  	v10 =	vadd.s32 v10, v11;
	v11 =	vxor.u32 $0x80000000, v12  }
0x393: {  	(xrf0) =	vmax.scan.msk.u32 $0xffff, v11  }
0x394: {  	v7 =	vadd.s32 v7, v10;
	v5 =	vld [tilespmem:s30+$0x196F6]  }
0x395: {  	v9 =	vld [tilespmem:s30+$0x197F7];
	v6 =	vadd.s32 v6, v7  }
0x396: {  	v13 =	vld [tilespmem:s30+$0x198F8];
	v6 =	vadd.s32 v8, v6  }
0x397: {  	v15 =	vld [tilespmem:s30+$0x199F9]  }
0x398: {  	v63 =	vld [tilespmem:s30+$0x19AFA]  }
0x399: {  	v5 =	vadd.s32 v5, v6;
	v14 =	vld [tilespmem:s30+$0x19BFB];
	v6, _, _ =	vpop (xrf0)  }
0x39a: {  	v7 =	vld [tilespmem:s30+$0x19CFC];
	v5 =	vadd.s32 v9, v5;
	(v2sf) =	vpush v6, $0xF  }
0x39b: {  	v5 =	vadd.s32 v13, v5  }
0x39c: {  	v8 =	vld [tilespmem:s30+$0x19DFD];
	v5 =	vadd.s32 v15, v5  }
0x39d: {  	v9 =	vld [tilespmem:s30+$0x19EFE];
	v5 =	vadd.s32 v63, v5  }
0x39e: {  	v10 =	vld [tilespmem:s30+$0x19FFF];
	vm0 =	vgt.s32 v12, $0x3F;
	v5 =	vadd.s32 v14, v5  }
0x39f: {  	[tilespmem:s30+$0x190F0] =	vst v0;
	v5 =	vadd.s32 v7, v5;
	v7 =	vmpcnt.ones.xlane vm0  }
0x3a0: {  	[tilespmem:s30+$0x191F1] =	vst v0  }
0x3a1: {  	[tilespmem:s30+$0x192F2] =	vst v0;
	v5 =	vadd.s32 v8, v5;
	v7 =	vxor.u32 $0x80000000, v7  }
0x3a2: {  	[tilespmem:s30+$0x19AFA] =	vst v0;
	v5 =	vadd.s32 v9, v5;
	(xrf0) =	vmax.scan.msk.u32 $0xffff, v7  }
0x3a3: {  	[tilespmem:s30+$0x198F8] =	vst v0;
	v5 =	vadd.s32 v10, v5  }
0x3a4: {  	[tilespmem:s30+$0x199F9] =	vst v0;
	v5 =	vperm.xlane v5, v3  }
0x3a5: {  	[tilespmem:s30+$0x193F3] =	vst v0  }
0x3a6: {  	[tilespmem:s30+$0x194F4] =	vst v0  }
0x3a7: {  	[tilespmem:s30+$0x195F5] =	vst v0  }
0x3a8: {  	[tilespmem:s30+$0x19FFF] =	vst v0;
	(xrf0) =	vadd.scan.msk.s32 $0xffff, v5;
	v5, _, _ =	vpop (xrf0)  }
0x3a9: {  	[tilespmem:s30+$0x196F6] =	vst v0;
	s15 =	spop (v2sf);
	(v2sf) =	vpush v5, $0xF  }
0x3aa: {  	[tilespmem:s30+$0x19CFC] =	vst v0  }
0x3ab: {  	[tilespmem:s30+$0x19DFD] =	vst v0  }
0x3ac: {  	[tilespmem:s30+$0x19EFE] =	vst v0  }
0x3ad: {  	s0 =	simm.s32 $0xFFFFFFE0;
	[tilespmem:s30+$0x19BFB] =	vst v0  }
0x3ae: {  	v6 =	vld [tilespmem:s0+$0x192F2];
	[tilespmem:s1+$0x1A170] =	vst v12  }
0x3af: {  	v11 =	vld [tilespmem:s0+$0x190F0];
	[tilespmem:s30+$0x197F7] =	vst v0  }
0x3b0: {  	v12 =	vld [tilespmem:s0+$0x191F1]  }
0x3b1: {  	[tilespmem:s0+$0x190F0] =	vst v0  }
0x3b2: {  	[tilespmem:s0+$0x191F1] =	vst v0;
	v10 =	vld [tilespmem:s0+$0x193F3]  }
0x3b3: {  	[tilespmem:s0+$0x193F3] =	vst v0;
	v7 =	vld [tilespmem:s0+$0x194F4];
	v9, _, _ =	vpop (xrf0)  }
0x3b4: {  	[tilespmem:s0+$0x194F4] =	vst v0;
	v8 =	vld [tilespmem:s0+$0x195F5];
	v13 =	vperm.xlane v9, v3  }
0x3b5: {  	[tilespmem:s0+$0x195F5] =	vst v0;
	v12 =	vadd.s32 v11, v12;
	v11 =	vld [tilespmem:s0+$0x197F7];
	s14 =	sxor.u32 $0x80000000, s15  }
0x3b6: {  	s1 =	simm.s32 $0xFFFFFF40;
	v9 =	vld [tilespmem:s0+$0x196F6];
	[tilespmem:s0+$0x196F6] =	vst v0;
	v5 =	vadd.s32 s14, v13  }
.LBB2_48:
0x3b7: {  	p0 =	sne.s32 s1, $0xFFFFFC40  }
0x3b8: {  	v6 =	vadd.s32 v6, v12;
	[tilespmem:s0+$0x192F2] =	vst v0;
	v12 =	vld [tilespmem:s0+$0x198F8];
	vm0 =	vgt.s32 v5, $0x3F;
	v13 =	vxor.u32 $0x80000000, v5;
	s14 =	spop (v2sf);
	s15 =	smov.u32 s1;
	s1 =	sadd.s32 $0xFFFFFFC0, s1  }
0x3b9: {  	v6 =	vadd.s32 v10, v6;
	[tilespmem:s0+$0x198F8] =	vst v0;
	v10 =	vld [tilespmem:s0+$0x199F9];
	v14 =	vmpcnt.ones.xlane vm0;
	(xrf0) =	vmax.scan.msk.u32 $0xffff, v13;
	s14 =	sadd.s32 s14, s31  }
0x3ba: {  	v6 =	vadd.s32 v7, v6;
	[tilespmem:s0+$0x199F9] =	vst v0;
	v7 =	vld [tilespmem:s0+$0x19AFA];
	s31 =	sadd.s32 $0x80000000, s14  }
0x3bb: {  	v6 =	vadd.s32 v8, v6;
	[tilespmem:s0+$0x19AFA] =	vst v0;
	v8 =	vld [tilespmem:s0+$0x19BFB];
	v13 =	vxor.u32 $0x80000000, v14  }
0x3bc: {  	v6 =	vadd.s32 v9, v6;
	[tilespmem:s0+$0x19BFB] =	vst v0;
	v9 =	vld [tilespmem:s0+$0x19CFC];
	(xrf0) =	vmax.scan.msk.u32 $0xffff, v13  }
0x3bd: {  	v6 =	vadd.s32 v11, v6;
	[tilespmem:s0+$0x19CFC] =	vst v0;
	v11 =	vld [tilespmem:s0+$0x19DFD]  }
0x3be: {  	v6 =	vadd.s32 v12, v6;
	[tilespmem:s0+$0x19DFD] =	vst v0;
	v12 =	vld [tilespmem:s0+$0x19EFE]  }
0x3bf: {  	v6 =	vadd.s32 v10, v6;
	[tilespmem:s0+$0x19EFE] =	vst v0;
	v10 =	vld [tilespmem:s0+$0x19FFF];
	v13, _, _ =	vpop (xrf0)  }
0x3c0: {  	v6 =	vadd.s32 v7, v6;
	[tilespmem:s0+$0x19FFF] =	vst v0;
	(v2sf) =	vpush v13, $0xF  }
0x3c1: {  	v6 =	vadd.s32 v8, v6  }
0x3c2: {  	v6 =	vadd.s32 v9, v6;
	v7, _, _ =	vpop (xrf0)  }
0x3c3: {  	v6 =	vadd.s32 v11, v6;
	(v2sf) =	vpush v7, $0xF  }
0x3c4: {  	v6 =	vadd.s32 v12, v6  }
0x3c5: {  	v6 =	vadd.s32 v10, v6  }
0x3c6: {  	v6 =	vperm.xlane v6, v3;
	_ =	sdelay $0x1  }
0x3c7: {  	(xrf0) =	vadd.scan.msk.s32 $0xffff, v6  }
0x3c8: {  	s14 =	sshra.s32 s15, $0x2  }
0x3c9: {  	v6 =	vld [tilespmem:s14+$0x192F2];
	[tilespmem:s30+$0x1A170] =	vst v5;
	s30 =	smov.u32 s0;
	s0 =	smov.u32 s14  }
0x3ca: {  	v5 =	vld [tilespmem:s0+$0x190F0];
	[tilespmem:s30+$0x197F7] =	vst v0  }
0x3cb: {  	[tilespmem:s0+$0x190F0] =	vst v0;
	v11 =	vld [tilespmem:s0+$0x191F1]  }
.Ltmp30:
0x3cc: {  	[tilespmem:s0+$0x191F1] =	vst v0;
	v10 =	vld [tilespmem:s0+$0x193F3];
	(pc) =	sbr.rel @p0 .LBB2_48-.Ltmp30, $4  }
0x3cd: {  	[tilespmem:s0+$0x193F3] =	vst v0;
	v7 =	vld [tilespmem:s0+$0x194F4];
	v9, _, _ =	vpop (xrf0)  }
0x3ce: {  	[tilespmem:s0+$0x194F4] =	vst v0;
	v8 =	vld [tilespmem:s0+$0x195F5];
	v13 =	vperm.xlane v9, v3;
	s14 =	spop (v2sf)  }
0x3cf: {  	[tilespmem:s0+$0x195F5] =	vst v0;
	v9 =	vld [tilespmem:s0+$0x196F6];
	s14 =	sxor.u32 $0x80000000, s14  }
0x3d0: {  	v12 =	vadd.s32 v5, v11;
	[tilespmem:s0+$0x196F6] =	vst v0;
	v11 =	vld [tilespmem:s0+$0x197F7];
	v5 =	vadd.s32 s14, v13  }
0x3d1: {  	v6 =	vadd.s32 v6, v12;
	v59 =	vxor.u32 $0x80000000, v5  }
0x3d2: {  	v13 =	vld [tilespmem:s0+$0x198F8];
	v6 =	vadd.s32 v10, v6;
	(xrf0) =	vmax.scan.msk.u32 $0xffff, v59  }
0x3d3: {  	v14 =	vld [tilespmem:s0+$0x199F9];
	v6 =	vadd.s32 v7, v6  }
0x3d4: {  	v15 =	vld [tilespmem:s0+$0x19AFA];
	v6 =	vadd.s32 v8, v6  }
0x3d5: {  	v16 =	vld [tilespmem:s0+$0x19BFB];
	v6 =	vadd.s32 v9, v6  }
0x3d6: {  	v7 =	vld [tilespmem:s0+$0x19CFC];
	v6 =	vadd.s32 v11, v6  }
0x3d7: {  	v8 =	vld [tilespmem:s0+$0x19DFD];
	v6 =	vadd.s32 v13, v6  }
0x3d8: {  	v60 =	vld [tilespmem:s0+$0x19EFE];
	v6 =	vadd.s32 v14, v6;
	v61, _, _ =	vpop (xrf0)  }
0x3d9: {  	v62 =	vld [tilespmem:s0+$0x19FFF];
	v6 =	vadd.s32 v15, v6;
	(v2sf) =	vpush v61, $0xF  }
0x3da: {  	v6 =	vadd.s32 v16, v6  }
0x3db: {  	v6 =	vadd.s32 v7, v6  }
0x3dc: {  	vm0 =	vgt.s32 v5, $0x3F;
	v6 =	vadd.s32 v8, v6  }
0x3dd: {  	v7 =	vmpcnt.ones.xlane vm0;
	v6 =	vadd.s32 v60, v6  }
0x3de: {  	v6 =	vadd.s32 v62, v6  }
0x3df: {  	v7 =	vxor.u32 $0x80000000, v7;
	v6 =	vperm.xlane v6, v3  }
0x3e0: {  	(xrf0) =	vmax.scan.msk.u32 $0xffff, v7  }
0x3e1: {  	(xrf0) =	vadd.scan.msk.s32 $0xffff, v6;
	_ =	sdelay $0x4  }
0x3e2: {  	v6, _, _ =	vpop (xrf0)  }
0x3e3: {  	s1 =	spop (v2sf);
	v7, _, _ =	vpop (xrf0)  }
0x3e4: {  	v7 =	vperm.xlane v7, v3;
	s14 =	spop (v2sf)  }
0x3e5: {  	s14 =	sxor.u32 $0x80000000, s14  }
0x3e6: {  	v7 =	vadd.s32 s14, v7  }
0x3e7: {  	vm15 =	vgt.s32 v7, $0x3F  }
0x3e8: {  	v8 =	vmpcnt.ones.xlane vm15  }
0x3e9: {  	v63 =	vxor.u32 $0x80000000, v7  }
0x3ea: {  	(xrf0) =	vmax.scan.msk.u32 $0xffff, v63;
	v8 =	vxor.u32 $0x80000000, v8  }
0x3eb: {  	(xrf0) =	vmax.scan.msk.u32 $0xffff, v8;
	_ =	sdelay $0x4  }
0x3ec: {  	(v2sf) =	vpush v6, $0xF;
	v6, _, _ =	vpop (xrf0)  }
0x3ed: {  	(v2sf) =	vpush v6, $0xF;
	v6, _, _ =	vpop (xrf0)  }
0x3ee: {  	(v2sf) =	vpush v6, $0xF;
	_ =	sdelay $0xa  }
0x3ef: {  	[tilespmem:s0+$0x192F2] =	vst v0  }
0x3f0: {  	[tilespmem:s0+$0x198F8] =	vst v0;
	s1 =	sadd.s32 s1, s31  }
0x3f1: {  	[tilespmem:s0+$0x199F9] =	vst v0;
	s1 =	sadd.s32 $0x80000000, s1;
	s15 =	spop (v2sf)  }
0x3f2: {  	[tilespmem:s0+$0x19AFA] =	vst v0;
	s1 =	sadd.s32 s15, s1;
	s31 =	spop (v2sf)  }
0x3f3: {  	[tilespmem:s0+$0x19BFB] =	vst v0;
	s1 =	sadd.s32 $0x80000000, s1;
	s14 =	spop (v2sf)  }
0x3f4: {  	[tilespmem:s0+$0x19EFE] =	vst v0;
	s1 =	sadd.s32 s14, s1  }
0x3f5: {  	[tilespmem:s0+$0x19FFF] =	vst v0;
	s1 =	sadd.s32 $0x80000000, s1  }
0x3f6: {  	[tilespmem:s0+$0x19CFC] =	vst v0;
	v6 =	vmov s1  }
0x3f7: {  	[tilespmem:s0+$0x19DFD] =	vst v0  }
0x3f8: {  	[tilespmem:s30+$0x1A170] =	vst v5  }
0x3f9: {  	[tilespmem:s0+$0x197F7] =	vst v0  }
0x3fa: {  	[tilespmem:s0+$0x1A170] =	vst v7;
	s0 =	simm.s32 $0x18040  }
0x3fb: {  	v6 =	vld.idx.msk [tilespmem:v6+s18+$0x0], $0xffff;
	[tilespmem:s0+$0xFFFFFFC0] =	vst v4  }
0x3fc: {  	[tilespmem:s0+$0x30] =	vst v4  }
0x3fd: {  	[tilespmem:s0+$0x20] =	vst v4  }
0x3fe: {  	[tilespmem:s0+$0x10] =	vst v4  }
0x3ff: {  	[tilespmem:s0+$0x0] =	vst v4  }
0x400: {  	[tilespmem:s0+$0xFFFFFFF0] =	vst v4  }
0x401: {  	s14 =	simm.s32 $0x0;
	[tilespmem:s0+$0xFFFFFFE0] =	vst v4  }
.LBB2_50:
0x402: {  	s14 =	sadd.s32 $0x8, s14;
	[tilespmem:s0+$0xFFFFFFD0] =	vst v4;
	s0 =	sadd.s32 $0x80, s0  }
0x403: {  	[tilespmem:s0+$0xFFFFFFC0] =	vst v4;
	p0 =	slt.u32 s14, $0xF8  }
0x404: {  	[tilespmem:s0+$0x30] =	vst v4  }
.Ltmp31:
0x405: {  	[tilespmem:s0+$0x20] =	vst v4;
	(pc) =	sbr.rel @p0 .LBB2_50-.Ltmp31, $4  }
0x406: {  	[tilespmem:s0+$0x10] =	vst v4  }
0x407: {  	[tilespmem:s0+$0x0] =	vst v4  }
0x408: {  	[tilespmem:s0+$0xFFFFFFF0] =	vst v4  }
0x409: {  	[tilespmem:s0+$0xFFFFFFE0] =	vst v4  }
0x40a: {  	[tilespmem:s0+$0xFFFFFFD0] =	vst v4;
	s0 =	simm.s32 $0x10040  }
0x40b: {  	v9 =	vld [tilespmem:s0+$0xFFFFFFD0]  }
0x40c: {  	s14 =	sshll.u32 s1, $0x18;
	v11 =	vld [tilespmem:s0+$0xFFFFFFF0]  }
0x40d: {  	s15 =	sxor.u32 $0x80000000, s14;
	v8 =	vld [tilespmem:s0+$0x0]  }
0x40e: {  	s14 =	sadd.s32 $0x7F000000, s14;
	v7 =	vld [tilespmem:s0+$0x30];
	v10 =	vmov s15  }
0x40f: {  	s30 =	sadd.s32 $0xFFFFFFFF, s1;
	v16 =	vld [tilespmem:s0+$0xFFFFFFE0];
	v5 =	vmov s14;
	vm0 =	vlt.s32 v10, $0x0;
	v12 =	vxor.u32 $0x7FFFFFFF, v10  }
0x410: {  	p0 =	seq.s32 s30, $0xFF;
	v15 =	vld [tilespmem:s0+$0x20];
	v13 =	vxor.u32 $0x7FFFFFFF, v5;
	v12 =	vnsel vm0, s15, v12;
	vm0 =	vlt.s32 v5, $0x0  }
0x411: {  	v10 =	vld [tilespmem:s0+$0x10];
	v13 =	vnsel vm0, s14, v13;
	v14 =	vpsel p0, $0x7F800000, v12  }
0x412: {  	v12 =	vld [tilespmem:s0+$0xFFFFFFC0];
	vm0 =	vge.f32 v11, v13;
	vm1 =	vlt.f32 v11, v14  }
0x413: {  	v19 =	vimm.s32 $0xFFFFFFFF;
	vm2 =	vge.f32 v9, v13;
	vm0 =	vmand vm0, vm1  }
0x414: {  	vm3 =	vlt.f32 v9, v14;
	vm4 =	vge.f32 v8, v13;
	vm7 =	vge.f32 v16, v13;
	(xrf0) =	vadd.scan.msk.s32 vm0, v2  }
0x415: {  	vm10 =	vge.f32 v15, v13;
	vm1 =	vmand vm2, vm3;
	vm2 =	vlt.f32 v7, v14  }
0x416: {  	vm3 =	vlt.f32 v16, v14;
	vm5 =	vge.f32 v10, v13;
	vm8 =	vlt.f32 v10, v14;
	(xrf0) =	vadd.scan.msk.s32 vm1, v2  }
0x417: {  	v17 =	vmpcnt.ones.xlane vm1;
	vm6 =	vge.f32 v12, v13;
	vm9 =	vlt.f32 v12, v14  }
0x418: {  	vm3 =	vmand vm7, vm3;
	vm7 =	vmand vm6, vm9;
	vm6 =	vge.f32 v7, v13  }
0x419: {  	v18 =	vmpcnt.ones.xlane vm0;
	v17 =	vadd.s32 v19, v17;
	vm2 =	vmand vm6, vm2;
	(xrf0) =	vadd.scan.msk.s32 vm7, v2  }
0x41a: {  	v20 =	vmpcnt.ones.xlane vm3;
	vm9 =	vlt.f32 v15, v14;
	vm6 =	vlt.f32 v8, v14;
	v21, _, _ =	vpop (xrf0);
	(xrf0) =	vadd.scan.msk.s32 vm2, v2  }
0x41b: {  	v18 =	vadd.s32 v17, v18;
	v22 =	vmpcnt.ones.xlane vm7;
	vm6 =	vmand vm4, vm6;
	(xrf0) =	vadd.scan.msk.s32 vm3, v2  }
0x41c: {  	vm4 =	vmand vm5, vm8;
	vm5 =	vmand vm10, vm9;
	v21 =	vadd.s32 v17, v21;
	v17, _, _ =	vpop (xrf0);
	(xrf0) =	vadd.scan.msk.s32 vm6, v2  }
0x41d: {  	v24 =	vmpcnt.ones.xlane vm4;
	v25 =	vadd.s32 v19, v22;
	v23 =	vadd.s32 v19, v17;
	(xrf0) =	vadd.scan.msk.s32 vm4, v2  }
0x41e: {  	v27 =	vmpcnt.ones.xlane vm6;
	v20 =	vadd.s32 v25, v20;
	vm11 =	vlt.s32 v21, $0x7FF  }
0x41f: {  	v24 =	vadd.s32 v18, v24;
	v17 =	vnsel vm11, $0x7FF, v21;
	vm8 =	vlt.s32 v23, $0x7FF;
	v22, _, _ =	vpop (xrf0)  }
0x420: {  	v21 =	vmpcnt.ones.xlane vm2;
	v22 =	vadd.s32 v19, v22;
	v19 =	vnsel vm8, $0x7FF, v23;
	v23, _, _ =	vpop (xrf0)  }
0x421: {  	v17 =	vadd.s32 $0x800, v17;
	vm8 =	vlt.s32 v22, $0x7FF;
	(xrf0) =	vadd.scan.msk.s32 vm5, v2;
	v23 =	vadd.s32 v24, v23;
	v26, _, _ =	vpop (xrf0)  }
0x422: {  	v19 =	vadd.s32 $0x800, v19;
	v26 =	vadd.s32 v25, v26;
	vm9 =	vlt.s32 v23, $0x7FF;
	v25, _, _ =	vpop (xrf0)  }
0x423: {  	s31 =	simm.s32 $0x100C0;
	s0 =	simm.s32 $0x0;
	v25 =	vadd.s32 v20, v25;
	v20 =	vadd.s32 v20, v27;
	v23 =	vnsel vm9, $0x7FF, v23;
	v27, _, _ =	vpop (xrf0)  }
.LBB2_52:
0x424: {  	v28 =	vld [tilespmem:s31+$0xFFFFFFD0];
	s0 =	sadd.s32 $0x4, s0;
	v22 =	vnsel vm8, $0x7FF, v22;
	vm8 =	vlt.s32 v26, $0x7FF;
	v18 =	vadd.s32 v18, v27  }
0x425: {  	v21 =	vadd.s32 v24, v21;
	v27 =	vld [tilespmem:s31+$0xFFFFFFF0];
	p0 =	slt.u32 s0, $0x3FC;
	v26 =	vnsel vm8, $0x7FF, v26;
	vm8 =	vlt.s32 v18, $0x7FF  }
0x426: {  	v24 =	vld [tilespmem:s31+$0x0];
	v18 =	vnsel vm8, $0x7FF, v18  }
0x427: {  	vm8 =	vlt.s32 v25, $0x7FF;
	v29 =	vld [tilespmem:s31+$0x30];
	v30, _, _ =	vpop (xrf0)  }
0x428: {  	v23 =	vadd.s32 $0x800, v23;
	v25 =	vnsel vm8, $0x7FF, v25;
	v31 =	vld [tilespmem:s31+$0x10];
	v30 =	vadd.s32 v20, v30  }
0x429: {  	vm8 =	vge.f32 v28, v13;
	v32 =	vld [tilespmem:s31+$0xFFFFFFE0];
	[tilespmem:v22+s19+$0x0] =	vst.idx.msk vm7, v12;
	vm7 =	vlt.s32 v30, $0x7FF;
	v22 =	vmpcnt.ones.xlane vm5  }
0x42a: {  	v18 =	vadd.s32 $0x800, v18;
	vm9 =	vlt.f32 v28, v14;
	v12 =	vld [tilespmem:s31+$0xFFFFFFC0];
	[tilespmem:v19+s19+$0x0] =	vst.idx.msk vm1, v9;
	v19 =	vnsel vm7, $0x7FF, v30;
	v9 =	vmovc v28  }
0x42b: {  	vm1 =	vmand vm8, vm9;
	vm7 =	vge.f32 v27, v13;
	vm9 =	vlt.f32 v27, v14;
	v28 =	vld [tilespmem:s31+$0x20];
	[tilespmem:v26+s19+$0x0] =	vst.idx.msk vm3, v16  }
0x42c: {  	vm8 =	vge.f32 v24, v13;
	vm11 =	vlt.f32 v29, v14;
	[tilespmem:v17+s19+$0x0] =	vst.idx.msk vm0, v11;
	vm0 =	vmand vm7, vm9  }
0x42d: {  	vm9 =	vge.f32 v31, v13;
	vm10 =	vlt.f32 v31, v14;
	(xrf0) =	vadd.scan.msk.s32 vm0, v2;
	[tilespmem:v25+s19+$0x0] =	vst.idx.msk vm6, v8  }
0x42e: {  	v20 =	vadd.s32 v20, v22;
	v11 =	vmovc v27;
	v8 =	vmov v24;
	vm3 =	vlt.f32 v32, v14;
	(xrf0) =	vadd.scan.msk.s32 vm1, v2  }
0x42f: {  	v16 =	vmpcnt.ones.xlane vm1;
	vm7 =	vge.f32 v32, v13;
	vm6 =	vge.f32 v12, v13;
	[tilespmem:v19+s19+$0x0] =	vst.idx.msk vm5, v15  }
0x430: {  	vm5 =	vlt.f32 v12, v14;
	vm3 =	vmand vm7, vm3;
	vm12 =	vge.f32 v28, v13;
	[tilespmem:v23+s19+$0x0] =	vst.idx.msk vm2, v7  }
0x431: {  	vm7 =	vmand vm6, vm5;
	v23 =	vmpcnt.ones.xlane vm3;
	vm2 =	vge.f32 v29, v13;
	v7 =	vmovc v29;
	[tilespmem:v18+s19+$0x0] =	vst.idx.msk vm4, v10  }
0x432: {  	v22 =	vmpcnt.ones.xlane vm0;
	vm5 =	vlt.f32 v28, v14;
	vm2 =	vmand vm2, vm11;
	v10 =	vmovc v31;
	(xrf0) =	vadd.scan.msk.s32 vm7, v2  }
0x433: {  	v24 =	vadd.s32 v21, v16;
	v19 =	vmpcnt.ones.xlane vm7;
	vm4 =	vlt.f32 v8, v14;
	v17, _, _ =	vpop (xrf0);
	(xrf0) =	vadd.scan.msk.s32 vm2, v2  }
0x434: {  	v18 =	vadd.s32 v24, v22;
	vm6 =	vmand vm8, vm4;
	v17 =	vadd.s32 v24, v17;
	v15, _, _ =	vpop (xrf0);
	(xrf0) =	vadd.scan.msk.s32 vm3, v2  }
0x435: {  	v16 =	vmovc v32;
	vm5 =	vmand vm12, vm5;
	vm4 =	vmand vm9, vm10;
	vm8 =	vlt.s32 v17, $0x7FF;
	(xrf0) =	vadd.scan.msk.s32 vm6, v2  }
0x436: {  	v24 =	vadd.s32 v21, v15;
	v15 =	vmovc v28;
	v17 =	vnsel vm8, $0x7FF, v17;
	(xrf0) =	vadd.scan.msk.s32 vm4, v2  }
0x437: {  	v25 =	vmpcnt.ones.xlane vm4;
	vm8 =	vlt.s32 v24, $0x7FF;
	v17 =	vadd.s32 $0x800, v17  }
.Ltmp32:
0x438: {  	v27 =	vadd.s32 v20, v19;
	v28 =	vmpcnt.ones.xlane vm6;
	v21 =	vmpcnt.ones.xlane vm2;
	v19, _, _ =	vpop (xrf0);
	(pc) =	sbr.rel @p0 .LBB2_52-.Ltmp32, $4  }
0x439: {  	v22 =	vadd.s32 v20, v19;
	v19 =	vnsel vm8, $0x7FF, v24;
	v24 =	vadd.s32 v18, v25;
	v20, _, _ =	vpop (xrf0)  }
0x43a: {  	vm8 =	vlt.s32 v22, $0x7FF;
	v19 =	vadd.s32 $0x800, v19;
	v29 =	vadd.s32 v24, v20;
	v20, _, _ =	vpop (xrf0);
	(xrf0) =	vadd.scan.msk.s32 vm5, v2  }
0x43b: {  	v26 =	vadd.s32 v27, v20;
	v20 =	vadd.s32 v27, v23;
	vm9 =	vlt.s32 v29, $0x7FF;
	v23, _, _ =	vpop (xrf0)  }
0x43c: {  	s31 =	sadd.s32 $0x80, s31;
	v25 =	vadd.s32 v20, v23;
	v20 =	vadd.s32 v20, v28;
	v23 =	vnsel vm9, $0x7FF, v29;
	v27, _, _ =	vpop (xrf0)  }
0x43d: {  	v13 =	vmpcnt.ones.xlane vm5;
	_ =	sdelay $0x1  }
0x43e: {  	v13 =	vadd.s32 v20, v13  }
0x43f: {  	v13 =	vxor.u32 $0x80000000, v13  }
0x440: {  	v14 =	vadd.s32 v24, v21;
	(xrf0) =	vmax.scan.msk.u32 $0xffff, v13  }
0x441: {  	v53 =	vxor.u32 $0x80000000, v14  }
0x442: {  	(xrf0) =	vmax.scan.msk.u32 $0xffff, v53;
	_ =	sdelay $0x2  }
0x443: {  	v54, _, _ =	vpop (xrf0)  }
0x444: {  	v55, _, _ =	vpop (xrf0)  }
0x445: {  	(v2sf) =	vpush v55, $0xF  }
0x446: {  	v56, _, _ =	vpop (xrf0)  }
0x447: {  	(v2sf) =	vpush v56, $0xF;
	_ =	sdelay $0xa  }
0x448: {  	v57 =	vnsel vm8, $0x7FF, v22  }
0x449: {  	vm12 =	vlt.s32 v26, $0x7FF  }
0x44a: {  	vm13 =	vlt.s32 v25, $0x7FF;
	v18 =	vadd.s32 v18, v27;
	v58 =	vnsel vm12, $0x7FF, v26;
	s0 =	spop (v2sf)  }
0x44b: {  	p0 =	slt.s32 s30, $0x81;
	v59 =	vnsel vm13, $0x7FF, v25;
	vm15 =	vlt.s32 v18, $0x7FF;
	s0 =	sadd.s32 $0x80000001, s0  }
0x44c: {  	v61 =	vnsel vm15, $0x7FF, v18;
	v13 =	vadd.s32 v20, v54;
	s1 =	spop (v2sf);
	p1 =	sgt.s32 @!p0 s0, $0x800  }
0x44d: {  	v63 =	vadd.s32 $0x800, v61;
	vm14 =	vlt.s32 v13, $0x7FF;
	[tilespmem:v57+s19+$0x0] =	vst.idx.msk vm7, v12;
	s1 =	sadd.s32 $0x80000001, s1;
	p1 =	por p0, p1  }
0x44e: {  	v60 =	vnsel vm14, $0x7FF, v13;
	[tilespmem:v19+s19+$0x0] =	vst.idx.msk vm1, v9;
	p2 =	slt.s32 @!p1 s1, $0x801  }
0x44f: {  	v62 =	vadd.s32 $0x800, v23;
	[tilespmem:v58+s19+$0x0] =	vst.idx.msk vm3, v16;
	p2 =	por p1, !p2  }
.Ltmp33:
0x450: {  	[tilespmem:v59+s19+$0x0] =	vst.idx.msk vm6, v8;
	(pc) =	sbr.rel @p2 .LBB2_54-.Ltmp33, $4  }
0x451: {  	[tilespmem:v17+s19+$0x0] =	vst.idx.msk vm0, v11  }
0x452: {  	[tilespmem:v63+s19+$0x0] =	vst.idx.msk vm4, v10  }
0x453: {  	[tilespmem:v60+s19+$0x0] =	vst.idx.msk vm5, v15  }
0x454: {  	[tilespmem:v62+s19+$0x0] =	vst.idx.msk vm2, v7  }
0x455: {  	v6 =	vxor.u32 $0x80000000, v6  }
0x456: {  	(xrf0) =	vmax.scan.msk.u32 $0xffff, v6;
	_ =	sdelay $0x5  }
0x457: {  	v6, _, _ =	vpop (xrf0)  }
0x458: {  	(v2sf) =	vpush v6, $0xF;
	_ =	sdelay $0x8  }
0x459: {  	p0 =	sgt.s32 s0, s1  }
0x45a: {  	s1 =	smov.u32 @p0 s0  }
0x45b: {  	s0 =	sadd.s32 $0xF, s1  }
0x45c: {  	s14 =	sand.u32 $0xF, s0;
	s15 =	sshra.s32 s0, $0x1F  }
0x45d: {  	p0 =	slt.s32 s1, $0xFFFFFFF2;
	p1 =	sne.s32 s14, $0x0;
	s31 =	sshrl.u32 s15, $0x1C  }
.Ltmp34:
0x45e: {  	s14 =	simm.s32 $0x1;
	p0 =	por !p0, !p1;
	(pc) =	sbr.rel .LBB2_59-.Ltmp34, $4  }
0x45f: {  	s0 =	sadd.s32 s31, s0;
	p0 =	por !p0, !p0;
	s30 =	spop (v2sf)  }
0x460: {  	s0 =	sshra.s32 s0, $0x4;
	s14 =	simm.s32 @!p0 $0x0;
	s1 =	sxor.u32 $0x80000000, s30  }
0x461: {  	s0 =	ssub.s32 s0, s14;
	s1 =	ssub.s32 $0x40, s1  }
0x462: {  	p0 =	slt.s32 s0, $0x1;
	v6 =	vmov s1;
	s1 =	simm.s32 $0x0  }
.LBB2_62:
0x463: {  	vm0 =	vge.s32 v9, v7;
	vm1 =	vge.s32 v11, v7  }
0x464: {  	v9 =	vmpcnt.ones.xlane vm0;
	v11 =	vmpcnt.ones.xlane vm1;
	_ =	sdelay $0x1  }
0x465: {  	v8 =	vadd.s32 v8, v9;
	v9 =	vadd.s32 v10, v11  }
0x466: {  	v8 =	vadd.s32 v8, v9  }
.LBB2_63:
0x467: {  	s1 =	sadd.s32 $0x1, s1  }
0x468: {  	p1 =	seq.s32 s1, $0x18  }
.Ltmp35:
0x469: {  	_ = 	snop;
	(pc) =	sbr.rel @p1 .LBB2_64-.Ltmp35, $3  }
0x46a: {  	_ =	sdelay $0x1  }
0x46b: {  	vm0 =	vlt.s32 v8, v6  }
0x46c: {  	v5 =	vsel vm0, v5, v7  }
.LBB2_59:
.Ltmp36:
0x46d: {  	(pc) =	sbr.rel @p0 .LBB2_63-.Ltmp36, $3  }
0x46e: {  	_ =	sdelay $0x1  }
0x46f: {  	s14 =	sshrl.u32 s20, s1  }
0x470: {  	v8 =	vimm.s32 $0x0;
	v7 =	vor.u32 s14, v5  }
0x471: {  	s14 =	simm.s32 $0x0;
	s30 =	simm.s32 $0x18000  }
0x472: {  	p1 =	seq.s32 s0, $0x1;
	v9 =	vld [tilespmem:s30+$0x0];
	s14 =	sand.u32 $0xFFFFFFF0, s14  }
.Ltmp37:
0x473: {  	v11 =	vld [tilespmem:s14+$0x18800];
	(pc) =	sbr.rel @p1 .LBB2_62-.Ltmp37, $2  }
0x474: {  	_ =	sdelay $0x2  }
0x475: {  	s31 =	simm.s32 $0x10;
	v10 =	vimm.s32 $0x0;
	s30 =	sadd.s32 $0xFFFFFFFF, s0;
	s14 =	simm.s32 $0x18010  }
.LBB2_61:
0x476: {  	s15 =	sand.u32 $0xFFFFFFF0, s31;
	p1 =	seq.s32 s30, $0x1;
	s30 =	sadd.s32 $0xFFFFFFFF, s30;
	vm0 =	vge.s32 v9, v7;
	v9 =	vld [tilespmem:s14+$0x0];
	vm1 =	vge.s32 v11, v7  }
.Ltmp38:
0x477: {  	v11 =	vld [tilespmem:s15+$0x18800];
	v12 =	vmpcnt.ones.xlane vm0;
	v13 =	vmpcnt.ones.xlane vm1;
	(pc) =	sbr.rel @!p1 .LBB2_61-.Ltmp38, $3  }
0x478: {  	_ = 	snop  }
0x479: {  	v8 =	vadd.s32 v8, v12;
	v10 =	vadd.s32 v10, v13;
	_ =	sdelay $0x1  }
0x47a: {  	s31 =	sadd.s32 $0x10, s31;
	s14 =	sadd.s32 $0x10, s14  }
.Ltmp39:
0x47b: {  	_ = 	snop;
	(pc) =	sbr.rel .LBB2_62-.Ltmp39, $1  }
0x47c: {  	_ =	sdelay $0x3  }
.LBB2_54:
0x47d: {  	s0 =	simm.s32 $0x0  }
0x47e: {  	v6 =	vpsel p0, v5, v5;
	s0 =	simm.s32 @p0 $0x0  }
0x47f: {  	v5 =	vpsel p1, v6, v5;
	s0 =	simm.s32 @!p1 $0x0  }
.LBB2_55:
0x480: {  	s1 =	simm.s32 $0x10020  }
0x481: {  	v10 =	vld [tilespmem:s1+$0x10]  }
0x482: {  	v11 =	vld [tilespmem:s1+$0x0]  }
0x483: {  	v9 =	vld [tilespmem:s1+$0xFFFFFFE0]  }
0x484: {  	v12 =	vld [tilespmem:s1+$0xFFFFFFF0];
	_ =	sdelay $0x2  }
0x485: {  	s31 =	sshrl.u32 s20, s0  }
0x486: {  	v6 =	vor.u32 s31, v5;
	v14 =	vshra.s32 v10, $0x1F  }
0x487: {  	s14 =	simm.s32 $0x10060;
	v8 =	vshra.s32 v9, $0x1F;
	v15 =	vshra.s32 v11, $0x1F;
	v17 =	vshra.s32 v12, $0x1F  }
0x488: {  	v7 =	vld [tilespmem:s14+$0x10];
	v16 =	vand.u32 $0x7FFFFFFF, v8;
	v17 =	vand.u32 $0x7FFFFFFF, v17;
	v14 =	vand.u32 $0x7FFFFFFF, v14  }
0x489: {  	v8 =	vld [tilespmem:s14+$0x0];
	v15 =	vand.u32 $0x7FFFFFFF, v15;
	v16 =	vxor.u32 v9, v16;
	v12 =	vxor.u32 v12, v17  }
0x48a: {  	v9 =	vld [tilespmem:s14+$0xFFFFFFE0];
	v11 =	vxor.u32 v11, v15;
	v10 =	vxor.u32 v10, v14;
	vm0 =	vge.s32 v16, v6  }
0x48b: {  	vm13 =	vge.s32 v12, v6;
	vm15 =	vge.s32 v10, v6;
	v10 =	vld [tilespmem:s14+$0xFFFFFFF0];
	v16 =	vmpcnt.ones.xlane vm0  }
0x48c: {  	v13 =	vimm.s32 $0x0;
	vm14 =	vge.s32 v11, v6;
	v12 =	vmpcnt.ones.xlane vm13  }
0x48d: {  	v15 =	vmpcnt.ones.xlane vm14;
	v13 =	vadd.s32 v13, v16  }
0x48e: {  	v11 =	vshra.s32 v7, $0x1F;
	v16 =	vadd.s32 v12, v13;
	v13 =	vmpcnt.ones.xlane vm15  }
0x48f: {  	s30 =	simm.s32 $0x100A0;
	s1 =	simm.s32 $0x4;
	v14 =	vshra.s32 v9, $0x1F;
	v12 =	vshra.s32 v8, $0x1F;
	v15 =	vadd.s32 v15, v16  }
.LBB2_56:
0x490: {  	v16 =	vld [tilespmem:s30+$0x10];
	v14 =	vand.u32 $0x7FFFFFFF, v14;
	v17 =	vshra.s32 v10, $0x1F;
	v13 =	vadd.s32 v13, v15  }
0x491: {  	v11 =	vand.u32 $0x7FFFFFFF, v11;
	s1 =	sadd.s32 $0x4, s1;
	v15 =	vld [tilespmem:s30+$0x0];
	v14 =	vxor.u32 v9, v14;
	v17 =	vand.u32 $0x7FFFFFFF, v17  }
0x492: {  	v12 =	vand.u32 $0x7FFFFFFF, v12;
	p0 =	slt.u32 s1, $0x7FC;
	v9 =	vld [tilespmem:s30+$0xFFFFFFE0];
	vm0 =	vge.s32 v14, v6;
	v14 =	vxor.u32 v10, v17  }
.Ltmp40:
0x493: {  	v8 =	vxor.u32 v8, v12;
	v10 =	vld [tilespmem:s30+$0xFFFFFFF0];
	v17 =	vmpcnt.ones.xlane vm0;
	vm0 =	vge.s32 v14, v6;
	(pc) =	sbr.rel @p0 .LBB2_56-.Ltmp40, $4  }
0x494: {  	v11 =	vxor.u32 v7, v11;
	v12 =	vmpcnt.ones.xlane vm0;
	vm0 =	vge.s32 v8, v6  }
0x495: {  	v14 =	vadd.s32 v13, v17;
	v17 =	vmpcnt.ones.xlane vm0;
	vm0 =	vge.s32 v11, v6;
	v7 =	vmovc v16  }
0x496: {  	v11 =	vshra.s32 v7, $0x1F;
	v16 =	vadd.s32 v12, v14;
	v13 =	vmpcnt.ones.xlane vm0;
	v8 =	vmovc v15  }
0x497: {  	s30 =	sadd.s32 $0x40, s30;
	v14 =	vshra.s32 v9, $0x1F;
	v12 =	vshra.s32 v8, $0x1F;
	v15 =	vadd.s32 v17, v16  }
0x498: {  	v14 =	vand.u32 $0x7FFFFFFF, v14;
	v16 =	vshra.s32 v10, $0x1F;
	v13 =	vadd.s32 v13, v15  }
0x499: {  	v11 =	vand.u32 $0x7FFFFFFF, v11;
	v9 =	vxor.u32 v9, v14;
	v57 =	vand.u32 $0x7FFFFFFF, v16  }
0x49a: {  	v59 =	vand.u32 $0x7FFFFFFF, v12;
	vm0 =	vge.s32 v9, v6;
	v58 =	vxor.u32 v10, v57  }
0x49b: {  	v8 =	vxor.u32 v8, v59;
	v60 =	vmpcnt.ones.xlane vm0;
	vm12 =	vge.s32 v58, v6  }
0x49c: {  	s0 =	sadd.s32 $0x1, s0;
	v7 =	vxor.u32 v7, v11;
	vm13 =	vge.s32 v8, v6;
	v9 =	vmpcnt.ones.xlane vm12  }
0x49d: {  	p0 =	seq.s32 s0, $0x18;
	vm14 =	vge.s32 v7, v6;
	v62 =	vmpcnt.ones.xlane vm13;
	v61 =	vadd.s32 v13, v60  }
.Ltmp41:
0x49e: {  	v63 =	vmpcnt.ones.xlane vm14;
	v7 =	vadd.s32 v9, v61;
	(pc) =	sbr.rel @!p0 .LBB2_55-.Ltmp41, $4  }
0x49f: {  	v7 =	vadd.s32 v62, v7  }
0x4a0: {  	v7 =	vadd.s32 v63, v7  }
0x4a1: {  	vm15 =	vgt.s32 v7, $0x3F  }
0x4a2: {  	v5 =	vsel vm15, v6, v5  }
.LBB2_64:
0x4a3: {  	s0 =	simm.s32 $0x10080  }
0x4a4: {  	v6 =	vld [tilespmem:s0+$0x70]  }
0x4a5: {  	v7 =	vld [tilespmem:s0+$0xFFFFFF90]  }
0x4a6: {  	v8 =	vld [tilespmem:s0+$0xFFFFFFA0]  }
0x4a7: {  	vm0 =	vlt.s32 v5, $0x0;
	v9 =	vxor.u32 $0x7FFFFFFF, v5;
	v10 =	vld [tilespmem:s0+$0xFFFFFFB0]  }
0x4a8: {  	v5 =	vsel vm0, v9, v5;
	v9 =	vld [tilespmem:s0+$0xFFFFFFC0]  }
0x4a9: {  	v11 =	vld [tilespmem:s0+$0xFFFFFFD0];
	vm0 =	vge.f32 v6, v5  }
0x4aa: {  	v12 =	vld [tilespmem:s0+$0xFFFFFFE0];
	vm1 =	vge.f32 v7, v5;
	v6 =	vnsel vm0, $0x0, v6  }
0x4ab: {  	v13 =	vld [tilespmem:s0+$0xFFFFFFF0];
	v7 =	vnsel vm1, $0x0, v7;
	vm0 =	vge.f32 v8, v5;
	[tilespmem:s0+$0x70] =	vst v6  }
0x4ac: {  	[tilespmem:s0+$0xFFFFFF90] =	vst v7;
	v6 =	vnsel vm0, $0x0, v8;
	vm0 =	vge.f32 v10, v5;
	v8 =	vld [tilespmem:s0+$0x0]  }
0x4ad: {  	v14 =	vld [tilespmem:s0+$0x10];
	[tilespmem:s0+$0xFFFFFFA0] =	vst v6;
	v6 =	vnsel vm0, $0x0, v10;
	vm0 =	vge.f32 v9, v5  }
0x4ae: {  	[tilespmem:s0+$0xFFFFFFB0] =	vst v6;
	v7 =	vnsel vm0, $0x0, v9;
	vm0 =	vge.f32 v11, v5;
	v6 =	vld [tilespmem:s0+$0x20]  }
0x4af: {  	[tilespmem:s0+$0xFFFFFFC0] =	vst v7;
	v9 =	vnsel vm0, $0x0, v11;
	vm0 =	vge.f32 v12, v5;
	v7 =	vld [tilespmem:s0+$0x30]  }
0x4b0: {  	[tilespmem:s0+$0xFFFFFFD0] =	vst v9;
	v10 =	vnsel vm0, $0x0, v12;
	vm0 =	vge.f32 v13, v5;
	v9 =	vld [tilespmem:s0+$0x40]  }
0x4b1: {  	v11 =	vld [tilespmem:s0+$0x50];
	[tilespmem:s0+$0xFFFFFFE0] =	vst v10;
	v10 =	vnsel vm0, $0x0, v13;
	vm0 =	vge.f32 v8, v5  }
0x4b2: {  	[tilespmem:s0+$0xFFFFFFF0] =	vst v10;
	v12 =	vnsel vm0, $0x0, v8;
	vm0 =	vge.f32 v14, v5;
	v10 =	vld [tilespmem:s0+$0x60]  }
0x4b3: {  	s1 =	simm.s32 $0x0;
	s30 =	simm.s32 $0x10180;
	v8 =	vld [tilespmem:s0+$0xFFFFFF80];
	[tilespmem:s0+$0x0] =	vst v12;
	v12 =	vnsel vm0, $0x0, v14;
	vm0 =	vge.f32 v6, v5  }
.LBB2_65:
0x4b4: {  	v13 =	vld [tilespmem:s30+$0x70];
	s1 =	sadd.s32 $0x10, s1;
	[tilespmem:s0+$0x10] =	vst v12;
	v6 =	vnsel vm0, $0x0, v6;
	vm0 =	vge.f32 v7, v5  }
0x4b5: {  	v12 =	vld [tilespmem:s30+$0xFFFFFF90];
	p0 =	slt.u32 s1, $0x7F0;
	[tilespmem:s0+$0x20] =	vst v6;
	v6 =	vnsel vm0, $0x0, v7;
	vm0 =	vge.f32 v9, v5  }
0x4b6: {  	v7 =	vld [tilespmem:s30+$0xFFFFFFA0];
	[tilespmem:s0+$0x30] =	vst v6;
	v6 =	vnsel vm0, $0x0, v9;
	vm0 =	vge.f32 v11, v5  }
0x4b7: {  	v9 =	vld [tilespmem:s30+$0xFFFFFFB0];
	[tilespmem:s0+$0x40] =	vst v6;
	v6 =	vnsel vm0, $0x0, v11;
	vm0 =	vge.f32 v10, v5  }
0x4b8: {  	v11 =	vld [tilespmem:s30+$0xFFFFFFC0];
	vm1 =	vge.f32 v8, v5;
	[tilespmem:s0+$0x50] =	vst v6;
	v6 =	vnsel vm0, $0x0, v10  }
0x4b9: {  	v10 =	vld [tilespmem:s30+$0xFFFFFFD0];
	vm0 =	vge.f32 v13, v5;
	v8 =	vnsel vm1, $0x0, v8;
	[tilespmem:s0+$0x60] =	vst v6  }
0x4ba: {  	vm1 =	vge.f32 v12, v5;
	v14 =	vld [tilespmem:s30+$0xFFFFFFE0];
	v6 =	vnsel vm0, $0x0, v13;
	[tilespmem:s0+$0xFFFFFF80] =	vst v8;
	s0 =	smov.u32 s30  }
0x4bb: {  	v8 =	vnsel vm1, $0x0, v12;
	vm0 =	vge.f32 v7, v5;
	v12 =	vld [tilespmem:s30+$0xFFFFFFF0];
	[tilespmem:s30+$0x70] =	vst v6  }
0x4bc: {  	[tilespmem:s30+$0xFFFFFF90] =	vst v8;
	v6 =	vnsel vm0, $0x0, v7;
	vm0 =	vge.f32 v9, v5;
	v8 =	vld [tilespmem:s30+$0x0]  }
0x4bd: {  	[tilespmem:s30+$0xFFFFFFA0] =	vst v6;
	v6 =	vnsel vm0, $0x0, v9;
	vm0 =	vge.f32 v11, v5;
	v13 =	vld [tilespmem:s30+$0x10]  }
0x4be: {  	[tilespmem:s30+$0xFFFFFFB0] =	vst v6;
	v7 =	vnsel vm0, $0x0, v11;
	vm0 =	vge.f32 v10, v5;
	v6 =	vld [tilespmem:s30+$0x20]  }
.Ltmp42:
0x4bf: {  	[tilespmem:s30+$0xFFFFFFC0] =	vst v7;
	v9 =	vnsel vm0, $0x0, v10;
	vm0 =	vge.f32 v14, v5;
	v7 =	vld [tilespmem:s30+$0x30];
	(pc) =	sbr.rel @p0 .LBB2_65-.Ltmp42, $4  }
0x4c0: {  	[tilespmem:s30+$0xFFFFFFD0] =	vst v9;
	v10 =	vnsel vm0, $0x0, v14;
	vm0 =	vge.f32 v12, v5;
	v9 =	vld [tilespmem:s30+$0x40]  }
0x4c1: {  	[tilespmem:s30+$0xFFFFFFE0] =	vst v10;
	v10 =	vnsel vm0, $0x0, v12;
	vm0 =	vge.f32 v8, v5;
	v11 =	vld [tilespmem:s30+$0x50]  }
0x4c2: {  	[tilespmem:s30+$0xFFFFFFF0] =	vst v10;
	v12 =	vnsel vm0, $0x0, v8;
	vm0 =	vge.f32 v13, v5;
	v10 =	vld [tilespmem:s30+$0x60]  }
0x4c3: {  	s30 =	sadd.s32 $0x100, s30;
	v8 =	vld [tilespmem:s0+$0xFFFFFF80];
	[tilespmem:s0+$0x0] =	vst v12;
	v12 =	vnsel vm0, $0x0, v13;
	vm0 =	vge.f32 v6, v5  }
0x4c4: {  	[tilespmem:s0+$0x10] =	vst v12;
	v6 =	vnsel vm0, $0x0, v6;
	vm12 =	vge.f32 v7, v5  }
0x4c5: {  	[tilespmem:s0+$0x20] =	vst v6;
	v6 =	vnsel vm12, $0x0, v7;
	vm13 =	vge.f32 v9, v5  }
0x4c6: {  	[tilespmem:s0+$0x30] =	vst v6;
	v6 =	vnsel vm13, $0x0, v9;
	vm14 =	vge.f32 v11, v5  }
0x4c7: {  	[tilespmem:s0+$0x40] =	vst v6;
	v6 =	vnsel vm14, $0x0, v11;
	vm15 =	vge.f32 v10, v5  }
0x4c8: {  	vm1 =	vge.f32 v8, v5;
	[tilespmem:s0+$0x50] =	vst v6;
	v5 =	vnsel vm15, $0x0, v10  }
0x4c9: {  	v6 =	vnsel vm1, $0x0, v8;
	[tilespmem:s0+$0x60] =	vst v5  }
0x4ca: {  	s30 =	simm.s32 $0x10000;
	[tilespmem:s0+$0xFFFFFF80] =	vst v6  }
0x4cb: {  	[hbm4b:s9+s12] =	stream.strided.scatter [tilespmem:s30], [sflag:$0x7], $0x8000, s13, s12, $0x38;
	[tilespmem:$0x1A200] =	vst v63  }
0x4cc: {  	_ =	swait.ge [sflag:s24], $0x8000  }
0x4cd: {  	[sflag:s24] =	ssyncset.done $0x0  }
0x4ce: {  	s31 =	simm.s32 $0x40;
	[sflag:s24] =	ssyncadd.s32 $0xFFFF8000  }
0x4cf: {  	v5 =	vld [tilespmem:s31+$0x30]  }
0x4d0: {  	v6 =	vld [tilespmem:s31+$0xFFFFFFD0]  }
0x4d1: {  	v7 =	vld [tilespmem:s31+$0xFFFFFFE0]  }
0x4d2: {  	v8 =	vld [tilespmem:s31+$0xFFFFFFF0]  }
0x4d3: {  	v9 =	vld [tilespmem:s31+$0x0];
	_ =	sdelay $0x1  }
0x4d4: {  	v10 =	vld [tilespmem:s31+$0x10]  }
0x4d5: {  	v13 =	vld [tilespmem:s31+$0x20]  }
0x4d6: {  	v14 =	vld [tilespmem:s31+$0xFFFFFFC0];
	v11 =	vshra.s32 v5, $0x1F;
	v61 =	vshra.s32 v6, $0x1F;
	v15 =	vshra.s32 v7, $0x1F  }
0x4d7: {  	v62 =	vshra.s32 v8, $0x1F;
	v16 =	vshra.s32 v9, $0x1F;
	v11 =	vand.u32 $0x7F000000, v11  }
0x4d8: {  	v12 =	vand.u32 $0x7F000000, v61;
	v5 =	vxor.u32 v5, v11;
	v11 =	vand.u32 $0x7F000000, v15  }
0x4d9: {  	v15 =	vand.u32 $0x7F000000, v62;
	v12 =	vxor.u32 v6, v12;
	v5 =	vshra.s32 v5, $0x18  }
0x4da: {  	v6 =	vshra.s32 v10, $0x1F;
	v63 =	vxor.u32 v7, v11;
	v17 =	vadd.s32 v1, v5  }
0x4db: {  	v7 =	vand.u32 $0x7F000000, v6;
	v6 =	vshra.s32 v13, $0x1F;
	v11 =	vshra.s32 v14, $0x1F  }
0x4dc: {  	v15 =	vxor.u32 v8, v15;
	v5 =	vand.u32 $0x7F000000, v16;
	v8 =	vand.u32 $0x7F000000, v6  }
0x4dd: {  	v11 =	vand.u32 $0x7F000000, v11;
	v6 =	vxor.u32 v9, v5;
	v5 =	vxor.u32 v10, v7  }
0x4de: {  	v9 =	vxor.u32 v14, v11;
	v7 =	vshra.s32 v12, $0x18;
	v8 =	vxor.u32 v13, v8  }
0x4df: {  	s1 =	simm.s32 $0xC0;
	s0 =	simm.s32 $0x0;
	v10 =	vshra.s32 v63, $0x18;
	v11 =	vshra.s32 v9, $0x18;
	v9 =	vshra.s32 v15, $0x18;
	[tilespmem:v17+s17+$0x0] =	vst.idx.add.s32.msk $0xffff, v2  }
.LBB2_67:
0x4e0: {  	v12 =	vld [tilespmem:s1+$0x30];
	s0 =	sadd.s32 $0x8, s0;
	v6 =	vshra.s32 v6, $0x18;
	v5 =	vshra.s32 v5, $0x18;
	v8 =	vshra.s32 v8, $0x18  }
0x4e1: {  	v11 =	vadd.s32 v1, v11;
	v7 =	vadd.s32 v1, v7;
	v10 =	vadd.s32 v1, v10;
	v13 =	vld [tilespmem:s1+$0xFFFFFFD0];
	p0 =	slt.u32 s0, $0x7F8  }
0x4e2: {  	v9 =	vadd.s32 v1, v9;
	v6 =	vadd.s32 v1, v6;
	v15 =	vadd.s32 v1, v5;
	v14 =	vld [tilespmem:s1+$0xFFFFFFE0]  }
0x4e3: {  	v16 =	vadd.s32 v1, v8;
	v5 =	vld [tilespmem:s1+$0xFFFFFFF0]  }
0x4e4: {  	v8 =	vld [tilespmem:s1+$0x0]  }
0x4e5: {  	v17 =	vld [tilespmem:s1+$0x10];
	v18 =	vshra.s32 v12, $0x1F  }
0x4e6: {  	v19 =	vshra.s32 v13, $0x1F;
	v20 =	vld [tilespmem:s1+$0x20];
	v18 =	vand.u32 $0x7F000000, v18  }
0x4e7: {  	v21 =	vld [tilespmem:s1+$0xFFFFFFC0];
	v19 =	vand.u32 $0x7F000000, v19;
	v22 =	vshra.s32 v14, $0x1F;
	v12 =	vxor.u32 v12, v18  }
0x4e8: {  	v18 =	vand.u32 $0x7F000000, v22;
	v22 =	vshra.s32 v5, $0x1F;
	v12 =	vshra.s32 v12, $0x18;
	[tilespmem:v11+s17+$0x0] =	vst.idx.add.s32.msk $0xffff, v2  }
0x4e9: {  	v11 =	vand.u32 $0x7F000000, v22;
	v22 =	vshra.s32 v8, $0x1F;
	v12 =	vadd.s32 v1, v12;
	[tilespmem:v7+s17+$0x0] =	vst.idx.add.s32.msk $0xffff, v2  }
0x4ea: {  	v7 =	vxor.u32 v13, v19;
	v13 =	vand.u32 $0x7F000000, v22;
	v19 =	vshra.s32 v17, $0x1F;
	[tilespmem:v10+s17+$0x0] =	vst.idx.add.s32.msk $0xffff, v2  }
.Ltmp43:
0x4eb: {  	v10 =	vxor.u32 v14, v18;
	v14 =	vand.u32 $0x7F000000, v19;
	v18 =	vshra.s32 v20, $0x1F;
	[tilespmem:v9+s17+$0x0] =	vst.idx.add.s32.msk $0xffff, v2;
	(pc) =	sbr.rel @p0 .LBB2_67-.Ltmp43, $4  }
0x4ec: {  	v19 =	vxor.u32 v5, v11;
	v9 =	vshra.s32 v21, $0x1F;
	v11 =	vand.u32 $0x7F000000, v18;
	[tilespmem:v6+s17+$0x0] =	vst.idx.add.s32.msk $0xffff, v2  }
0x4ed: {  	v6 =	vxor.u32 v8, v13;
	v5 =	vxor.u32 v17, v14;
	v9 =	vand.u32 $0x7F000000, v9;
	[tilespmem:v15+s17+$0x0] =	vst.idx.add.s32.msk $0xffff, v2  }
0x4ee: {  	v7 =	vshra.s32 v7, $0x18;
	v8 =	vxor.u32 v20, v11;
	v9 =	vxor.u32 v21, v9;
	[tilespmem:v12+s17+$0x0] =	vst.idx.add.s32.msk $0xffff, v2  }
0x4ef: {  	s1 =	sadd.s32 $0x80, s1;
	v10 =	vshra.s32 v10, $0x18;
	v11 =	vshra.s32 v9, $0x18;
	v9 =	vshra.s32 v19, $0x18;
	[tilespmem:v16+s17+$0x0] =	vst.idx.add.s32.msk $0xffff, v2  }
0x4f0: {  	v11 =	vadd.s32 v1, v11  }
0x4f1: {  	v7 =	vadd.s32 v1, v7  }
0x4f2: {  	v10 =	vadd.s32 v1, v10  }
0x4f3: {  	v6 =	vshra.s32 v6, $0x18;
	v9 =	vadd.s32 v1, v9  }
0x4f4: {  	v5 =	vshra.s32 v5, $0x18;
	v6 =	vadd.s32 v1, v6  }
0x4f5: {  	v8 =	vshra.s32 v8, $0x18;
	v5 =	vadd.s32 v1, v5;
	[tilespmem:v11+s17+$0x0] =	vst.idx.add.s32.msk $0xffff, v2  }
0x4f6: {  	v8 =	vadd.s32 v1, v8;
	[tilespmem:v7+s17+$0x0] =	vst.idx.add.s32.msk $0xffff, v2  }
0x4f7: {  	[tilespmem:v10+s17+$0x0] =	vst.idx.add.s32.msk $0xffff, v2  }
0x4f8: {  	[tilespmem:v9+s17+$0x0] =	vst.idx.add.s32.msk $0xffff, v2  }
0x4f9: {  	[tilespmem:v6+s17+$0x0] =	vst.idx.add.s32.msk $0xffff, v2  }
0x4fa: {  	[tilespmem:v5+s17+$0x0] =	vst.idx.add.s32.msk $0xffff, v2  }
0x4fb: {  	[tilespmem:v8+s17+$0x0] =	vst.idx.add.s32.msk $0xffff, v2  }
0x4fc: {  	s1 =	simm.s32 $0x0;
	[tilespmem:$0x1A180] =	vst v0  }
0x4fd: {  	v6 =	vld [tilespmem:s1+$0x190F0]  }
0x4fe: {  	v7 =	vld [tilespmem:s1+$0x191F1]  }
0x4ff: {  	v5 =	vld [tilespmem:s1+$0x192F2]  }
0x500: {  	v8 =	vld [tilespmem:s1+$0x193F3]  }
0x501: {  	v9 =	vld [tilespmem:s1+$0x194F4]  }
0x502: {  	v10 =	vld [tilespmem:s1+$0x195F5]  }
0x503: {  	v11 =	vld [tilespmem:s1+$0x196F6];
	v6 =	vadd.s32 v6, v7  }
0x504: {  	v12 =	vld [tilespmem:s1+$0x197F7];
	v5 =	vadd.s32 v5, v6  }
0x505: {  	v13 =	vld [tilespmem:s1+$0x198F8];
	v5 =	vadd.s32 v8, v5  }
0x506: {  	v14 =	vld [tilespmem:s1+$0x199F9];
	v5 =	vadd.s32 v9, v5  }
0x507: {  	[tilespmem:s1+$0x190F0] =	vst v0;
	v15 =	vld [tilespmem:s1+$0x19AFA];
	v5 =	vadd.s32 v10, v5  }
0x508: {  	[tilespmem:s1+$0x191F1] =	vst v0;
	v16 =	vld [tilespmem:s1+$0x19BFB];
	v5 =	vadd.s32 v11, v5  }
0x509: {  	[tilespmem:s1+$0x193F3] =	vst v0;
	v7 =	vld [tilespmem:s1+$0x19CFC];
	v5 =	vadd.s32 v12, v5  }
0x50a: {  	[tilespmem:s1+$0x194F4] =	vst v0;
	v6 =	vld [tilespmem:s1+$0x19DFD];
	v5 =	vadd.s32 v13, v5  }
0x50b: {  	[tilespmem:s1+$0x195F5] =	vst v0;
	v8 =	vld [tilespmem:s1+$0x19EFE];
	v5 =	vadd.s32 v14, v5  }
0x50c: {  	[tilespmem:s1+$0x196F6] =	vst v0;
	v9 =	vld [tilespmem:s1+$0x19FFF];
	v5 =	vadd.s32 v15, v5  }
0x50d: {  	[tilespmem:s1+$0x192F2] =	vst v0;
	v5 =	vadd.s32 v16, v5  }
0x50e: {  	[tilespmem:s1+$0x198F8] =	vst v0;
	v5 =	vadd.s32 v7, v5  }
0x50f: {  	[tilespmem:s1+$0x199F9] =	vst v0;
	v5 =	vadd.s32 v6, v5  }
0x510: {  	[tilespmem:s1+$0x19AFA] =	vst v0;
	v5 =	vadd.s32 v8, v5  }
0x511: {  	[tilespmem:s1+$0x19BFB] =	vst v0;
	v5 =	vadd.s32 v9, v5  }
0x512: {  	[tilespmem:s1+$0x19CFC] =	vst v0;
	v5 =	vperm.xlane v5, v3  }
0x513: {  	[tilespmem:s1+$0x19DFD] =	vst v0  }
0x514: {  	[tilespmem:s1+$0x19EFE] =	vst v0;
	(xrf0) =	vadd.scan.msk.s32 $0xffff, v5  }
0x515: {  	s30 =	simm.s32 $0xFFFFFFF0;
	[tilespmem:s1+$0x19FFF] =	vst v0  }
0x516: {  	v10 =	vld [tilespmem:s30+$0x192F2]  }
0x517: {  	v11 =	vld [tilespmem:s30+$0x190F0];
	[tilespmem:s1+$0x197F7] =	vst v0  }
0x518: {  	v12 =	vld [tilespmem:s30+$0x191F1];
	_ =	sdelay $0x1  }
0x519: {  	v14, _, _ =	vpop (xrf0)  }
0x51a: {  	v7 =	vld [tilespmem:s30+$0x193F3];
	v14 =	vperm.xlane v14, v3  }
0x51b: {  	s31 =	simm.s32 $0x0;
	v6 =	vld [tilespmem:s30+$0x194F4]  }
0x51c: {  	v11 =	vadd.s32 v11, v12;
	v8 =	vld [tilespmem:s30+$0x195F5];
	v12 =	vadd.s32 s31, v14  }
0x51d: {  	v10 =	vadd.s32 v10, v11;
	v11 =	vxor.u32 $0x80000000, v12  }
0x51e: {  	(xrf0) =	vmax.scan.msk.u32 $0xffff, v11  }
0x51f: {  	v7 =	vadd.s32 v7, v10;
	v5 =	vld [tilespmem:s30+$0x196F6]  }
0x520: {  	v9 =	vld [tilespmem:s30+$0x197F7];
	v6 =	vadd.s32 v6, v7  }
0x521: {  	v13 =	vld [tilespmem:s30+$0x198F8];
	v6 =	vadd.s32 v8, v6  }
0x522: {  	v15 =	vld [tilespmem:s30+$0x199F9]  }
0x523: {  	v63 =	vld [tilespmem:s30+$0x19AFA]  }
0x524: {  	v5 =	vadd.s32 v5, v6;
	v14 =	vld [tilespmem:s30+$0x19BFB];
	v6, _, _ =	vpop (xrf0)  }
0x525: {  	v7 =	vld [tilespmem:s30+$0x19CFC];
	v5 =	vadd.s32 v9, v5;
	(v2sf) =	vpush v6, $0xF  }
0x526: {  	v5 =	vadd.s32 v13, v5  }
0x527: {  	v8 =	vld [tilespmem:s30+$0x19DFD];
	v5 =	vadd.s32 v15, v5  }
0x528: {  	v9 =	vld [tilespmem:s30+$0x19EFE];
	v5 =	vadd.s32 v63, v5  }
0x529: {  	v10 =	vld [tilespmem:s30+$0x19FFF];
	vm0 =	vgt.s32 v12, $0x3F;
	v5 =	vadd.s32 v14, v5  }
0x52a: {  	[tilespmem:s30+$0x190F0] =	vst v0;
	v5 =	vadd.s32 v7, v5;
	v7 =	vmpcnt.ones.xlane vm0  }
0x52b: {  	[tilespmem:s30+$0x191F1] =	vst v0  }
0x52c: {  	[tilespmem:s30+$0x192F2] =	vst v0;
	v5 =	vadd.s32 v8, v5;
	v7 =	vxor.u32 $0x80000000, v7  }
0x52d: {  	[tilespmem:s30+$0x19AFA] =	vst v0;
	v5 =	vadd.s32 v9, v5;
	(xrf0) =	vmax.scan.msk.u32 $0xffff, v7  }
0x52e: {  	[tilespmem:s30+$0x198F8] =	vst v0;
	v5 =	vadd.s32 v10, v5  }
0x52f: {  	[tilespmem:s30+$0x199F9] =	vst v0;
	v5 =	vperm.xlane v5, v3  }
0x530: {  	[tilespmem:s30+$0x193F3] =	vst v0  }
0x531: {  	[tilespmem:s30+$0x194F4] =	vst v0  }
0x532: {  	[tilespmem:s30+$0x195F5] =	vst v0  }
0x533: {  	[tilespmem:s30+$0x19FFF] =	vst v0;
	(xrf0) =	vadd.scan.msk.s32 $0xffff, v5;
	v5, _, _ =	vpop (xrf0)  }
0x534: {  	[tilespmem:s30+$0x196F6] =	vst v0;
	s15 =	spop (v2sf);
	(v2sf) =	vpush v5, $0xF  }
0x535: {  	[tilespmem:s30+$0x19CFC] =	vst v0  }
0x536: {  	[tilespmem:s30+$0x19DFD] =	vst v0  }
0x537: {  	[tilespmem:s30+$0x19EFE] =	vst v0  }
0x538: {  	s0 =	simm.s32 $0xFFFFFFE0;
	[tilespmem:s30+$0x19BFB] =	vst v0  }
0x539: {  	v6 =	vld [tilespmem:s0+$0x192F2];
	[tilespmem:s1+$0x1A170] =	vst v12  }
0x53a: {  	v11 =	vld [tilespmem:s0+$0x190F0];
	[tilespmem:s30+$0x197F7] =	vst v0  }
0x53b: {  	v12 =	vld [tilespmem:s0+$0x191F1]  }
0x53c: {  	[tilespmem:s0+$0x190F0] =	vst v0  }
0x53d: {  	[tilespmem:s0+$0x191F1] =	vst v0;
	v10 =	vld [tilespmem:s0+$0x193F3]  }
0x53e: {  	[tilespmem:s0+$0x193F3] =	vst v0;
	v7 =	vld [tilespmem:s0+$0x194F4];
	v9, _, _ =	vpop (xrf0)  }
0x53f: {  	[tilespmem:s0+$0x194F4] =	vst v0;
	v8 =	vld [tilespmem:s0+$0x195F5];
	v13 =	vperm.xlane v9, v3  }
0x540: {  	[tilespmem:s0+$0x195F5] =	vst v0;
	v12 =	vadd.s32 v11, v12;
	v11 =	vld [tilespmem:s0+$0x197F7];
	s14 =	sxor.u32 $0x80000000, s15  }
0x541: {  	s1 =	simm.s32 $0xFFFFFF40;
	v9 =	vld [tilespmem:s0+$0x196F6];
	[tilespmem:s0+$0x196F6] =	vst v0;
	v5 =	vadd.s32 s14, v13  }
.LBB2_69:
0x542: {  	p0 =	sne.s32 s1, $0xFFFFFC40  }
0x543: {  	v6 =	vadd.s32 v6, v12;
	[tilespmem:s0+$0x192F2] =	vst v0;
	v12 =	vld [tilespmem:s0+$0x198F8];
	vm0 =	vgt.s32 v5, $0x3F;
	v13 =	vxor.u32 $0x80000000, v5;
	s14 =	spop (v2sf);
	s15 =	smov.u32 s1;
	s1 =	sadd.s32 $0xFFFFFFC0, s1  }
0x544: {  	v6 =	vadd.s32 v10, v6;
	[tilespmem:s0+$0x198F8] =	vst v0;
	v10 =	vld [tilespmem:s0+$0x199F9];
	v14 =	vmpcnt.ones.xlane vm0;
	(xrf0) =	vmax.scan.msk.u32 $0xffff, v13;
	s14 =	sadd.s32 s14, s31  }
0x545: {  	v6 =	vadd.s32 v7, v6;
	[tilespmem:s0+$0x199F9] =	vst v0;
	v7 =	vld [tilespmem:s0+$0x19AFA];
	s31 =	sadd.s32 $0x80000000, s14  }
0x546: {  	v6 =	vadd.s32 v8, v6;
	[tilespmem:s0+$0x19AFA] =	vst v0;
	v8 =	vld [tilespmem:s0+$0x19BFB];
	v13 =	vxor.u32 $0x80000000, v14  }
0x547: {  	v6 =	vadd.s32 v9, v6;
	[tilespmem:s0+$0x19BFB] =	vst v0;
	v9 =	vld [tilespmem:s0+$0x19CFC];
	(xrf0) =	vmax.scan.msk.u32 $0xffff, v13  }
0x548: {  	v6 =	vadd.s32 v11, v6;
	[tilespmem:s0+$0x19CFC] =	vst v0;
	v11 =	vld [tilespmem:s0+$0x19DFD]  }
0x549: {  	v6 =	vadd.s32 v12, v6;
	[tilespmem:s0+$0x19DFD] =	vst v0;
	v12 =	vld [tilespmem:s0+$0x19EFE]  }
0x54a: {  	v6 =	vadd.s32 v10, v6;
	[tilespmem:s0+$0x19EFE] =	vst v0;
	v10 =	vld [tilespmem:s0+$0x19FFF];
	v13, _, _ =	vpop (xrf0)  }
0x54b: {  	v6 =	vadd.s32 v7, v6;
	[tilespmem:s0+$0x19FFF] =	vst v0;
	(v2sf) =	vpush v13, $0xF  }
0x54c: {  	v6 =	vadd.s32 v8, v6  }
0x54d: {  	v6 =	vadd.s32 v9, v6;
	v7, _, _ =	vpop (xrf0)  }
0x54e: {  	v6 =	vadd.s32 v11, v6;
	(v2sf) =	vpush v7, $0xF  }
0x54f: {  	v6 =	vadd.s32 v12, v6  }
0x550: {  	v6 =	vadd.s32 v10, v6  }
0x551: {  	v6 =	vperm.xlane v6, v3;
	_ =	sdelay $0x1  }
0x552: {  	(xrf0) =	vadd.scan.msk.s32 $0xffff, v6  }
0x553: {  	s14 =	sshra.s32 s15, $0x2  }
0x554: {  	v6 =	vld [tilespmem:s14+$0x192F2];
	[tilespmem:s30+$0x1A170] =	vst v5;
	s30 =	smov.u32 s0;
	s0 =	smov.u32 s14  }
0x555: {  	v5 =	vld [tilespmem:s0+$0x190F0];
	[tilespmem:s30+$0x197F7] =	vst v0  }
0x556: {  	[tilespmem:s0+$0x190F0] =	vst v0;
	v11 =	vld [tilespmem:s0+$0x191F1]  }
.Ltmp44:
0x557: {  	[tilespmem:s0+$0x191F1] =	vst v0;
	v10 =	vld [tilespmem:s0+$0x193F3];
	(pc) =	sbr.rel @p0 .LBB2_69-.Ltmp44, $4  }
0x558: {  	[tilespmem:s0+$0x193F3] =	vst v0;
	v7 =	vld [tilespmem:s0+$0x194F4];
	v9, _, _ =	vpop (xrf0)  }
0x559: {  	[tilespmem:s0+$0x194F4] =	vst v0;
	v8 =	vld [tilespmem:s0+$0x195F5];
	v13 =	vperm.xlane v9, v3;
	s14 =	spop (v2sf)  }
0x55a: {  	[tilespmem:s0+$0x195F5] =	vst v0;
	v9 =	vld [tilespmem:s0+$0x196F6];
	s14 =	sxor.u32 $0x80000000, s14  }
0x55b: {  	v12 =	vadd.s32 v5, v11;
	[tilespmem:s0+$0x196F6] =	vst v0;
	v11 =	vld [tilespmem:s0+$0x197F7];
	v5 =	vadd.s32 s14, v13  }
0x55c: {  	v6 =	vadd.s32 v6, v12;
	v59 =	vxor.u32 $0x80000000, v5  }
0x55d: {  	v13 =	vld [tilespmem:s0+$0x198F8];
	v6 =	vadd.s32 v10, v6;
	(xrf0) =	vmax.scan.msk.u32 $0xffff, v59  }
0x55e: {  	v14 =	vld [tilespmem:s0+$0x199F9];
	v6 =	vadd.s32 v7, v6  }
0x55f: {  	v15 =	vld [tilespmem:s0+$0x19AFA];
	v6 =	vadd.s32 v8, v6  }
0x560: {  	v16 =	vld [tilespmem:s0+$0x19BFB];
	v6 =	vadd.s32 v9, v6  }
0x561: {  	v7 =	vld [tilespmem:s0+$0x19CFC];
	v6 =	vadd.s32 v11, v6  }
0x562: {  	v8 =	vld [tilespmem:s0+$0x19DFD];
	v6 =	vadd.s32 v13, v6  }
0x563: {  	v60 =	vld [tilespmem:s0+$0x19EFE];
	v6 =	vadd.s32 v14, v6;
	v61, _, _ =	vpop (xrf0)  }
0x564: {  	v62 =	vld [tilespmem:s0+$0x19FFF];
	v6 =	vadd.s32 v15, v6;
	(v2sf) =	vpush v61, $0xF  }
0x565: {  	v6 =	vadd.s32 v16, v6  }
0x566: {  	v6 =	vadd.s32 v7, v6  }
0x567: {  	vm0 =	vgt.s32 v5, $0x3F;
	v6 =	vadd.s32 v8, v6  }
0x568: {  	v7 =	vmpcnt.ones.xlane vm0;
	v6 =	vadd.s32 v60, v6  }
0x569: {  	v6 =	vadd.s32 v62, v6  }
0x56a: {  	v7 =	vxor.u32 $0x80000000, v7;
	v6 =	vperm.xlane v6, v3  }
0x56b: {  	(xrf0) =	vmax.scan.msk.u32 $0xffff, v7  }
0x56c: {  	(xrf0) =	vadd.scan.msk.s32 $0xffff, v6;
	_ =	sdelay $0x4  }
0x56d: {  	v6, _, _ =	vpop (xrf0)  }
0x56e: {  	s1 =	spop (v2sf);
	v7, _, _ =	vpop (xrf0)  }
0x56f: {  	v7 =	vperm.xlane v7, v3;
	s14 =	spop (v2sf)  }
0x570: {  	s14 =	sxor.u32 $0x80000000, s14  }
0x571: {  	v7 =	vadd.s32 s14, v7  }
0x572: {  	vm15 =	vgt.s32 v7, $0x3F  }
0x573: {  	v8 =	vmpcnt.ones.xlane vm15  }
0x574: {  	v63 =	vxor.u32 $0x80000000, v7  }
0x575: {  	(xrf0) =	vmax.scan.msk.u32 $0xffff, v63;
	v8 =	vxor.u32 $0x80000000, v8  }
0x576: {  	(xrf0) =	vmax.scan.msk.u32 $0xffff, v8;
	_ =	sdelay $0x4  }
0x577: {  	(v2sf) =	vpush v6, $0xF;
	v6, _, _ =	vpop (xrf0)  }
0x578: {  	(v2sf) =	vpush v6, $0xF;
	v6, _, _ =	vpop (xrf0)  }
0x579: {  	(v2sf) =	vpush v6, $0xF;
	_ =	sdelay $0xa  }
0x57a: {  	[tilespmem:s0+$0x192F2] =	vst v0  }
0x57b: {  	[tilespmem:s0+$0x198F8] =	vst v0;
	s1 =	sadd.s32 s1, s31  }
0x57c: {  	[tilespmem:s0+$0x199F9] =	vst v0;
	s1 =	sadd.s32 $0x80000000, s1;
	s15 =	spop (v2sf)  }
0x57d: {  	[tilespmem:s0+$0x19AFA] =	vst v0;
	s1 =	sadd.s32 s15, s1;
	s31 =	spop (v2sf)  }
0x57e: {  	[tilespmem:s0+$0x19BFB] =	vst v0;
	s1 =	sadd.s32 $0x80000000, s1;
	s14 =	spop (v2sf)  }
0x57f: {  	[tilespmem:s0+$0x19EFE] =	vst v0;
	s1 =	sadd.s32 s14, s1  }
0x580: {  	[tilespmem:s0+$0x19FFF] =	vst v0;
	s1 =	sadd.s32 $0x80000000, s1  }
0x581: {  	[tilespmem:s0+$0x19CFC] =	vst v0;
	v6 =	vmov s1  }
0x582: {  	[tilespmem:s0+$0x19DFD] =	vst v0  }
0x583: {  	[tilespmem:s30+$0x1A170] =	vst v5  }
0x584: {  	[tilespmem:s0+$0x197F7] =	vst v0  }
0x585: {  	[tilespmem:s0+$0x1A170] =	vst v7;
	s0 =	simm.s32 $0x18040  }
0x586: {  	v6 =	vld.idx.msk [tilespmem:v6+s18+$0x0], $0xffff;
	[tilespmem:s0+$0xFFFFFFC0] =	vst v4  }
0x587: {  	[tilespmem:s0+$0x30] =	vst v4  }
0x588: {  	[tilespmem:s0+$0x20] =	vst v4  }
0x589: {  	[tilespmem:s0+$0x10] =	vst v4  }
0x58a: {  	[tilespmem:s0+$0x0] =	vst v4  }
0x58b: {  	[tilespmem:s0+$0xFFFFFFF0] =	vst v4  }
0x58c: {  	s14 =	simm.s32 $0x0;
	[tilespmem:s0+$0xFFFFFFE0] =	vst v4  }
.LBB2_71:
0x58d: {  	s14 =	sadd.s32 $0x8, s14;
	[tilespmem:s0+$0xFFFFFFD0] =	vst v4;
	s0 =	sadd.s32 $0x80, s0  }
0x58e: {  	[tilespmem:s0+$0xFFFFFFC0] =	vst v4;
	p0 =	slt.u32 s14, $0xF8  }
0x58f: {  	[tilespmem:s0+$0x30] =	vst v4  }
.Ltmp45:
0x590: {  	[tilespmem:s0+$0x20] =	vst v4;
	(pc) =	sbr.rel @p0 .LBB2_71-.Ltmp45, $4  }
0x591: {  	[tilespmem:s0+$0x10] =	vst v4  }
0x592: {  	[tilespmem:s0+$0x0] =	vst v4  }
0x593: {  	[tilespmem:s0+$0xFFFFFFF0] =	vst v4  }
0x594: {  	[tilespmem:s0+$0xFFFFFFE0] =	vst v4  }
0x595: {  	[tilespmem:s0+$0xFFFFFFD0] =	vst v4;
	s0 =	simm.s32 $0x40  }
0x596: {  	v9 =	vld [tilespmem:s0+$0xFFFFFFD0]  }
0x597: {  	s14 =	sshll.u32 s1, $0x18;
	v11 =	vld [tilespmem:s0+$0xFFFFFFF0]  }
0x598: {  	s15 =	sxor.u32 $0x80000000, s14;
	v8 =	vld [tilespmem:s0+$0x0]  }
0x599: {  	s14 =	sadd.s32 $0x7F000000, s14;
	v7 =	vld [tilespmem:s0+$0x30];
	v10 =	vmov s15  }
0x59a: {  	s30 =	sadd.s32 $0xFFFFFFFF, s1;
	v16 =	vld [tilespmem:s0+$0xFFFFFFE0];
	v5 =	vmov s14;
	vm0 =	vlt.s32 v10, $0x0;
	v12 =	vxor.u32 $0x7FFFFFFF, v10  }
0x59b: {  	p0 =	seq.s32 s30, $0xFF;
	v15 =	vld [tilespmem:s0+$0x20];
	v13 =	vxor.u32 $0x7FFFFFFF, v5;
	v12 =	vnsel vm0, s15, v12;
	vm0 =	vlt.s32 v5, $0x0  }
0x59c: {  	v10 =	vld [tilespmem:s0+$0x10];
	v13 =	vnsel vm0, s14, v13;
	v14 =	vpsel p0, $0x7F800000, v12  }
0x59d: {  	v12 =	vld [tilespmem:s0+$0xFFFFFFC0];
	vm0 =	vge.f32 v11, v13;
	vm1 =	vlt.f32 v11, v14  }
0x59e: {  	v19 =	vimm.s32 $0xFFFFFFFF;
	vm2 =	vge.f32 v9, v13;
	vm0 =	vmand vm0, vm1  }
0x59f: {  	vm3 =	vlt.f32 v9, v14;
	vm4 =	vge.f32 v8, v13;
	vm7 =	vge.f32 v16, v13;
	(xrf0) =	vadd.scan.msk.s32 vm0, v2  }
0x5a0: {  	vm10 =	vge.f32 v15, v13;
	vm1 =	vmand vm2, vm3;
	vm2 =	vlt.f32 v7, v14  }
0x5a1: {  	vm3 =	vlt.f32 v16, v14;
	vm5 =	vge.f32 v10, v13;
	vm8 =	vlt.f32 v10, v14;
	(xrf0) =	vadd.scan.msk.s32 vm1, v2  }
0x5a2: {  	v17 =	vmpcnt.ones.xlane vm1;
	vm6 =	vge.f32 v12, v13;
	vm9 =	vlt.f32 v12, v14  }
0x5a3: {  	vm3 =	vmand vm7, vm3;
	vm7 =	vmand vm6, vm9;
	vm6 =	vge.f32 v7, v13  }
0x5a4: {  	v18 =	vmpcnt.ones.xlane vm0;
	v17 =	vadd.s32 v19, v17;
	vm2 =	vmand vm6, vm2;
	(xrf0) =	vadd.scan.msk.s32 vm7, v2  }
0x5a5: {  	v20 =	vmpcnt.ones.xlane vm3;
	vm9 =	vlt.f32 v15, v14;
	vm6 =	vlt.f32 v8, v14;
	v21, _, _ =	vpop (xrf0);
	(xrf0) =	vadd.scan.msk.s32 vm2, v2  }
0x5a6: {  	v18 =	vadd.s32 v17, v18;
	v22 =	vmpcnt.ones.xlane vm7;
	vm6 =	vmand vm4, vm6;
	(xrf0) =	vadd.scan.msk.s32 vm3, v2  }
0x5a7: {  	vm4 =	vmand vm5, vm8;
	vm5 =	vmand vm10, vm9;
	v21 =	vadd.s32 v17, v21;
	v17, _, _ =	vpop (xrf0);
	(xrf0) =	vadd.scan.msk.s32 vm6, v2  }
0x5a8: {  	v24 =	vmpcnt.ones.xlane vm4;
	v25 =	vadd.s32 v19, v22;
	v23 =	vadd.s32 v19, v17;
	(xrf0) =	vadd.scan.msk.s32 vm4, v2  }
0x5a9: {  	v27 =	vmpcnt.ones.xlane vm6;
	v20 =	vadd.s32 v25, v20;
	vm11 =	vlt.s32 v21, $0x7FF  }
0x5aa: {  	v24 =	vadd.s32 v18, v24;
	v17 =	vnsel vm11, $0x7FF, v21;
	vm8 =	vlt.s32 v23, $0x7FF;
	v22, _, _ =	vpop (xrf0)  }
0x5ab: {  	v21 =	vmpcnt.ones.xlane vm2;
	v22 =	vadd.s32 v19, v22;
	v19 =	vnsel vm8, $0x7FF, v23;
	v23, _, _ =	vpop (xrf0)  }
0x5ac: {  	v17 =	vadd.s32 $0x800, v17;
	vm8 =	vlt.s32 v22, $0x7FF;
	(xrf0) =	vadd.scan.msk.s32 vm5, v2;
	v23 =	vadd.s32 v24, v23;
	v26, _, _ =	vpop (xrf0)  }
0x5ad: {  	v19 =	vadd.s32 $0x800, v19;
	v26 =	vadd.s32 v25, v26;
	vm9 =	vlt.s32 v23, $0x7FF;
	v25, _, _ =	vpop (xrf0)  }
0x5ae: {  	s31 =	simm.s32 $0xC0;
	s0 =	simm.s32 $0x0;
	v25 =	vadd.s32 v20, v25;
	v20 =	vadd.s32 v20, v27;
	v23 =	vnsel vm9, $0x7FF, v23;
	v27, _, _ =	vpop (xrf0)  }
.LBB2_73:
0x5af: {  	v28 =	vld [tilespmem:s31+$0xFFFFFFD0];
	s0 =	sadd.s32 $0x4, s0;
	v22 =	vnsel vm8, $0x7FF, v22;
	vm8 =	vlt.s32 v26, $0x7FF;
	v18 =	vadd.s32 v18, v27  }
0x5b0: {  	v21 =	vadd.s32 v24, v21;
	v27 =	vld [tilespmem:s31+$0xFFFFFFF0];
	p0 =	slt.u32 s0, $0x3FC;
	v26 =	vnsel vm8, $0x7FF, v26;
	vm8 =	vlt.s32 v18, $0x7FF  }
0x5b1: {  	v24 =	vld [tilespmem:s31+$0x0];
	v18 =	vnsel vm8, $0x7FF, v18  }
0x5b2: {  	vm8 =	vlt.s32 v25, $0x7FF;
	v29 =	vld [tilespmem:s31+$0x30];
	v30, _, _ =	vpop (xrf0)  }
0x5b3: {  	v23 =	vadd.s32 $0x800, v23;
	v25 =	vnsel vm8, $0x7FF, v25;
	v31 =	vld [tilespmem:s31+$0x10];
	v30 =	vadd.s32 v20, v30  }
0x5b4: {  	vm8 =	vge.f32 v28, v13;
	v32 =	vld [tilespmem:s31+$0xFFFFFFE0];
	[tilespmem:v22+s19+$0x0] =	vst.idx.msk vm7, v12;
	vm7 =	vlt.s32 v30, $0x7FF;
	v22 =	vmpcnt.ones.xlane vm5  }
0x5b5: {  	v18 =	vadd.s32 $0x800, v18;
	vm9 =	vlt.f32 v28, v14;
	v12 =	vld [tilespmem:s31+$0xFFFFFFC0];
	[tilespmem:v19+s19+$0x0] =	vst.idx.msk vm1, v9;
	v19 =	vnsel vm7, $0x7FF, v30;
	v9 =	vmovc v28  }
0x5b6: {  	vm1 =	vmand vm8, vm9;
	vm7 =	vge.f32 v27, v13;
	vm9 =	vlt.f32 v27, v14;
	v28 =	vld [tilespmem:s31+$0x20];
	[tilespmem:v26+s19+$0x0] =	vst.idx.msk vm3, v16  }
0x5b7: {  	vm8 =	vge.f32 v24, v13;
	vm11 =	vlt.f32 v29, v14;
	[tilespmem:v17+s19+$0x0] =	vst.idx.msk vm0, v11;
	vm0 =	vmand vm7, vm9  }
0x5b8: {  	vm9 =	vge.f32 v31, v13;
	vm10 =	vlt.f32 v31, v14;
	(xrf0) =	vadd.scan.msk.s32 vm0, v2;
	[tilespmem:v25+s19+$0x0] =	vst.idx.msk vm6, v8  }
0x5b9: {  	v20 =	vadd.s32 v20, v22;
	v11 =	vmovc v27;
	v8 =	vmov v24;
	vm3 =	vlt.f32 v32, v14;
	(xrf0) =	vadd.scan.msk.s32 vm1, v2  }
0x5ba: {  	v16 =	vmpcnt.ones.xlane vm1;
	vm7 =	vge.f32 v32, v13;
	vm6 =	vge.f32 v12, v13;
	[tilespmem:v19+s19+$0x0] =	vst.idx.msk vm5, v15  }
0x5bb: {  	vm5 =	vlt.f32 v12, v14;
	vm3 =	vmand vm7, vm3;
	vm12 =	vge.f32 v28, v13;
	[tilespmem:v23+s19+$0x0] =	vst.idx.msk vm2, v7  }
0x5bc: {  	vm7 =	vmand vm6, vm5;
	v23 =	vmpcnt.ones.xlane vm3;
	vm2 =	vge.f32 v29, v13;
	v7 =	vmovc v29;
	[tilespmem:v18+s19+$0x0] =	vst.idx.msk vm4, v10  }
0x5bd: {  	v22 =	vmpcnt.ones.xlane vm0;
	vm5 =	vlt.f32 v28, v14;
	vm2 =	vmand vm2, vm11;
	v10 =	vmovc v31;
	(xrf0) =	vadd.scan.msk.s32 vm7, v2  }
0x5be: {  	v24 =	vadd.s32 v21, v16;
	v19 =	vmpcnt.ones.xlane vm7;
	vm4 =	vlt.f32 v8, v14;
	v17, _, _ =	vpop (xrf0);
	(xrf0) =	vadd.scan.msk.s32 vm2, v2  }
0x5bf: {  	v18 =	vadd.s32 v24, v22;
	vm6 =	vmand vm8, vm4;
	v17 =	vadd.s32 v24, v17;
	v15, _, _ =	vpop (xrf0);
	(xrf0) =	vadd.scan.msk.s32 vm3, v2  }
0x5c0: {  	v16 =	vmovc v32;
	vm5 =	vmand vm12, vm5;
	vm4 =	vmand vm9, vm10;
	vm8 =	vlt.s32 v17, $0x7FF;
	(xrf0) =	vadd.scan.msk.s32 vm6, v2  }
0x5c1: {  	v24 =	vadd.s32 v21, v15;
	v15 =	vmovc v28;
	v17 =	vnsel vm8, $0x7FF, v17;
	(xrf0) =	vadd.scan.msk.s32 vm4, v2  }
0x5c2: {  	v25 =	vmpcnt.ones.xlane vm4;
	vm8 =	vlt.s32 v24, $0x7FF;
	v17 =	vadd.s32 $0x800, v17  }
.Ltmp46:
0x5c3: {  	v27 =	vadd.s32 v20, v19;
	v28 =	vmpcnt.ones.xlane vm6;
	v21 =	vmpcnt.ones.xlane vm2;
	v19, _, _ =	vpop (xrf0);
	(pc) =	sbr.rel @p0 .LBB2_73-.Ltmp46, $4  }
0x5c4: {  	v22 =	vadd.s32 v20, v19;
	v19 =	vnsel vm8, $0x7FF, v24;
	v24 =	vadd.s32 v18, v25;
	v20, _, _ =	vpop (xrf0)  }
0x5c5: {  	vm8 =	vlt.s32 v22, $0x7FF;
	v19 =	vadd.s32 $0x800, v19;
	v29 =	vadd.s32 v24, v20;
	v20, _, _ =	vpop (xrf0);
	(xrf0) =	vadd.scan.msk.s32 vm5, v2  }
0x5c6: {  	v26 =	vadd.s32 v27, v20;
	v20 =	vadd.s32 v27, v23;
	vm9 =	vlt.s32 v29, $0x7FF;
	v23, _, _ =	vpop (xrf0)  }
0x5c7: {  	s31 =	sadd.s32 $0x80, s31;
	v25 =	vadd.s32 v20, v23;
	v20 =	vadd.s32 v20, v28;
	v23 =	vnsel vm9, $0x7FF, v29;
	v27, _, _ =	vpop (xrf0)  }
0x5c8: {  	v13 =	vmpcnt.ones.xlane vm5;
	_ =	sdelay $0x1  }
0x5c9: {  	v13 =	vadd.s32 v20, v13  }
0x5ca: {  	v13 =	vxor.u32 $0x80000000, v13  }
0x5cb: {  	v14 =	vadd.s32 v24, v21;
	(xrf0) =	vmax.scan.msk.u32 $0xffff, v13  }
0x5cc: {  	v53 =	vxor.u32 $0x80000000, v14  }
0x5cd: {  	(xrf0) =	vmax.scan.msk.u32 $0xffff, v53;
	_ =	sdelay $0x2  }
0x5ce: {  	v54, _, _ =	vpop (xrf0)  }
0x5cf: {  	v55, _, _ =	vpop (xrf0)  }
0x5d0: {  	(v2sf) =	vpush v55, $0xF  }
0x5d1: {  	v56, _, _ =	vpop (xrf0)  }
0x5d2: {  	(v2sf) =	vpush v56, $0xF;
	_ =	sdelay $0xa  }
0x5d3: {  	v57 =	vnsel vm8, $0x7FF, v22  }
0x5d4: {  	vm12 =	vlt.s32 v26, $0x7FF  }
0x5d5: {  	vm13 =	vlt.s32 v25, $0x7FF;
	v18 =	vadd.s32 v18, v27;
	v58 =	vnsel vm12, $0x7FF, v26;
	s0 =	spop (v2sf)  }
0x5d6: {  	p0 =	slt.s32 s30, $0x81;
	v59 =	vnsel vm13, $0x7FF, v25;
	vm15 =	vlt.s32 v18, $0x7FF;
	s0 =	sadd.s32 $0x80000001, s0  }
0x5d7: {  	v61 =	vnsel vm15, $0x7FF, v18;
	v13 =	vadd.s32 v20, v54;
	s1 =	spop (v2sf);
	p1 =	sgt.s32 @!p0 s0, $0x800  }
0x5d8: {  	v63 =	vadd.s32 $0x800, v61;
	vm14 =	vlt.s32 v13, $0x7FF;
	[tilespmem:v57+s19+$0x0] =	vst.idx.msk vm7, v12;
	s1 =	sadd.s32 $0x80000001, s1;
	p1 =	por p0, p1  }
0x5d9: {  	v60 =	vnsel vm14, $0x7FF, v13;
	[tilespmem:v19+s19+$0x0] =	vst.idx.msk vm1, v9;
	p2 =	slt.s32 @!p1 s1, $0x801  }
0x5da: {  	v62 =	vadd.s32 $0x800, v23;
	[tilespmem:v58+s19+$0x0] =	vst.idx.msk vm3, v16;
	p2 =	por p1, !p2  }
.Ltmp47:
0x5db: {  	[tilespmem:v59+s19+$0x0] =	vst.idx.msk vm6, v8;
	(pc) =	sbr.rel @p2 .LBB2_75-.Ltmp47, $4  }
0x5dc: {  	[tilespmem:v17+s19+$0x0] =	vst.idx.msk vm0, v11  }
0x5dd: {  	[tilespmem:v63+s19+$0x0] =	vst.idx.msk vm4, v10  }
0x5de: {  	[tilespmem:v60+s19+$0x0] =	vst.idx.msk vm5, v15  }
0x5df: {  	[tilespmem:v62+s19+$0x0] =	vst.idx.msk vm2, v7  }
0x5e0: {  	v6 =	vxor.u32 $0x80000000, v6  }
0x5e1: {  	(xrf0) =	vmax.scan.msk.u32 $0xffff, v6;
	_ =	sdelay $0x5  }
0x5e2: {  	v6, _, _ =	vpop (xrf0)  }
0x5e3: {  	(v2sf) =	vpush v6, $0xF;
	_ =	sdelay $0x8  }
0x5e4: {  	p0 =	sgt.s32 s0, s1  }
0x5e5: {  	s1 =	smov.u32 @p0 s0  }
0x5e6: {  	s0 =	sadd.s32 $0xF, s1  }
0x5e7: {  	s14 =	sand.u32 $0xF, s0;
	s15 =	sshra.s32 s0, $0x1F  }
0x5e8: {  	p0 =	slt.s32 s1, $0xFFFFFFF2;
	p1 =	sne.s32 s14, $0x0;
	s31 =	sshrl.u32 s15, $0x1C  }
.Ltmp48:
0x5e9: {  	s14 =	simm.s32 $0x1;
	p0 =	por !p0, !p1;
	(pc) =	sbr.rel .LBB2_80-.Ltmp48, $4  }
0x5ea: {  	s0 =	sadd.s32 s31, s0;
	p0 =	por !p0, !p0;
	s30 =	spop (v2sf)  }
0x5eb: {  	s0 =	sshra.s32 s0, $0x4;
	s14 =	simm.s32 @!p0 $0x0;
	s1 =	sxor.u32 $0x80000000, s30  }
0x5ec: {  	s0 =	ssub.s32 s0, s14;
	s1 =	ssub.s32 $0x40, s1  }
0x5ed: {  	p0 =	slt.s32 s0, $0x1;
	v6 =	vmov s1;
	s1 =	simm.s32 $0x0  }
.LBB2_83:
0x5ee: {  	vm0 =	vge.s32 v9, v7;
	vm1 =	vge.s32 v11, v7  }
0x5ef: {  	v9 =	vmpcnt.ones.xlane vm0;
	v11 =	vmpcnt.ones.xlane vm1;
	_ =	sdelay $0x1  }
0x5f0: {  	v8 =	vadd.s32 v8, v9;
	v9 =	vadd.s32 v10, v11  }
0x5f1: {  	v8 =	vadd.s32 v8, v9  }
.LBB2_84:
0x5f2: {  	s1 =	sadd.s32 $0x1, s1  }
0x5f3: {  	p1 =	seq.s32 s1, $0x18  }
.Ltmp49:
0x5f4: {  	_ = 	snop;
	(pc) =	sbr.rel @p1 .LBB2_85-.Ltmp49, $3  }
0x5f5: {  	_ =	sdelay $0x1  }
0x5f6: {  	vm0 =	vlt.s32 v8, v6  }
0x5f7: {  	v5 =	vsel vm0, v5, v7  }
.LBB2_80:
.Ltmp50:
0x5f8: {  	(pc) =	sbr.rel @p0 .LBB2_84-.Ltmp50, $3  }
0x5f9: {  	_ =	sdelay $0x1  }
0x5fa: {  	s14 =	sshrl.u32 s20, s1  }
0x5fb: {  	v8 =	vimm.s32 $0x0;
	v7 =	vor.u32 s14, v5  }
0x5fc: {  	s14 =	simm.s32 $0x0;
	s30 =	simm.s32 $0x18000  }
0x5fd: {  	p1 =	seq.s32 s0, $0x1;
	v9 =	vld [tilespmem:s30+$0x0];
	s14 =	sand.u32 $0xFFFFFFF0, s14  }
.Ltmp51:
0x5fe: {  	v11 =	vld [tilespmem:s14+$0x18800];
	(pc) =	sbr.rel @p1 .LBB2_83-.Ltmp51, $2  }
0x5ff: {  	_ =	sdelay $0x2  }
0x600: {  	s31 =	simm.s32 $0x10;
	v10 =	vimm.s32 $0x0;
	s30 =	sadd.s32 $0xFFFFFFFF, s0;
	s14 =	simm.s32 $0x18010  }
.LBB2_82:
0x601: {  	s15 =	sand.u32 $0xFFFFFFF0, s31;
	p1 =	seq.s32 s30, $0x1;
	s30 =	sadd.s32 $0xFFFFFFFF, s30;
	vm0 =	vge.s32 v9, v7;
	v9 =	vld [tilespmem:s14+$0x0];
	vm1 =	vge.s32 v11, v7  }
.Ltmp52:
0x602: {  	v11 =	vld [tilespmem:s15+$0x18800];
	v12 =	vmpcnt.ones.xlane vm0;
	v13 =	vmpcnt.ones.xlane vm1;
	(pc) =	sbr.rel @!p1 .LBB2_82-.Ltmp52, $3  }
0x603: {  	_ = 	snop  }
0x604: {  	v8 =	vadd.s32 v8, v12;
	v10 =	vadd.s32 v10, v13;
	_ =	sdelay $0x1  }
0x605: {  	s31 =	sadd.s32 $0x10, s31;
	s14 =	sadd.s32 $0x10, s14  }
.Ltmp53:
0x606: {  	_ = 	snop;
	(pc) =	sbr.rel .LBB2_83-.Ltmp53, $1  }
0x607: {  	_ =	sdelay $0x3  }
.LBB2_75:
0x608: {  	s0 =	simm.s32 $0x0  }
0x609: {  	v6 =	vpsel p0, v5, v5;
	s0 =	simm.s32 @p0 $0x0  }
0x60a: {  	v5 =	vpsel p1, v6, v5;
	s0 =	simm.s32 @!p1 $0x0  }
.LBB2_76:
0x60b: {  	s1 =	simm.s32 $0x20  }
0x60c: {  	v10 =	vld [tilespmem:s1+$0x10]  }
0x60d: {  	v11 =	vld [tilespmem:s1+$0x0]  }
0x60e: {  	v9 =	vld [tilespmem:s1+$0xFFFFFFE0]  }
0x60f: {  	v12 =	vld [tilespmem:s1+$0xFFFFFFF0];
	_ =	sdelay $0x2  }
0x610: {  	s31 =	sshrl.u32 s20, s0  }
0x611: {  	v6 =	vor.u32 s31, v5;
	v14 =	vshra.s32 v10, $0x1F  }
0x612: {  	s14 =	simm.s32 $0x60;
	v8 =	vshra.s32 v9, $0x1F;
	v15 =	vshra.s32 v11, $0x1F;
	v17 =	vshra.s32 v12, $0x1F  }
0x613: {  	v7 =	vld [tilespmem:s14+$0x10];
	v16 =	vand.u32 $0x7FFFFFFF, v8;
	v17 =	vand.u32 $0x7FFFFFFF, v17;
	v14 =	vand.u32 $0x7FFFFFFF, v14  }
0x614: {  	v8 =	vld [tilespmem:s14+$0x0];
	v15 =	vand.u32 $0x7FFFFFFF, v15;
	v16 =	vxor.u32 v9, v16;
	v12 =	vxor.u32 v12, v17  }
0x615: {  	v9 =	vld [tilespmem:s14+$0xFFFFFFE0];
	v11 =	vxor.u32 v11, v15;
	v10 =	vxor.u32 v10, v14;
	vm0 =	vge.s32 v16, v6  }
0x616: {  	vm13 =	vge.s32 v12, v6;
	vm15 =	vge.s32 v10, v6;
	v10 =	vld [tilespmem:s14+$0xFFFFFFF0];
	v16 =	vmpcnt.ones.xlane vm0  }
0x617: {  	v13 =	vimm.s32 $0x0;
	vm14 =	vge.s32 v11, v6;
	v12 =	vmpcnt.ones.xlane vm13  }
0x618: {  	v15 =	vmpcnt.ones.xlane vm14;
	v13 =	vadd.s32 v13, v16  }
0x619: {  	v11 =	vshra.s32 v7, $0x1F;
	v16 =	vadd.s32 v12, v13;
	v13 =	vmpcnt.ones.xlane vm15  }
0x61a: {  	s30 =	simm.s32 $0xA0;
	s1 =	simm.s32 $0x4;
	v14 =	vshra.s32 v9, $0x1F;
	v12 =	vshra.s32 v8, $0x1F;
	v15 =	vadd.s32 v15, v16  }
.LBB2_77:
0x61b: {  	v16 =	vld [tilespmem:s30+$0x10];
	v14 =	vand.u32 $0x7FFFFFFF, v14;
	v17 =	vshra.s32 v10, $0x1F;
	v13 =	vadd.s32 v13, v15  }
0x61c: {  	v11 =	vand.u32 $0x7FFFFFFF, v11;
	s1 =	sadd.s32 $0x4, s1;
	v15 =	vld [tilespmem:s30+$0x0];
	v14 =	vxor.u32 v9, v14;
	v17 =	vand.u32 $0x7FFFFFFF, v17  }
0x61d: {  	v12 =	vand.u32 $0x7FFFFFFF, v12;
	p0 =	slt.u32 s1, $0x7FC;
	v9 =	vld [tilespmem:s30+$0xFFFFFFE0];
	vm0 =	vge.s32 v14, v6;
	v14 =	vxor.u32 v10, v17  }
.Ltmp54:
0x61e: {  	v8 =	vxor.u32 v8, v12;
	v10 =	vld [tilespmem:s30+$0xFFFFFFF0];
	v17 =	vmpcnt.ones.xlane vm0;
	vm0 =	vge.s32 v14, v6;
	(pc) =	sbr.rel @p0 .LBB2_77-.Ltmp54, $4  }
0x61f: {  	v11 =	vxor.u32 v7, v11;
	v12 =	vmpcnt.ones.xlane vm0;
	vm0 =	vge.s32 v8, v6  }
0x620: {  	v14 =	vadd.s32 v13, v17;
	v17 =	vmpcnt.ones.xlane vm0;
	vm0 =	vge.s32 v11, v6;
	v7 =	vmovc v16  }
0x621: {  	v11 =	vshra.s32 v7, $0x1F;
	v16 =	vadd.s32 v12, v14;
	v13 =	vmpcnt.ones.xlane vm0;
	v8 =	vmovc v15  }
0x622: {  	s30 =	sadd.s32 $0x40, s30;
	v14 =	vshra.s32 v9, $0x1F;
	v12 =	vshra.s32 v8, $0x1F;
	v15 =	vadd.s32 v17, v16  }
0x623: {  	v14 =	vand.u32 $0x7FFFFFFF, v14;
	v16 =	vshra.s32 v10, $0x1F;
	v13 =	vadd.s32 v13, v15  }
0x624: {  	v11 =	vand.u32 $0x7FFFFFFF, v11;
	v9 =	vxor.u32 v9, v14;
	v57 =	vand.u32 $0x7FFFFFFF, v16  }
0x625: {  	v59 =	vand.u32 $0x7FFFFFFF, v12;
	vm0 =	vge.s32 v9, v6;
	v58 =	vxor.u32 v10, v57  }
0x626: {  	v8 =	vxor.u32 v8, v59;
	v60 =	vmpcnt.ones.xlane vm0;
	vm12 =	vge.s32 v58, v6  }
0x627: {  	s0 =	sadd.s32 $0x1, s0;
	v7 =	vxor.u32 v7, v11;
	vm13 =	vge.s32 v8, v6;
	v9 =	vmpcnt.ones.xlane vm12  }
0x628: {  	p0 =	seq.s32 s0, $0x18;
	vm14 =	vge.s32 v7, v6;
	v62 =	vmpcnt.ones.xlane vm13;
	v61 =	vadd.s32 v13, v60  }
.Ltmp55:
0x629: {  	v63 =	vmpcnt.ones.xlane vm14;
	v7 =	vadd.s32 v9, v61;
	(pc) =	sbr.rel @!p0 .LBB2_76-.Ltmp55, $4  }
0x62a: {  	v7 =	vadd.s32 v62, v7  }
0x62b: {  	v7 =	vadd.s32 v63, v7  }
0x62c: {  	vm15 =	vgt.s32 v7, $0x3F  }
0x62d: {  	v5 =	vsel vm15, v6, v5  }
.LBB2_85:
0x62e: {  	s0 =	simm.s32 $0x80  }
0x62f: {  	v6 =	vld [tilespmem:s0+$0x70]  }
0x630: {  	v7 =	vld [tilespmem:s0+$0xFFFFFF90]  }
0x631: {  	v8 =	vld [tilespmem:s0+$0xFFFFFFA0]  }
0x632: {  	vm0 =	vlt.s32 v5, $0x0;
	v9 =	vxor.u32 $0x7FFFFFFF, v5;
	v10 =	vld [tilespmem:s0+$0xFFFFFFB0]  }
0x633: {  	v5 =	vsel vm0, v9, v5;
	v9 =	vld [tilespmem:s0+$0xFFFFFFC0]  }
0x634: {  	v11 =	vld [tilespmem:s0+$0xFFFFFFD0];
	vm0 =	vge.f32 v6, v5  }
0x635: {  	v12 =	vld [tilespmem:s0+$0xFFFFFFE0];
	vm1 =	vge.f32 v7, v5;
	v6 =	vnsel vm0, $0x0, v6  }
0x636: {  	v13 =	vld [tilespmem:s0+$0xFFFFFFF0];
	v7 =	vnsel vm1, $0x0, v7;
	vm0 =	vge.f32 v8, v5;
	[tilespmem:s0+$0x70] =	vst v6  }
0x637: {  	[tilespmem:s0+$0xFFFFFF90] =	vst v7;
	v6 =	vnsel vm0, $0x0, v8;
	vm0 =	vge.f32 v10, v5;
	v8 =	vld [tilespmem:s0+$0x0]  }
0x638: {  	v14 =	vld [tilespmem:s0+$0x10];
	[tilespmem:s0+$0xFFFFFFA0] =	vst v6;
	v6 =	vnsel vm0, $0x0, v10;
	vm0 =	vge.f32 v9, v5  }
0x639: {  	[tilespmem:s0+$0xFFFFFFB0] =	vst v6;
	v7 =	vnsel vm0, $0x0, v9;
	vm0 =	vge.f32 v11, v5;
	v6 =	vld [tilespmem:s0+$0x20]  }
0x63a: {  	[tilespmem:s0+$0xFFFFFFC0] =	vst v7;
	v9 =	vnsel vm0, $0x0, v11;
	vm0 =	vge.f32 v12, v5;
	v7 =	vld [tilespmem:s0+$0x30]  }
0x63b: {  	[tilespmem:s0+$0xFFFFFFD0] =	vst v9;
	v10 =	vnsel vm0, $0x0, v12;
	vm0 =	vge.f32 v13, v5;
	v9 =	vld [tilespmem:s0+$0x40]  }
0x63c: {  	v11 =	vld [tilespmem:s0+$0x50];
	[tilespmem:s0+$0xFFFFFFE0] =	vst v10;
	v10 =	vnsel vm0, $0x0, v13;
	vm0 =	vge.f32 v8, v5  }
0x63d: {  	[tilespmem:s0+$0xFFFFFFF0] =	vst v10;
	v12 =	vnsel vm0, $0x0, v8;
	vm0 =	vge.f32 v14, v5;
	v10 =	vld [tilespmem:s0+$0x60]  }
0x63e: {  	s1 =	simm.s32 $0x0;
	s30 =	simm.s32 $0x180;
	v8 =	vld [tilespmem:s0+$0xFFFFFF80];
	[tilespmem:s0+$0x0] =	vst v12;
	v12 =	vnsel vm0, $0x0, v14;
	vm0 =	vge.f32 v6, v5  }
.LBB2_86:
0x63f: {  	v13 =	vld [tilespmem:s30+$0x70];
	s1 =	sadd.s32 $0x10, s1;
	[tilespmem:s0+$0x10] =	vst v12;
	v6 =	vnsel vm0, $0x0, v6;
	vm0 =	vge.f32 v7, v5  }
0x640: {  	v12 =	vld [tilespmem:s30+$0xFFFFFF90];
	p0 =	slt.u32 s1, $0x7F0;
	[tilespmem:s0+$0x20] =	vst v6;
	v6 =	vnsel vm0, $0x0, v7;
	vm0 =	vge.f32 v9, v5  }
0x641: {  	v7 =	vld [tilespmem:s30+$0xFFFFFFA0];
	[tilespmem:s0+$0x30] =	vst v6;
	v6 =	vnsel vm0, $0x0, v9;
	vm0 =	vge.f32 v11, v5  }
0x642: {  	v9 =	vld [tilespmem:s30+$0xFFFFFFB0];
	[tilespmem:s0+$0x40] =	vst v6;
	v6 =	vnsel vm0, $0x0, v11;
	vm0 =	vge.f32 v10, v5  }
0x643: {  	v11 =	vld [tilespmem:s30+$0xFFFFFFC0];
	vm1 =	vge.f32 v8, v5;
	[tilespmem:s0+$0x50] =	vst v6;
	v6 =	vnsel vm0, $0x0, v10  }
0x644: {  	v10 =	vld [tilespmem:s30+$0xFFFFFFD0];
	vm0 =	vge.f32 v13, v5;
	v8 =	vnsel vm1, $0x0, v8;
	[tilespmem:s0+$0x60] =	vst v6  }
0x645: {  	vm1 =	vge.f32 v12, v5;
	v14 =	vld [tilespmem:s30+$0xFFFFFFE0];
	v6 =	vnsel vm0, $0x0, v13;
	[tilespmem:s0+$0xFFFFFF80] =	vst v8;
	s0 =	smov.u32 s30  }
0x646: {  	v8 =	vnsel vm1, $0x0, v12;
	vm0 =	vge.f32 v7, v5;
	v12 =	vld [tilespmem:s30+$0xFFFFFFF0];
	[tilespmem:s30+$0x70] =	vst v6  }
0x647: {  	[tilespmem:s30+$0xFFFFFF90] =	vst v8;
	v6 =	vnsel vm0, $0x0, v7;
	vm0 =	vge.f32 v9, v5;
	v8 =	vld [tilespmem:s30+$0x0]  }
0x648: {  	[tilespmem:s30+$0xFFFFFFA0] =	vst v6;
	v6 =	vnsel vm0, $0x0, v9;
	vm0 =	vge.f32 v11, v5;
	v13 =	vld [tilespmem:s30+$0x10]  }
0x649: {  	[tilespmem:s30+$0xFFFFFFB0] =	vst v6;
	v7 =	vnsel vm0, $0x0, v11;
	vm0 =	vge.f32 v10, v5;
	v6 =	vld [tilespmem:s30+$0x20]  }
.Ltmp56:
0x64a: {  	[tilespmem:s30+$0xFFFFFFC0] =	vst v7;
	v9 =	vnsel vm0, $0x0, v10;
	vm0 =	vge.f32 v14, v5;
	v7 =	vld [tilespmem:s30+$0x30];
	(pc) =	sbr.rel @p0 .LBB2_86-.Ltmp56, $4  }
0x64b: {  	[tilespmem:s30+$0xFFFFFFD0] =	vst v9;
	v10 =	vnsel vm0, $0x0, v14;
	vm0 =	vge.f32 v12, v5;
	v9 =	vld [tilespmem:s30+$0x40]  }
0x64c: {  	[tilespmem:s30+$0xFFFFFFE0] =	vst v10;
	v10 =	vnsel vm0, $0x0, v12;
	vm0 =	vge.f32 v8, v5;
	v11 =	vld [tilespmem:s30+$0x50]  }
0x64d: {  	[tilespmem:s30+$0xFFFFFFF0] =	vst v10;
	v12 =	vnsel vm0, $0x0, v8;
	vm0 =	vge.f32 v13, v5;
	v10 =	vld [tilespmem:s30+$0x60]  }
0x64e: {  	s30 =	sadd.s32 $0x100, s30;
	v8 =	vld [tilespmem:s0+$0xFFFFFF80];
	[tilespmem:s0+$0x0] =	vst v12;
	v12 =	vnsel vm0, $0x0, v13;
	vm0 =	vge.f32 v6, v5  }
0x64f: {  	[tilespmem:s0+$0x10] =	vst v12;
	v6 =	vnsel vm0, $0x0, v6;
	vm12 =	vge.f32 v7, v5  }
0x650: {  	[tilespmem:s0+$0x20] =	vst v6;
	v6 =	vnsel vm12, $0x0, v7;
	vm13 =	vge.f32 v9, v5  }
0x651: {  	[tilespmem:s0+$0x30] =	vst v6;
	v6 =	vnsel vm13, $0x0, v9;
	vm14 =	vge.f32 v11, v5  }
0x652: {  	[tilespmem:s0+$0x40] =	vst v6;
	v6 =	vnsel vm14, $0x0, v11;
	vm15 =	vge.f32 v10, v5  }
0x653: {  	vm1 =	vge.f32 v8, v5;
	[tilespmem:s0+$0x50] =	vst v6;
	v5 =	vnsel vm15, $0x0, v10  }
0x654: {  	v6 =	vnsel vm1, $0x0, v8;
	[tilespmem:s0+$0x60] =	vst v5  }
0x655: {  	[tilespmem:s0+$0xFFFFFF80] =	vst v6  }
0x656: {  	[hbm4b:s10+s12] =	stream.strided.scatter [tilespmem:s2], [sflag:$0x8], $0x8000, s13, s12, $0x38;
	[tilespmem:$0x1A200] =	vst v63  }
0x657: {  	_ =	swait.ge [sflag:s25], $0x8000  }
0x658: {  	[sflag:s25] =	ssyncset.done $0x0  }
0x659: {  	s29 =	sadd.s32 $0x1, s29;
	[sflag:s25] =	ssyncadd.s32 $0xFFFF8000  }
0x65a: {  	p0 =	sne.s32 s29, s11;
	_ =	swait.ge [sflag:s26], $0x8000  }
.Ltmp57:
0x65b: {  	[sflag:s26] =	ssyncset.done $0x0;
	(pc) =	sbr.rel @p0 .LBB2_1-.Ltmp57, $4  }
0x65c: {  	[sflag:s26] =	ssyncadd.s32 $0xFFFF8000  }
0x65d: {  	_ =	swait.ge [sflag:s28], $0x8000  }
0x65e: {  	[sflag:s28] =	ssyncset.done $0x0  }
0x65f: {  	[sflag:s28] =	ssyncadd.s32 $0xFFFF8000  }
0x660: {  	_ =	sfence.sel $0x180000  }
0x661: {  	[bflag:$0x0] =	sbarrier.arrive $0xFFFF  }
0x662: {  	_ =	strace $0x90000047  }
0x663: {  	s0 =	stileid.u32;
	[bflag:$0x2] =	sbarrier.arrive $0xFFFF  }
0x664: {  	p0 =	sne.s32 s0, $0x0;
	s0 =	rddreg [dreg:$0x2]  }
0x665: {  	s0 =	sadd.s32 @!p0 $0x100000, s0  }
0x666: {  	[sflag:s0] =	ssyncadd.tile.s32 @!p0 $0x1;
	_ =	shalt  }
.Lfunc_end2:
_tile_overlayer_lowered:
.L_overlay_start_2:
0x667: {  	(tag) =	ssettag $0x2  }
0x668: {  	s0 =	rddreg [dreg:$0x0];
	s2 =	stileid.u32  }
0x669: {  	s1 =	rddreg [dreg:$0x1];
	p0 =	sne.s32 s2, $0x0  }
0x66a: {  	s3 =	rddreg [dreg:$0x2];
	[bflag:$0x3] =	sbarrier.arrive $0xFFFF;
	s2 =	simm.s32 @!p0 $0x1C09  }
0x66b: {  	[timem:s3], [sflag:s2] =	dma.local @!p0 [hbm:s0], s1  }
0x66c: {  	s0 =	simm.s32 @!p0 $0x9  }
0x66d: {  	_ =	swait.ge @!p0 [sflag:s0], s1  }
0x66e: {  	s1 =	ssub.s32 @!p0 $0x0, s1;
	[sflag:s0] =	ssyncset.done @!p0 $0x0  }
0x66f: {  	[sflag:s0] =	ssyncadd.s32 @!p0 s1  }
0x670: {  	[bflag:$0x3] =	sbarrier.arrive $0xFFFF  }
0x671: {  	_ =	shalt  }

</sc_bundles>
